<compile_context>
chip_gen: v7x
topology: tpu7x:2x2x1
jax: 0.10.2.dev20260603
libtpu: 0.0.44.dev20260713+nightly
codegen_flags: <defaults>
</compile_context>

<pallas_src>
import functools

import jax
import jax.numpy as jnp
from jax import lax
from jax.experimental import pallas as pl
from jax.experimental.pallas import tpu as pltpu
from jax.experimental.pallas import tpu_sc as plsc

D = 128
NC = 2
NS = 16
NW = NC * NS
N_PAD = 10240
ROWS_PER_SUB = N_PAD // NS
CHUNK = 128
GRP = 8
GW = 10
NGRP_TOT = NW * GW
E_PAD = NGRP_TOT * GRP * CHUNK
TC_BLK = 5120

_sc_mesh = functools.partial(
    plsc.VectorSubcoreMesh, core_axis_name="c", subcore_axis_name="s"
)


def _sc_degree_hist(dst_rows):

    @functools.partial(
        pl.kernel,
        out_type=jax.ShapeDtypeStruct((NC, N_PAD), jnp.float32),
        mesh=_sc_mesh(),
        scratch_types=[
            pltpu.VMEM_SHARED((N_PAD,), jnp.float32),
            pltpu.VMEM((GW, GRP, CHUNK), jnp.int32),
            pltpu.VMEM((ROWS_PER_SUB,), jnp.float32),
            pltpu.VMEM((CHUNK,), jnp.float32),
            pltpu.SemaphoreType.DMA,
        ],
    )
    def hist(dst_hbm, out_hbm, acc, dst_v, zero_v, ones_v, sem):
        cid = lax.axis_index("c")
        sid = lax.axis_index("s")

        @pl.loop(0, ROWS_PER_SUB, step=16)
        def _(i):
            zero_v[pl.ds(i, 16)] = jnp.zeros((16,), jnp.float32)

        @pl.loop(0, CHUNK, step=16)
        def _(i):
            ones_v[pl.ds(i, 16)] = jnp.ones((16,), jnp.float32)

        pltpu.sync_copy(zero_v, acc.at[pl.ds(sid * ROWS_PER_SUB, ROWS_PER_SUB)])
        plsc.subcore_barrier()

        wid = sid * NC + cid
        pltpu.sync_copy(dst_hbm.at[pl.ds(wid * GW, GW)], dst_v)

        @pl.loop(0, GW)
        def _(t):
            @pl.loop(0, GRP)
            def _(k):
                pltpu.async_copy(ones_v, acc.at[dst_v.at[t, k]], sem, add=True)

        @pl.loop(0, GW)
        def _(t):
            @pl.loop(0, GRP)
            def _(k):
                pltpu.make_async_copy(ones_v, acc.at[dst_v.at[t, k]],
                                      sem).wait()

        plsc.subcore_barrier()
        pltpu.sync_copy(
            acc.at[pl.ds(sid * ROWS_PER_SUB, ROWS_PER_SUB)],
            out_hbm.at[cid, pl.ds(sid * ROWS_PER_SUB, ROWS_PER_SUB)],
        )

    return hist(dst_rows)


def _sc_hop(g, src_rows, dst_rows):

    @functools.partial(
        pl.kernel,
        out_type=jax.ShapeDtypeStruct((NC, N_PAD, D), jnp.float32),
        mesh=_sc_mesh(),
        scratch_types=[
            pltpu.VMEM_SHARED((N_PAD, D), jnp.float32),
            pltpu.VMEM((2, GRP, CHUNK), jnp.int32),
            pltpu.VMEM((2, GRP, CHUNK), jnp.int32),
            pltpu.VMEM((CHUNK, D), jnp.float32),
            pltpu.VMEM((CHUNK, D), jnp.float32),
            pltpu.SemaphoreType.DMA,
            pltpu.SemaphoreType.DMA,
            pltpu.SemaphoreType.DMA,
        ],
    )
    def hop(g_hbm, src_hbm, dst_hbm, out_hbm, acc, src_v, dst_v, rows0, rows1,
            sem0, sem1, semi):
        cid = lax.axis_index("c")
        sid = lax.axis_index("s")

        @pl.loop(0, CHUNK)
        def _(r):
            @pl.loop(0, D, step=16)
            def _(c):
                rows0[r, pl.ds(c, 16)] = jnp.zeros((16,), jnp.float32)

        @pl.loop(0, ROWS_PER_SUB, step=CHUNK)
        def _(i):
            pltpu.sync_copy(rows0, acc.at[pl.ds(sid * ROWS_PER_SUB + i, CHUNK)])

        plsc.subcore_barrier()

        def g_start(sv, k, buf, sem):
            pltpu.async_copy(g_hbm.at[sv.at[k]], buf, sem[0])

        def g_wait(sv, k, buf, sem):
            pltpu.make_async_copy(g_hbm.at[sv.at[k]], buf, sem[0]).wait()

        def sc_add(dv, k, buf):
            pltpu.sync_copy(buf, acc.at[dv.at[k]], add=True)

        def run(bg, ngr):
            pltpu.sync_copy(src_hbm.at[bg], src_v.at[0])
            pltpu.sync_copy(dst_hbm.at[bg], dst_v.at[0])
            g_start(src_v.at[0], 0, rows0, (sem0,))

            def group(t, p):
                @pl.when(t + 1 < ngr)
                def _():
                    pltpu.async_copy(src_hbm.at[bg + t + 1], src_v.at[1 - p], semi)
                    pltpu.async_copy(dst_hbm.at[bg + t + 1], dst_v.at[1 - p], semi)

                sv = src_v.at[p]
                dv = dst_v.at[p]
                svn = src_v.at[1 - p]

                @pl.loop(0, GRP, step=2)
                def _(k):
                    g_start(sv, k + 1, rows1, (sem1,))
                    g_wait(sv, k, rows0, (sem0,))
                    sc_add(dv, k, rows0)

                    @pl.when(k + 2 < GRP)
                    def _():
                        g_start(sv, k + 2, rows0, (sem0,))

                    @pl.when((k + 2 >= GRP) & (t + 1 < ngr))
                    def _():
                        pltpu.make_async_copy(src_hbm.at[bg + t + 1],
                                              src_v.at[1 - p], semi).wait()
                        pltpu.make_async_copy(dst_hbm.at[bg + t + 1],
                                              dst_v.at[1 - p], semi).wait()
                        g_start(svn, 0, rows0, (sem0,))

                    g_wait(sv, k + 1, rows1, (sem1,))
                    sc_add(dv, k + 1, rows1)

            @pl.loop(0, ngr, step=2)
            def _(t):
                group(t, 0)
                group(t + 1, 1)

        run((sid * NC + cid) * GW, GW)

        plsc.subcore_barrier()
        pltpu.sync_copy(
            acc.at[pl.ds(sid * ROWS_PER_SUB, ROWS_PER_SUB)],
            out_hbm.at[cid, pl.ds(sid * ROWS_PER_SUB, ROWS_PER_SUB)],
        )

    return hop(g, src_rows, dst_rows)


def _deg_col(deg_ref):
    return jnp.sum(deg_ref[...], axis=1, keepdims=True) + 1.0


def _tc_matmul(x_pad, W):

    def body(x_ref, w_ref, y_ref):
        y_ref[...] = lax.dot_general(x_ref[...], w_ref[...],
                                     (((1,), (1,)), ((), ())),
                                     preferred_element_type=jnp.float32)

    return pl.pallas_call(
        body,
        grid=(N_PAD // TC_BLK,),
        in_specs=[
            pl.BlockSpec((TC_BLK, D), lambda i: (i, 0)),
            pl.BlockSpec((D, D), lambda i: (0, 0)),
        ],
        out_specs=pl.BlockSpec((TC_BLK, D), lambda i: (i, 0)),
        out_shape=jax.ShapeDtypeStruct((N_PAD, D), jnp.float32),
    )(x_pad, W)


def _tc_scale(y, degt):

    def body(y_ref, deg_ref, g_ref):
        g_ref[...] = y_ref[...] * lax.rsqrt(_deg_col(deg_ref))

    return pl.pallas_call(
        body,
        grid=(N_PAD // TC_BLK,),
        in_specs=[
            pl.BlockSpec((TC_BLK, D), lambda i: (i, 0)),
            pl.BlockSpec((TC_BLK, NC), lambda i: (i, 0)),
        ],
        out_specs=pl.BlockSpec((TC_BLK, D), lambda i: (i, 0)),
        out_shape=jax.ShapeDtypeStruct((N_PAD, D), jnp.float32),
    )(y, degt)


def _tc_mid(accp, g1, degt):

    def body(a_ref, g_ref, deg_ref, o_ref):
        s = a_ref[0] + a_ref[1] + g_ref[...]
        o_ref[...] = s / _deg_col(deg_ref)

    return pl.pallas_call(
        body,
        grid=(N_PAD // TC_BLK,),
        in_specs=[
            pl.BlockSpec((NC, TC_BLK, D), lambda i: (0, i, 0)),
            pl.BlockSpec((TC_BLK, D), lambda i: (i, 0)),
            pl.BlockSpec((TC_BLK, NC), lambda i: (i, 0)),
        ],
        out_specs=pl.BlockSpec((TC_BLK, D), lambda i: (i, 0)),
        out_shape=jax.ShapeDtypeStruct((N_PAD, D), jnp.float32),
    )(accp, g1, degt)


def _tc_final(accp, g2, degt, b2d):

    def body(a_ref, g_ref, deg_ref, b_ref, o_ref):
        s = a_ref[0] + a_ref[1] + g_ref[...]
        o_ref[...] = s * lax.rsqrt(_deg_col(deg_ref)) + b_ref[...]

    return pl.pallas_call(
        body,
        grid=(N_PAD // TC_BLK,),
        in_specs=[
            pl.BlockSpec((NC, TC_BLK, D), lambda i: (0, i, 0)),
            pl.BlockSpec((TC_BLK, D), lambda i: (i, 0)),
            pl.BlockSpec((TC_BLK, NC), lambda i: (i, 0)),
            pl.BlockSpec((1, D), lambda i: (0, 0)),
        ],
        out_specs=pl.BlockSpec((TC_BLK, D), lambda i: (i, 0)),
        out_shape=jax.ShapeDtypeStruct((N_PAD, D), jnp.float32),
    )(accp, g2, degt, b2d)


def kernel(x, edge_index, W, b):
    n = x.shape[0]
    e = edge_index.shape[1]
    src = edge_index[0].astype(jnp.int32)
    dst = edge_index[1].astype(jnp.int32)
    pad = n + (jnp.arange(E_PAD - e, dtype=jnp.int32) % (N_PAD - n))
    src_rows = jnp.concatenate([src, pad]).reshape(NGRP_TOT, GRP, CHUNK)
    dst_rows = jnp.concatenate([dst, pad]).reshape(NGRP_TOT, GRP, CHUNK)
    x_pad = jnp.pad(x, ((0, N_PAD - n), (0, 0)))

    y = _tc_matmul(x_pad, W)
    degp = _sc_degree_hist(dst_rows)
    degt = degp.T
    g1 = _tc_scale(y, degt)
    acc1 = _sc_hop(g1, src_rows, dst_rows)
    g2 = _tc_mid(acc1, g1, degt)
    acc2 = _sc_hop(g2, src_rows, dst_rows)
    out = _tc_final(acc2, g2, degt, b.reshape(1, D))
    return out[:n]

# --- scband reference (transcript-rebuilt; emitter-appended) ---
"""Pipeline reference for scband-sgc-90752658964691 (READ-ONLY COPY).

The authoritative reference and input builder live on the scoring server;
editing this copy changes nothing except your own understanding.
"""

import jax, jax.numpy as jnp
import numpy as np

N_NODES = 10000
N_EDGES = 320000
D_IN = 128
D_OUT = 128
K_HOPS = 2


def setup_inputs(seed: int = 0) -> dict:
    key = jax.random.key(seed)
    k1, k2, k3, k4 = jax.random.split(key, 4)
    x = jax.random.normal(k1, (N_NODES, D_IN), dtype=jnp.float32)
    edge_index = jax.random.randint(k2, (2, N_EDGES), 0, N_NODES, dtype=jnp.int64)
    # Linear layer params (PyG SGConv: Linear(in_channels, out_channels))
    lim = 1.0 / np.sqrt(D_IN)
    W = jax.random.uniform(k3, (D_OUT, D_IN), dtype=jnp.float32, minval=-lim, maxval=lim)
    b = jax.random.uniform(k4, (D_OUT,), dtype=jnp.float32, minval=-lim, maxval=lim)
    return {"x": x, "edge_index": edge_index, "W": W, "b": b}


def reference(x, edge_index, W, b):
    # SGConv: K-hop propagation with symmetric-normalized adjacency (+ self loops),
    # followed by a single linear transform. Dropout is a no-op in eval mode.
    N = x.shape[0]
    src = edge_index[0]
    dst = edge_index[1]
    # add self-loops
    loop = jnp.arange(N, dtype=edge_index.dtype)
    src = jnp.concatenate([src, loop])
    dst = jnp.concatenate([dst, loop])
    # gcn_norm: deg over destination (in-degree with edge weight 1)
    ones = jnp.ones(src.shape[0], dtype=x.dtype)
    deg = jax.ops.segment_sum(ones, dst, num_segments=N)
    deg_inv_sqrt = jnp.where(deg > 0, 1.0 / jnp.sqrt(deg), 0.0)
    norm = deg_inv_sqrt[src] * deg_inv_sqrt[dst]
    # K propagation steps: x <- A_hat @ x  (gather -> scale -> scatter-add)
    h = x
    for _ in range(K_HOPS):
        msg = h[src] * norm[:, None]
        h = jax.ops.segment_sum(msg, dst, num_segments=N)
    # linear
    out = h @ W.T + b
    return out

if __name__ == "__main__":
    import jax
    _d = setup_inputs()
    print(jax.jit(kernel)(*tuple(_d.values())))

</pallas_src>

<mosaic_0001>
#map = affine_map<(d0, d1) -> (0, 0, 0)>
#map1 = affine_map<(d0, d1) -> (0, 0)>
module attributes {stable_mosaic.version = 14 : i64} {
  func.func @hist(%arg0: i32, %arg1: i32, %arg2: memref<320x8x128xi32, #tpu.memory_space<hbm>>, %arg3: memref<2x10240xf32, #tpu.memory_space<hbm>>, %arg4: memref<10240xf32, #tpu.memory_space<vmem_shared>>, %arg5: memref<10x8x128xi32, #tpu.memory_space<vmem>>, %arg6: memref<640xf32, #tpu.memory_space<vmem>>, %arg7: memref<128xf32, #tpu.memory_space<vmem>>, %arg8: memref<!tpu.dma_semaphore, #tpu.memory_space<semaphore_mem>>) attributes {dimension_semantics = [#tpu.dimension_semantics<core_parallel>, #tpu.dimension_semantics<subcore_parallel>], iteration_bounds = array<i64: 2, 16>, scalar_prefetch = 0 : i64, scratch_operands = 5 : i64, tpu.core_type = #tpu.core_type<sc_vector_subcore>, window_params = [{transform_indices = #map}, {transform_indices = #map1}]} {
    %scan3A = arith.constant 0 : i32
    %scan3A_0 = arith.constant 40 : i32
    %scan3A_1 = arith.addi %scan3A, %scan3A_0 : i32
    %scan3A_2 = arith.constant 1 : i32
    scf.for %scan3A_29 = %scan3A to %scan3A_1 step %scan3A_2  : i32 {
      %mul3A_30 = arith.constant 16 : i32
      %mul3A_31 = arith.muli %scan3A_29, %mul3A_30 : i32
      %add3A_32 = arith.constant 0 : i32
      %add3A_33 = arith.addi %add3A_32, %mul3A_31 : i32
      %broadcast_in_dim3A = arith.constant 0.000000e+00 : f32
      %broadcast_in_dim3A_34 = vector.broadcast %broadcast_in_dim3A : f32 to vector<16xf32>
      %swap3A = arith.index_cast %add3A_33 : i32 to index
      %swap3A_35 = tpu.vector_load %arg6[%swap3A] {strides = array<i32>} : memref<640xf32, #tpu.memory_space<vmem>>, vector<16xf32>,
      %swap3A_36 = vector.shape_cast %swap3A_35 : vector<16xf32> to vector<16xf32>
      %swap3A_37 = vector.shape_cast %broadcast_in_dim3A_34 : vector<16xf32> to vector<16xf32>
      tpu.vector_store %arg6[%swap3A], %swap3A_37 {strides = array<i32>} : memref<640xf32, #tpu.memory_space<vmem>>, vector<16xf32>,
    }
    %scan3A_3 = arith.constant 40 : i32
    %scan3A_4 = arith.constant 0 : i32
    %scan3A_5 = arith.constant 8 : i32
    %scan3A_6 = arith.addi %scan3A_4, %scan3A_5 : i32
    %scan3A_7 = arith.constant 1 : i32
    scf.for %scan3A_29 = %scan3A_4 to %scan3A_6 step %scan3A_7  : i32 {
      %mul3A_30 = arith.constant 16 : i32
      %mul3A_31 = arith.muli %scan3A_29, %mul3A_30 : i32
      %add3A_32 = arith.constant 0 : i32
      %add3A_33 = arith.addi %add3A_32, %mul3A_31 : i32
      %broadcast_in_dim3A = arith.constant 1.000000e+00 : f32
      %broadcast_in_dim3A_34 = vector.broadcast %broadcast_in_dim3A : f32 to vector<16xf32>
      %swap3A = arith.index_cast %add3A_33 : i32 to index
      %swap3A_35 = tpu.vector_load %arg7[%swap3A] {strides = array<i32>} : memref<128xf32, #tpu.memory_space<vmem>>, vector<16xf32>,
      %swap3A_36 = vector.shape_cast %swap3A_35 : vector<16xf32> to vector<16xf32>
      %swap3A_37 = vector.shape_cast %broadcast_in_dim3A_34 : vector<16xf32> to vector<16xf32>
      tpu.vector_store %arg7[%swap3A], %swap3A_37 {strides = array<i32>} : memref<128xf32, #tpu.memory_space<vmem>>, vector<16xf32>,
    }
    %scan3A_8 = arith.constant 8 : i32
    %mul3A = arith.constant 640 : i32
    %mul3A_9 = arith.muli %arg1, %mul3A : i32
    "tpu.region"() ({
      %run_scoped3A = tpu.sem_alloc : memref<!tpu.dma_semaphore, #tpu.memory_space<semaphore_mem>>
      %dma_start3A = tpu.memref_slice %arg4[%mul3A_9] : memref<10240xf32, #tpu.memory_space<vmem_shared>> -> memref<640xf32, #tpu.memory_space<vmem_shared>>
      %dma_start3A_29 = tpu.memref_slice %arg4[%mul3A_9] : memref<10240xf32, #tpu.memory_space<vmem_shared>> -> memref<640xf32, #tpu.memory_space<vmem_shared>>
      tpu.enqueue_dma source(%arg6 : memref<640xf32, #tpu.memory_space<vmem>>) target(%dma_start3A_29 : memref<640xf32, #tpu.memory_space<vmem_shared>>) target_semaphore(%run_scoped3A : memref<!tpu.dma_semaphore, #tpu.memory_space<semaphore_mem>>)
      %dma_wait3A = tpu.memref_slice %arg4[%mul3A_9] : memref<10240xf32, #tpu.memory_space<vmem_shared>> -> memref<640xf32, #tpu.memory_space<vmem_shared>>
      %dma_wait3A_30 = tpu.memref_slice %arg4[%mul3A_9] : memref<10240xf32, #tpu.memory_space<vmem_shared>> -> memref<640xf32, #tpu.memory_space<vmem_shared>>
      tpu.wait_dma2 semaphore(%run_scoped3A : memref<!tpu.dma_semaphore, #tpu.memory_space<semaphore_mem>>) src(%arg6 : memref<640xf32, #tpu.memory_space<vmem>>) dst(%dma_wait3A_30 : memref<640xf32, #tpu.memory_space<vmem_shared>>)
      tpu.yield
    }) : () -> ()
    %barrier3A = arith.constant 0 : index
    tpu.barrier barrier_id(%barrier3A)
    %mul3A_10 = arith.constant 2 : i32
    %mul3A_11 = arith.muli %arg1, %mul3A_10 : i32
    %add3A = arith.addi %mul3A_11, %arg0 : i32
    %mul3A_12 = arith.constant 10 : i32
    %mul3A_13 = arith.muli %add3A, %mul3A_12 : i32
    "tpu.region"() ({
      %run_scoped3A = tpu.sem_alloc : memref<!tpu.dma_semaphore, #tpu.memory_space<semaphore_mem>>
      %dma_start3A = arith.constant 0 : i32
      %dma_start3A_29 = arith.constant 0 : i32
      %dma_start3A_30 = tpu.memref_slice %arg2[%mul3A_13, %dma_start3A, %dma_start3A_29] : memref<320x8x128xi32, #tpu.memory_space<hbm>> -> memref<10x8x128xi32, #tpu.memory_space<hbm>>
      %dma_start3A_31 = arith.constant 0 : i32
      %dma_start3A_32 = arith.constant 0 : i32
      %dma_start3A_33 = tpu.memref_slice %arg2[%mul3A_13, %dma_start3A_31, %dma_start3A_32] : memref<320x8x128xi32, #tpu.memory_space<hbm>> -> memref<10x8x128xi32, #tpu.memory_space<hbm>>
      tpu.enqueue_dma source(%dma_start3A_33 : memref<10x8x128xi32, #tpu.memory_space<hbm>>) target(%arg5 : memref<10x8x128xi32, #tpu.memory_space<vmem>>) target_semaphore(%run_scoped3A : memref<!tpu.dma_semaphore, #tpu.memory_space<semaphore_mem>>)
      %dma_wait3A = arith.constant 0 : i32
      %dma_wait3A_34 = arith.constant 0 : i32
      %dma_wait3A_35 = tpu.memref_slice %arg2[%mul3A_13, %dma_wait3A, %dma_wait3A_34] : memref<320x8x128xi32, #tpu.memory_space<hbm>> -> memref<10x8x128xi32, #tpu.memory_space<hbm>>
      %dma_wait3A_36 = arith.constant 0 : i32
      %dma_wait3A_37 = arith.constant 0 : i32
      %dma_wait3A_38 = tpu.memref_slice %arg2[%mul3A_13, %dma_wait3A_36, %dma_wait3A_37] : memref<320x8x128xi32, #tpu.memory_space<hbm>> -> memref<10x8x128xi32, #tpu.memory_space<hbm>>
      tpu.wait_dma2 semaphore(%run_scoped3A : memref<!tpu.dma_semaphore, #tpu.memory_space<semaphore_mem>>) src(%dma_wait3A_38 : memref<10x8x128xi32, #tpu.memory_space<hbm>>) dst(%arg5 : memref<10x8x128xi32, #tpu.memory_space<vmem>>)
      tpu.yield
    }) : () -> ()
    %scan3A_14 = arith.constant 0 : i32
    %scan3A_15 = arith.constant 10 : i32
    %scan3A_16 = arith.addi %scan3A_14, %scan3A_15 : i32
    %scan3A_17 = arith.constant 1 : i32
    scf.for %scan3A_29 = %scan3A_14 to %scan3A_16 step %scan3A_17  : i32 {
      %mul3A_30 = arith.constant 1 : i32
      %mul3A_31 = arith.muli %scan3A_29, %mul3A_30 : i32
      %add3A_32 = arith.constant 0 : i32
      %add3A_33 = arith.addi %add3A_32, %mul3A_31 : i32
      %scan3A_34 = arith.constant 0 : i32
      %scan3A_35 = arith.constant 8 : i32
      %scan3A_36 = arith.addi %scan3A_34, %scan3A_35 : i32
      %scan3A_37 = arith.constant 1 : i32
      scf.for %scan3A_39 = %scan3A_34 to %scan3A_36 step %scan3A_37  : i32 {
        %mul3A_40 = arith.constant 1 : i32
        %mul3A_41 = arith.muli %scan3A_39, %mul3A_40 : i32
        %add3A_42 = arith.constant 0 : i32
        %add3A_43 = arith.addi %add3A_42, %mul3A_41 : i32
        %dma_start3A = arith.constant 0 : i32
        %dma_start3A_44 = tpu.memref_slice %arg5[%add3A_33, %add3A_43, %dma_start3A] : memref<10x8x128xi32, #tpu.memory_space<vmem>> -> memref<1x1x128xi32, #tpu.memory_space<vmem>>
        %dma_start3A_45 = tpu.memref_squeeze %dma_start3A_44 : memref<1x1x128xi32, #tpu.memory_space<vmem>> -> memref<128xi32, #tpu.memory_space<vmem>>
        %dma_start3A_46 = arith.constant 0 : i32
        %dma_start3A_47 = tpu.memref_slice %arg4[%dma_start3A_46] : memref<10240xf32, #tpu.memory_space<vmem_shared>> -> memref<10240xf32, #tpu.memory_space<vmem_shared>>
        tpu.enqueue_indirect_dma source(%arg7 : memref<128xf32, #tpu.memory_space<vmem>>) target(%dma_start3A_47 : memref<10240xf32, #tpu.memory_space<vmem_shared>>) offsets(%dma_start3A_45 : memref<128xi32, #tpu.memory_space<vmem>>) semaphore(%arg8 : memref<!tpu.dma_semaphore, #tpu.memory_space<semaphore_mem>>) {add = true}
      }
      %scan3A_38 = arith.constant 8 : i32
    }
    %scan3A_18 = arith.constant 10 : i32
    %scan3A_19 = arith.constant 0 : i32
    %scan3A_20 = arith.constant 10 : i32
    %scan3A_21 = arith.addi %scan3A_19, %scan3A_20 : i32
    %scan3A_22 = arith.constant 1 : i32
    scf.for %scan3A_29 = %scan3A_19 to %scan3A_21 step %scan3A_22  : i32 {
      %mul3A_30 = arith.constant 1 : i32
      %mul3A_31 = arith.muli %scan3A_29, %mul3A_30 : i32
      %add3A_32 = arith.constant 0 : i32
      %add3A_33 = arith.addi %add3A_32, %mul3A_31 : i32
      %scan3A_34 = arith.constant 0 : i32
      %scan3A_35 = arith.constant 8 : i32
      %scan3A_36 = arith.addi %scan3A_34, %scan3A_35 : i32
      %scan3A_37 = arith.constant 1 : i32
      scf.for %scan3A_39 = %scan3A_34 to %scan3A_36 step %scan3A_37  : i32 {
        %mul3A_40 = arith.constant 1 : i32
        %mul3A_41 = arith.muli %scan3A_39, %mul3A_40 : i32
        %add3A_42 = arith.constant 0 : i32
        %add3A_43 = arith.addi %add3A_42, %mul3A_41 : i32
        %dma_wait3A = arith.constant 0 : i32
        %dma_wait3A_44 = tpu.memref_slice %arg5[%add3A_33, %add3A_43, %dma_wait3A] : memref<10x8x128xi32, #tpu.memory_space<vmem>> -> memref<1x1x128xi32, #tpu.memory_space<vmem>>
        %dma_wait3A_45 = tpu.memref_squeeze %dma_wait3A_44 : memref<1x1x128xi32, #tpu.memory_space<vmem>> -> memref<128xi32, #tpu.memory_space<vmem>>
        %dma_wait3A_46 = arith.constant 0 : i32
        %dma_wait3A_47 = tpu.memref_slice %arg4[%dma_wait3A_46] : memref<10240xf32, #tpu.memory_space<vmem_shared>> -> memref<10240xf32, #tpu.memory_space<vmem_shared>>
        tpu.wait_indirect_dma semaphore(%arg8 : memref<!tpu.dma_semaphore, #tpu.memory_space<semaphore_mem>>) src(%arg7 : memref<128xf32, #tpu.memory_space<vmem>>) dst(%dma_wait3A_47 : memref<10240xf32, #tpu.memory_space<vmem_shared>>)
      }
      %scan3A_38 = arith.constant 8 : i32
    }
    %scan3A_23 = arith.constant 10 : i32
    %barrier3A_24 = arith.constant 0 : index
    tpu.barrier barrier_id(%barrier3A_24)
    %mul3A_25 = arith.constant 640 : i32
    %mul3A_26 = arith.muli %arg1, %mul3A_25 : i32
    %mul3A_27 = arith.constant 640 : i32
    %mul3A_28 = arith.muli %arg1, %mul3A_27 : i32
    "tpu.region"() ({
      %run_scoped3A = tpu.sem_alloc : memref<!tpu.dma_semaphore, #tpu.memory_space<semaphore_mem>>
      %dma_start3A = tpu.memref_slice %arg3[%arg0, %mul3A_28] : memref<2x10240xf32, #tpu.memory_space<hbm>> -> memref<1x640xf32, #tpu.memory_space<hbm>>
      %dma_start3A_29 = tpu.memref_squeeze %dma_start3A : memref<1x640xf32, #tpu.memory_space<hbm>> -> memref<640xf32, #tpu.memory_space<hbm>>
      %dma_start3A_30 = tpu.memref_slice %arg4[%mul3A_26] : memref<10240xf32, #tpu.memory_space<vmem_shared>> -> memref<640xf32, #tpu.memory_space<vmem_shared>>
      tpu.enqueue_dma source(%dma_start3A_30 : memref<640xf32, #tpu.memory_space<vmem_shared>>) target(%dma_start3A_29 : memref<640xf32, #tpu.memory_space<hbm>>) target_semaphore(%run_scoped3A : memref<!tpu.dma_semaphore, #tpu.memory_space<semaphore_mem>>)
      %dma_wait3A = tpu.memref_slice %arg3[%arg0, %mul3A_28] : memref<2x10240xf32, #tpu.memory_space<hbm>> -> memref<1x640xf32, #tpu.memory_space<hbm>>
      %dma_wait3A_31 = tpu.memref_squeeze %dma_wait3A : memref<1x640xf32, #tpu.memory_space<hbm>> -> memref<640xf32, #tpu.memory_space<hbm>>
      %dma_wait3A_32 = tpu.memref_slice %arg4[%mul3A_26] : memref<10240xf32, #tpu.memory_space<vmem_shared>> -> memref<640xf32, #tpu.memory_space<vmem_shared>>
      tpu.wait_dma2 semaphore(%run_scoped3A : memref<!tpu.dma_semaphore, #tpu.memory_space<semaphore_mem>>) src(%dma_wait3A_32 : memref<640xf32, #tpu.memory_space<vmem_shared>>) dst(%dma_wait3A_31 : memref<640xf32, #tpu.memory_space<hbm>>)
      tpu.yield
    }) : () -> ()
    return
  }
}

#map = affine_map<(d0, d1) -> (0, 0)>
#map1 = affine_map<(d0, d1) -> (0, 0, 0)>
module attributes {stable_mosaic.version = 14 : i64} {
  func.func @hop(%arg0: i32, %arg1: i32, %arg2: memref<10240x128xf32, #tpu.memory_space<hbm>>, %arg3: memref<320x8x128xi32, #tpu.memory_space<hbm>>, %arg4: memref<320x8x128xi32, #tpu.memory_space<hbm>>, %arg5: memref<2x10240x128xf32, #tpu.memory_space<hbm>>, %arg6: memref<10240x128xf32, #tpu.memory_space<vmem_shared>>, %arg7: memref<2x8x128xi32, #tpu.memory_space<vmem>>, %arg8: memref<2x8x128xi32, #tpu.memory_space<vmem>>, %arg9: memref<128x128xf32, #tpu.memory_space<vmem>>, %arg10: memref<128x128xf32, #tpu.memory_space<vmem>>, %arg11: memref<!tpu.dma_semaphore, #tpu.memory_space<semaphore_mem>>, %arg12: memref<!tpu.dma_semaphore, #tpu.memory_space<semaphore_mem>>, %arg13: memref<!tpu.dma_semaphore, #tpu.memory_space<semaphore_mem>>) attributes {dimension_semantics = [#tpu.dimension_semantics<core_parallel>, #tpu.dimension_semantics<subcore_parallel>], iteration_bounds = array<i64: 2, 16>, scalar_prefetch = 0 : i64, scratch_operands = 8 : i64, tpu.core_type = #tpu.core_type<sc_vector_subcore>, window_params = [{transform_indices = #map}, {transform_indices = #map1}, {transform_indices = #map1}, {transform_indices = #map1}]} {
    %scan3A = arith.constant 0 : i32
    %scan3A_0 = arith.constant 128 : i32
    %scan3A_1 = arith.addi %scan3A, %scan3A_0 : i32
    %scan3A_2 = arith.constant 1 : i32
    scf.for %scan3A_34 = %scan3A to %scan3A_1 step %scan3A_2  : i32 {
      %mul3A_35 = arith.constant 1 : i32
      %mul3A_36 = arith.muli %scan3A_34, %mul3A_35 : i32
      %add3A_37 = arith.constant 0 : i32
      %add3A_38 = arith.addi %add3A_37, %mul3A_36 : i32
      %scan3A_39 = arith.constant 0 : i32
      %scan3A_40 = arith.constant 8 : i32
      %scan3A_41 = arith.addi %scan3A_39, %scan3A_40 : i32
      %scan3A_42 = arith.constant 1 : i32
      scf.for %scan3A_44 = %scan3A_39 to %scan3A_41 step %scan3A_42  : i32 {
        %mul3A_45 = arith.constant 16 : i32
        %mul3A_46 = arith.muli %scan3A_44, %mul3A_45 : i32
        %add3A_47 = arith.constant 0 : i32
        %add3A_48 = arith.addi %add3A_47, %mul3A_46 : i32
        %broadcast_in_dim3A = arith.constant 0.000000e+00 : f32
        %broadcast_in_dim3A_49 = vector.broadcast %broadcast_in_dim3A : f32 to vector<16xf32>
        %swap3A = arith.index_cast %add3A_38 : i32 to index
        %swap3A_50 = arith.index_cast %add3A_48 : i32 to index
        %swap3A_51 = tpu.vector_load %arg9[%swap3A, %swap3A_50] {strides = array<i32>} : memref<128x128xf32, #tpu.memory_space<vmem>>, vector<1x16xf32>,
        %swap3A_52 = vector.shape_cast %swap3A_51 : vector<1x16xf32> to vector<16xf32>
        %swap3A_53 = vector.shape_cast %broadcast_in_dim3A_49 : vector<16xf32> to vector<1x16xf32>
        tpu.vector_store %arg9[%swap3A, %swap3A_50], %swap3A_53 {strides = array<i32>} : memref<128x128xf32, #tpu.memory_space<vmem>>, vector<1x16xf32>,
      }
      %scan3A_43 = arith.constant 8 : i32
    }
    %scan3A_3 = arith.constant 128 : i32
    %scan3A_4 = arith.constant 0 : i32
    %scan3A_5 = arith.constant 5 : i32
    %scan3A_6 = arith.addi %scan3A_4, %scan3A_5 : i32
    %scan3A_7 = arith.constant 1 : i32
    scf.for %scan3A_34 = %scan3A_4 to %scan3A_6 step %scan3A_7  : i32 {
      %mul3A_35 = arith.constant 128 : i32
      %mul3A_36 = arith.muli %scan3A_34, %mul3A_35 : i32
      %add3A_37 = arith.constant 0 : i32
      %add3A_38 = arith.addi %add3A_37, %mul3A_36 : i32
      %mul3A_39 = arith.constant 640 : i32
      %mul3A_40 = arith.muli %arg1, %mul3A_39 : i32
      %add3A_41 = arith.addi %mul3A_40, %add3A_38 : i32
      "tpu.region"() ({
        %run_scoped3A_42 = tpu.sem_alloc : memref<!tpu.dma_semaphore, #tpu.memory_space<semaphore_mem>>
        %dma_start3A_43 = arith.constant 0 : i32
        %dma_start3A_44 = tpu.memref_slice %arg6[%add3A_41, %dma_start3A_43] : memref<10240x128xf32, #tpu.memory_space<vmem_shared>> -> memref<128x128xf32, #tpu.memory_space<vmem_shared>>
        %dma_start3A_45 = arith.constant 0 : i32
        %dma_start3A_46 = tpu.memref_slice %arg6[%add3A_41, %dma_start3A_45] : memref<10240x128xf32, #tpu.memory_space<vmem_shared>> -> memref<128x128xf32, #tpu.memory_space<vmem_shared>>
        tpu.enqueue_dma source(%arg9 : memref<128x128xf32, #tpu.memory_space<vmem>>) target(%dma_start3A_46 : memref<128x128xf32, #tpu.memory_space<vmem_shared>>) target_semaphore(%run_scoped3A_42 : memref<!tpu.dma_semaphore, #tpu.memory_space<semaphore_mem>>)
        %dma_wait3A = arith.constant 0 : i32
        %dma_wait3A_47 = tpu.memref_slice %arg6[%add3A_41, %dma_wait3A] : memref<10240x128xf32, #tpu.memory_space<vmem_shared>> -> memref<128x128xf32, #tpu.memory_space<vmem_shared>>
        %dma_wait3A_48 = arith.constant 0 : i32
        %dma_wait3A_49 = tpu.memref_slice %arg6[%add3A_41, %dma_wait3A_48] : memref<10240x128xf32, #tpu.memory_space<vmem_shared>> -> memref<128x128xf32, #tpu.memory_space<vmem_shared>>
        tpu.wait_dma2 semaphore(%run_scoped3A_42 : memref<!tpu.dma_semaphore, #tpu.memory_space<semaphore_mem>>) src(%arg9 : memref<128x128xf32, #tpu.memory_space<vmem>>) dst(%dma_wait3A_49 : memref<128x128xf32, #tpu.memory_space<vmem_shared>>)
        tpu.yield
      }) : () -> ()
    }
    %scan3A_8 = arith.constant 5 : i32
    %barrier3A = arith.constant 0 : index
    tpu.barrier barrier_id(%barrier3A)
    %mul3A = arith.constant 2 : i32
    %mul3A_9 = arith.muli %arg1, %mul3A : i32
    %add3A = arith.addi %mul3A_9, %arg0 : i32
    %mul3A_10 = arith.constant 10 : i32
    %mul3A_11 = arith.muli %add3A, %mul3A_10 : i32
    %run_scoped3A = arith.constant 0 : i32
    "tpu.region"() ({
      %run_scoped3A_34 = tpu.sem_alloc : memref<!tpu.dma_semaphore, #tpu.memory_space<semaphore_mem>>
      %dma_start3A_35 = arith.constant 0 : i32
      %dma_start3A_36 = arith.constant 0 : i32
      %dma_start3A_37 = tpu.memref_slice %arg7[%run_scoped3A, %dma_start3A_35, %dma_start3A_36] : memref<2x8x128xi32, #tpu.memory_space<vmem>> -> memref<1x8x128xi32, #tpu.memory_space<vmem>>
      %dma_start3A_38 = tpu.memref_squeeze %dma_start3A_37 : memref<1x8x128xi32, #tpu.memory_space<vmem>> -> memref<8x128xi32, #tpu.memory_space<vmem>>
      %dma_start3A_39 = arith.constant 0 : i32
      %dma_start3A_40 = arith.constant 0 : i32
      %dma_start3A_41 = tpu.memref_slice %arg3[%mul3A_11, %dma_start3A_39, %dma_start3A_40] : memref<320x8x128xi32, #tpu.memory_space<hbm>> -> memref<1x8x128xi32, #tpu.memory_space<hbm>>
      %dma_start3A_42 = tpu.memref_squeeze %dma_start3A_41 : memref<1x8x128xi32, #tpu.memory_space<hbm>> -> memref<8x128xi32, #tpu.memory_space<hbm>>
      %dma_start3A_43 = arith.constant 0 : i32
      %dma_start3A_44 = arith.constant 0 : i32
      %dma_start3A_45 = tpu.memref_slice %arg7[%run_scoped3A, %dma_start3A_43, %dma_start3A_44] : memref<2x8x128xi32, #tpu.memory_space<vmem>> -> memref<1x8x128xi32, #tpu.memory_space<vmem>>
      %dma_start3A_46 = tpu.memref_squeeze %dma_start3A_45 : memref<1x8x128xi32, #tpu.memory_space<vmem>> -> memref<8x128xi32, #tpu.memory_space<vmem>>
      %dma_start3A_47 = arith.constant 0 : i32
      %dma_start3A_48 = arith.constant 0 : i32
      %dma_start3A_49 = tpu.memref_slice %arg3[%mul3A_11, %dma_start3A_47, %dma_start3A_48] : memref<320x8x128xi32, #tpu.memory_space<hbm>> -> memref<1x8x128xi32, #tpu.memory_space<hbm>>
      %dma_start3A_50 = tpu.memref_squeeze %dma_start3A_49 : memref<1x8x128xi32, #tpu.memory_space<hbm>> -> memref<8x128xi32, #tpu.memory_space<hbm>>
      tpu.enqueue_dma source(%dma_start3A_50 : memref<8x128xi32, #tpu.memory_space<hbm>>) target(%dma_start3A_46 : memref<8x128xi32, #tpu.memory_space<vmem>>) target_semaphore(%run_scoped3A_34 : memref<!tpu.dma_semaphore, #tpu.memory_space<semaphore_mem>>)
      %dma_wait3A = arith.constant 0 : i32
      %dma_wait3A_51 = arith.constant 0 : i32
      %dma_wait3A_52 = tpu.memref_slice %arg7[%run_scoped3A, %dma_wait3A, %dma_wait3A_51] : memref<2x8x128xi32, #tpu.memory_space<vmem>> -> memref<1x8x128xi32, #tpu.memory_space<vmem>>
      %dma_wait3A_53 = tpu.memref_squeeze %dma_wait3A_52 : memref<1x8x128xi32, #tpu.memory_space<vmem>> -> memref<8x128xi32, #tpu.memory_space<vmem>>
      %dma_wait3A_54 = arith.constant 0 : i32
      %dma_wait3A_55 = arith.constant 0 : i32
      %dma_wait3A_56 = tpu.memref_slice %arg3[%mul3A_11, %dma_wait3A_54, %dma_wait3A_55] : memref<320x8x128xi32, #tpu.memory_space<hbm>> -> memref<1x8x128xi32, #tpu.memory_space<hbm>>
      %dma_wait3A_57 = tpu.memref_squeeze %dma_wait3A_56 : memref<1x8x128xi32, #tpu.memory_space<hbm>> -> memref<8x128xi32, #tpu.memory_space<hbm>>
      %dma_wait3A_58 = arith.constant 0 : i32
      %dma_wait3A_59 = arith.constant 0 : i32
      %dma_wait3A_60 = tpu.memref_slice %arg7[%run_scoped3A, %dma_wait3A_58, %dma_wait3A_59] : memref<2x8x128xi32, #tpu.memory_space<vmem>> -> memref<1x8x128xi32, #tpu.memory_space<vmem>>
      %dma_wait3A_61 = tpu.memref_squeeze %dma_wait3A_60 : memref<1x8x128xi32, #tpu.memory_space<vmem>> -> memref<8x128xi32, #tpu.memory_space<vmem>>
      %dma_wait3A_62 = arith.constant 0 : i32
      %dma_wait3A_63 = arith.constant 0 : i32
      %dma_wait3A_64 = tpu.memref_slice %arg3[%mul3A_11, %dma_wait3A_62, %dma_wait3A_63] : memref<320x8x128xi32, #tpu.memory_space<hbm>> -> memref<1x8x128xi32, #tpu.memory_space<hbm>>
      %dma_wait3A_65 = tpu.memref_squeeze %dma_wait3A_64 : memref<1x8x128xi32, #tpu.memory_space<hbm>> -> memref<8x128xi32, #tpu.memory_space<hbm>>
      tpu.wait_dma2 semaphore(%run_scoped3A_34 : memref<!tpu.dma_semaphore, #tpu.memory_space<semaphore_mem>>) src(%dma_wait3A_65 : memref<8x128xi32, #tpu.memory_space<hbm>>) dst(%dma_wait3A_61 : memref<8x128xi32, #tpu.memory_space<vmem>>)
      tpu.yield
    }) : () -> ()
    %run_scoped3A_12 = arith.constant 0 : i32
    "tpu.region"() ({
      %run_scoped3A_34 = tpu.sem_alloc : memref<!tpu.dma_semaphore, #tpu.memory_space<semaphore_mem>>
      %dma_start3A_35 = arith.constant 0 : i32
      %dma_start3A_36 = arith.constant 0 : i32
      %dma_start3A_37 = tpu.memref_slice %arg8[%run_scoped3A_12, %dma_start3A_35, %dma_start3A_36] : memref<2x8x128xi32, #tpu.memory_space<vmem>> -> memref<1x8x128xi32, #tpu.memory_space<vmem>>
      %dma_start3A_38 = tpu.memref_squeeze %dma_start3A_37 : memref<1x8x128xi32, #tpu.memory_space<vmem>> -> memref<8x128xi32, #tpu.memory_space<vmem>>
      %dma_start3A_39 = arith.constant 0 : i32
      %dma_start3A_40 = arith.constant 0 : i32
      %dma_start3A_41 = tpu.memref_slice %arg4[%mul3A_11, %dma_start3A_39, %dma_start3A_40] : memref<320x8x128xi32, #tpu.memory_space<hbm>> -> memref<1x8x128xi32, #tpu.memory_space<hbm>>
      %dma_start3A_42 = tpu.memref_squeeze %dma_start3A_41 : memref<1x8x128xi32, #tpu.memory_space<hbm>> -> memref<8x128xi32, #tpu.memory_space<hbm>>
      %dma_start3A_43 = arith.constant 0 : i32
      %dma_start3A_44 = arith.constant 0 : i32
      %dma_start3A_45 = tpu.memref_slice %arg8[%run_scoped3A_12, %dma_start3A_43, %dma_start3A_44] : memref<2x8x128xi32, #tpu.memory_space<vmem>> -> memref<1x8x128xi32, #tpu.memory_space<vmem>>
      %dma_start3A_46 = tpu.memref_squeeze %dma_start3A_45 : memref<1x8x128xi32, #tpu.memory_space<vmem>> -> memref<8x128xi32, #tpu.memory_space<vmem>>
      %dma_start3A_47 = arith.constant 0 : i32
      %dma_start3A_48 = arith.constant 0 : i32
      %dma_start3A_49 = tpu.memref_slice %arg4[%mul3A_11, %dma_start3A_47, %dma_start3A_48] : memref<320x8x128xi32, #tpu.memory_space<hbm>> -> memref<1x8x128xi32, #tpu.memory_space<hbm>>
      %dma_start3A_50 = tpu.memref_squeeze %dma_start3A_49 : memref<1x8x128xi32, #tpu.memory_space<hbm>> -> memref<8x128xi32, #tpu.memory_space<hbm>>
      tpu.enqueue_dma source(%dma_start3A_50 : memref<8x128xi32, #tpu.memory_space<hbm>>) target(%dma_start3A_46 : memref<8x128xi32, #tpu.memory_space<vmem>>) target_semaphore(%run_scoped3A_34 : memref<!tpu.dma_semaphore, #tpu.memory_space<semaphore_mem>>)
      %dma_wait3A = arith.constant 0 : i32
      %dma_wait3A_51 = arith.constant 0 : i32
      %dma_wait3A_52 = tpu.memref_slice %arg8[%run_scoped3A_12, %dma_wait3A, %dma_wait3A_51] : memref<2x8x128xi32, #tpu.memory_space<vmem>> -> memref<1x8x128xi32, #tpu.memory_space<vmem>>
      %dma_wait3A_53 = tpu.memref_squeeze %dma_wait3A_52 : memref<1x8x128xi32, #tpu.memory_space<vmem>> -> memref<8x128xi32, #tpu.memory_space<vmem>>
      %dma_wait3A_54 = arith.constant 0 : i32
      %dma_wait3A_55 = arith.constant 0 : i32
      %dma_wait3A_56 = tpu.memref_slice %arg4[%mul3A_11, %dma_wait3A_54, %dma_wait3A_55] : memref<320x8x128xi32, #tpu.memory_space<hbm>> -> memref<1x8x128xi32, #tpu.memory_space<hbm>>
      %dma_wait3A_57 = tpu.memref_squeeze %dma_wait3A_56 : memref<1x8x128xi32, #tpu.memory_space<hbm>> -> memref<8x128xi32, #tpu.memory_space<hbm>>
      %dma_wait3A_58 = arith.constant 0 : i32
      %dma_wait3A_59 = arith.constant 0 : i32
      %dma_wait3A_60 = tpu.memref_slice %arg8[%run_scoped3A_12, %dma_wait3A_58, %dma_wait3A_59] : memref<2x8x128xi32, #tpu.memory_space<vmem>> -> memref<1x8x128xi32, #tpu.memory_space<vmem>>
      %dma_wait3A_61 = tpu.memref_squeeze %dma_wait3A_60 : memref<1x8x128xi32, #tpu.memory_space<vmem>> -> memref<8x128xi32, #tpu.memory_space<vmem>>
      %dma_wait3A_62 = arith.constant 0 : i32
      %dma_wait3A_63 = arith.constant 0 : i32
      %dma_wait3A_64 = tpu.memref_slice %arg4[%mul3A_11, %dma_wait3A_62, %dma_wait3A_63] : memref<320x8x128xi32, #tpu.memory_space<hbm>> -> memref<1x8x128xi32, #tpu.memory_space<hbm>>
      %dma_wait3A_65 = tpu.memref_squeeze %dma_wait3A_64 : memref<1x8x128xi32, #tpu.memory_space<hbm>> -> memref<8x128xi32, #tpu.memory_space<hbm>>
      tpu.wait_dma2 semaphore(%run_scoped3A_34 : memref<!tpu.dma_semaphore, #tpu.memory_space<semaphore_mem>>) src(%dma_wait3A_65 : memref<8x128xi32, #tpu.memory_space<hbm>>) dst(%dma_wait3A_61 : memref<8x128xi32, #tpu.memory_space<vmem>>)
      tpu.yield
    }) : () -> ()
    %dma_start3A = arith.constant 0 : i32
    %dma_start3A_13 = arith.constant 0 : i32
    %dma_start3A_14 = arith.constant 0 : i32
    %dma_start3A_15 = arith.constant 0 : i32
    %dma_start3A_16 = tpu.memref_slice %arg7[%dma_start3A, %dma_start3A_14, %dma_start3A_15] : memref<2x8x128xi32, #tpu.memory_space<vmem>> -> memref<1x8x128xi32, #tpu.memory_space<vmem>>
    %dma_start3A_17 = tpu.memref_squeeze %dma_start3A_16 : memref<1x8x128xi32, #tpu.memory_space<vmem>> -> memref<8x128xi32, #tpu.memory_space<vmem>>
    %dma_start3A_18 = arith.constant 0 : i32
    %dma_start3A_19 = tpu.memref_slice %dma_start3A_17[%dma_start3A_13, %dma_start3A_18] : memref<8x128xi32, #tpu.memory_space<vmem>> -> memref<1x128xi32, #tpu.memory_space<vmem>>
    %dma_start3A_20 = tpu.memref_squeeze %dma_start3A_19 : memref<1x128xi32, #tpu.memory_space<vmem>> -> memref<128xi32, #tpu.memory_space<vmem>>
    %dma_start3A_21 = arith.constant 0 : i32
    %dma_start3A_22 = arith.constant 0 : i32
    %dma_start3A_23 = tpu.memref_slice %arg2[%dma_start3A_21, %dma_start3A_22] : memref<10240x128xf32, #tpu.memory_space<hbm>> -> memref<10240x128xf32, #tpu.memory_space<hbm>>
    tpu.enqueue_indirect_dma source(%dma_start3A_23 : memref<10240x128xf32, #tpu.memory_space<hbm>>) target(%arg9 : memref<128x128xf32, #tpu.memory_space<vmem>>) offsets(%dma_start3A_20 : memref<128xi32, #tpu.memory_space<vmem>>) semaphore(%arg11 : memref<!tpu.dma_semaphore, #tpu.memory_space<semaphore_mem>>)
    %scan3A_24 = arith.constant 0 : i32
    %scan3A_25 = arith.constant 5 : i32
    %scan3A_26 = arith.addi %scan3A_24, %scan3A_25 : i32
    %scan3A_27 = arith.constant 1 : i32
    scf.for %scan3A_34 = %scan3A_24 to %scan3A_26 step %scan3A_27  : i32 {
      %mul3A_35 = arith.constant 2 : i32
      %mul3A_36 = arith.muli %scan3A_34, %mul3A_35 : i32
      %add3A_37 = arith.constant 0 : i32
      %add3A_38 = arith.addi %add3A_37, %mul3A_36 : i32
      %add3A_39 = arith.constant 1 : i32
      %add3A_40 = arith.addi %add3A_38, %add3A_39 : i32
      %lt3A = arith.constant 10 : i32
      %lt3A_41 = arith.cmpi slt, %add3A_40, %lt3A : i32
      %convert_element_type3A = arith.extui %lt3A_41 : i1 to i32
      %cond3A = arith.constant 0 : i32
      %cond3A_42 = arith.cmpi ne, %convert_element_type3A, %cond3A : i32
      scf.if %cond3A_42 {
        %add3A_68 = arith.addi %mul3A_11, %add3A_38 : i32
        %add3A_69 = arith.constant 1 : i32
        %add3A_70 = arith.addi %add3A_68, %add3A_69 : i32
        %dma_start3A_71 = arith.constant 1 : i32
        %dma_start3A_72 = arith.constant 0 : i32
        %dma_start3A_73 = arith.constant 0 : i32
        %dma_start3A_74 = tpu.memref_slice %arg7[%dma_start3A_71, %dma_start3A_72, %dma_start3A_73] : memref<2x8x128xi32, #tpu.memory_space<vmem>> -> memref<1x8x128xi32, #tpu.memory_space<vmem>>
        %dma_start3A_75 = tpu.memref_squeeze %dma_start3A_74 : memref<1x8x128xi32, #tpu.memory_space<vmem>> -> memref<8x128xi32, #tpu.memory_space<vmem>>
        %dma_start3A_76 = arith.constant 0 : i32
        %dma_start3A_77 = arith.constant 0 : i32
        %dma_start3A_78 = tpu.memref_slice %arg3[%add3A_70, %dma_start3A_76, %dma_start3A_77] : memref<320x8x128xi32, #tpu.memory_space<hbm>> -> memref<1x8x128xi32, #tpu.memory_space<hbm>>
        %dma_start3A_79 = tpu.memref_squeeze %dma_start3A_78 : memref<1x8x128xi32, #tpu.memory_space<hbm>> -> memref<8x128xi32, #tpu.memory_space<hbm>>
        %dma_start3A_80 = arith.constant 0 : i32
        %dma_start3A_81 = arith.constant 0 : i32
        %dma_start3A_82 = tpu.memref_slice %arg7[%dma_start3A_71, %dma_start3A_80, %dma_start3A_81] : memref<2x8x128xi32, #tpu.memory_space<vmem>> -> memref<1x8x128xi32, #tpu.memory_space<vmem>>
        %dma_start3A_83 = tpu.memref_squeeze %dma_start3A_82 : memref<1x8x128xi32, #tpu.memory_space<vmem>> -> memref<8x128xi32, #tpu.memory_space<vmem>>
        %dma_start3A_84 = arith.constant 0 : i32
        %dma_start3A_85 = arith.constant 0 : i32
        %dma_start3A_86 = tpu.memref_slice %arg3[%add3A_70, %dma_start3A_84, %dma_start3A_85] : memref<320x8x128xi32, #tpu.memory_space<hbm>> -> memref<1x8x128xi32, #tpu.memory_space<hbm>>
        %dma_start3A_87 = tpu.memref_squeeze %dma_start3A_86 : memref<1x8x128xi32, #tpu.memory_space<hbm>> -> memref<8x128xi32, #tpu.memory_space<hbm>>
        tpu.enqueue_dma source(%dma_start3A_87 : memref<8x128xi32, #tpu.memory_space<hbm>>) target(%dma_start3A_83 : memref<8x128xi32, #tpu.memory_space<vmem>>) target_semaphore(%arg13 : memref<!tpu.dma_semaphore, #tpu.memory_space<semaphore_mem>>)
        %add3A_88 = arith.addi %mul3A_11, %add3A_38 : i32
        %add3A_89 = arith.constant 1 : i32
        %add3A_90 = arith.addi %add3A_88, %add3A_89 : i32
        %dma_start3A_91 = arith.constant 1 : i32
        %dma_start3A_92 = arith.constant 0 : i32
        %dma_start3A_93 = arith.constant 0 : i32
        %dma_start3A_94 = tpu.memref_slice %arg8[%dma_start3A_91, %dma_start3A_92, %dma_start3A_93] : memref<2x8x128xi32, #tpu.memory_space<vmem>> -> memref<1x8x128xi32, #tpu.memory_space<vmem>>
        %dma_start3A_95 = tpu.memref_squeeze %dma_start3A_94 : memref<1x8x128xi32, #tpu.memory_space<vmem>> -> memref<8x128xi32, #tpu.memory_space<vmem>>
        %dma_start3A_96 = arith.constant 0 : i32
        %dma_start3A_97 = arith.constant 0 : i32
        %dma_start3A_98 = tpu.memref_slice %arg4[%add3A_90, %dma_start3A_96, %dma_start3A_97] : memref<320x8x128xi32, #tpu.memory_space<hbm>> -> memref<1x8x128xi32, #tpu.memory_space<hbm>>
        %dma_start3A_99 = tpu.memref_squeeze %dma_start3A_98 : memref<1x8x128xi32, #tpu.memory_space<hbm>> -> memref<8x128xi32, #tpu.memory_space<hbm>>
        %dma_start3A_100 = arith.constant 0 : i32
        %dma_start3A_101 = arith.constant 0 : i32
        %dma_start3A_102 = tpu.memref_slice %arg8[%dma_start3A_91, %dma_start3A_100, %dma_start3A_101] : memref<2x8x128xi32, #tpu.memory_space<vmem>> -> memref<1x8x128xi32, #tpu.memory_space<vmem>>
        %dma_start3A_103 = tpu.memref_squeeze %dma_start3A_102 : memref<1x8x128xi32, #tpu.memory_space<vmem>> -> memref<8x128xi32, #tpu.memory_space<vmem>>
        %dma_start3A_104 = arith.constant 0 : i32
        %dma_start3A_105 = arith.constant 0 : i32
        %dma_start3A_106 = tpu.memref_slice %arg4[%add3A_90, %dma_start3A_104, %dma_start3A_105] : memref<320x8x128xi32, #tpu.memory_space<hbm>> -> memref<1x8x128xi32, #tpu.memory_space<hbm>>
        %dma_start3A_107 = tpu.memref_squeeze %dma_start3A_106 : memref<1x8x128xi32, #tpu.memory_space<hbm>> -> memref<8x128xi32, #tpu.memory_space<hbm>>
        tpu.enqueue_dma source(%dma_start3A_107 : memref<8x128xi32, #tpu.memory_space<hbm>>) target(%dma_start3A_103 : memref<8x128xi32, #tpu.memory_space<vmem>>) target_semaphore(%arg13 : memref<!tpu.dma_semaphore, #tpu.memory_space<semaphore_mem>>)
      } else {
      }
      %scan3A_43 = arith.constant 0 : i32
      %scan3A_44 = arith.constant 0 : i32
      %scan3A_45 = arith.constant 1 : i32
      %scan3A_46 = arith.constant 0 : i32
      %scan3A_47 = arith.constant 4 : i32
      %scan3A_48 = arith.addi %scan3A_46, %scan3A_47 : i32
      %scan3A_49 = arith.constant 1 : i32
      scf.for %scan3A_68 = %scan3A_46 to %scan3A_48 step %scan3A_49  : i32 {
        %mul3A_69 = arith.constant 2 : i32
        %mul3A_70 = arith.muli %scan3A_68, %mul3A_69 : i32
        %add3A_71 = arith.constant 0 : i32
        %add3A_72 = arith.addi %add3A_71, %mul3A_70 : i32
        %add3A_73 = arith.constant 1 : i32
        %add3A_74 = arith.addi %add3A_72, %add3A_73 : i32
        %dma_start3A_75 = arith.constant 0 : i32
        %dma_start3A_76 = arith.constant 0 : i32
        %dma_start3A_77 = tpu.memref_slice %arg7[%scan3A_43, %dma_start3A_75, %dma_start3A_76] : memref<2x8x128xi32, #tpu.memory_space<vmem>> -> memref<1x8x128xi32, #tpu.memory_space<vmem>>
        %dma_start3A_78 = tpu.memref_squeeze %dma_start3A_77 : memref<1x8x128xi32, #tpu.memory_space<vmem>> -> memref<8x128xi32, #tpu.memory_space<vmem>>
        %dma_start3A_79 = arith.constant 0 : i32
        %dma_start3A_80 = tpu.memref_slice %dma_start3A_78[%add3A_74, %dma_start3A_79] : memref<8x128xi32, #tpu.memory_space<vmem>> -> memref<1x128xi32, #tpu.memory_space<vmem>>
        %dma_start3A_81 = tpu.memref_squeeze %dma_start3A_80 : memref<1x128xi32, #tpu.memory_space<vmem>> -> memref<128xi32, #tpu.memory_space<vmem>>
        %dma_start3A_82 = arith.constant 0 : i32
        %dma_start3A_83 = arith.constant 0 : i32
        %dma_start3A_84 = tpu.memref_slice %arg2[%dma_start3A_82, %dma_start3A_83] : memref<10240x128xf32, #tpu.memory_space<hbm>> -> memref<10240x128xf32, #tpu.memory_space<hbm>>
        tpu.enqueue_indirect_dma source(%dma_start3A_84 : memref<10240x128xf32, #tpu.memory_space<hbm>>) target(%arg10 : memref<128x128xf32, #tpu.memory_space<vmem>>) offsets(%dma_start3A_81 : memref<128xi32, #tpu.memory_space<vmem>>) semaphore(%arg12 : memref<!tpu.dma_semaphore, #tpu.memory_space<semaphore_mem>>)
        %dma_wait3A = arith.constant 0 : i32
        %dma_wait3A_85 = arith.constant 0 : i32
        %dma_wait3A_86 = tpu.memref_slice %arg7[%scan3A_43, %dma_wait3A, %dma_wait3A_85] : memref<2x8x128xi32, #tpu.memory_space<vmem>> -> memref<1x8x128xi32, #tpu.memory_space<vmem>>
        %dma_wait3A_87 = tpu.memref_squeeze %dma_wait3A_86 : memref<1x8x128xi32, #tpu.memory_space<vmem>> -> memref<8x128xi32, #tpu.memory_space<vmem>>
        %dma_wait3A_88 = arith.constant 0 : i32
        %dma_wait3A_89 = tpu.memref_slice %dma_wait3A_87[%add3A_72, %dma_wait3A_88] : memref<8x128xi32, #tpu.memory_space<vmem>> -> memref<1x128xi32, #tpu.memory_space<vmem>>
        %dma_wait3A_90 = tpu.memref_squeeze %dma_wait3A_89 : memref<1x128xi32, #tpu.memory_space<vmem>> -> memref<128xi32, #tpu.memory_space<vmem>>
        %dma_wait3A_91 = arith.constant 0 : i32
        %dma_wait3A_92 = arith.constant 0 : i32
        %dma_wait3A_93 = tpu.memref_slice %arg2[%dma_wait3A_91, %dma_wait3A_92] : memref<10240x128xf32, #tpu.memory_space<hbm>> -> memref<10240x128xf32, #tpu.memory_space<hbm>>
        tpu.wait_indirect_dma semaphore(%arg11 : memref<!tpu.dma_semaphore, #tpu.memory_space<semaphore_mem>>) src(%dma_wait3A_93 : memref<10240x128xf32, #tpu.memory_space<hbm>>) dst(%arg9 : memref<128x128xf32, #tpu.memory_space<vmem>>)
        "tpu.region"() ({
          %run_scoped3A_125 = tpu.sem_alloc : memref<!tpu.dma_semaphore, #tpu.memory_space<semaphore_mem>>
          %dma_start3A_126 = arith.constant 0 : i32
          %dma_start3A_127 = arith.constant 0 : i32
          %dma_start3A_128 = tpu.memref_slice %arg8[%scan3A_44, %dma_start3A_126, %dma_start3A_127] : memref<2x8x128xi32, #tpu.memory_space<vmem>> -> memref<1x8x128xi32, #tpu.memory_space<vmem>>
          %dma_start3A_129 = tpu.memref_squeeze %dma_start3A_128 : memref<1x8x128xi32, #tpu.memory_space<vmem>> -> memref<8x128xi32, #tpu.memory_space<vmem>>
          %dma_start3A_130 = arith.constant 0 : i32
          %dma_start3A_131 = tpu.memref_slice %dma_start3A_129[%add3A_72, %dma_start3A_130] : memref<8x128xi32, #tpu.memory_space<vmem>> -> memref<1x128xi32, #tpu.memory_space<vmem>>
          %dma_start3A_132 = tpu.memref_squeeze %dma_start3A_131 : memref<1x128xi32, #tpu.memory_space<vmem>> -> memref<128xi32, #tpu.memory_space<vmem>>
          %dma_start3A_133 = arith.constant 0 : i32
          %dma_start3A_134 = arith.constant 0 : i32
          %dma_start3A_135 = tpu.memref_slice %arg6[%dma_start3A_133, %dma_start3A_134] : memref<10240x128xf32, #tpu.memory_space<vmem_shared>> -> memref<10240x128xf32, #tpu.memory_space<vmem_shared>>
          tpu.enqueue_indirect_dma source(%arg9 : memref<128x128xf32, #tpu.memory_space<vmem>>) target(%dma_start3A_135 : memref<10240x128xf32, #tpu.memory_space<vmem_shared>>) offsets(%dma_start3A_132 : memref<128xi32, #tpu.memory_space<vmem>>) semaphore(%run_scoped3A_125 : memref<!tpu.dma_semaphore, #tpu.memory_space<semaphore_mem>>) {add = true}
          %dma_wait3A_136 = arith.constant 0 : i32
          %dma_wait3A_137 = arith.constant 0 : i32
          %dma_wait3A_138 = tpu.memref_slice %arg8[%scan3A_44, %dma_wait3A_136, %dma_wait3A_137] : memref<2x8x128xi32, #tpu.memory_space<vmem>> -> memref<1x8x128xi32, #tpu.memory_space<vmem>>
          %dma_wait3A_139 = tpu.memref_squeeze %dma_wait3A_138 : memref<1x8x128xi32, #tpu.memory_space<vmem>> -> memref<8x128xi32, #tpu.memory_space<vmem>>
          %dma_wait3A_140 = arith.constant 0 : i32
          %dma_wait3A_141 = tpu.memref_slice %dma_wait3A_139[%add3A_72, %dma_wait3A_140] : memref<8x128xi32, #tpu.memory_space<vmem>> -> memref<1x128xi32, #tpu.memory_space<vmem>>
          %dma_wait3A_142 = tpu.memref_squeeze %dma_wait3A_141 : memref<1x128xi32, #tpu.memory_space<vmem>> -> memref<128xi32, #tpu.memory_space<vmem>>
          %dma_wait3A_143 = arith.constant 0 : i32
          %dma_wait3A_144 = arith.constant 0 : i32
          %dma_wait3A_145 = tpu.memref_slice %arg6[%dma_wait3A_143, %dma_wait3A_144] : memref<10240x128xf32, #tpu.memory_space<vmem_shared>> -> memref<10240x128xf32, #tpu.memory_space<vmem_shared>>
          tpu.wait_indirect_dma semaphore(%run_scoped3A_125 : memref<!tpu.dma_semaphore, #tpu.memory_space<semaphore_mem>>) src(%arg9 : memref<128x128xf32, #tpu.memory_space<vmem>>) dst(%dma_wait3A_145 : memref<10240x128xf32, #tpu.memory_space<vmem_shared>>)
          tpu.yield
        }) : () -> ()
        %add3A_94 = arith.constant 2 : i32
        %add3A_95 = arith.addi %add3A_72, %add3A_94 : i32
        %lt3A_96 = arith.constant 8 : i32
        %lt3A_97 = arith.cmpi slt, %add3A_95, %lt3A_96 : i32
        %convert_element_type3A_98 = arith.extui %lt3A_97 : i1 to i32
        %cond3A_99 = arith.constant 0 : i32
        %cond3A_100 = arith.cmpi ne, %convert_element_type3A_98, %cond3A_99 : i32
        scf.if %cond3A_100 {
          %add3A_125 = arith.constant 2 : i32
          %add3A_126 = arith.addi %add3A_72, %add3A_125 : i32
          %dma_start3A_127 = arith.constant 0 : i32
          %dma_start3A_128 = arith.constant 0 : i32
          %dma_start3A_129 = tpu.memref_slice %arg7[%scan3A_43, %dma_start3A_127, %dma_start3A_128] : memref<2x8x128xi32, #tpu.memory_space<vmem>> -> memref<1x8x128xi32, #tpu.memory_space<vmem>>
          %dma_start3A_130 = tpu.memref_squeeze %dma_start3A_129 : memref<1x8x128xi32, #tpu.memory_space<vmem>> -> memref<8x128xi32, #tpu.memory_space<vmem>>
          %dma_start3A_131 = arith.constant 0 : i32
          %dma_start3A_132 = tpu.memref_slice %dma_start3A_130[%add3A_126, %dma_start3A_131] : memref<8x128xi32, #tpu.memory_space<vmem>> -> memref<1x128xi32, #tpu.memory_space<vmem>>
          %dma_start3A_133 = tpu.memref_squeeze %dma_start3A_132 : memref<1x128xi32, #tpu.memory_space<vmem>> -> memref<128xi32, #tpu.memory_space<vmem>>
          %dma_start3A_134 = arith.constant 0 : i32
          %dma_start3A_135 = arith.constant 0 : i32
          %dma_start3A_136 = tpu.memref_slice %arg2[%dma_start3A_134, %dma_start3A_135] : memref<10240x128xf32, #tpu.memory_space<hbm>> -> memref<10240x128xf32, #tpu.memory_space<hbm>>
          tpu.enqueue_indirect_dma source(%dma_start3A_136 : memref<10240x128xf32, #tpu.memory_space<hbm>>) target(%arg9 : memref<128x128xf32, #tpu.memory_space<vmem>>) offsets(%dma_start3A_133 : memref<128xi32, #tpu.memory_space<vmem>>) semaphore(%arg11 : memref<!tpu.dma_semaphore, #tpu.memory_space<semaphore_mem>>)
        } else {
        }
        %add3A_101 = arith.constant 2 : i32
        %add3A_102 = arith.addi %add3A_72, %add3A_101 : i32
        %ge3A = arith.constant 8 : i32
        %ge3A_103 = arith.cmpi sge, %add3A_102, %ge3A : i32
        %add3A_104 = arith.constant 1 : i32
        %add3A_105 = arith.addi %add3A_38, %add3A_104 : i32
        %lt3A_106 = arith.constant 10 : i32
        %lt3A_107 = arith.cmpi slt, %add3A_105, %lt3A_106 : i32
        %and3A = arith.andi %ge3A_103, %lt3A_107 : i1
        %convert_element_type3A_108 = arith.extui %and3A : i1 to i32
        %cond3A_109 = arith.constant 0 : i32
        %cond3A_110 = arith.cmpi ne, %convert_element_type3A_108, %cond3A_109 : i32
        scf.if %cond3A_110 {
          %add3A_125 = arith.addi %mul3A_11, %add3A_38 : i32
          %add3A_126 = arith.constant 1 : i32
          %add3A_127 = arith.addi %add3A_125, %add3A_126 : i32
          %dma_wait3A_128 = arith.constant 1 : i32
          %dma_wait3A_129 = arith.constant 0 : i32
          %dma_wait3A_130 = arith.constant 0 : i32
          %dma_wait3A_131 = tpu.memref_slice %arg7[%dma_wait3A_128, %dma_wait3A_129, %dma_wait3A_130] : memref<2x8x128xi32, #tpu.memory_space<vmem>> -> memref<1x8x128xi32, #tpu.memory_space<vmem>>
          %dma_wait3A_132 = tpu.memref_squeeze %dma_wait3A_131 : memref<1x8x128xi32, #tpu.memory_space<vmem>> -> memref<8x128xi32, #tpu.memory_space<vmem>>
          %dma_wait3A_133 = arith.constant 0 : i32
          %dma_wait3A_134 = arith.constant 0 : i32
          %dma_wait3A_135 = tpu.memref_slice %arg3[%add3A_127, %dma_wait3A_133, %dma_wait3A_134] : memref<320x8x128xi32, #tpu.memory_space<hbm>> -> memref<1x8x128xi32, #tpu.memory_space<hbm>>
          %dma_wait3A_136 = tpu.memref_squeeze %dma_wait3A_135 : memref<1x8x128xi32, #tpu.memory_space<hbm>> -> memref<8x128xi32, #tpu.memory_space<hbm>>
          %dma_wait3A_137 = arith.constant 0 : i32
          %dma_wait3A_138 = arith.constant 0 : i32
          %dma_wait3A_139 = tpu.memref_slice %arg7[%dma_wait3A_128, %dma_wait3A_137, %dma_wait3A_138] : memref<2x8x128xi32, #tpu.memory_space<vmem>> -> memref<1x8x128xi32, #tpu.memory_space<vmem>>
          %dma_wait3A_140 = tpu.memref_squeeze %dma_wait3A_139 : memref<1x8x128xi32, #tpu.memory_space<vmem>> -> memref<8x128xi32, #tpu.memory_space<vmem>>
          %dma_wait3A_141 = arith.constant 0 : i32
          %dma_wait3A_142 = arith.constant 0 : i32
          %dma_wait3A_143 = tpu.memref_slice %arg3[%add3A_127, %dma_wait3A_141, %dma_wait3A_142] : memref<320x8x128xi32, #tpu.memory_space<hbm>> -> memref<1x8x128xi32, #tpu.memory_space<hbm>>
          %dma_wait3A_144 = tpu.memref_squeeze %dma_wait3A_143 : memref<1x8x128xi32, #tpu.memory_space<hbm>> -> memref<8x128xi32, #tpu.memory_space<hbm>>
          tpu.wait_dma2 semaphore(%arg13 : memref<!tpu.dma_semaphore, #tpu.memory_space<semaphore_mem>>) src(%dma_wait3A_144 : memref<8x128xi32, #tpu.memory_space<hbm>>) dst(%dma_wait3A_140 : memref<8x128xi32, #tpu.memory_space<vmem>>)
          %add3A_145 = arith.addi %mul3A_11, %add3A_38 : i32
          %add3A_146 = arith.constant 1 : i32
          %add3A_147 = arith.addi %add3A_145, %add3A_146 : i32
          %dma_wait3A_148 = arith.constant 1 : i32
          %dma_wait3A_149 = arith.constant 0 : i32
          %dma_wait3A_150 = arith.constant 0 : i32
          %dma_wait3A_151 = tpu.memref_slice %arg8[%dma_wait3A_148, %dma_wait3A_149, %dma_wait3A_150] : memref<2x8x128xi32, #tpu.memory_space<vmem>> -> memref<1x8x128xi32, #tpu.memory_space<vmem>>
          %dma_wait3A_152 = tpu.memref_squeeze %dma_wait3A_151 : memref<1x8x128xi32, #tpu.memory_space<vmem>> -> memref<8x128xi32, #tpu.memory_space<vmem>>
          %dma_wait3A_153 = arith.constant 0 : i32
          %dma_wait3A_154 = arith.constant 0 : i32
          %dma_wait3A_155 = tpu.memref_slice %arg4[%add3A_147, %dma_wait3A_153, %dma_wait3A_154] : memref<320x8x128xi32, #tpu.memory_space<hbm>> -> memref<1x8x128xi32, #tpu.memory_space<hbm>>
          %dma_wait3A_156 = tpu.memref_squeeze %dma_wait3A_155 : memref<1x8x128xi32, #tpu.memory_space<hbm>> -> memref<8x128xi32, #tpu.memory_space<hbm>>
          %dma_wait3A_157 = arith.constant 0 : i32
          %dma_wait3A_158 = arith.constant 0 : i32
          %dma_wait3A_159 = tpu.memref_slice %arg8[%dma_wait3A_148, %dma_wait3A_157, %dma_wait3A_158] : memref<2x8x128xi32, #tpu.memory_space<vmem>> -> memref<1x8x128xi32, #tpu.memory_space<vmem>>
          %dma_wait3A_160 = tpu.memref_squeeze %dma_wait3A_159 : memref<1x8x128xi32, #tpu.memory_space<vmem>> -> memref<8x128xi32, #tpu.memory_space<vmem>>
          %dma_wait3A_161 = arith.constant 0 : i32
          %dma_wait3A_162 = arith.constant 0 : i32
          %dma_wait3A_163 = tpu.memref_slice %arg4[%add3A_147, %dma_wait3A_161, %dma_wait3A_162] : memref<320x8x128xi32, #tpu.memory_space<hbm>> -> memref<1x8x128xi32, #tpu.memory_space<hbm>>
          %dma_wait3A_164 = tpu.memref_squeeze %dma_wait3A_163 : memref<1x8x128xi32, #tpu.memory_space<hbm>> -> memref<8x128xi32, #tpu.memory_space<hbm>>
          tpu.wait_dma2 semaphore(%arg13 : memref<!tpu.dma_semaphore, #tpu.memory_space<semaphore_mem>>) src(%dma_wait3A_164 : memref<8x128xi32, #tpu.memory_space<hbm>>) dst(%dma_wait3A_160 : memref<8x128xi32, #tpu.memory_space<vmem>>)
          %dma_start3A_165 = arith.constant 0 : i32
          %dma_start3A_166 = arith.constant 0 : i32
          %dma_start3A_167 = arith.constant 0 : i32
          %dma_start3A_168 = tpu.memref_slice %arg7[%scan3A_45, %dma_start3A_166, %dma_start3A_167] : memref<2x8x128xi32, #tpu.memory_space<vmem>> -> memref<1x8x128xi32, #tpu.memory_space<vmem>>
          %dma_start3A_169 = tpu.memref_squeeze %dma_start3A_168 : memref<1x8x128xi32, #tpu.memory_space<vmem>> -> memref<8x128xi32, #tpu.memory_space<vmem>>
          %dma_start3A_170 = arith.constant 0 : i32
          %dma_start3A_171 = tpu.memref_slice %dma_start3A_169[%dma_start3A_165, %dma_start3A_170] : memref<8x128xi32, #tpu.memory_space<vmem>> -> memref<1x128xi32, #tpu.memory_space<vmem>>
          %dma_start3A_172 = tpu.memref_squeeze %dma_start3A_171 : memref<1x128xi32, #tpu.memory_space<vmem>> -> memref<128xi32, #tpu.memory_space<vmem>>
          %dma_start3A_173 = arith.constant 0 : i32
          %dma_start3A_174 = arith.constant 0 : i32
          %dma_start3A_175 = tpu.memref_slice %arg2[%dma_start3A_173, %dma_start3A_174] : memref<10240x128xf32, #tpu.memory_space<hbm>> -> memref<10240x128xf32, #tpu.memory_space<hbm>>
          tpu.enqueue_indirect_dma source(%dma_start3A_175 : memref<10240x128xf32, #tpu.memory_space<hbm>>) target(%arg9 : memref<128x128xf32, #tpu.memory_space<vmem>>) offsets(%dma_start3A_172 : memref<128xi32, #tpu.memory_space<vmem>>) semaphore(%arg11 : memref<!tpu.dma_semaphore, #tpu.memory_space<semaphore_mem>>)
        } else {
        }
        %add3A_111 = arith.constant 1 : i32
        %add3A_112 = arith.addi %add3A_72, %add3A_111 : i32
        %dma_wait3A_113 = arith.constant 0 : i32
        %dma_wait3A_114 = arith.constant 0 : i32
        %dma_wait3A_115 = tpu.memref_slice %arg7[%scan3A_43, %dma_wait3A_113, %dma_wait3A_114] : memref<2x8x128xi32, #tpu.memory_space<vmem>> -> memref<1x8x128xi32, #tpu.memory_space<vmem>>
        %dma_wait3A_116 = tpu.memref_squeeze %dma_wait3A_115 : memref<1x8x128xi32, #tpu.memory_space<vmem>> -> memref<8x128xi32, #tpu.memory_space<vmem>>
        %dma_wait3A_117 = arith.constant 0 : i32
        %dma_wait3A_118 = tpu.memref_slice %dma_wait3A_116[%add3A_112, %dma_wait3A_117] : memref<8x128xi32, #tpu.memory_space<vmem>> -> memref<1x128xi32, #tpu.memory_space<vmem>>
        %dma_wait3A_119 = tpu.memref_squeeze %dma_wait3A_118 : memref<1x128xi32, #tpu.memory_space<vmem>> -> memref<128xi32, #tpu.memory_space<vmem>>
        %dma_wait3A_120 = arith.constant 0 : i32
        %dma_wait3A_121 = arith.constant 0 : i32
        %dma_wait3A_122 = tpu.memref_slice %arg2[%dma_wait3A_120, %dma_wait3A_121] : memref<10240x128xf32, #tpu.memory_space<hbm>> -> memref<10240x128xf32, #tpu.memory_space<hbm>>
        tpu.wait_indirect_dma semaphore(%arg12 : memref<!tpu.dma_semaphore, #tpu.memory_space<semaphore_mem>>) src(%dma_wait3A_122 : memref<10240x128xf32, #tpu.memory_space<hbm>>) dst(%arg10 : memref<128x128xf32, #tpu.memory_space<vmem>>)
        %add3A_123 = arith.constant 1 : i32
        %add3A_124 = arith.addi %add3A_72, %add3A_123 : i32
        "tpu.region"() ({
          %run_scoped3A_125 = tpu.sem_alloc : memref<!tpu.dma_semaphore, #tpu.memory_space<semaphore_mem>>
          %dma_start3A_126 = arith.constant 0 : i32
          %dma_start3A_127 = arith.constant 0 : i32
          %dma_start3A_128 = tpu.memref_slice %arg8[%scan3A_44, %dma_start3A_126, %dma_start3A_127] : memref<2x8x128xi32, #tpu.memory_space<vmem>> -> memref<1x8x128xi32, #tpu.memory_space<vmem>>
          %dma_start3A_129 = tpu.memref_squeeze %dma_start3A_128 : memref<1x8x128xi32, #tpu.memory_space<vmem>> -> memref<8x128xi32, #tpu.memory_space<vmem>>
          %dma_start3A_130 = arith.constant 0 : i32
          %dma_start3A_131 = tpu.memref_slice %dma_start3A_129[%add3A_124, %dma_start3A_130] : memref<8x128xi32, #tpu.memory_space<vmem>> -> memref<1x128xi32, #tpu.memory_space<vmem>>
          %dma_start3A_132 = tpu.memref_squeeze %dma_start3A_131 : memref<1x128xi32, #tpu.memory_space<vmem>> -> memref<128xi32, #tpu.memory_space<vmem>>
          %dma_start3A_133 = arith.constant 0 : i32
          %dma_start3A_134 = arith.constant 0 : i32
          %dma_start3A_135 = tpu.memref_slice %arg6[%dma_start3A_133, %dma_start3A_134] : memref<10240x128xf32, #tpu.memory_space<vmem_shared>> -> memref<10240x128xf32, #tpu.memory_space<vmem_shared>>
          tpu.enqueue_indirect_dma source(%arg10 : memref<128x128xf32, #tpu.memory_space<vmem>>) target(%dma_start3A_135 : memref<10240x128xf32, #tpu.memory_space<vmem_shared>>) offsets(%dma_start3A_132 : memref<128xi32, #tpu.memory_space<vmem>>) semaphore(%run_scoped3A_125 : memref<!tpu.dma_semaphore, #tpu.memory_space<semaphore_mem>>) {add = true}
          %dma_wait3A_136 = arith.constant 0 : i32
          %dma_wait3A_137 = arith.constant 0 : i32
          %dma_wait3A_138 = tpu.memref_slice %arg8[%scan3A_44, %dma_wait3A_136, %dma_wait3A_137] : memref<2x8x128xi32, #tpu.memory_space<vmem>> -> memref<1x8x128xi32, #tpu.memory_space<vmem>>
          %dma_wait3A_139 = tpu.memref_squeeze %dma_wait3A_138 : memref<1x8x128xi32, #tpu.memory_space<vmem>> -> memref<8x128xi32, #tpu.memory_space<vmem>>
          %dma_wait3A_140 = arith.constant 0 : i32
          %dma_wait3A_141 = tpu.memref_slice %dma_wait3A_139[%add3A_124, %dma_wait3A_140] : memref<8x128xi32, #tpu.memory_space<vmem>> -> memref<1x128xi32, #tpu.memory_space<vmem>>
          %dma_wait3A_142 = tpu.memref_squeeze %dma_wait3A_141 : memref<1x128xi32, #tpu.memory_space<vmem>> -> memref<128xi32, #tpu.memory_space<vmem>>
          %dma_wait3A_143 = arith.constant 0 : i32
          %dma_wait3A_144 = arith.constant 0 : i32
          %dma_wait3A_145 = tpu.memref_slice %arg6[%dma_wait3A_143, %dma_wait3A_144] : memref<10240x128xf32, #tpu.memory_space<vmem_shared>> -> memref<10240x128xf32, #tpu.memory_space<vmem_shared>>
          tpu.wait_indirect_dma semaphore(%run_scoped3A_125 : memref<!tpu.dma_semaphore, #tpu.memory_space<semaphore_mem>>) src(%arg10 : memref<128x128xf32, #tpu.memory_space<vmem>>) dst(%dma_wait3A_145 : memref<10240x128xf32, #tpu.memory_space<vmem_shared>>)
          tpu.yield
        }) : () -> ()
      }
      %scan3A_50 = arith.constant 4 : i32
      %add3A_51 = arith.constant 1 : i32
      %add3A_52 = arith.addi %add3A_38, %add3A_51 : i32
      %add3A_53 = arith.constant 1 : i32
      %add3A_54 = arith.addi %add3A_52, %add3A_53 : i32
      %lt3A_55 = arith.constant 10 : i32
      %lt3A_56 = arith.cmpi slt, %add3A_54, %lt3A_55 : i32
      %convert_element_type3A_57 = arith.extui %lt3A_56 : i1 to i32
      %cond3A_58 = arith.constant 0 : i32
      %cond3A_59 = arith.cmpi ne, %convert_element_type3A_57, %cond3A_58 : i32
      scf.if %cond3A_59 {
        %add3A_68 = arith.addi %mul3A_11, %add3A_52 : i32
        %add3A_69 = arith.constant 1 : i32
        %add3A_70 = arith.addi %add3A_68, %add3A_69 : i32
        %dma_start3A_71 = arith.constant 0 : i32
        %dma_start3A_72 = arith.constant 0 : i32
        %dma_start3A_73 = arith.constant 0 : i32
        %dma_start3A_74 = tpu.memref_slice %arg7[%dma_start3A_71, %dma_start3A_72, %dma_start3A_73] : memref<2x8x128xi32, #tpu.memory_space<vmem>> -> memref<1x8x128xi32, #tpu.memory_space<vmem>>
        %dma_start3A_75 = tpu.memref_squeeze %dma_start3A_74 : memref<1x8x128xi32, #tpu.memory_space<vmem>> -> memref<8x128xi32, #tpu.memory_space<vmem>>
        %dma_start3A_76 = arith.constant 0 : i32
        %dma_start3A_77 = arith.constant 0 : i32
        %dma_start3A_78 = tpu.memref_slice %arg3[%add3A_70, %dma_start3A_76, %dma_start3A_77] : memref<320x8x128xi32, #tpu.memory_space<hbm>> -> memref<1x8x128xi32, #tpu.memory_space<hbm>>
        %dma_start3A_79 = tpu.memref_squeeze %dma_start3A_78 : memref<1x8x128xi32, #tpu.memory_space<hbm>> -> memref<8x128xi32, #tpu.memory_space<hbm>>
        %dma_start3A_80 = arith.constant 0 : i32
        %dma_start3A_81 = arith.constant 0 : i32
        %dma_start3A_82 = tpu.memref_slice %arg7[%dma_start3A_71, %dma_start3A_80, %dma_start3A_81] : memref<2x8x128xi32, #tpu.memory_space<vmem>> -> memref<1x8x128xi32, #tpu.memory_space<vmem>>
        %dma_start3A_83 = tpu.memref_squeeze %dma_start3A_82 : memref<1x8x128xi32, #tpu.memory_space<vmem>> -> memref<8x128xi32, #tpu.memory_space<vmem>>
        %dma_start3A_84 = arith.constant 0 : i32
        %dma_start3A_85 = arith.constant 0 : i32
        %dma_start3A_86 = tpu.memref_slice %arg3[%add3A_70, %dma_start3A_84, %dma_start3A_85] : memref<320x8x128xi32, #tpu.memory_space<hbm>> -> memref<1x8x128xi32, #tpu.memory_space<hbm>>
        %dma_start3A_87 = tpu.memref_squeeze %dma_start3A_86 : memref<1x8x128xi32, #tpu.memory_space<hbm>> -> memref<8x128xi32, #tpu.memory_space<hbm>>
        tpu.enqueue_dma source(%dma_start3A_87 : memref<8x128xi32, #tpu.memory_space<hbm>>) target(%dma_start3A_83 : memref<8x128xi32, #tpu.memory_space<vmem>>) target_semaphore(%arg13 : memref<!tpu.dma_semaphore, #tpu.memory_space<semaphore_mem>>)
        %add3A_88 = arith.addi %mul3A_11, %add3A_52 : i32
        %add3A_89 = arith.constant 1 : i32
        %add3A_90 = arith.addi %add3A_88, %add3A_89 : i32
        %dma_start3A_91 = arith.constant 0 : i32
        %dma_start3A_92 = arith.constant 0 : i32
        %dma_start3A_93 = arith.constant 0 : i32
        %dma_start3A_94 = tpu.memref_slice %arg8[%dma_start3A_91, %dma_start3A_92, %dma_start3A_93] : memref<2x8x128xi32, #tpu.memory_space<vmem>> -> memref<1x8x128xi32, #tpu.memory_space<vmem>>
        %dma_start3A_95 = tpu.memref_squeeze %dma_start3A_94 : memref<1x8x128xi32, #tpu.memory_space<vmem>> -> memref<8x128xi32, #tpu.memory_space<vmem>>
        %dma_start3A_96 = arith.constant 0 : i32
        %dma_start3A_97 = arith.constant 0 : i32
        %dma_start3A_98 = tpu.memref_slice %arg4[%add3A_90, %dma_start3A_96, %dma_start3A_97] : memref<320x8x128xi32, #tpu.memory_space<hbm>> -> memref<1x8x128xi32, #tpu.memory_space<hbm>>
        %dma_start3A_99 = tpu.memref_squeeze %dma_start3A_98 : memref<1x8x128xi32, #tpu.memory_space<hbm>> -> memref<8x128xi32, #tpu.memory_space<hbm>>
        %dma_start3A_100 = arith.constant 0 : i32
        %dma_start3A_101 = arith.constant 0 : i32
        %dma_start3A_102 = tpu.memref_slice %arg8[%dma_start3A_91, %dma_start3A_100, %dma_start3A_101] : memref<2x8x128xi32, #tpu.memory_space<vmem>> -> memref<1x8x128xi32, #tpu.memory_space<vmem>>
        %dma_start3A_103 = tpu.memref_squeeze %dma_start3A_102 : memref<1x8x128xi32, #tpu.memory_space<vmem>> -> memref<8x128xi32, #tpu.memory_space<vmem>>
        %dma_start3A_104 = arith.constant 0 : i32
        %dma_start3A_105 = arith.constant 0 : i32
        %dma_start3A_106 = tpu.memref_slice %arg4[%add3A_90, %dma_start3A_104, %dma_start3A_105] : memref<320x8x128xi32, #tpu.memory_space<hbm>> -> memref<1x8x128xi32, #tpu.memory_space<hbm>>
        %dma_start3A_107 = tpu.memref_squeeze %dma_start3A_106 : memref<1x8x128xi32, #tpu.memory_space<hbm>> -> memref<8x128xi32, #tpu.memory_space<hbm>>
        tpu.enqueue_dma source(%dma_start3A_107 : memref<8x128xi32, #tpu.memory_space<hbm>>) target(%dma_start3A_103 : memref<8x128xi32, #tpu.memory_space<vmem>>) target_semaphore(%arg13 : memref<!tpu.dma_semaphore, #tpu.memory_space<semaphore_mem>>)
      } else {
      }
      %scan3A_60 = arith.constant 1 : i32
      %scan3A_61 = arith.constant 1 : i32
      %scan3A_62 = arith.constant 0 : i32
      %scan3A_63 = arith.constant 0 : i32
      %scan3A_64 = arith.constant 4 : i32
      %scan3A_65 = arith.addi %scan3A_63, %scan3A_64 : i32
      %scan3A_66 = arith.constant 1 : i32
      scf.for %scan3A_68 = %scan3A_63 to %scan3A_65 step %scan3A_66  : i32 {
        %mul3A_69 = arith.constant 2 : i32
        %mul3A_70 = arith.muli %scan3A_68, %mul3A_69 : i32
        %add3A_71 = arith.constant 0 : i32
        %add3A_72 = arith.addi %add3A_71, %mul3A_70 : i32
        %add3A_73 = arith.constant 1 : i32
        %add3A_74 = arith.addi %add3A_72, %add3A_73 : i32
        %dma_start3A_75 = arith.constant 0 : i32
        %dma_start3A_76 = arith.constant 0 : i32
        %dma_start3A_77 = tpu.memref_slice %arg7[%scan3A_60, %dma_start3A_75, %dma_start3A_76] : memref<2x8x128xi32, #tpu.memory_space<vmem>> -> memref<1x8x128xi32, #tpu.memory_space<vmem>>
        %dma_start3A_78 = tpu.memref_squeeze %dma_start3A_77 : memref<1x8x128xi32, #tpu.memory_space<vmem>> -> memref<8x128xi32, #tpu.memory_space<vmem>>
        %dma_start3A_79 = arith.constant 0 : i32
        %dma_start3A_80 = tpu.memref_slice %dma_start3A_78[%add3A_74, %dma_start3A_79] : memref<8x128xi32, #tpu.memory_space<vmem>> -> memref<1x128xi32, #tpu.memory_space<vmem>>
        %dma_start3A_81 = tpu.memref_squeeze %dma_start3A_80 : memref<1x128xi32, #tpu.memory_space<vmem>> -> memref<128xi32, #tpu.memory_space<vmem>>
        %dma_start3A_82 = arith.constant 0 : i32
        %dma_start3A_83 = arith.constant 0 : i32
        %dma_start3A_84 = tpu.memref_slice %arg2[%dma_start3A_82, %dma_start3A_83] : memref<10240x128xf32, #tpu.memory_space<hbm>> -> memref<10240x128xf32, #tpu.memory_space<hbm>>
        tpu.enqueue_indirect_dma source(%dma_start3A_84 : memref<10240x128xf32, #tpu.memory_space<hbm>>) target(%arg10 : memref<128x128xf32, #tpu.memory_space<vmem>>) offsets(%dma_start3A_81 : memref<128xi32, #tpu.memory_space<vmem>>) semaphore(%arg12 : memref<!tpu.dma_semaphore, #tpu.memory_space<semaphore_mem>>)
        %dma_wait3A = arith.constant 0 : i32
        %dma_wait3A_85 = arith.constant 0 : i32
        %dma_wait3A_86 = tpu.memref_slice %arg7[%scan3A_60, %dma_wait3A, %dma_wait3A_85] : memref<2x8x128xi32, #tpu.memory_space<vmem>> -> memref<1x8x128xi32, #tpu.memory_space<vmem>>
        %dma_wait3A_87 = tpu.memref_squeeze %dma_wait3A_86 : memref<1x8x128xi32, #tpu.memory_space<vmem>> -> memref<8x128xi32, #tpu.memory_space<vmem>>
        %dma_wait3A_88 = arith.constant 0 : i32
        %dma_wait3A_89 = tpu.memref_slice %dma_wait3A_87[%add3A_72, %dma_wait3A_88] : memref<8x128xi32, #tpu.memory_space<vmem>> -> memref<1x128xi32, #tpu.memory_space<vmem>>
        %dma_wait3A_90 = tpu.memref_squeeze %dma_wait3A_89 : memref<1x128xi32, #tpu.memory_space<vmem>> -> memref<128xi32, #tpu.memory_space<vmem>>
        %dma_wait3A_91 = arith.constant 0 : i32
        %dma_wait3A_92 = arith.constant 0 : i32
        %dma_wait3A_93 = tpu.memref_slice %arg2[%dma_wait3A_91, %dma_wait3A_92] : memref<10240x128xf32, #tpu.memory_space<hbm>> -> memref<10240x128xf32, #tpu.memory_space<hbm>>
        tpu.wait_indirect_dma semaphore(%arg11 : memref<!tpu.dma_semaphore, #tpu.memory_space<semaphore_mem>>) src(%dma_wait3A_93 : memref<10240x128xf32, #tpu.memory_space<hbm>>) dst(%arg9 : memref<128x128xf32, #tpu.memory_space<vmem>>)
        "tpu.region"() ({
          %run_scoped3A_125 = tpu.sem_alloc : memref<!tpu.dma_semaphore, #tpu.memory_space<semaphore_mem>>
          %dma_start3A_126 = arith.constant 0 : i32
          %dma_start3A_127 = arith.constant 0 : i32
          %dma_start3A_128 = tpu.memref_slice %arg8[%scan3A_61, %dma_start3A_126, %dma_start3A_127] : memref<2x8x128xi32, #tpu.memory_space<vmem>> -> memref<1x8x128xi32, #tpu.memory_space<vmem>>
          %dma_start3A_129 = tpu.memref_squeeze %dma_start3A_128 : memref<1x8x128xi32, #tpu.memory_space<vmem>> -> memref<8x128xi32, #tpu.memory_space<vmem>>
          %dma_start3A_130 = arith.constant 0 : i32
          %dma_start3A_131 = tpu.memref_slice %dma_start3A_129[%add3A_72, %dma_start3A_130] : memref<8x128xi32, #tpu.memory_space<vmem>> -> memref<1x128xi32, #tpu.memory_space<vmem>>
          %dma_start3A_132 = tpu.memref_squeeze %dma_start3A_131 : memref<1x128xi32, #tpu.memory_space<vmem>> -> memref<128xi32, #tpu.memory_space<vmem>>
          %dma_start3A_133 = arith.constant 0 : i32
          %dma_start3A_134 = arith.constant 0 : i32
          %dma_start3A_135 = tpu.memref_slice %arg6[%dma_start3A_133, %dma_start3A_134] : memref<10240x128xf32, #tpu.memory_space<vmem_shared>> -> memref<10240x128xf32, #tpu.memory_space<vmem_shared>>
          tpu.enqueue_indirect_dma source(%arg9 : memref<128x128xf32, #tpu.memory_space<vmem>>) target(%dma_start3A_135 : memref<10240x128xf32, #tpu.memory_space<vmem_shared>>) offsets(%dma_start3A_132 : memref<128xi32, #tpu.memory_space<vmem>>) semaphore(%run_scoped3A_125 : memref<!tpu.dma_semaphore, #tpu.memory_space<semaphore_mem>>) {add = true}
          %dma_wait3A_136 = arith.constant 0 : i32
          %dma_wait3A_137 = arith.constant 0 : i32
          %dma_wait3A_138 = tpu.memref_slice %arg8[%scan3A_61, %dma_wait3A_136, %dma_wait3A_137] : memref<2x8x128xi32, #tpu.memory_space<vmem>> -> memref<1x8x128xi32, #tpu.memory_space<vmem>>
          %dma_wait3A_139 = tpu.memref_squeeze %dma_wait3A_138 : memref<1x8x128xi32, #tpu.memory_space<vmem>> -> memref<8x128xi32, #tpu.memory_space<vmem>>
          %dma_wait3A_140 = arith.constant 0 : i32
          %dma_wait3A_141 = tpu.memref_slice %dma_wait3A_139[%add3A_72, %dma_wait3A_140] : memref<8x128xi32, #tpu.memory_space<vmem>> -> memref<1x128xi32, #tpu.memory_space<vmem>>
          %dma_wait3A_142 = tpu.memref_squeeze %dma_wait3A_141 : memref<1x128xi32, #tpu.memory_space<vmem>> -> memref<128xi32, #tpu.memory_space<vmem>>
          %dma_wait3A_143 = arith.constant 0 : i32
          %dma_wait3A_144 = arith.constant 0 : i32
          %dma_wait3A_145 = tpu.memref_slice %arg6[%dma_wait3A_143, %dma_wait3A_144] : memref<10240x128xf32, #tpu.memory_space<vmem_shared>> -> memref<10240x128xf32, #tpu.memory_space<vmem_shared>>
          tpu.wait_indirect_dma semaphore(%run_scoped3A_125 : memref<!tpu.dma_semaphore, #tpu.memory_space<semaphore_mem>>) src(%arg9 : memref<128x128xf32, #tpu.memory_space<vmem>>) dst(%dma_wait3A_145 : memref<10240x128xf32, #tpu.memory_space<vmem_shared>>)
          tpu.yield
        }) : () -> ()
        %add3A_94 = arith.constant 2 : i32
        %add3A_95 = arith.addi %add3A_72, %add3A_94 : i32
        %lt3A_96 = arith.constant 8 : i32
        %lt3A_97 = arith.cmpi slt, %add3A_95, %lt3A_96 : i32
        %convert_element_type3A_98 = arith.extui %lt3A_97 : i1 to i32
        %cond3A_99 = arith.constant 0 : i32
        %cond3A_100 = arith.cmpi ne, %convert_element_type3A_98, %cond3A_99 : i32
        scf.if %cond3A_100 {
          %add3A_125 = arith.constant 2 : i32
          %add3A_126 = arith.addi %add3A_72, %add3A_125 : i32
          %dma_start3A_127 = arith.constant 0 : i32
          %dma_start3A_128 = arith.constant 0 : i32
          %dma_start3A_129 = tpu.memref_slice %arg7[%scan3A_60, %dma_start3A_127, %dma_start3A_128] : memref<2x8x128xi32, #tpu.memory_space<vmem>> -> memref<1x8x128xi32, #tpu.memory_space<vmem>>
          %dma_start3A_130 = tpu.memref_squeeze %dma_start3A_129 : memref<1x8x128xi32, #tpu.memory_space<vmem>> -> memref<8x128xi32, #tpu.memory_space<vmem>>
          %dma_start3A_131 = arith.constant 0 : i32
          %dma_start3A_132 = tpu.memref_slice %dma_start3A_130[%add3A_126, %dma_start3A_131] : memref<8x128xi32, #tpu.memory_space<vmem>> -> memref<1x128xi32, #tpu.memory_space<vmem>>
          %dma_start3A_133 = tpu.memref_squeeze %dma_start3A_132 : memref<1x128xi32, #tpu.memory_space<vmem>> -> memref<128xi32, #tpu.memory_space<vmem>>
          %dma_start3A_134 = arith.constant 0 : i32
          %dma_start3A_135 = arith.constant 0 : i32
          %dma_start3A_136 = tpu.memref_slice %arg2[%dma_start3A_134, %dma_start3A_135] : memref<10240x128xf32, #tpu.memory_space<hbm>> -> memref<10240x128xf32, #tpu.memory_space<hbm>>
          tpu.enqueue_indirect_dma source(%dma_start3A_136 : memref<10240x128xf32, #tpu.memory_space<hbm>>) target(%arg9 : memref<128x128xf32, #tpu.memory_space<vmem>>) offsets(%dma_start3A_133 : memref<128xi32, #tpu.memory_space<vmem>>) semaphore(%arg11 : memref<!tpu.dma_semaphore, #tpu.memory_space<semaphore_mem>>)
        } else {
        }
        %add3A_101 = arith.constant 2 : i32
        %add3A_102 = arith.addi %add3A_72, %add3A_101 : i32
        %ge3A = arith.constant 8 : i32
        %ge3A_103 = arith.cmpi sge, %add3A_102, %ge3A : i32
        %add3A_104 = arith.constant 1 : i32
        %add3A_105 = arith.addi %add3A_52, %add3A_104 : i32
        %lt3A_106 = arith.constant 10 : i32
        %lt3A_107 = arith.cmpi slt, %add3A_105, %lt3A_106 : i32
        %and3A = arith.andi %ge3A_103, %lt3A_107 : i1
        %convert_element_type3A_108 = arith.extui %and3A : i1 to i32
        %cond3A_109 = arith.constant 0 : i32
        %cond3A_110 = arith.cmpi ne, %convert_element_type3A_108, %cond3A_109 : i32
        scf.if %cond3A_110 {
          %add3A_125 = arith.addi %mul3A_11, %add3A_52 : i32
          %add3A_126 = arith.constant 1 : i32
          %add3A_127 = arith.addi %add3A_125, %add3A_126 : i32
          %dma_wait3A_128 = arith.constant 0 : i32
          %dma_wait3A_129 = arith.constant 0 : i32
          %dma_wait3A_130 = arith.constant 0 : i32
          %dma_wait3A_131 = tpu.memref_slice %arg7[%dma_wait3A_128, %dma_wait3A_129, %dma_wait3A_130] : memref<2x8x128xi32, #tpu.memory_space<vmem>> -> memref<1x8x128xi32, #tpu.memory_space<vmem>>
          %dma_wait3A_132 = tpu.memref_squeeze %dma_wait3A_131 : memref<1x8x128xi32, #tpu.memory_space<vmem>> -> memref<8x128xi32, #tpu.memory_space<vmem>>
          %dma_wait3A_133 = arith.constant 0 : i32
          %dma_wait3A_134 = arith.constant 0 : i32
          %dma_wait3A_135 = tpu.memref_slice %arg3[%add3A_127, %dma_wait3A_133, %dma_wait3A_134] : memref<320x8x128xi32, #tpu.memory_space<hbm>> -> memref<1x8x128xi32, #tpu.memory_space<hbm>>
          %dma_wait3A_136 = tpu.memref_squeeze %dma_wait3A_135 : memref<1x8x128xi32, #tpu.memory_space<hbm>> -> memref<8x128xi32, #tpu.memory_space<hbm>>
          %dma_wait3A_137 = arith.constant 0 : i32
          %dma_wait3A_138 = arith.constant 0 : i32
          %dma_wait3A_139 = tpu.memref_slice %arg7[%dma_wait3A_128, %dma_wait3A_137, %dma_wait3A_138] : memref<2x8x128xi32, #tpu.memory_space<vmem>> -> memref<1x8x128xi32, #tpu.memory_space<vmem>>
          %dma_wait3A_140 = tpu.memref_squeeze %dma_wait3A_139 : memref<1x8x128xi32, #tpu.memory_space<vmem>> -> memref<8x128xi32, #tpu.memory_space<vmem>>
          %dma_wait3A_141 = arith.constant 0 : i32
          %dma_wait3A_142 = arith.constant 0 : i32
          %dma_wait3A_143 = tpu.memref_slice %arg3[%add3A_127, %dma_wait3A_141, %dma_wait3A_142] : memref<320x8x128xi32, #tpu.memory_space<hbm>> -> memref<1x8x128xi32, #tpu.memory_space<hbm>>
          %dma_wait3A_144 = tpu.memref_squeeze %dma_wait3A_143 : memref<1x8x128xi32, #tpu.memory_space<hbm>> -> memref<8x128xi32, #tpu.memory_space<hbm>>
          tpu.wait_dma2 semaphore(%arg13 : memref<!tpu.dma_semaphore, #tpu.memory_space<semaphore_mem>>) src(%dma_wait3A_144 : memref<8x128xi32, #tpu.memory_space<hbm>>) dst(%dma_wait3A_140 : memref<8x128xi32, #tpu.memory_space<vmem>>)
          %add3A_145 = arith.addi %mul3A_11, %add3A_52 : i32
          %add3A_146 = arith.constant 1 : i32
          %add3A_147 = arith.addi %add3A_145, %add3A_146 : i32
          %dma_wait3A_148 = arith.constant 0 : i32
          %dma_wait3A_149 = arith.constant 0 : i32
          %dma_wait3A_150 = arith.constant 0 : i32
          %dma_wait3A_151 = tpu.memref_slice %arg8[%dma_wait3A_148, %dma_wait3A_149, %dma_wait3A_150] : memref<2x8x128xi32, #tpu.memory_space<vmem>> -> memref<1x8x128xi32, #tpu.memory_space<vmem>>
          %dma_wait3A_152 = tpu.memref_squeeze %dma_wait3A_151 : memref<1x8x128xi32, #tpu.memory_space<vmem>> -> memref<8x128xi32, #tpu.memory_space<vmem>>
          %dma_wait3A_153 = arith.constant 0 : i32
          %dma_wait3A_154 = arith.constant 0 : i32
          %dma_wait3A_155 = tpu.memref_slice %arg4[%add3A_147, %dma_wait3A_153, %dma_wait3A_154] : memref<320x8x128xi32, #tpu.memory_space<hbm>> -> memref<1x8x128xi32, #tpu.memory_space<hbm>>
          %dma_wait3A_156 = tpu.memref_squeeze %dma_wait3A_155 : memref<1x8x128xi32, #tpu.memory_space<hbm>> -> memref<8x128xi32, #tpu.memory_space<hbm>>
          %dma_wait3A_157 = arith.constant 0 : i32
          %dma_wait3A_158 = arith.constant 0 : i32
          %dma_wait3A_159 = tpu.memref_slice %arg8[%dma_wait3A_148, %dma_wait3A_157, %dma_wait3A_158] : memref<2x8x128xi32, #tpu.memory_space<vmem>> -> memref<1x8x128xi32, #tpu.memory_space<vmem>>
          %dma_wait3A_160 = tpu.memref_squeeze %dma_wait3A_159 : memref<1x8x128xi32, #tpu.memory_space<vmem>> -> memref<8x128xi32, #tpu.memory_space<vmem>>
          %dma_wait3A_161 = arith.constant 0 : i32
          %dma_wait3A_162 = arith.constant 0 : i32
          %dma_wait3A_163 = tpu.memref_slice %arg4[%add3A_147, %dma_wait3A_161, %dma_wait3A_162] : memref<320x8x128xi32, #tpu.memory_space<hbm>> -> memref<1x8x128xi32, #tpu.memory_space<hbm>>
          %dma_wait3A_164 = tpu.memref_squeeze %dma_wait3A_163 : memref<1x8x128xi32, #tpu.memory_space<hbm>> -> memref<8x128xi32, #tpu.memory_space<hbm>>
          tpu.wait_dma2 semaphore(%arg13 : memref<!tpu.dma_semaphore, #tpu.memory_space<semaphore_mem>>) src(%dma_wait3A_164 : memref<8x128xi32, #tpu.memory_space<hbm>>) dst(%dma_wait3A_160 : memref<8x128xi32, #tpu.memory_space<vmem>>)
          %dma_start3A_165 = arith.constant 0 : i32
          %dma_start3A_166 = arith.constant 0 : i32
          %dma_start3A_167 = arith.constant 0 : i32
          %dma_start3A_168 = tpu.memref_slice %arg7[%scan3A_62, %dma_start3A_166, %dma_start3A_167] : memref<2x8x128xi32, #tpu.memory_space<vmem>> -> memref<1x8x128xi32, #tpu.memory_space<vmem>>
          %dma_start3A_169 = tpu.memref_squeeze %dma_start3A_168 : memref<1x8x128xi32, #tpu.memory_space<vmem>> -> memref<8x128xi32, #tpu.memory_space<vmem>>
          %dma_start3A_170 = arith.constant 0 : i32
          %dma_start3A_171 = tpu.memref_slice %dma_start3A_169[%dma_start3A_165, %dma_start3A_170] : memref<8x128xi32, #tpu.memory_space<vmem>> -> memref<1x128xi32, #tpu.memory_space<vmem>>
          %dma_start3A_172 = tpu.memref_squeeze %dma_start3A_171 : memref<1x128xi32, #tpu.memory_space<vmem>> -> memref<128xi32, #tpu.memory_space<vmem>>
          %dma_start3A_173 = arith.constant 0 : i32
          %dma_start3A_174 = arith.constant 0 : i32
          %dma_start3A_175 = tpu.memref_slice %arg2[%dma_start3A_173, %dma_start3A_174] : memref<10240x128xf32, #tpu.memory_space<hbm>> -> memref<10240x128xf32, #tpu.memory_space<hbm>>
          tpu.enqueue_indirect_dma source(%dma_start3A_175 : memref<10240x128xf32, #tpu.memory_space<hbm>>) target(%arg9 : memref<128x128xf32, #tpu.memory_space<vmem>>) offsets(%dma_start3A_172 : memref<128xi32, #tpu.memory_space<vmem>>) semaphore(%arg11 : memref<!tpu.dma_semaphore, #tpu.memory_space<semaphore_mem>>)
        } else {
        }
        %add3A_111 = arith.constant 1 : i32
        %add3A_112 = arith.addi %add3A_72, %add3A_111 : i32
        %dma_wait3A_113 = arith.constant 0 : i32
        %dma_wait3A_114 = arith.constant 0 : i32
        %dma_wait3A_115 = tpu.memref_slice %arg7[%scan3A_60, %dma_wait3A_113, %dma_wait3A_114] : memref<2x8x128xi32, #tpu.memory_space<vmem>> -> memref<1x8x128xi32, #tpu.memory_space<vmem>>
        %dma_wait3A_116 = tpu.memref_squeeze %dma_wait3A_115 : memref<1x8x128xi32, #tpu.memory_space<vmem>> -> memref<8x128xi32, #tpu.memory_space<vmem>>
        %dma_wait3A_117 = arith.constant 0 : i32
        %dma_wait3A_118 = tpu.memref_slice %dma_wait3A_116[%add3A_112, %dma_wait3A_117] : memref<8x128xi32, #tpu.memory_space<vmem>> -> memref<1x128xi32, #tpu.memory_space<vmem>>
        %dma_wait3A_119 = tpu.memref_squeeze %dma_wait3A_118 : memref<1x128xi32, #tpu.memory_space<vmem>> -> memref<128xi32, #tpu.memory_space<vmem>>
        %dma_wait3A_120 = arith.constant 0 : i32
        %dma_wait3A_121 = arith.constant 0 : i32
        %dma_wait3A_122 = tpu.memref_slice %arg2[%dma_wait3A_120, %dma_wait3A_121] : memref<10240x128xf32, #tpu.memory_space<hbm>> -> memref<10240x128xf32, #tpu.memory_space<hbm>>
        tpu.wait_indirect_dma semaphore(%arg12 : memref<!tpu.dma_semaphore, #tpu.memory_space<semaphore_mem>>) src(%dma_wait3A_122 : memref<10240x128xf32, #tpu.memory_space<hbm>>) dst(%arg10 : memref<128x128xf32, #tpu.memory_space<vmem>>)
        %add3A_123 = arith.constant 1 : i32
        %add3A_124 = arith.addi %add3A_72, %add3A_123 : i32
        "tpu.region"() ({
          %run_scoped3A_125 = tpu.sem_alloc : memref<!tpu.dma_semaphore, #tpu.memory_space<semaphore_mem>>
          %dma_start3A_126 = arith.constant 0 : i32
          %dma_start3A_127 = arith.constant 0 : i32
          %dma_start3A_128 = tpu.memref_slice %arg8[%scan3A_61, %dma_start3A_126, %dma_start3A_127] : memref<2x8x128xi32, #tpu.memory_space<vmem>> -> memref<1x8x128xi32, #tpu.memory_space<vmem>>
          %dma_start3A_129 = tpu.memref_squeeze %dma_start3A_128 : memref<1x8x128xi32, #tpu.memory_space<vmem>> -> memref<8x128xi32, #tpu.memory_space<vmem>>
          %dma_start3A_130 = arith.constant 0 : i32
          %dma_start3A_131 = tpu.memref_slice %dma_start3A_129[%add3A_124, %dma_start3A_130] : memref<8x128xi32, #tpu.memory_space<vmem>> -> memref<1x128xi32, #tpu.memory_space<vmem>>
          %dma_start3A_132 = tpu.memref_squeeze %dma_start3A_131 : memref<1x128xi32, #tpu.memory_space<vmem>> -> memref<128xi32, #tpu.memory_space<vmem>>
          %dma_start3A_133 = arith.constant 0 : i32
          %dma_start3A_134 = arith.constant 0 : i32
          %dma_start3A_135 = tpu.memref_slice %arg6[%dma_start3A_133, %dma_start3A_134] : memref<10240x128xf32, #tpu.memory_space<vmem_shared>> -> memref<10240x128xf32, #tpu.memory_space<vmem_shared>>
          tpu.enqueue_indirect_dma source(%arg10 : memref<128x128xf32, #tpu.memory_space<vmem>>) target(%dma_start3A_135 : memref<10240x128xf32, #tpu.memory_space<vmem_shared>>) offsets(%dma_start3A_132 : memref<128xi32, #tpu.memory_space<vmem>>) semaphore(%run_scoped3A_125 : memref<!tpu.dma_semaphore, #tpu.memory_space<semaphore_mem>>) {add = true}
          %dma_wait3A_136 = arith.constant 0 : i32
          %dma_wait3A_137 = arith.constant 0 : i32
          %dma_wait3A_138 = tpu.memref_slice %arg8[%scan3A_61, %dma_wait3A_136, %dma_wait3A_137] : memref<2x8x128xi32, #tpu.memory_space<vmem>> -> memref<1x8x128xi32, #tpu.memory_space<vmem>>
          %dma_wait3A_139 = tpu.memref_squeeze %dma_wait3A_138 : memref<1x8x128xi32, #tpu.memory_space<vmem>> -> memref<8x128xi32, #tpu.memory_space<vmem>>
          %dma_wait3A_140 = arith.constant 0 : i32
          %dma_wait3A_141 = tpu.memref_slice %dma_wait3A_139[%add3A_124, %dma_wait3A_140] : memref<8x128xi32, #tpu.memory_space<vmem>> -> memref<1x128xi32, #tpu.memory_space<vmem>>
          %dma_wait3A_142 = tpu.memref_squeeze %dma_wait3A_141 : memref<1x128xi32, #tpu.memory_space<vmem>> -> memref<128xi32, #tpu.memory_space<vmem>>
          %dma_wait3A_143 = arith.constant 0 : i32
          %dma_wait3A_144 = arith.constant 0 : i32
          %dma_wait3A_145 = tpu.memref_slice %arg6[%dma_wait3A_143, %dma_wait3A_144] : memref<10240x128xf32, #tpu.memory_space<vmem_shared>> -> memref<10240x128xf32, #tpu.memory_space<vmem_shared>>
          tpu.wait_indirect_dma semaphore(%run_scoped3A_125 : memref<!tpu.dma_semaphore, #tpu.memory_space<semaphore_mem>>) src(%arg10 : memref<128x128xf32, #tpu.memory_space<vmem>>) dst(%dma_wait3A_145 : memref<10240x128xf32, #tpu.memory_space<vmem_shared>>)
          tpu.yield
        }) : () -> ()
      }
      %scan3A_67 = arith.constant 4 : i32
    }
    %scan3A_28 = arith.constant 5 : i32
    %barrier3A_29 = arith.constant 0 : index
    tpu.barrier barrier_id(%barrier3A_29)
    %mul3A_30 = arith.constant 640 : i32
    %mul3A_31 = arith.muli %arg1, %mul3A_30 : i32
    %mul3A_32 = arith.constant 640 : i32
    %mul3A_33 = arith.muli %arg1, %mul3A_32 : i32
    "tpu.region"() ({
      %run_scoped3A_34 = tpu.sem_alloc : memref<!tpu.dma_semaphore, #tpu.memory_space<semaphore_mem>>
      %dma_start3A_35 = arith.constant 0 : i32
      %dma_start3A_36 = tpu.memref_slice %arg5[%arg0, %mul3A_33, %dma_start3A_35] : memref<2x10240x128xf32, #tpu.memory_space<hbm>> -> memref<1x640x128xf32, #tpu.memory_space<hbm>>
      %dma_start3A_37 = tpu.memref_squeeze %dma_start3A_36 : memref<1x640x128xf32, #tpu.memory_space<hbm>> -> memref<640x128xf32, #tpu.memory_space<hbm>>
      %dma_start3A_38 = arith.constant 0 : i32
      %dma_start3A_39 = tpu.memref_slice %arg6[%mul3A_31, %dma_start3A_38] : memref<10240x128xf32, #tpu.memory_space<vmem_shared>> -> memref<640x128xf32, #tpu.memory_space<vmem_shared>>
      tpu.enqueue_dma source(%dma_start3A_39 : memref<640x128xf32, #tpu.memory_space<vmem_shared>>) target(%dma_start3A_37 : memref<640x128xf32, #tpu.memory_space<hbm>>) target_semaphore(%run_scoped3A_34 : memref<!tpu.dma_semaphore, #tpu.memory_space<semaphore_mem>>)
      %dma_wait3A = arith.constant 0 : i32
      %dma_wait3A_40 = tpu.memref_slice %arg5[%arg0, %mul3A_33, %dma_wait3A] : memref<2x10240x128xf32, #tpu.memory_space<hbm>> -> memref<1x640x128xf32, #tpu.memory_space<hbm>>
      %dma_wait3A_41 = tpu.memref_squeeze %dma_wait3A_40 : memref<1x640x128xf32, #tpu.memory_space<hbm>> -> memref<640x128xf32, #tpu.memory_space<hbm>>
      %dma_wait3A_42 = arith.constant 0 : i32
      %dma_wait3A_43 = tpu.memref_slice %arg6[%mul3A_31, %dma_wait3A_42] : memref<10240x128xf32, #tpu.memory_space<vmem_shared>> -> memref<640x128xf32, #tpu.memory_space<vmem_shared>>
      tpu.wait_dma2 semaphore(%run_scoped3A_34 : memref<!tpu.dma_semaphore, #tpu.memory_space<semaphore_mem>>) src(%dma_wait3A_43 : memref<640x128xf32, #tpu.memory_space<vmem_shared>>) dst(%dma_wait3A_41 : memref<640x128xf32, #tpu.memory_space<hbm>>)
      tpu.yield
    }) : () -> ()
    return
  }
}

#map = affine_map<(d0, d1) -> (0, 0)>
#map1 = affine_map<(d0, d1) -> (0, 0, 0)>
module attributes {stable_mosaic.version = 14 : i64} {
  func.func @hop(%arg0: i32, %arg1: i32, %arg2: memref<10240x128xf32, #tpu.memory_space<hbm>>, %arg3: memref<320x8x128xi32, #tpu.memory_space<hbm>>, %arg4: memref<320x8x128xi32, #tpu.memory_space<hbm>>, %arg5: memref<2x10240x128xf32, #tpu.memory_space<hbm>>, %arg6: memref<10240x128xf32, #tpu.memory_space<vmem_shared>>, %arg7: memref<2x8x128xi32, #tpu.memory_space<vmem>>, %arg8: memref<2x8x128xi32, #tpu.memory_space<vmem>>, %arg9: memref<128x128xf32, #tpu.memory_space<vmem>>, %arg10: memref<128x128xf32, #tpu.memory_space<vmem>>, %arg11: memref<!tpu.dma_semaphore, #tpu.memory_space<semaphore_mem>>, %arg12: memref<!tpu.dma_semaphore, #tpu.memory_space<semaphore_mem>>, %arg13: memref<!tpu.dma_semaphore, #tpu.memory_space<semaphore_mem>>) attributes {dimension_semantics = [#tpu.dimension_semantics<core_parallel>, #tpu.dimension_semantics<subcore_parallel>], iteration_bounds = array<i64: 2, 16>, scalar_prefetch = 0 : i64, scratch_operands = 8 : i64, tpu.core_type = #tpu.core_type<sc_vector_subcore>, window_params = [{transform_indices = #map}, {transform_indices = #map1}, {transform_indices = #map1}, {transform_indices = #map1}]} {
    %scan3A = arith.constant 0 : i32
    %scan3A_0 = arith.constant 128 : i32
    %scan3A_1 = arith.addi %scan3A, %scan3A_0 : i32
    %scan3A_2 = arith.constant 1 : i32
    scf.for %scan3A_34 = %scan3A to %scan3A_1 step %scan3A_2  : i32 {
      %mul3A_35 = arith.constant 1 : i32
      %mul3A_36 = arith.muli %scan3A_34, %mul3A_35 : i32
      %add3A_37 = arith.constant 0 : i32
      %add3A_38 = arith.addi %add3A_37, %mul3A_36 : i32
      %scan3A_39 = arith.constant 0 : i32
      %scan3A_40 = arith.constant 8 : i32
      %scan3A_41 = arith.addi %scan3A_39, %scan3A_40 : i32
      %scan3A_42 = arith.constant 1 : i32
      scf.for %scan3A_44 = %scan3A_39 to %scan3A_41 step %scan3A_42  : i32 {
        %mul3A_45 = arith.constant 16 : i32
        %mul3A_46 = arith.muli %scan3A_44, %mul3A_45 : i32
        %add3A_47 = arith.constant 0 : i32
        %add3A_48 = arith.addi %add3A_47, %mul3A_46 : i32
        %broadcast_in_dim3A = arith.constant 0.000000e+00 : f32
        %broadcast_in_dim3A_49 = vector.broadcast %broadcast_in_dim3A : f32 to vector<16xf32>
        %swap3A = arith.index_cast %add3A_38 : i32 to index
        %swap3A_50 = arith.index_cast %add3A_48 : i32 to index
        %swap3A_51 = tpu.vector_load %arg9[%swap3A, %swap3A_50] {strides = array<i32>} : memref<128x128xf32, #tpu.memory_space<vmem>>, vector<1x16xf32>,
        %swap3A_52 = vector.shape_cast %swap3A_51 : vector<1x16xf32> to vector<16xf32>
        %swap3A_53 = vector.shape_cast %broadcast_in_dim3A_49 : vector<16xf32> to vector<1x16xf32>
        tpu.vector_store %arg9[%swap3A, %swap3A_50], %swap3A_53 {strides = array<i32>} : memref<128x128xf32, #tpu.memory_space<vmem>>, vector<1x16xf32>,
      }
      %scan3A_43 = arith.constant 8 : i32
    }
    %scan3A_3 = arith.constant 128 : i32
    %scan3A_4 = arith.constant 0 : i32
    %scan3A_5 = arith.constant 5 : i32
    %scan3A_6 = arith.addi %scan3A_4, %scan3A_5 : i32
    %scan3A_7 = arith.constant 1 : i32
    scf.for %scan3A_34 = %scan3A_4 to %scan3A_6 step %scan3A_7  : i32 {
      %mul3A_35 = arith.constant 128 : i32
      %mul3A_36 = arith.muli %scan3A_34, %mul3A_35 : i32
      %add3A_37 = arith.constant 0 : i32
      %add3A_38 = arith.addi %add3A_37, %mul3A_36 : i32
      %mul3A_39 = arith.constant 640 : i32
      %mul3A_40 = arith.muli %arg1, %mul3A_39 : i32
      %add3A_41 = arith.addi %mul3A_40, %add3A_38 : i32
      "tpu.region"() ({
        %run_scoped3A_42 = tpu.sem_alloc : memref<!tpu.dma_semaphore, #tpu.memory_space<semaphore_mem>>
        %dma_start3A_43 = arith.constant 0 : i32
        %dma_start3A_44 = tpu.memref_slice %arg6[%add3A_41, %dma_start3A_43] : memref<10240x128xf32, #tpu.memory_space<vmem_shared>> -> memref<128x128xf32, #tpu.memory_space<vmem_shared>>
        %dma_start3A_45 = arith.constant 0 : i32
        %dma_start3A_46 = tpu.memref_slice %arg6[%add3A_41, %dma_start3A_45] : memref<10240x128xf32, #tpu.memory_space<vmem_shared>> -> memref<128x128xf32, #tpu.memory_space<vmem_shared>>
        tpu.enqueue_dma source(%arg9 : memref<128x128xf32, #tpu.memory_space<vmem>>) target(%dma_start3A_46 : memref<128x128xf32, #tpu.memory_space<vmem_shared>>) target_semaphore(%run_scoped3A_42 : memref<!tpu.dma_semaphore, #tpu.memory_space<semaphore_mem>>)
        %dma_wait3A = arith.constant 0 : i32
        %dma_wait3A_47 = tpu.memref_slice %arg6[%add3A_41, %dma_wait3A] : memref<10240x128xf32, #tpu.memory_space<vmem_shared>> -> memref<128x128xf32, #tpu.memory_space<vmem_shared>>
        %dma_wait3A_48 = arith.constant 0 : i32
        %dma_wait3A_49 = tpu.memref_slice %arg6[%add3A_41, %dma_wait3A_48] : memref<10240x128xf32, #tpu.memory_space<vmem_shared>> -> memref<128x128xf32, #tpu.memory_space<vmem_shared>>
        tpu.wait_dma2 semaphore(%run_scoped3A_42 : memref<!tpu.dma_semaphore, #tpu.memory_space<semaphore_mem>>) src(%arg9 : memref<128x128xf32, #tpu.memory_space<vmem>>) dst(%dma_wait3A_49 : memref<128x128xf32, #tpu.memory_space<vmem_shared>>)
        tpu.yield
      }) : () -> ()
    }
    %scan3A_8 = arith.constant 5 : i32
    %barrier3A = arith.constant 0 : index
    tpu.barrier barrier_id(%barrier3A)
    %mul3A = arith.constant 2 : i32
    %mul3A_9 = arith.muli %arg1, %mul3A : i32
    %add3A = arith.addi %mul3A_9, %arg0 : i32
    %mul3A_10 = arith.constant 10 : i32
    %mul3A_11 = arith.muli %add3A, %mul3A_10 : i32
    %run_scoped3A = arith.constant 0 : i32
    "tpu.region"() ({
      %run_scoped3A_34 = tpu.sem_alloc : memref<!tpu.dma_semaphore, #tpu.memory_space<semaphore_mem>>
      %dma_start3A_35 = arith.constant 0 : i32
      %dma_start3A_36 = arith.constant 0 : i32
      %dma_start3A_37 = tpu.memref_slice %arg7[%run_scoped3A, %dma_start3A_35, %dma_start3A_36] : memref<2x8x128xi32, #tpu.memory_space<vmem>> -> memref<1x8x128xi32, #tpu.memory_space<vmem>>
      %dma_start3A_38 = tpu.memref_squeeze %dma_start3A_37 : memref<1x8x128xi32, #tpu.memory_space<vmem>> -> memref<8x128xi32, #tpu.memory_space<vmem>>
      %dma_start3A_39 = arith.constant 0 : i32
      %dma_start3A_40 = arith.constant 0 : i32
      %dma_start3A_41 = tpu.memref_slice %arg3[%mul3A_11, %dma_start3A_39, %dma_start3A_40] : memref<320x8x128xi32, #tpu.memory_space<hbm>> -> memref<1x8x128xi32, #tpu.memory_space<hbm>>
      %dma_start3A_42 = tpu.memref_squeeze %dma_start3A_41 : memref<1x8x128xi32, #tpu.memory_space<hbm>> -> memref<8x128xi32, #tpu.memory_space<hbm>>
      %dma_start3A_43 = arith.constant 0 : i32
      %dma_start3A_44 = arith.constant 0 : i32
      %dma_start3A_45 = tpu.memref_slice %arg7[%run_scoped3A, %dma_start3A_43, %dma_start3A_44] : memref<2x8x128xi32, #tpu.memory_space<vmem>> -> memref<1x8x128xi32, #tpu.memory_space<vmem>>
      %dma_start3A_46 = tpu.memref_squeeze %dma_start3A_45 : memref<1x8x128xi32, #tpu.memory_space<vmem>> -> memref<8x128xi32, #tpu.memory_space<vmem>>
      %dma_start3A_47 = arith.constant 0 : i32
      %dma_start3A_48 = arith.constant 0 : i32
      %dma_start3A_49 = tpu.memref_slice %arg3[%mul3A_11, %dma_start3A_47, %dma_start3A_48] : memref<320x8x128xi32, #tpu.memory_space<hbm>> -> memref<1x8x128xi32, #tpu.memory_space<hbm>>
      %dma_start3A_50 = tpu.memref_squeeze %dma_start3A_49 : memref<1x8x128xi32, #tpu.memory_space<hbm>> -> memref<8x128xi32, #tpu.memory_space<hbm>>
      tpu.enqueue_dma source(%dma_start3A_50 : memref<8x128xi32, #tpu.memory_space<hbm>>) target(%dma_start3A_46 : memref<8x128xi32, #tpu.memory_space<vmem>>) target_semaphore(%run_scoped3A_34 : memref<!tpu.dma_semaphore, #tpu.memory_space<semaphore_mem>>)
      %dma_wait3A = arith.constant 0 : i32
      %dma_wait3A_51 = arith.constant 0 : i32
      %dma_wait3A_52 = tpu.memref_slice %arg7[%run_scoped3A, %dma_wait3A, %dma_wait3A_51] : memref<2x8x128xi32, #tpu.memory_space<vmem>> -> memref<1x8x128xi32, #tpu.memory_space<vmem>>
      %dma_wait3A_53 = tpu.memref_squeeze %dma_wait3A_52 : memref<1x8x128xi32, #tpu.memory_space<vmem>> -> memref<8x128xi32, #tpu.memory_space<vmem>>
      %dma_wait3A_54 = arith.constant 0 : i32
      %dma_wait3A_55 = arith.constant 0 : i32
      %dma_wait3A_56 = tpu.memref_slice %arg3[%mul3A_11, %dma_wait3A_54, %dma_wait3A_55] : memref<320x8x128xi32, #tpu.memory_space<hbm>> -> memref<1x8x128xi32, #tpu.memory_space<hbm>>
      %dma_wait3A_57 = tpu.memref_squeeze %dma_wait3A_56 : memref<1x8x128xi32, #tpu.memory_space<hbm>> -> memref<8x128xi32, #tpu.memory_space<hbm>>
      %dma_wait3A_58 = arith.constant 0 : i32
      %dma_wait3A_59 = arith.constant 0 : i32
      %dma_wait3A_60 = tpu.memref_slice %arg7[%run_scoped3A, %dma_wait3A_58, %dma_wait3A_59] : memref<2x8x128xi32, #tpu.memory_space<vmem>> -> memref<1x8x128xi32, #tpu.memory_space<vmem>>
      %dma_wait3A_61 = tpu.memref_squeeze %dma_wait3A_60 : memref<1x8x128xi32, #tpu.memory_space<vmem>> -> memref<8x128xi32, #tpu.memory_space<vmem>>
      %dma_wait3A_62 = arith.constant 0 : i32
      %dma_wait3A_63 = arith.constant 0 : i32
      %dma_wait3A_64 = tpu.memref_slice %arg3[%mul3A_11, %dma_wait3A_62, %dma_wait3A_63] : memref<320x8x128xi32, #tpu.memory_space<hbm>> -> memref<1x8x128xi32, #tpu.memory_space<hbm>>
      %dma_wait3A_65 = tpu.memref_squeeze %dma_wait3A_64 : memref<1x8x128xi32, #tpu.memory_space<hbm>> -> memref<8x128xi32, #tpu.memory_space<hbm>>
      tpu.wait_dma2 semaphore(%run_scoped3A_34 : memref<!tpu.dma_semaphore, #tpu.memory_space<semaphore_mem>>) src(%dma_wait3A_65 : memref<8x128xi32, #tpu.memory_space<hbm>>) dst(%dma_wait3A_61 : memref<8x128xi32, #tpu.memory_space<vmem>>)
      tpu.yield
    }) : () -> ()
    %run_scoped3A_12 = arith.constant 0 : i32
    "tpu.region"() ({
      %run_scoped3A_34 = tpu.sem_alloc : memref<!tpu.dma_semaphore, #tpu.memory_space<semaphore_mem>>
      %dma_start3A_35 = arith.constant 0 : i32
      %dma_start3A_36 = arith.constant 0 : i32
      %dma_start3A_37 = tpu.memref_slice %arg8[%run_scoped3A_12, %dma_start3A_35, %dma_start3A_36] : memref<2x8x128xi32, #tpu.memory_space<vmem>> -> memref<1x8x128xi32, #tpu.memory_space<vmem>>
      %dma_start3A_38 = tpu.memref_squeeze %dma_start3A_37 : memref<1x8x128xi32, #tpu.memory_space<vmem>> -> memref<8x128xi32, #tpu.memory_space<vmem>>
      %dma_start3A_39 = arith.constant 0 : i32
      %dma_start3A_40 = arith.constant 0 : i32
      %dma_start3A_41 = tpu.memref_slice %arg4[%mul3A_11, %dma_start3A_39, %dma_start3A_40] : memref<320x8x128xi32, #tpu.memory_space<hbm>> -> memref<1x8x128xi32, #tpu.memory_space<hbm>>
      %dma_start3A_42 = tpu.memref_squeeze %dma_start3A_41 : memref<1x8x128xi32, #tpu.memory_space<hbm>> -> memref<8x128xi32, #tpu.memory_space<hbm>>
      %dma_start3A_43 = arith.constant 0 : i32
      %dma_start3A_44 = arith.constant 0 : i32
      %dma_start3A_45 = tpu.memref_slice %arg8[%run_scoped3A_12, %dma_start3A_43, %dma_start3A_44] : memref<2x8x128xi32, #tpu.memory_space<vmem>> -> memref<1x8x128xi32, #tpu.memory_space<vmem>>
      %dma_start3A_46 = tpu.memref_squeeze %dma_start3A_45 : memref<1x8x128xi32, #tpu.memory_space<vmem>> -> memref<8x128xi32, #tpu.memory_space<vmem>>
      %dma_start3A_47 = arith.constant 0 : i32
      %dma_start3A_48 = arith.constant 0 : i32
      %dma_start3A_49 = tpu.memref_slice %arg4[%mul3A_11, %dma_start3A_47, %dma_start3A_48] : memref<320x8x128xi32, #tpu.memory_space<hbm>> -> memref<1x8x128xi32, #tpu.memory_space<hbm>>
      %dma_start3A_50 = tpu.memref_squeeze %dma_start3A_49 : memref<1x8x128xi32, #tpu.memory_space<hbm>> -> memref<8x128xi32, #tpu.memory_space<hbm>>
      tpu.enqueue_dma source(%dma_start3A_50 : memref<8x128xi32, #tpu.memory_space<hbm>>) target(%dma_start3A_46 : memref<8x128xi32, #tpu.memory_space<vmem>>) target_semaphore(%run_scoped3A_34 : memref<!tpu.dma_semaphore, #tpu.memory_space<semaphore_mem>>)
      %dma_wait3A = arith.constant 0 : i32
      %dma_wait3A_51 = arith.constant 0 : i32
      %dma_wait3A_52 = tpu.memref_slice %arg8[%run_scoped3A_12, %dma_wait3A, %dma_wait3A_51] : memref<2x8x128xi32, #tpu.memory_space<vmem>> -> memref<1x8x128xi32, #tpu.memory_space<vmem>>
      %dma_wait3A_53 = tpu.memref_squeeze %dma_wait3A_52 : memref<1x8x128xi32, #tpu.memory_space<vmem>> -> memref<8x128xi32, #tpu.memory_space<vmem>>
      %dma_wait3A_54 = arith.constant 0 : i32
      %dma_wait3A_55 = arith.constant 0 : i32
      %dma_wait3A_56 = tpu.memref_slice %arg4[%mul3A_11, %dma_wait3A_54, %dma_wait3A_55] : memref<320x8x128xi32, #tpu.memory_space<hbm>> -> memref<1x8x128xi32, #tpu.memory_space<hbm>>
      %dma_wait3A_57 = tpu.memref_squeeze %dma_wait3A_56 : memref<1x8x128xi32, #tpu.memory_space<hbm>> -> memref<8x128xi32, #tpu.memory_space<hbm>>
      %dma_wait3A_58 = arith.constant 0 : i32
      %dma_wait3A_59 = arith.constant 0 : i32
      %dma_wait3A_60 = tpu.memref_slice %arg8[%run_scoped3A_12, %dma_wait3A_58, %dma_wait3A_59] : memref<2x8x128xi32, #tpu.memory_space<vmem>> -> memref<1x8x128xi32, #tpu.memory_space<vmem>>
      %dma_wait3A_61 = tpu.memref_squeeze %dma_wait3A_60 : memref<1x8x128xi32, #tpu.memory_space<vmem>> -> memref<8x128xi32, #tpu.memory_space<vmem>>
      %dma_wait3A_62 = arith.constant 0 : i32
      %dma_wait3A_63 = arith.constant 0 : i32
      %dma_wait3A_64 = tpu.memref_slice %arg4[%mul3A_11, %dma_wait3A_62, %dma_wait3A_63] : memref<320x8x128xi32, #tpu.memory_space<hbm>> -> memref<1x8x128xi32, #tpu.memory_space<hbm>>
      %dma_wait3A_65 = tpu.memref_squeeze %dma_wait3A_64 : memref<1x8x128xi32, #tpu.memory_space<hbm>> -> memref<8x128xi32, #tpu.memory_space<hbm>>
      tpu.wait_dma2 semaphore(%run_scoped3A_34 : memref<!tpu.dma_semaphore, #tpu.memory_space<semaphore_mem>>) src(%dma_wait3A_65 : memref<8x128xi32, #tpu.memory_space<hbm>>) dst(%dma_wait3A_61 : memref<8x128xi32, #tpu.memory_space<vmem>>)
      tpu.yield
    }) : () -> ()
    %dma_start3A = arith.constant 0 : i32
    %dma_start3A_13 = arith.constant 0 : i32
    %dma_start3A_14 = arith.constant 0 : i32
    %dma_start3A_15 = arith.constant 0 : i32
    %dma_start3A_16 = tpu.memref_slice %arg7[%dma_start3A, %dma_start3A_14, %dma_start3A_15] : memref<2x8x128xi32, #tpu.memory_space<vmem>> -> memref<1x8x128xi32, #tpu.memory_space<vmem>>
    %dma_start3A_17 = tpu.memref_squeeze %dma_start3A_16 : memref<1x8x128xi32, #tpu.memory_space<vmem>> -> memref<8x128xi32, #tpu.memory_space<vmem>>
    %dma_start3A_18 = arith.constant 0 : i32
    %dma_start3A_19 = tpu.memref_slice %dma_start3A_17[%dma_start3A_13, %dma_start3A_18] : memref<8x128xi32, #tpu.memory_space<vmem>> -> memref<1x128xi32, #tpu.memory_space<vmem>>
    %dma_start3A_20 = tpu.memref_squeeze %dma_start3A_19 : memref<1x128xi32, #tpu.memory_space<vmem>> -> memref<128xi32, #tpu.memory_space<vmem>>
    %dma_start3A_21 = arith.constant 0 : i32
    %dma_start3A_22 = arith.constant 0 : i32
    %dma_start3A_23 = tpu.memref_slice %arg2[%dma_start3A_21, %dma_start3A_22] : memref<10240x128xf32, #tpu.memory_space<hbm>> -> memref<10240x128xf32, #tpu.memory_space<hbm>>
    tpu.enqueue_indirect_dma source(%dma_start3A_23 : memref<10240x128xf32, #tpu.memory_space<hbm>>) target(%arg9 : memref<128x128xf32, #tpu.memory_space<vmem>>) offsets(%dma_start3A_20 : memref<128xi32, #tpu.memory_space<vmem>>) semaphore(%arg11 : memref<!tpu.dma_semaphore, #tpu.memory_space<semaphore_mem>>)
    %scan3A_24 = arith.constant 0 : i32
    %scan3A_25 = arith.constant 5 : i32
    %scan3A_26 = arith.addi %scan3A_24, %scan3A_25 : i32
    %scan3A_27 = arith.constant 1 : i32
    scf.for %scan3A_34 = %scan3A_24 to %scan3A_26 step %scan3A_27  : i32 {
      %mul3A_35 = arith.constant 2 : i32
      %mul3A_36 = arith.muli %scan3A_34, %mul3A_35 : i32
      %add3A_37 = arith.constant 0 : i32
      %add3A_38 = arith.addi %add3A_37, %mul3A_36 : i32
      %add3A_39 = arith.constant 1 : i32
      %add3A_40 = arith.addi %add3A_38, %add3A_39 : i32
      %lt3A = arith.constant 10 : i32
      %lt3A_41 = arith.cmpi slt, %add3A_40, %lt3A : i32
      %convert_element_type3A = arith.extui %lt3A_41 : i1 to i32
      %cond3A = arith.constant 0 : i32
      %cond3A_42 = arith.cmpi ne, %convert_element_type3A, %cond3A : i32
      scf.if %cond3A_42 {
        %add3A_68 = arith.addi %mul3A_11, %add3A_38 : i32
        %add3A_69 = arith.constant 1 : i32
        %add3A_70 = arith.addi %add3A_68, %add3A_69 : i32
        %dma_start3A_71 = arith.constant 1 : i32
        %dma_start3A_72 = arith.constant 0 : i32
        %dma_start3A_73 = arith.constant 0 : i32
        %dma_start3A_74 = tpu.memref_slice %arg7[%dma_start3A_71, %dma_start3A_72, %dma_start3A_73] : memref<2x8x128xi32, #tpu.memory_space<vmem>> -> memref<1x8x128xi32, #tpu.memory_space<vmem>>
        %dma_start3A_75 = tpu.memref_squeeze %dma_start3A_74 : memref<1x8x128xi32, #tpu.memory_space<vmem>> -> memref<8x128xi32, #tpu.memory_space<vmem>>
        %dma_start3A_76 = arith.constant 0 : i32
        %dma_start3A_77 = arith.constant 0 : i32
        %dma_start3A_78 = tpu.memref_slice %arg3[%add3A_70, %dma_start3A_76, %dma_start3A_77] : memref<320x8x128xi32, #tpu.memory_space<hbm>> -> memref<1x8x128xi32, #tpu.memory_space<hbm>>
        %dma_start3A_79 = tpu.memref_squeeze %dma_start3A_78 : memref<1x8x128xi32, #tpu.memory_space<hbm>> -> memref<8x128xi32, #tpu.memory_space<hbm>>
        %dma_start3A_80 = arith.constant 0 : i32
        %dma_start3A_81 = arith.constant 0 : i32
        %dma_start3A_82 = tpu.memref_slice %arg7[%dma_start3A_71, %dma_start3A_80, %dma_start3A_81] : memref<2x8x128xi32, #tpu.memory_space<vmem>> -> memref<1x8x128xi32, #tpu.memory_space<vmem>>
        %dma_start3A_83 = tpu.memref_squeeze %dma_start3A_82 : memref<1x8x128xi32, #tpu.memory_space<vmem>> -> memref<8x128xi32, #tpu.memory_space<vmem>>
        %dma_start3A_84 = arith.constant 0 : i32
        %dma_start3A_85 = arith.constant 0 : i32
        %dma_start3A_86 = tpu.memref_slice %arg3[%add3A_70, %dma_start3A_84, %dma_start3A_85] : memref<320x8x128xi32, #tpu.memory_space<hbm>> -> memref<1x8x128xi32, #tpu.memory_space<hbm>>
        %dma_start3A_87 = tpu.memref_squeeze %dma_start3A_86 : memref<1x8x128xi32, #tpu.memory_space<hbm>> -> memref<8x128xi32, #tpu.memory_space<hbm>>
        tpu.enqueue_dma source(%dma_start3A_87 : memref<8x128xi32, #tpu.memory_space<hbm>>) target(%dma_start3A_83 : memref<8x128xi32, #tpu.memory_space<vmem>>) target_semaphore(%arg13 : memref<!tpu.dma_semaphore, #tpu.memory_space<semaphore_mem>>)
        %add3A_88 = arith.addi %mul3A_11, %add3A_38 : i32
        %add3A_89 = arith.constant 1 : i32
        %add3A_90 = arith.addi %add3A_88, %add3A_89 : i32
        %dma_start3A_91 = arith.constant 1 : i32
        %dma_start3A_92 = arith.constant 0 : i32
        %dma_start3A_93 = arith.constant 0 : i32
        %dma_start3A_94 = tpu.memref_slice %arg8[%dma_start3A_91, %dma_start3A_92, %dma_start3A_93] : memref<2x8x128xi32, #tpu.memory_space<vmem>> -> memref<1x8x128xi32, #tpu.memory_space<vmem>>
        %dma_start3A_95 = tpu.memref_squeeze %dma_start3A_94 : memref<1x8x128xi32, #tpu.memory_space<vmem>> -> memref<8x128xi32, #tpu.memory_space<vmem>>
        %dma_start3A_96 = arith.constant 0 : i32
        %dma_start3A_97 = arith.constant 0 : i32
        %dma_start3A_98 = tpu.memref_slice %arg4[%add3A_90, %dma_start3A_96, %dma_start3A_97] : memref<320x8x128xi32, #tpu.memory_space<hbm>> -> memref<1x8x128xi32, #tpu.memory_space<hbm>>
        %dma_start3A_99 = tpu.memref_squeeze %dma_start3A_98 : memref<1x8x128xi32, #tpu.memory_space<hbm>> -> memref<8x128xi32, #tpu.memory_space<hbm>>
        %dma_start3A_100 = arith.constant 0 : i32
        %dma_start3A_101 = arith.constant 0 : i32
        %dma_start3A_102 = tpu.memref_slice %arg8[%dma_start3A_91, %dma_start3A_100, %dma_start3A_101] : memref<2x8x128xi32, #tpu.memory_space<vmem>> -> memref<1x8x128xi32, #tpu.memory_space<vmem>>
        %dma_start3A_103 = tpu.memref_squeeze %dma_start3A_102 : memref<1x8x128xi32, #tpu.memory_space<vmem>> -> memref<8x128xi32, #tpu.memory_space<vmem>>
        %dma_start3A_104 = arith.constant 0 : i32
        %dma_start3A_105 = arith.constant 0 : i32
        %dma_start3A_106 = tpu.memref_slice %arg4[%add3A_90, %dma_start3A_104, %dma_start3A_105] : memref<320x8x128xi32, #tpu.memory_space<hbm>> -> memref<1x8x128xi32, #tpu.memory_space<hbm>>
        %dma_start3A_107 = tpu.memref_squeeze %dma_start3A_106 : memref<1x8x128xi32, #tpu.memory_space<hbm>> -> memref<8x128xi32, #tpu.memory_space<hbm>>
        tpu.enqueue_dma source(%dma_start3A_107 : memref<8x128xi32, #tpu.memory_space<hbm>>) target(%dma_start3A_103 : memref<8x128xi32, #tpu.memory_space<vmem>>) target_semaphore(%arg13 : memref<!tpu.dma_semaphore, #tpu.memory_space<semaphore_mem>>)
      } else {
      }
      %scan3A_43 = arith.constant 0 : i32
      %scan3A_44 = arith.constant 0 : i32
      %scan3A_45 = arith.constant 1 : i32
      %scan3A_46 = arith.constant 0 : i32
      %scan3A_47 = arith.constant 4 : i32
      %scan3A_48 = arith.addi %scan3A_46, %scan3A_47 : i32
      %scan3A_49 = arith.constant 1 : i32
      scf.for %scan3A_68 = %scan3A_46 to %scan3A_48 step %scan3A_49  : i32 {
        %mul3A_69 = arith.constant 2 : i32
        %mul3A_70 = arith.muli %scan3A_68, %mul3A_69 : i32
        %add3A_71 = arith.constant 0 : i32
        %add3A_72 = arith.addi %add3A_71, %mul3A_70 : i32
        %add3A_73 = arith.constant 1 : i32
        %add3A_74 = arith.addi %add3A_72, %add3A_73 : i32
        %dma_start3A_75 = arith.constant 0 : i32
        %dma_start3A_76 = arith.constant 0 : i32
        %dma_start3A_77 = tpu.memref_slice %arg7[%scan3A_43, %dma_start3A_75, %dma_start3A_76] : memref<2x8x128xi32, #tpu.memory_space<vmem>> -> memref<1x8x128xi32, #tpu.memory_space<vmem>>
        %dma_start3A_78 = tpu.memref_squeeze %dma_start3A_77 : memref<1x8x128xi32, #tpu.memory_space<vmem>> -> memref<8x128xi32, #tpu.memory_space<vmem>>
        %dma_start3A_79 = arith.constant 0 : i32
        %dma_start3A_80 = tpu.memref_slice %dma_start3A_78[%add3A_74, %dma_start3A_79] : memref<8x128xi32, #tpu.memory_space<vmem>> -> memref<1x128xi32, #tpu.memory_space<vmem>>
        %dma_start3A_81 = tpu.memref_squeeze %dma_start3A_80 : memref<1x128xi32, #tpu.memory_space<vmem>> -> memref<128xi32, #tpu.memory_space<vmem>>
        %dma_start3A_82 = arith.constant 0 : i32
        %dma_start3A_83 = arith.constant 0 : i32
        %dma_start3A_84 = tpu.memref_slice %arg2[%dma_start3A_82, %dma_start3A_83] : memref<10240x128xf32, #tpu.memory_space<hbm>> -> memref<10240x128xf32, #tpu.memory_space<hbm>>
        tpu.enqueue_indirect_dma source(%dma_start3A_84 : memref<10240x128xf32, #tpu.memory_space<hbm>>) target(%arg10 : memref<128x128xf32, #tpu.memory_space<vmem>>) offsets(%dma_start3A_81 : memref<128xi32, #tpu.memory_space<vmem>>) semaphore(%arg12 : memref<!tpu.dma_semaphore, #tpu.memory_space<semaphore_mem>>)
        %dma_wait3A = arith.constant 0 : i32
        %dma_wait3A_85 = arith.constant 0 : i32
        %dma_wait3A_86 = tpu.memref_slice %arg7[%scan3A_43, %dma_wait3A, %dma_wait3A_85] : memref<2x8x128xi32, #tpu.memory_space<vmem>> -> memref<1x8x128xi32, #tpu.memory_space<vmem>>
        %dma_wait3A_87 = tpu.memref_squeeze %dma_wait3A_86 : memref<1x8x128xi32, #tpu.memory_space<vmem>> -> memref<8x128xi32, #tpu.memory_space<vmem>>
        %dma_wait3A_88 = arith.constant 0 : i32
        %dma_wait3A_89 = tpu.memref_slice %dma_wait3A_87[%add3A_72, %dma_wait3A_88] : memref<8x128xi32, #tpu.memory_space<vmem>> -> memref<1x128xi32, #tpu.memory_space<vmem>>
        %dma_wait3A_90 = tpu.memref_squeeze %dma_wait3A_89 : memref<1x128xi32, #tpu.memory_space<vmem>> -> memref<128xi32, #tpu.memory_space<vmem>>
        %dma_wait3A_91 = arith.constant 0 : i32
        %dma_wait3A_92 = arith.constant 0 : i32
        %dma_wait3A_93 = tpu.memref_slice %arg2[%dma_wait3A_91, %dma_wait3A_92] : memref<10240x128xf32, #tpu.memory_space<hbm>> -> memref<10240x128xf32, #tpu.memory_space<hbm>>
        tpu.wait_indirect_dma semaphore(%arg11 : memref<!tpu.dma_semaphore, #tpu.memory_space<semaphore_mem>>) src(%dma_wait3A_93 : memref<10240x128xf32, #tpu.memory_space<hbm>>) dst(%arg9 : memref<128x128xf32, #tpu.memory_space<vmem>>)
        "tpu.region"() ({
          %run_scoped3A_125 = tpu.sem_alloc : memref<!tpu.dma_semaphore, #tpu.memory_space<semaphore_mem>>
          %dma_start3A_126 = arith.constant 0 : i32
          %dma_start3A_127 = arith.constant 0 : i32
          %dma_start3A_128 = tpu.memref_slice %arg8[%scan3A_44, %dma_start3A_126, %dma_start3A_127] : memref<2x8x128xi32, #tpu.memory_space<vmem>> -> memref<1x8x128xi32, #tpu.memory_space<vmem>>
          %dma_start3A_129 = tpu.memref_squeeze %dma_start3A_128 : memref<1x8x128xi32, #tpu.memory_space<vmem>> -> memref<8x128xi32, #tpu.memory_space<vmem>>
          %dma_start3A_130 = arith.constant 0 : i32
          %dma_start3A_131 = tpu.memref_slice %dma_start3A_129[%add3A_72, %dma_start3A_130] : memref<8x128xi32, #tpu.memory_space<vmem>> -> memref<1x128xi32, #tpu.memory_space<vmem>>
          %dma_start3A_132 = tpu.memref_squeeze %dma_start3A_131 : memref<1x128xi32, #tpu.memory_space<vmem>> -> memref<128xi32, #tpu.memory_space<vmem>>
          %dma_start3A_133 = arith.constant 0 : i32
          %dma_start3A_134 = arith.constant 0 : i32
          %dma_start3A_135 = tpu.memref_slice %arg6[%dma_start3A_133, %dma_start3A_134] : memref<10240x128xf32, #tpu.memory_space<vmem_shared>> -> memref<10240x128xf32, #tpu.memory_space<vmem_shared>>
          tpu.enqueue_indirect_dma source(%arg9 : memref<128x128xf32, #tpu.memory_space<vmem>>) target(%dma_start3A_135 : memref<10240x128xf32, #tpu.memory_space<vmem_shared>>) offsets(%dma_start3A_132 : memref<128xi32, #tpu.memory_space<vmem>>) semaphore(%run_scoped3A_125 : memref<!tpu.dma_semaphore, #tpu.memory_space<semaphore_mem>>) {add = true}
          %dma_wait3A_136 = arith.constant 0 : i32
          %dma_wait3A_137 = arith.constant 0 : i32
          %dma_wait3A_138 = tpu.memref_slice %arg8[%scan3A_44, %dma_wait3A_136, %dma_wait3A_137] : memref<2x8x128xi32, #tpu.memory_space<vmem>> -> memref<1x8x128xi32, #tpu.memory_space<vmem>>
          %dma_wait3A_139 = tpu.memref_squeeze %dma_wait3A_138 : memref<1x8x128xi32, #tpu.memory_space<vmem>> -> memref<8x128xi32, #tpu.memory_space<vmem>>
          %dma_wait3A_140 = arith.constant 0 : i32
          %dma_wait3A_141 = tpu.memref_slice %dma_wait3A_139[%add3A_72, %dma_wait3A_140] : memref<8x128xi32, #tpu.memory_space<vmem>> -> memref<1x128xi32, #tpu.memory_space<vmem>>
          %dma_wait3A_142 = tpu.memref_squeeze %dma_wait3A_141 : memref<1x128xi32, #tpu.memory_space<vmem>> -> memref<128xi32, #tpu.memory_space<vmem>>
          %dma_wait3A_143 = arith.constant 0 : i32
          %dma_wait3A_144 = arith.constant 0 : i32
          %dma_wait3A_145 = tpu.memref_slice %arg6[%dma_wait3A_143, %dma_wait3A_144] : memref<10240x128xf32, #tpu.memory_space<vmem_shared>> -> memref<10240x128xf32, #tpu.memory_space<vmem_shared>>
          tpu.wait_indirect_dma semaphore(%run_scoped3A_125 : memref<!tpu.dma_semaphore, #tpu.memory_space<semaphore_mem>>) src(%arg9 : memref<128x128xf32, #tpu.memory_space<vmem>>) dst(%dma_wait3A_145 : memref<10240x128xf32, #tpu.memory_space<vmem_shared>>)
          tpu.yield
        }) : () -> ()
        %add3A_94 = arith.constant 2 : i32
        %add3A_95 = arith.addi %add3A_72, %add3A_94 : i32
        %lt3A_96 = arith.constant 8 : i32
        %lt3A_97 = arith.cmpi slt, %add3A_95, %lt3A_96 : i32
        %convert_element_type3A_98 = arith.extui %lt3A_97 : i1 to i32
        %cond3A_99 = arith.constant 0 : i32
        %cond3A_100 = arith.cmpi ne, %convert_element_type3A_98, %cond3A_99 : i32
        scf.if %cond3A_100 {
          %add3A_125 = arith.constant 2 : i32
          %add3A_126 = arith.addi %add3A_72, %add3A_125 : i32
          %dma_start3A_127 = arith.constant 0 : i32
          %dma_start3A_128 = arith.constant 0 : i32
          %dma_start3A_129 = tpu.memref_slice %arg7[%scan3A_43, %dma_start3A_127, %dma_start3A_128] : memref<2x8x128xi32, #tpu.memory_space<vmem>> -> memref<1x8x128xi32, #tpu.memory_space<vmem>>
          %dma_start3A_130 = tpu.memref_squeeze %dma_start3A_129 : memref<1x8x128xi32, #tpu.memory_space<vmem>> -> memref<8x128xi32, #tpu.memory_space<vmem>>
          %dma_start3A_131 = arith.constant 0 : i32
          %dma_start3A_132 = tpu.memref_slice %dma_start3A_130[%add3A_126, %dma_start3A_131] : memref<8x128xi32, #tpu.memory_space<vmem>> -> memref<1x128xi32, #tpu.memory_space<vmem>>
          %dma_start3A_133 = tpu.memref_squeeze %dma_start3A_132 : memref<1x128xi32, #tpu.memory_space<vmem>> -> memref<128xi32, #tpu.memory_space<vmem>>
          %dma_start3A_134 = arith.constant 0 : i32
          %dma_start3A_135 = arith.constant 0 : i32
          %dma_start3A_136 = tpu.memref_slice %arg2[%dma_start3A_134, %dma_start3A_135] : memref<10240x128xf32, #tpu.memory_space<hbm>> -> memref<10240x128xf32, #tpu.memory_space<hbm>>
          tpu.enqueue_indirect_dma source(%dma_start3A_136 : memref<10240x128xf32, #tpu.memory_space<hbm>>) target(%arg9 : memref<128x128xf32, #tpu.memory_space<vmem>>) offsets(%dma_start3A_133 : memref<128xi32, #tpu.memory_space<vmem>>) semaphore(%arg11 : memref<!tpu.dma_semaphore, #tpu.memory_space<semaphore_mem>>)
        } else {
        }
        %add3A_101 = arith.constant 2 : i32
        %add3A_102 = arith.addi %add3A_72, %add3A_101 : i32
        %ge3A = arith.constant 8 : i32
        %ge3A_103 = arith.cmpi sge, %add3A_102, %ge3A : i32
        %add3A_104 = arith.constant 1 : i32
        %add3A_105 = arith.addi %add3A_38, %add3A_104 : i32
        %lt3A_106 = arith.constant 10 : i32
        %lt3A_107 = arith.cmpi slt, %add3A_105, %lt3A_106 : i32
        %and3A = arith.andi %ge3A_103, %lt3A_107 : i1
        %convert_element_type3A_108 = arith.extui %and3A : i1 to i32
        %cond3A_109 = arith.constant 0 : i32
        %cond3A_110 = arith.cmpi ne, %convert_element_type3A_108, %cond3A_109 : i32
        scf.if %cond3A_110 {
          %add3A_125 = arith.addi %mul3A_11, %add3A_38 : i32
          %add3A_126 = arith.constant 1 : i32
          %add3A_127 = arith.addi %add3A_125, %add3A_126 : i32
          %dma_wait3A_128 = arith.constant 1 : i32
          %dma_wait3A_129 = arith.constant 0 : i32
          %dma_wait3A_130 = arith.constant 0 : i32
          %dma_wait3A_131 = tpu.memref_slice %arg7[%dma_wait3A_128, %dma_wait3A_129, %dma_wait3A_130] : memref<2x8x128xi32, #tpu.memory_space<vmem>> -> memref<1x8x128xi32, #tpu.memory_space<vmem>>
          %dma_wait3A_132 = tpu.memref_squeeze %dma_wait3A_131 : memref<1x8x128xi32, #tpu.memory_space<vmem>> -> memref<8x128xi32, #tpu.memory_space<vmem>>
          %dma_wait3A_133 = arith.constant 0 : i32
          %dma_wait3A_134 = arith.constant 0 : i32
          %dma_wait3A_135 = tpu.memref_slice %arg3[%add3A_127, %dma_wait3A_133, %dma_wait3A_134] : memref<320x8x128xi32, #tpu.memory_space<hbm>> -> memref<1x8x128xi32, #tpu.memory_space<hbm>>
          %dma_wait3A_136 = tpu.memref_squeeze %dma_wait3A_135 : memref<1x8x128xi32, #tpu.memory_space<hbm>> -> memref<8x128xi32, #tpu.memory_space<hbm>>
          %dma_wait3A_137 = arith.constant 0 : i32
          %dma_wait3A_138 = arith.constant 0 : i32
          %dma_wait3A_139 = tpu.memref_slice %arg7[%dma_wait3A_128, %dma_wait3A_137, %dma_wait3A_138] : memref<2x8x128xi32, #tpu.memory_space<vmem>> -> memref<1x8x128xi32, #tpu.memory_space<vmem>>
          %dma_wait3A_140 = tpu.memref_squeeze %dma_wait3A_139 : memref<1x8x128xi32, #tpu.memory_space<vmem>> -> memref<8x128xi32, #tpu.memory_space<vmem>>
          %dma_wait3A_141 = arith.constant 0 : i32
          %dma_wait3A_142 = arith.constant 0 : i32
          %dma_wait3A_143 = tpu.memref_slice %arg3[%add3A_127, %dma_wait3A_141, %dma_wait3A_142] : memref<320x8x128xi32, #tpu.memory_space<hbm>> -> memref<1x8x128xi32, #tpu.memory_space<hbm>>
          %dma_wait3A_144 = tpu.memref_squeeze %dma_wait3A_143 : memref<1x8x128xi32, #tpu.memory_space<hbm>> -> memref<8x128xi32, #tpu.memory_space<hbm>>
          tpu.wait_dma2 semaphore(%arg13 : memref<!tpu.dma_semaphore, #tpu.memory_space<semaphore_mem>>) src(%dma_wait3A_144 : memref<8x128xi32, #tpu.memory_space<hbm>>) dst(%dma_wait3A_140 : memref<8x128xi32, #tpu.memory_space<vmem>>)
          %add3A_145 = arith.addi %mul3A_11, %add3A_38 : i32
          %add3A_146 = arith.constant 1 : i32
          %add3A_147 = arith.addi %add3A_145, %add3A_146 : i32
          %dma_wait3A_148 = arith.constant 1 : i32
          %dma_wait3A_149 = arith.constant 0 : i32
          %dma_wait3A_150 = arith.constant 0 : i32
          %dma_wait3A_151 = tpu.memref_slice %arg8[%dma_wait3A_148, %dma_wait3A_149, %dma_wait3A_150] : memref<2x8x128xi32, #tpu.memory_space<vmem>> -> memref<1x8x128xi32, #tpu.memory_space<vmem>>
          %dma_wait3A_152 = tpu.memref_squeeze %dma_wait3A_151 : memref<1x8x128xi32, #tpu.memory_space<vmem>> -> memref<8x128xi32, #tpu.memory_space<vmem>>
          %dma_wait3A_153 = arith.constant 0 : i32
          %dma_wait3A_154 = arith.constant 0 : i32
          %dma_wait3A_155 = tpu.memref_slice %arg4[%add3A_147, %dma_wait3A_153, %dma_wait3A_154] : memref<320x8x128xi32, #tpu.memory_space<hbm>> -> memref<1x8x128xi32, #tpu.memory_space<hbm>>
          %dma_wait3A_156 = tpu.memref_squeeze %dma_wait3A_155 : memref<1x8x128xi32, #tpu.memory_space<hbm>> -> memref<8x128xi32, #tpu.memory_space<hbm>>
          %dma_wait3A_157 = arith.constant 0 : i32
          %dma_wait3A_158 = arith.constant 0 : i32
          %dma_wait3A_159 = tpu.memref_slice %arg8[%dma_wait3A_148, %dma_wait3A_157, %dma_wait3A_158] : memref<2x8x128xi32, #tpu.memory_space<vmem>> -> memref<1x8x128xi32, #tpu.memory_space<vmem>>
          %dma_wait3A_160 = tpu.memref_squeeze %dma_wait3A_159 : memref<1x8x128xi32, #tpu.memory_space<vmem>> -> memref<8x128xi32, #tpu.memory_space<vmem>>
          %dma_wait3A_161 = arith.constant 0 : i32
          %dma_wait3A_162 = arith.constant 0 : i32
          %dma_wait3A_163 = tpu.memref_slice %arg4[%add3A_147, %dma_wait3A_161, %dma_wait3A_162] : memref<320x8x128xi32, #tpu.memory_space<hbm>> -> memref<1x8x128xi32, #tpu.memory_space<hbm>>
          %dma_wait3A_164 = tpu.memref_squeeze %dma_wait3A_163 : memref<1x8x128xi32, #tpu.memory_space<hbm>> -> memref<8x128xi32, #tpu.memory_space<hbm>>
          tpu.wait_dma2 semaphore(%arg13 : memref<!tpu.dma_semaphore, #tpu.memory_space<semaphore_mem>>) src(%dma_wait3A_164 : memref<8x128xi32, #tpu.memory_space<hbm>>) dst(%dma_wait3A_160 : memref<8x128xi32, #tpu.memory_space<vmem>>)
          %dma_start3A_165 = arith.constant 0 : i32
          %dma_start3A_166 = arith.constant 0 : i32
          %dma_start3A_167 = arith.constant 0 : i32
          %dma_start3A_168 = tpu.memref_slice %arg7[%scan3A_45, %dma_start3A_166, %dma_start3A_167] : memref<2x8x128xi32, #tpu.memory_space<vmem>> -> memref<1x8x128xi32, #tpu.memory_space<vmem>>
          %dma_start3A_169 = tpu.memref_squeeze %dma_start3A_168 : memref<1x8x128xi32, #tpu.memory_space<vmem>> -> memref<8x128xi32, #tpu.memory_space<vmem>>
          %dma_start3A_170 = arith.constant 0 : i32
          %dma_start3A_171 = tpu.memref_slice %dma_start3A_169[%dma_start3A_165, %dma_start3A_170] : memref<8x128xi32, #tpu.memory_space<vmem>> -> memref<1x128xi32, #tpu.memory_space<vmem>>
          %dma_start3A_172 = tpu.memref_squeeze %dma_start3A_171 : memref<1x128xi32, #tpu.memory_space<vmem>> -> memref<128xi32, #tpu.memory_space<vmem>>
          %dma_start3A_173 = arith.constant 0 : i32
          %dma_start3A_174 = arith.constant 0 : i32
          %dma_start3A_175 = tpu.memref_slice %arg2[%dma_start3A_173, %dma_start3A_174] : memref<10240x128xf32, #tpu.memory_space<hbm>> -> memref<10240x128xf32, #tpu.memory_space<hbm>>
          tpu.enqueue_indirect_dma source(%dma_start3A_175 : memref<10240x128xf32, #tpu.memory_space<hbm>>) target(%arg9 : memref<128x128xf32, #tpu.memory_space<vmem>>) offsets(%dma_start3A_172 : memref<128xi32, #tpu.memory_space<vmem>>) semaphore(%arg11 : memref<!tpu.dma_semaphore, #tpu.memory_space<semaphore_mem>>)
        } else {
        }
        %add3A_111 = arith.constant 1 : i32
        %add3A_112 = arith.addi %add3A_72, %add3A_111 : i32
        %dma_wait3A_113 = arith.constant 0 : i32
        %dma_wait3A_114 = arith.constant 0 : i32
        %dma_wait3A_115 = tpu.memref_slice %arg7[%scan3A_43, %dma_wait3A_113, %dma_wait3A_114] : memref<2x8x128xi32, #tpu.memory_space<vmem>> -> memref<1x8x128xi32, #tpu.memory_space<vmem>>
        %dma_wait3A_116 = tpu.memref_squeeze %dma_wait3A_115 : memref<1x8x128xi32, #tpu.memory_space<vmem>> -> memref<8x128xi32, #tpu.memory_space<vmem>>
        %dma_wait3A_117 = arith.constant 0 : i32
        %dma_wait3A_118 = tpu.memref_slice %dma_wait3A_116[%add3A_112, %dma_wait3A_117] : memref<8x128xi32, #tpu.memory_space<vmem>> -> memref<1x128xi32, #tpu.memory_space<vmem>>
        %dma_wait3A_119 = tpu.memref_squeeze %dma_wait3A_118 : memref<1x128xi32, #tpu.memory_space<vmem>> -> memref<128xi32, #tpu.memory_space<vmem>>
        %dma_wait3A_120 = arith.constant 0 : i32
        %dma_wait3A_121 = arith.constant 0 : i32
        %dma_wait3A_122 = tpu.memref_slice %arg2[%dma_wait3A_120, %dma_wait3A_121] : memref<10240x128xf32, #tpu.memory_space<hbm>> -> memref<10240x128xf32, #tpu.memory_space<hbm>>
        tpu.wait_indirect_dma semaphore(%arg12 : memref<!tpu.dma_semaphore, #tpu.memory_space<semaphore_mem>>) src(%dma_wait3A_122 : memref<10240x128xf32, #tpu.memory_space<hbm>>) dst(%arg10 : memref<128x128xf32, #tpu.memory_space<vmem>>)
        %add3A_123 = arith.constant 1 : i32
        %add3A_124 = arith.addi %add3A_72, %add3A_123 : i32
        "tpu.region"() ({
          %run_scoped3A_125 = tpu.sem_alloc : memref<!tpu.dma_semaphore, #tpu.memory_space<semaphore_mem>>
          %dma_start3A_126 = arith.constant 0 : i32
          %dma_start3A_127 = arith.constant 0 : i32
          %dma_start3A_128 = tpu.memref_slice %arg8[%scan3A_44, %dma_start3A_126, %dma_start3A_127] : memref<2x8x128xi32, #tpu.memory_space<vmem>> -> memref<1x8x128xi32, #tpu.memory_space<vmem>>
          %dma_start3A_129 = tpu.memref_squeeze %dma_start3A_128 : memref<1x8x128xi32, #tpu.memory_space<vmem>> -> memref<8x128xi32, #tpu.memory_space<vmem>>
          %dma_start3A_130 = arith.constant 0 : i32
          %dma_start3A_131 = tpu.memref_slice %dma_start3A_129[%add3A_124, %dma_start3A_130] : memref<8x128xi32, #tpu.memory_space<vmem>> -> memref<1x128xi32, #tpu.memory_space<vmem>>
          %dma_start3A_132 = tpu.memref_squeeze %dma_start3A_131 : memref<1x128xi32, #tpu.memory_space<vmem>> -> memref<128xi32, #tpu.memory_space<vmem>>
          %dma_start3A_133 = arith.constant 0 : i32
          %dma_start3A_134 = arith.constant 0 : i32
          %dma_start3A_135 = tpu.memref_slice %arg6[%dma_start3A_133, %dma_start3A_134] : memref<10240x128xf32, #tpu.memory_space<vmem_shared>> -> memref<10240x128xf32, #tpu.memory_space<vmem_shared>>
          tpu.enqueue_indirect_dma source(%arg10 : memref<128x128xf32, #tpu.memory_space<vmem>>) target(%dma_start3A_135 : memref<10240x128xf32, #tpu.memory_space<vmem_shared>>) offsets(%dma_start3A_132 : memref<128xi32, #tpu.memory_space<vmem>>) semaphore(%run_scoped3A_125 : memref<!tpu.dma_semaphore, #tpu.memory_space<semaphore_mem>>) {add = true}
          %dma_wait3A_136 = arith.constant 0 : i32
          %dma_wait3A_137 = arith.constant 0 : i32
          %dma_wait3A_138 = tpu.memref_slice %arg8[%scan3A_44, %dma_wait3A_136, %dma_wait3A_137] : memref<2x8x128xi32, #tpu.memory_space<vmem>> -> memref<1x8x128xi32, #tpu.memory_space<vmem>>
          %dma_wait3A_139 = tpu.memref_squeeze %dma_wait3A_138 : memref<1x8x128xi32, #tpu.memory_space<vmem>> -> memref<8x128xi32, #tpu.memory_space<vmem>>
          %dma_wait3A_140 = arith.constant 0 : i32
          %dma_wait3A_141 = tpu.memref_slice %dma_wait3A_139[%add3A_124, %dma_wait3A_140] : memref<8x128xi32, #tpu.memory_space<vmem>> -> memref<1x128xi32, #tpu.memory_space<vmem>>
          %dma_wait3A_142 = tpu.memref_squeeze %dma_wait3A_141 : memref<1x128xi32, #tpu.memory_space<vmem>> -> memref<128xi32, #tpu.memory_space<vmem>>
          %dma_wait3A_143 = arith.constant 0 : i32
          %dma_wait3A_144 = arith.constant 0 : i32
          %dma_wait3A_145 = tpu.memref_slice %arg6[%dma_wait3A_143, %dma_wait3A_144] : memref<10240x128xf32, #tpu.memory_space<vmem_shared>> -> memref<10240x128xf32, #tpu.memory_space<vmem_shared>>
          tpu.wait_indirect_dma semaphore(%run_scoped3A_125 : memref<!tpu.dma_semaphore, #tpu.memory_space<semaphore_mem>>) src(%arg10 : memref<128x128xf32, #tpu.memory_space<vmem>>) dst(%dma_wait3A_145 : memref<10240x128xf32, #tpu.memory_space<vmem_shared>>)
          tpu.yield
        }) : () -> ()
      }
      %scan3A_50 = arith.constant 4 : i32
      %add3A_51 = arith.constant 1 : i32
      %add3A_52 = arith.addi %add3A_38, %add3A_51 : i32
      %add3A_53 = arith.constant 1 : i32
      %add3A_54 = arith.addi %add3A_52, %add3A_53 : i32
      %lt3A_55 = arith.constant 10 : i32
      %lt3A_56 = arith.cmpi slt, %add3A_54, %lt3A_55 : i32
      %convert_element_type3A_57 = arith.extui %lt3A_56 : i1 to i32
      %cond3A_58 = arith.constant 0 : i32
      %cond3A_59 = arith.cmpi ne, %convert_element_type3A_57, %cond3A_58 : i32
      scf.if %cond3A_59 {
        %add3A_68 = arith.addi %mul3A_11, %add3A_52 : i32
        %add3A_69 = arith.constant 1 : i32
        %add3A_70 = arith.addi %add3A_68, %add3A_69 : i32
        %dma_start3A_71 = arith.constant 0 : i32
        %dma_start3A_72 = arith.constant 0 : i32
        %dma_start3A_73 = arith.constant 0 : i32
        %dma_start3A_74 = tpu.memref_slice %arg7[%dma_start3A_71, %dma_start3A_72, %dma_start3A_73] : memref<2x8x128xi32, #tpu.memory_space<vmem>> -> memref<1x8x128xi32, #tpu.memory_space<vmem>>
        %dma_start3A_75 = tpu.memref_squeeze %dma_start3A_74 : memref<1x8x128xi32, #tpu.memory_space<vmem>> -> memref<8x128xi32, #tpu.memory_space<vmem>>
        %dma_start3A_76 = arith.constant 0 : i32
        %dma_start3A_77 = arith.constant 0 : i32
        %dma_start3A_78 = tpu.memref_slice %arg3[%add3A_70, %dma_start3A_76, %dma_start3A_77] : memref<320x8x128xi32, #tpu.memory_space<hbm>> -> memref<1x8x128xi32, #tpu.memory_space<hbm>>
        %dma_start3A_79 = tpu.memref_squeeze %dma_start3A_78 : memref<1x8x128xi32, #tpu.memory_space<hbm>> -> memref<8x128xi32, #tpu.memory_space<hbm>>
        %dma_start3A_80 = arith.constant 0 : i32
        %dma_start3A_81 = arith.constant 0 : i32
        %dma_start3A_82 = tpu.memref_slice %arg7[%dma_start3A_71, %dma_start3A_80, %dma_start3A_81] : memref<2x8x128xi32, #tpu.memory_space<vmem>> -> memref<1x8x128xi32, #tpu.memory_space<vmem>>
        %dma_start3A_83 = tpu.memref_squeeze %dma_start3A_82 : memref<1x8x128xi32, #tpu.memory_space<vmem>> -> memref<8x128xi32, #tpu.memory_space<vmem>>
        %dma_start3A_84 = arith.constant 0 : i32
        %dma_start3A_85 = arith.constant 0 : i32
        %dma_start3A_86 = tpu.memref_slice %arg3[%add3A_70, %dma_start3A_84, %dma_start3A_85] : memref<320x8x128xi32, #tpu.memory_space<hbm>> -> memref<1x8x128xi32, #tpu.memory_space<hbm>>
        %dma_start3A_87 = tpu.memref_squeeze %dma_start3A_86 : memref<1x8x128xi32, #tpu.memory_space<hbm>> -> memref<8x128xi32, #tpu.memory_space<hbm>>
        tpu.enqueue_dma source(%dma_start3A_87 : memref<8x128xi32, #tpu.memory_space<hbm>>) target(%dma_start3A_83 : memref<8x128xi32, #tpu.memory_space<vmem>>) target_semaphore(%arg13 : memref<!tpu.dma_semaphore, #tpu.memory_space<semaphore_mem>>)
        %add3A_88 = arith.addi %mul3A_11, %add3A_52 : i32
        %add3A_89 = arith.constant 1 : i32
        %add3A_90 = arith.addi %add3A_88, %add3A_89 : i32
        %dma_start3A_91 = arith.constant 0 : i32
        %dma_start3A_92 = arith.constant 0 : i32
        %dma_start3A_93 = arith.constant 0 : i32
        %dma_start3A_94 = tpu.memref_slice %arg8[%dma_start3A_91, %dma_start3A_92, %dma_start3A_93] : memref<2x8x128xi32, #tpu.memory_space<vmem>> -> memref<1x8x128xi32, #tpu.memory_space<vmem>>
        %dma_start3A_95 = tpu.memref_squeeze %dma_start3A_94 : memref<1x8x128xi32, #tpu.memory_space<vmem>> -> memref<8x128xi32, #tpu.memory_space<vmem>>
        %dma_start3A_96 = arith.constant 0 : i32
        %dma_start3A_97 = arith.constant 0 : i32
        %dma_start3A_98 = tpu.memref_slice %arg4[%add3A_90, %dma_start3A_96, %dma_start3A_97] : memref<320x8x128xi32, #tpu.memory_space<hbm>> -> memref<1x8x128xi32, #tpu.memory_space<hbm>>
        %dma_start3A_99 = tpu.memref_squeeze %dma_start3A_98 : memref<1x8x128xi32, #tpu.memory_space<hbm>> -> memref<8x128xi32, #tpu.memory_space<hbm>>
        %dma_start3A_100 = arith.constant 0 : i32
        %dma_start3A_101 = arith.constant 0 : i32
        %dma_start3A_102 = tpu.memref_slice %arg8[%dma_start3A_91, %dma_start3A_100, %dma_start3A_101] : memref<2x8x128xi32, #tpu.memory_space<vmem>> -> memref<1x8x128xi32, #tpu.memory_space<vmem>>
        %dma_start3A_103 = tpu.memref_squeeze %dma_start3A_102 : memref<1x8x128xi32, #tpu.memory_space<vmem>> -> memref<8x128xi32, #tpu.memory_space<vmem>>
        %dma_start3A_104 = arith.constant 0 : i32
        %dma_start3A_105 = arith.constant 0 : i32
        %dma_start3A_106 = tpu.memref_slice %arg4[%add3A_90, %dma_start3A_104, %dma_start3A_105] : memref<320x8x128xi32, #tpu.memory_space<hbm>> -> memref<1x8x128xi32, #tpu.memory_space<hbm>>
        %dma_start3A_107 = tpu.memref_squeeze %dma_start3A_106 : memref<1x8x128xi32, #tpu.memory_space<hbm>> -> memref<8x128xi32, #tpu.memory_space<hbm>>
        tpu.enqueue_dma source(%dma_start3A_107 : memref<8x128xi32, #tpu.memory_space<hbm>>) target(%dma_start3A_103 : memref<8x128xi32, #tpu.memory_space<vmem>>) target_semaphore(%arg13 : memref<!tpu.dma_semaphore, #tpu.memory_space<semaphore_mem>>)
      } else {
      }
      %scan3A_60 = arith.constant 1 : i32
      %scan3A_61 = arith.constant 1 : i32
      %scan3A_62 = arith.constant 0 : i32
      %scan3A_63 = arith.constant 0 : i32
      %scan3A_64 = arith.constant 4 : i32
      %scan3A_65 = arith.addi %scan3A_63, %scan3A_64 : i32
      %scan3A_66 = arith.constant 1 : i32
      scf.for %scan3A_68 = %scan3A_63 to %scan3A_65 step %scan3A_66  : i32 {
        %mul3A_69 = arith.constant 2 : i32
        %mul3A_70 = arith.muli %scan3A_68, %mul3A_69 : i32
        %add3A_71 = arith.constant 0 : i32
        %add3A_72 = arith.addi %add3A_71, %mul3A_70 : i32
        %add3A_73 = arith.constant 1 : i32
        %add3A_74 = arith.addi %add3A_72, %add3A_73 : i32
        %dma_start3A_75 = arith.constant 0 : i32
        %dma_start3A_76 = arith.constant 0 : i32
        %dma_start3A_77 = tpu.memref_slice %arg7[%scan3A_60, %dma_start3A_75, %dma_start3A_76] : memref<2x8x128xi32, #tpu.memory_space<vmem>> -> memref<1x8x128xi32, #tpu.memory_space<vmem>>
        %dma_start3A_78 = tpu.memref_squeeze %dma_start3A_77 : memref<1x8x128xi32, #tpu.memory_space<vmem>> -> memref<8x128xi32, #tpu.memory_space<vmem>>
        %dma_start3A_79 = arith.constant 0 : i32
        %dma_start3A_80 = tpu.memref_slice %dma_start3A_78[%add3A_74, %dma_start3A_79] : memref<8x128xi32, #tpu.memory_space<vmem>> -> memref<1x128xi32, #tpu.memory_space<vmem>>
        %dma_start3A_81 = tpu.memref_squeeze %dma_start3A_80 : memref<1x128xi32, #tpu.memory_space<vmem>> -> memref<128xi32, #tpu.memory_space<vmem>>
        %dma_start3A_82 = arith.constant 0 : i32
        %dma_start3A_83 = arith.constant 0 : i32
        %dma_start3A_84 = tpu.memref_slice %arg2[%dma_start3A_82, %dma_start3A_83] : memref<10240x128xf32, #tpu.memory_space<hbm>> -> memref<10240x128xf32, #tpu.memory_space<hbm>>
        tpu.enqueue_indirect_dma source(%dma_start3A_84 : memref<10240x128xf32, #tpu.memory_space<hbm>>) target(%arg10 : memref<128x128xf32, #tpu.memory_space<vmem>>) offsets(%dma_start3A_81 : memref<128xi32, #tpu.memory_space<vmem>>) semaphore(%arg12 : memref<!tpu.dma_semaphore, #tpu.memory_space<semaphore_mem>>)
        %dma_wait3A = arith.constant 0 : i32
        %dma_wait3A_85 = arith.constant 0 : i32
        %dma_wait3A_86 = tpu.memref_slice %arg7[%scan3A_60, %dma_wait3A, %dma_wait3A_85] : memref<2x8x128xi32, #tpu.memory_space<vmem>> -> memref<1x8x128xi32, #tpu.memory_space<vmem>>
        %dma_wait3A_87 = tpu.memref_squeeze %dma_wait3A_86 : memref<1x8x128xi32, #tpu.memory_space<vmem>> -> memref<8x128xi32, #tpu.memory_space<vmem>>
        %dma_wait3A_88 = arith.constant 0 : i32
        %dma_wait3A_89 = tpu.memref_slice %dma_wait3A_87[%add3A_72, %dma_wait3A_88] : memref<8x128xi32, #tpu.memory_space<vmem>> -> memref<1x128xi32, #tpu.memory_space<vmem>>
        %dma_wait3A_90 = tpu.memref_squeeze %dma_wait3A_89 : memref<1x128xi32, #tpu.memory_space<vmem>> -> memref<128xi32, #tpu.memory_space<vmem>>
        %dma_wait3A_91 = arith.constant 0 : i32
        %dma_wait3A_92 = arith.constant 0 : i32
        %dma_wait3A_93 = tpu.memref_slice %arg2[%dma_wait3A_91, %dma_wait3A_92] : memref<10240x128xf32, #tpu.memory_space<hbm>> -> memref<10240x128xf32, #tpu.memory_space<hbm>>
        tpu.wait_indirect_dma semaphore(%arg11 : memref<!tpu.dma_semaphore, #tpu.memory_space<semaphore_mem>>) src(%dma_wait3A_93 : memref<10240x128xf32, #tpu.memory_space<hbm>>) dst(%arg9 : memref<128x128xf32, #tpu.memory_space<vmem>>)
        "tpu.region"() ({
          %run_scoped3A_125 = tpu.sem_alloc : memref<!tpu.dma_semaphore, #tpu.memory_space<semaphore_mem>>
          %dma_start3A_126 = arith.constant 0 : i32
          %dma_start3A_127 = arith.constant 0 : i32
          %dma_start3A_128 = tpu.memref_slice %arg8[%scan3A_61, %dma_start3A_126, %dma_start3A_127] : memref<2x8x128xi32, #tpu.memory_space<vmem>> -> memref<1x8x128xi32, #tpu.memory_space<vmem>>
          %dma_start3A_129 = tpu.memref_squeeze %dma_start3A_128 : memref<1x8x128xi32, #tpu.memory_space<vmem>> -> memref<8x128xi32, #tpu.memory_space<vmem>>
          %dma_start3A_130 = arith.constant 0 : i32
          %dma_start3A_131 = tpu.memref_slice %dma_start3A_129[%add3A_72, %dma_start3A_130] : memref<8x128xi32, #tpu.memory_space<vmem>> -> memref<1x128xi32, #tpu.memory_space<vmem>>
          %dma_start3A_132 = tpu.memref_squeeze %dma_start3A_131 : memref<1x128xi32, #tpu.memory_space<vmem>> -> memref<128xi32, #tpu.memory_space<vmem>>
          %dma_start3A_133 = arith.constant 0 : i32
          %dma_start3A_134 = arith.constant 0 : i32
          %dma_start3A_135 = tpu.memref_slice %arg6[%dma_start3A_133, %dma_start3A_134] : memref<10240x128xf32, #tpu.memory_space<vmem_shared>> -> memref<10240x128xf32, #tpu.memory_space<vmem_shared>>
          tpu.enqueue_indirect_dma source(%arg9 : memref<128x128xf32, #tpu.memory_space<vmem>>) target(%dma_start3A_135 : memref<10240x128xf32, #tpu.memory_space<vmem_shared>>) offsets(%dma_start3A_132 : memref<128xi32, #tpu.memory_space<vmem>>) semaphore(%run_scoped3A_125 : memref<!tpu.dma_semaphore, #tpu.memory_space<semaphore_mem>>) {add = true}
          %dma_wait3A_136 = arith.constant 0 : i32
          %dma_wait3A_137 = arith.constant 0 : i32
          %dma_wait3A_138 = tpu.memref_slice %arg8[%scan3A_61, %dma_wait3A_136, %dma_wait3A_137] : memref<2x8x128xi32, #tpu.memory_space<vmem>> -> memref<1x8x128xi32, #tpu.memory_space<vmem>>
          %dma_wait3A_139 = tpu.memref_squeeze %dma_wait3A_138 : memref<1x8x128xi32, #tpu.memory_space<vmem>> -> memref<8x128xi32, #tpu.memory_space<vmem>>
          %dma_wait3A_140 = arith.constant 0 : i32
          %dma_wait3A_141 = tpu.memref_slice %dma_wait3A_139[%add3A_72, %dma_wait3A_140] : memref<8x128xi32, #tpu.memory_space<vmem>> -> memref<1x128xi32, #tpu.memory_space<vmem>>
          %dma_wait3A_142 = tpu.memref_squeeze %dma_wait3A_141 : memref<1x128xi32, #tpu.memory_space<vmem>> -> memref<128xi32, #tpu.memory_space<vmem>>
          %dma_wait3A_143 = arith.constant 0 : i32
          %dma_wait3A_144 = arith.constant 0 : i32
          %dma_wait3A_145 = tpu.memref_slice %arg6[%dma_wait3A_143, %dma_wait3A_144] : memref<10240x128xf32, #tpu.memory_space<vmem_shared>> -> memref<10240x128xf32, #tpu.memory_space<vmem_shared>>
          tpu.wait_indirect_dma semaphore(%run_scoped3A_125 : memref<!tpu.dma_semaphore, #tpu.memory_space<semaphore_mem>>) src(%arg9 : memref<128x128xf32, #tpu.memory_space<vmem>>) dst(%dma_wait3A_145 : memref<10240x128xf32, #tpu.memory_space<vmem_shared>>)
          tpu.yield
        }) : () -> ()
        %add3A_94 = arith.constant 2 : i32
        %add3A_95 = arith.addi %add3A_72, %add3A_94 : i32
        %lt3A_96 = arith.constant 8 : i32
        %lt3A_97 = arith.cmpi slt, %add3A_95, %lt3A_96 : i32
        %convert_element_type3A_98 = arith.extui %lt3A_97 : i1 to i32
        %cond3A_99 = arith.constant 0 : i32
        %cond3A_100 = arith.cmpi ne, %convert_element_type3A_98, %cond3A_99 : i32
        scf.if %cond3A_100 {
          %add3A_125 = arith.constant 2 : i32
          %add3A_126 = arith.addi %add3A_72, %add3A_125 : i32
          %dma_start3A_127 = arith.constant 0 : i32
          %dma_start3A_128 = arith.constant 0 : i32
          %dma_start3A_129 = tpu.memref_slice %arg7[%scan3A_60, %dma_start3A_127, %dma_start3A_128] : memref<2x8x128xi32, #tpu.memory_space<vmem>> -> memref<1x8x128xi32, #tpu.memory_space<vmem>>
          %dma_start3A_130 = tpu.memref_squeeze %dma_start3A_129 : memref<1x8x128xi32, #tpu.memory_space<vmem>> -> memref<8x128xi32, #tpu.memory_space<vmem>>
          %dma_start3A_131 = arith.constant 0 : i32
          %dma_start3A_132 = tpu.memref_slice %dma_start3A_130[%add3A_126, %dma_start3A_131] : memref<8x128xi32, #tpu.memory_space<vmem>> -> memref<1x128xi32, #tpu.memory_space<vmem>>
          %dma_start3A_133 = tpu.memref_squeeze %dma_start3A_132 : memref<1x128xi32, #tpu.memory_space<vmem>> -> memref<128xi32, #tpu.memory_space<vmem>>
          %dma_start3A_134 = arith.constant 0 : i32
          %dma_start3A_135 = arith.constant 0 : i32
          %dma_start3A_136 = tpu.memref_slice %arg2[%dma_start3A_134, %dma_start3A_135] : memref<10240x128xf32, #tpu.memory_space<hbm>> -> memref<10240x128xf32, #tpu.memory_space<hbm>>
          tpu.enqueue_indirect_dma source(%dma_start3A_136 : memref<10240x128xf32, #tpu.memory_space<hbm>>) target(%arg9 : memref<128x128xf32, #tpu.memory_space<vmem>>) offsets(%dma_start3A_133 : memref<128xi32, #tpu.memory_space<vmem>>) semaphore(%arg11 : memref<!tpu.dma_semaphore, #tpu.memory_space<semaphore_mem>>)
        } else {
        }
        %add3A_101 = arith.constant 2 : i32
        %add3A_102 = arith.addi %add3A_72, %add3A_101 : i32
        %ge3A = arith.constant 8 : i32
        %ge3A_103 = arith.cmpi sge, %add3A_102, %ge3A : i32
        %add3A_104 = arith.constant 1 : i32
        %add3A_105 = arith.addi %add3A_52, %add3A_104 : i32
        %lt3A_106 = arith.constant 10 : i32
        %lt3A_107 = arith.cmpi slt, %add3A_105, %lt3A_106 : i32
        %and3A = arith.andi %ge3A_103, %lt3A_107 : i1
        %convert_element_type3A_108 = arith.extui %and3A : i1 to i32
        %cond3A_109 = arith.constant 0 : i32
        %cond3A_110 = arith.cmpi ne, %convert_element_type3A_108, %cond3A_109 : i32
        scf.if %cond3A_110 {
          %add3A_125 = arith.addi %mul3A_11, %add3A_52 : i32
          %add3A_126 = arith.constant 1 : i32
          %add3A_127 = arith.addi %add3A_125, %add3A_126 : i32
          %dma_wait3A_128 = arith.constant 0 : i32
          %dma_wait3A_129 = arith.constant 0 : i32
          %dma_wait3A_130 = arith.constant 0 : i32
          %dma_wait3A_131 = tpu.memref_slice %arg7[%dma_wait3A_128, %dma_wait3A_129, %dma_wait3A_130] : memref<2x8x128xi32, #tpu.memory_space<vmem>> -> memref<1x8x128xi32, #tpu.memory_space<vmem>>
          %dma_wait3A_132 = tpu.memref_squeeze %dma_wait3A_131 : memref<1x8x128xi32, #tpu.memory_space<vmem>> -> memref<8x128xi32, #tpu.memory_space<vmem>>
          %dma_wait3A_133 = arith.constant 0 : i32
          %dma_wait3A_134 = arith.constant 0 : i32
          %dma_wait3A_135 = tpu.memref_slice %arg3[%add3A_127, %dma_wait3A_133, %dma_wait3A_134] : memref<320x8x128xi32, #tpu.memory_space<hbm>> -> memref<1x8x128xi32, #tpu.memory_space<hbm>>
          %dma_wait3A_136 = tpu.memref_squeeze %dma_wait3A_135 : memref<1x8x128xi32, #tpu.memory_space<hbm>> -> memref<8x128xi32, #tpu.memory_space<hbm>>
          %dma_wait3A_137 = arith.constant 0 : i32
          %dma_wait3A_138 = arith.constant 0 : i32
          %dma_wait3A_139 = tpu.memref_slice %arg7[%dma_wait3A_128, %dma_wait3A_137, %dma_wait3A_138] : memref<2x8x128xi32, #tpu.memory_space<vmem>> -> memref<1x8x128xi32, #tpu.memory_space<vmem>>
          %dma_wait3A_140 = tpu.memref_squeeze %dma_wait3A_139 : memref<1x8x128xi32, #tpu.memory_space<vmem>> -> memref<8x128xi32, #tpu.memory_space<vmem>>
          %dma_wait3A_141 = arith.constant 0 : i32
          %dma_wait3A_142 = arith.constant 0 : i32
          %dma_wait3A_143 = tpu.memref_slice %arg3[%add3A_127, %dma_wait3A_141, %dma_wait3A_142] : memref<320x8x128xi32, #tpu.memory_space<hbm>> -> memref<1x8x128xi32, #tpu.memory_space<hbm>>
          %dma_wait3A_144 = tpu.memref_squeeze %dma_wait3A_143 : memref<1x8x128xi32, #tpu.memory_space<hbm>> -> memref<8x128xi32, #tpu.memory_space<hbm>>
          tpu.wait_dma2 semaphore(%arg13 : memref<!tpu.dma_semaphore, #tpu.memory_space<semaphore_mem>>) src(%dma_wait3A_144 : memref<8x128xi32, #tpu.memory_space<hbm>>) dst(%dma_wait3A_140 : memref<8x128xi32, #tpu.memory_space<vmem>>)
          %add3A_145 = arith.addi %mul3A_11, %add3A_52 : i32
          %add3A_146 = arith.constant 1 : i32
          %add3A_147 = arith.addi %add3A_145, %add3A_146 : i32
          %dma_wait3A_148 = arith.constant 0 : i32
          %dma_wait3A_149 = arith.constant 0 : i32
          %dma_wait3A_150 = arith.constant 0 : i32
          %dma_wait3A_151 = tpu.memref_slice %arg8[%dma_wait3A_148, %dma_wait3A_149, %dma_wait3A_150] : memref<2x8x128xi32, #tpu.memory_space<vmem>> -> memref<1x8x128xi32, #tpu.memory_space<vmem>>
          %dma_wait3A_152 = tpu.memref_squeeze %dma_wait3A_151 : memref<1x8x128xi32, #tpu.memory_space<vmem>> -> memref<8x128xi32, #tpu.memory_space<vmem>>
          %dma_wait3A_153 = arith.constant 0 : i32
          %dma_wait3A_154 = arith.constant 0 : i32
          %dma_wait3A_155 = tpu.memref_slice %arg4[%add3A_147, %dma_wait3A_153, %dma_wait3A_154] : memref<320x8x128xi32, #tpu.memory_space<hbm>> -> memref<1x8x128xi32, #tpu.memory_space<hbm>>
          %dma_wait3A_156 = tpu.memref_squeeze %dma_wait3A_155 : memref<1x8x128xi32, #tpu.memory_space<hbm>> -> memref<8x128xi32, #tpu.memory_space<hbm>>
          %dma_wait3A_157 = arith.constant 0 : i32
          %dma_wait3A_158 = arith.constant 0 : i32
          %dma_wait3A_159 = tpu.memref_slice %arg8[%dma_wait3A_148, %dma_wait3A_157, %dma_wait3A_158] : memref<2x8x128xi32, #tpu.memory_space<vmem>> -> memref<1x8x128xi32, #tpu.memory_space<vmem>>
          %dma_wait3A_160 = tpu.memref_squeeze %dma_wait3A_159 : memref<1x8x128xi32, #tpu.memory_space<vmem>> -> memref<8x128xi32, #tpu.memory_space<vmem>>
          %dma_wait3A_161 = arith.constant 0 : i32
          %dma_wait3A_162 = arith.constant 0 : i32
          %dma_wait3A_163 = tpu.memref_slice %arg4[%add3A_147, %dma_wait3A_161, %dma_wait3A_162] : memref<320x8x128xi32, #tpu.memory_space<hbm>> -> memref<1x8x128xi32, #tpu.memory_space<hbm>>
          %dma_wait3A_164 = tpu.memref_squeeze %dma_wait3A_163 : memref<1x8x128xi32, #tpu.memory_space<hbm>> -> memref<8x128xi32, #tpu.memory_space<hbm>>
          tpu.wait_dma2 semaphore(%arg13 : memref<!tpu.dma_semaphore, #tpu.memory_space<semaphore_mem>>) src(%dma_wait3A_164 : memref<8x128xi32, #tpu.memory_space<hbm>>) dst(%dma_wait3A_160 : memref<8x128xi32, #tpu.memory_space<vmem>>)
          %dma_start3A_165 = arith.constant 0 : i32
          %dma_start3A_166 = arith.constant 0 : i32
          %dma_start3A_167 = arith.constant 0 : i32
          %dma_start3A_168 = tpu.memref_slice %arg7[%scan3A_62, %dma_start3A_166, %dma_start3A_167] : memref<2x8x128xi32, #tpu.memory_space<vmem>> -> memref<1x8x128xi32, #tpu.memory_space<vmem>>
          %dma_start3A_169 = tpu.memref_squeeze %dma_start3A_168 : memref<1x8x128xi32, #tpu.memory_space<vmem>> -> memref<8x128xi32, #tpu.memory_space<vmem>>
          %dma_start3A_170 = arith.constant 0 : i32
          %dma_start3A_171 = tpu.memref_slice %dma_start3A_169[%dma_start3A_165, %dma_start3A_170] : memref<8x128xi32, #tpu.memory_space<vmem>> -> memref<1x128xi32, #tpu.memory_space<vmem>>
          %dma_start3A_172 = tpu.memref_squeeze %dma_start3A_171 : memref<1x128xi32, #tpu.memory_space<vmem>> -> memref<128xi32, #tpu.memory_space<vmem>>
          %dma_start3A_173 = arith.constant 0 : i32
          %dma_start3A_174 = arith.constant 0 : i32
          %dma_start3A_175 = tpu.memref_slice %arg2[%dma_start3A_173, %dma_start3A_174] : memref<10240x128xf32, #tpu.memory_space<hbm>> -> memref<10240x128xf32, #tpu.memory_space<hbm>>
          tpu.enqueue_indirect_dma source(%dma_start3A_175 : memref<10240x128xf32, #tpu.memory_space<hbm>>) target(%arg9 : memref<128x128xf32, #tpu.memory_space<vmem>>) offsets(%dma_start3A_172 : memref<128xi32, #tpu.memory_space<vmem>>) semaphore(%arg11 : memref<!tpu.dma_semaphore, #tpu.memory_space<semaphore_mem>>)
        } else {
        }
        %add3A_111 = arith.constant 1 : i32
        %add3A_112 = arith.addi %add3A_72, %add3A_111 : i32
        %dma_wait3A_113 = arith.constant 0 : i32
        %dma_wait3A_114 = arith.constant 0 : i32
        %dma_wait3A_115 = tpu.memref_slice %arg7[%scan3A_60, %dma_wait3A_113, %dma_wait3A_114] : memref<2x8x128xi32, #tpu.memory_space<vmem>> -> memref<1x8x128xi32, #tpu.memory_space<vmem>>
        %dma_wait3A_116 = tpu.memref_squeeze %dma_wait3A_115 : memref<1x8x128xi32, #tpu.memory_space<vmem>> -> memref<8x128xi32, #tpu.memory_space<vmem>>
        %dma_wait3A_117 = arith.constant 0 : i32
        %dma_wait3A_118 = tpu.memref_slice %dma_wait3A_116[%add3A_112, %dma_wait3A_117] : memref<8x128xi32, #tpu.memory_space<vmem>> -> memref<1x128xi32, #tpu.memory_space<vmem>>
        %dma_wait3A_119 = tpu.memref_squeeze %dma_wait3A_118 : memref<1x128xi32, #tpu.memory_space<vmem>> -> memref<128xi32, #tpu.memory_space<vmem>>
        %dma_wait3A_120 = arith.constant 0 : i32
        %dma_wait3A_121 = arith.constant 0 : i32
        %dma_wait3A_122 = tpu.memref_slice %arg2[%dma_wait3A_120, %dma_wait3A_121] : memref<10240x128xf32, #tpu.memory_space<hbm>> -> memref<10240x128xf32, #tpu.memory_space<hbm>>
        tpu.wait_indirect_dma semaphore(%arg12 : memref<!tpu.dma_semaphore, #tpu.memory_space<semaphore_mem>>) src(%dma_wait3A_122 : memref<10240x128xf32, #tpu.memory_space<hbm>>) dst(%arg10 : memref<128x128xf32, #tpu.memory_space<vmem>>)
        %add3A_123 = arith.constant 1 : i32
        %add3A_124 = arith.addi %add3A_72, %add3A_123 : i32
        "tpu.region"() ({
          %run_scoped3A_125 = tpu.sem_alloc : memref<!tpu.dma_semaphore, #tpu.memory_space<semaphore_mem>>
          %dma_start3A_126 = arith.constant 0 : i32
          %dma_start3A_127 = arith.constant 0 : i32
          %dma_start3A_128 = tpu.memref_slice %arg8[%scan3A_61, %dma_start3A_126, %dma_start3A_127] : memref<2x8x128xi32, #tpu.memory_space<vmem>> -> memref<1x8x128xi32, #tpu.memory_space<vmem>>
          %dma_start3A_129 = tpu.memref_squeeze %dma_start3A_128 : memref<1x8x128xi32, #tpu.memory_space<vmem>> -> memref<8x128xi32, #tpu.memory_space<vmem>>
          %dma_start3A_130 = arith.constant 0 : i32
          %dma_start3A_131 = tpu.memref_slice %dma_start3A_129[%add3A_124, %dma_start3A_130] : memref<8x128xi32, #tpu.memory_space<vmem>> -> memref<1x128xi32, #tpu.memory_space<vmem>>
          %dma_start3A_132 = tpu.memref_squeeze %dma_start3A_131 : memref<1x128xi32, #tpu.memory_space<vmem>> -> memref<128xi32, #tpu.memory_space<vmem>>
          %dma_start3A_133 = arith.constant 0 : i32
          %dma_start3A_134 = arith.constant 0 : i32
          %dma_start3A_135 = tpu.memref_slice %arg6[%dma_start3A_133, %dma_start3A_134] : memref<10240x128xf32, #tpu.memory_space<vmem_shared>> -> memref<10240x128xf32, #tpu.memory_space<vmem_shared>>
          tpu.enqueue_indirect_dma source(%arg10 : memref<128x128xf32, #tpu.memory_space<vmem>>) target(%dma_start3A_135 : memref<10240x128xf32, #tpu.memory_space<vmem_shared>>) offsets(%dma_start3A_132 : memref<128xi32, #tpu.memory_space<vmem>>) semaphore(%run_scoped3A_125 : memref<!tpu.dma_semaphore, #tpu.memory_space<semaphore_mem>>) {add = true}
          %dma_wait3A_136 = arith.constant 0 : i32
          %dma_wait3A_137 = arith.constant 0 : i32
          %dma_wait3A_138 = tpu.memref_slice %arg8[%scan3A_61, %dma_wait3A_136, %dma_wait3A_137] : memref<2x8x128xi32, #tpu.memory_space<vmem>> -> memref<1x8x128xi32, #tpu.memory_space<vmem>>
          %dma_wait3A_139 = tpu.memref_squeeze %dma_wait3A_138 : memref<1x8x128xi32, #tpu.memory_space<vmem>> -> memref<8x128xi32, #tpu.memory_space<vmem>>
          %dma_wait3A_140 = arith.constant 0 : i32
          %dma_wait3A_141 = tpu.memref_slice %dma_wait3A_139[%add3A_124, %dma_wait3A_140] : memref<8x128xi32, #tpu.memory_space<vmem>> -> memref<1x128xi32, #tpu.memory_space<vmem>>
          %dma_wait3A_142 = tpu.memref_squeeze %dma_wait3A_141 : memref<1x128xi32, #tpu.memory_space<vmem>> -> memref<128xi32, #tpu.memory_space<vmem>>
          %dma_wait3A_143 = arith.constant 0 : i32
          %dma_wait3A_144 = arith.constant 0 : i32
          %dma_wait3A_145 = tpu.memref_slice %arg6[%dma_wait3A_143, %dma_wait3A_144] : memref<10240x128xf32, #tpu.memory_space<vmem_shared>> -> memref<10240x128xf32, #tpu.memory_space<vmem_shared>>
          tpu.wait_indirect_dma semaphore(%run_scoped3A_125 : memref<!tpu.dma_semaphore, #tpu.memory_space<semaphore_mem>>) src(%arg10 : memref<128x128xf32, #tpu.memory_space<vmem>>) dst(%dma_wait3A_145 : memref<10240x128xf32, #tpu.memory_space<vmem_shared>>)
          tpu.yield
        }) : () -> ()
      }
      %scan3A_67 = arith.constant 4 : i32
    }
    %scan3A_28 = arith.constant 5 : i32
    %barrier3A_29 = arith.constant 0 : index
    tpu.barrier barrier_id(%barrier3A_29)
    %mul3A_30 = arith.constant 640 : i32
    %mul3A_31 = arith.muli %arg1, %mul3A_30 : i32
    %mul3A_32 = arith.constant 640 : i32
    %mul3A_33 = arith.muli %arg1, %mul3A_32 : i32
    "tpu.region"() ({
      %run_scoped3A_34 = tpu.sem_alloc : memref<!tpu.dma_semaphore, #tpu.memory_space<semaphore_mem>>
      %dma_start3A_35 = arith.constant 0 : i32
      %dma_start3A_36 = tpu.memref_slice %arg5[%arg0, %mul3A_33, %dma_start3A_35] : memref<2x10240x128xf32, #tpu.memory_space<hbm>> -> memref<1x640x128xf32, #tpu.memory_space<hbm>>
      %dma_start3A_37 = tpu.memref_squeeze %dma_start3A_36 : memref<1x640x128xf32, #tpu.memory_space<hbm>> -> memref<640x128xf32, #tpu.memory_space<hbm>>
      %dma_start3A_38 = arith.constant 0 : i32
      %dma_start3A_39 = tpu.memref_slice %arg6[%mul3A_31, %dma_start3A_38] : memref<10240x128xf32, #tpu.memory_space<vmem_shared>> -> memref<640x128xf32, #tpu.memory_space<vmem_shared>>
      tpu.enqueue_dma source(%dma_start3A_39 : memref<640x128xf32, #tpu.memory_space<vmem_shared>>) target(%dma_start3A_37 : memref<640x128xf32, #tpu.memory_space<hbm>>) target_semaphore(%run_scoped3A_34 : memref<!tpu.dma_semaphore, #tpu.memory_space<semaphore_mem>>)
      %dma_wait3A = arith.constant 0 : i32
      %dma_wait3A_40 = tpu.memref_slice %arg5[%arg0, %mul3A_33, %dma_wait3A] : memref<2x10240x128xf32, #tpu.memory_space<hbm>> -> memref<1x640x128xf32, #tpu.memory_space<hbm>>
      %dma_wait3A_41 = tpu.memref_squeeze %dma_wait3A_40 : memref<1x640x128xf32, #tpu.memory_space<hbm>> -> memref<640x128xf32, #tpu.memory_space<hbm>>
      %dma_wait3A_42 = arith.constant 0 : i32
      %dma_wait3A_43 = tpu.memref_slice %arg6[%mul3A_31, %dma_wait3A_42] : memref<10240x128xf32, #tpu.memory_space<vmem_shared>> -> memref<640x128xf32, #tpu.memory_space<vmem_shared>>
      tpu.wait_dma2 semaphore(%run_scoped3A_34 : memref<!tpu.dma_semaphore, #tpu.memory_space<semaphore_mem>>) src(%dma_wait3A_43 : memref<640x128xf32, #tpu.memory_space<vmem_shared>>) dst(%dma_wait3A_41 : memref<640x128xf32, #tpu.memory_space<hbm>>)
      tpu.yield
    }) : () -> ()
    return
  }
}

module attributes {stable_mosaic.version = 14 : i64} {
  func.func @body(%arg0: i32, %arg1: memref<5120x128xf32, #tpu.memory_space<vmem>>, %arg2: memref<128x128xf32, #tpu.memory_space<vmem>>, %arg3: memref<5120x128xf32, #tpu.memory_space<vmem>>) attributes {dimension_semantics = [#tpu.dimension_semantics<arbitrary>], iteration_bounds = array<i64: 2>, scalar_prefetch = 0 : i64, scratch_operands = 0 : i64, tpu.core_type = #tpu.core_type<tc>, window_params = [{transform_indices = @transform_0, window_bounds = array<i64: 5120, 128>}, {pipeline_mode = #tpu.pipeline_mode<synchronous>, transform_indices = @transform_1, window_bounds = array<i64: 128, 128>}, {transform_indices = @transform_2, window_bounds = array<i64: 5120, 128>}]} {
    %get3A = arith.constant 0 : index
    %get3A_0 = arith.constant 0 : index
    %get3A_1 = vector.load %arg1[%get3A, %get3A_0] : memref<5120x128xf32, #tpu.memory_space<vmem>>, vector<5120x128xf32>
    %get3A_2 = arith.constant 0 : index
    %get3A_3 = arith.constant 0 : index
    %get3A_4 = vector.load %arg2[%get3A_2, %get3A_3] : memref<128x128xf32, #tpu.memory_space<vmem>>, vector<128x128xf32>
    %dot_general3A = arith.constant dense<0.000000e+00> : vector<5120x128xf32>
    %dot_general3A_5 = tpu.matmul %get3A_1, %get3A_4, %dot_general3A {dimension_numbers = #tpu.dot_dimension_numbers<[1], [1], [0], [0], [0, 0, 1, 0], [], []>, transpose_lhs_hint = false} : vector<5120x128xf32>, vector<128x128xf32>, vector<5120x128xf32> -> vector<5120x128xf32>
    %swap3A = arith.constant 0 : index
    %swap3A_6 = arith.constant 0 : index
    %swap3A_7 = vector.load %arg3[%swap3A, %swap3A_6] : memref<5120x128xf32, #tpu.memory_space<vmem>>, vector<5120x128xf32>
    tpu.vector_store %arg3[%swap3A, %swap3A_6], %dot_general3A_5 {strides = array<i32>} : memref<5120x128xf32, #tpu.memory_space<vmem>>, vector<5120x128xf32>,
    return
  }
  func.func @transform_0(%arg0: i32) -> (i32, i32) {
    %c0_i32 = arith.constant 0 : i32
    %c0_i32_0 = arith.constant 0 : i32
    return %arg0, %c0_i32 : i32, i32
  }
  func.func @transform_1(%arg0: i32) -> (i32, i32) {
    %c0_i32 = arith.constant 0 : i32
    %c0_i32_0 = arith.constant 0 : i32
    %c0_i32_1 = arith.constant 0 : i32
    return %c0_i32, %c0_i32_0 : i32, i32
  }
  func.func @transform_2(%arg0: i32) -> (i32, i32) {
    %c0_i32 = arith.constant 0 : i32
    %c0_i32_0 = arith.constant 0 : i32
    return %arg0, %c0_i32 : i32, i32
  }
}

module attributes {stable_mosaic.version = 14 : i64} {
  func.func @body(%arg0: i32, %arg1: memref<5120x128xf32, #tpu.memory_space<vmem>>, %arg2: memref<5120x2xf32, #tpu.memory_space<vmem>>, %arg3: memref<5120x128xf32, #tpu.memory_space<vmem>>) attributes {dimension_semantics = [#tpu.dimension_semantics<arbitrary>], iteration_bounds = array<i64: 2>, scalar_prefetch = 0 : i64, scratch_operands = 0 : i64, tpu.core_type = #tpu.core_type<tc>, window_params = [{transform_indices = @transform_0, window_bounds = array<i64: 5120, 128>}, {transform_indices = @transform_1, window_bounds = array<i64: 5120, 2>}, {transform_indices = @transform_2, window_bounds = array<i64: 5120, 128>}]} {
    %get3A = arith.constant 0 : index
    %get3A_0 = arith.constant 0 : index
    %get3A_1 = vector.load %arg1[%get3A, %get3A_0] : memref<5120x128xf32, #tpu.memory_space<vmem>>, vector<5120x128xf32>
    %get3A_2 = arith.constant 0 : index
    %get3A_3 = arith.constant 0 : index
    %get3A_4 = vector.load %arg2[%get3A_2, %get3A_3] : memref<5120x2xf32, #tpu.memory_space<vmem>>, vector<5120x2xf32>
    %reduce_sum3A = arith.constant dense<0.000000e+00> : vector<5120xf32>
    %reduce_sum3A_5 = vector.multi_reduction <add>, %get3A_4, %reduce_sum3A [1] : vector<5120x2xf32> to vector<5120xf32>
    %broadcast_in_dim3A = vector.shape_cast %reduce_sum3A_5 : vector<5120xf32> to vector<5120x1xf32>
    %add3A = arith.constant 1.000000e+00 : f32
    %add3A_6 = vector.broadcast %add3A : f32 to vector<5120x1xf32>
    %add3A_7 = arith.addf %broadcast_in_dim3A, %add3A_6 : vector<5120x1xf32>
    %rsqrt3A = math.rsqrt %add3A_7 : vector<5120x1xf32>
    %mul3A = vector.broadcast %rsqrt3A : vector<5120x1xf32> to vector<5120x128xf32>
    %mul3A_8 = arith.mulf %get3A_1, %mul3A : vector<5120x128xf32>
    %swap3A = arith.constant 0 : index
    %swap3A_9 = arith.constant 0 : index
    %swap3A_10 = vector.load %arg3[%swap3A, %swap3A_9] : memref<5120x128xf32, #tpu.memory_space<vmem>>, vector<5120x128xf32>
    tpu.vector_store %arg3[%swap3A, %swap3A_9], %mul3A_8 {strides = array<i32>} : memref<5120x128xf32, #tpu.memory_space<vmem>>, vector<5120x128xf32>,
    return
  }
  func.func @transform_0(%arg0: i32) -> (i32, i32) {
    %c0_i32 = arith.constant 0 : i32
    %c0_i32_0 = arith.constant 0 : i32
    return %arg0, %c0_i32 : i32, i32
  }
  func.func @transform_1(%arg0: i32) -> (i32, i32) {
    %c0_i32 = arith.constant 0 : i32
    %c0_i32_0 = arith.constant 0 : i32
    return %arg0, %c0_i32 : i32, i32
  }
  func.func @transform_2(%arg0: i32) -> (i32, i32) {
    %c0_i32 = arith.constant 0 : i32
    %c0_i32_0 = arith.constant 0 : i32
    return %arg0, %c0_i32 : i32, i32
  }
}

module attributes {stable_mosaic.version = 14 : i64} {
  func.func @body(%arg0: i32, %arg1: memref<2x5120x128xf32, #tpu.memory_space<vmem>>, %arg2: memref<5120x128xf32, #tpu.memory_space<vmem>>, %arg3: memref<5120x2xf32, #tpu.memory_space<vmem>>, %arg4: memref<5120x128xf32, #tpu.memory_space<vmem>>) attributes {dimension_semantics = [#tpu.dimension_semantics<arbitrary>], iteration_bounds = array<i64: 2>, scalar_prefetch = 0 : i64, scratch_operands = 0 : i64, tpu.core_type = #tpu.core_type<tc>, window_params = [{transform_indices = @transform_0, window_bounds = array<i64: 2, 5120, 128>}, {transform_indices = @transform_1, window_bounds = array<i64: 5120, 128>}, {transform_indices = @transform_2, window_bounds = array<i64: 5120, 2>}, {transform_indices = @transform_3, window_bounds = array<i64: 5120, 128>}]} {
    %get3A = arith.constant 0 : index
    %get3A_0 = arith.constant 0 : index
    %get3A_1 = arith.constant 0 : index
    %get3A_2 = vector.load %arg1[%get3A, %get3A_0, %get3A_1] : memref<2x5120x128xf32, #tpu.memory_space<vmem>>, vector<1x5120x128xf32>
    %get3A_3 = vector.shape_cast %get3A_2 : vector<1x5120x128xf32> to vector<5120x128xf32>
    %get3A_4 = arith.constant 1 : index
    %get3A_5 = arith.constant 0 : index
    %get3A_6 = arith.constant 0 : index
    %get3A_7 = vector.load %arg1[%get3A_4, %get3A_5, %get3A_6] : memref<2x5120x128xf32, #tpu.memory_space<vmem>>, vector<1x5120x128xf32>
    %get3A_8 = vector.shape_cast %get3A_7 : vector<1x5120x128xf32> to vector<5120x128xf32>
    %add3A = arith.addf %get3A_3, %get3A_8 : vector<5120x128xf32>
    %get3A_9 = arith.constant 0 : index
    %get3A_10 = arith.constant 0 : index
    %get3A_11 = vector.load %arg2[%get3A_9, %get3A_10] : memref<5120x128xf32, #tpu.memory_space<vmem>>, vector<5120x128xf32>
    %add3A_12 = arith.addf %add3A, %get3A_11 : vector<5120x128xf32>
    %get3A_13 = arith.constant 0 : index
    %get3A_14 = arith.constant 0 : index
    %get3A_15 = vector.load %arg3[%get3A_13, %get3A_14] : memref<5120x2xf32, #tpu.memory_space<vmem>>, vector<5120x2xf32>
    %reduce_sum3A = arith.constant dense<0.000000e+00> : vector<5120xf32>
    %reduce_sum3A_16 = vector.multi_reduction <add>, %get3A_15, %reduce_sum3A [1] : vector<5120x2xf32> to vector<5120xf32>
    %broadcast_in_dim3A = vector.shape_cast %reduce_sum3A_16 : vector<5120xf32> to vector<5120x1xf32>
    %add3A_17 = arith.constant 1.000000e+00 : f32
    %add3A_18 = vector.broadcast %add3A_17 : f32 to vector<5120x1xf32>
    %add3A_19 = arith.addf %broadcast_in_dim3A, %add3A_18 : vector<5120x1xf32>
    %div3A = vector.broadcast %add3A_19 : vector<5120x1xf32> to vector<5120x128xf32>
    %div3A_20 = arith.divf %add3A_12, %div3A : vector<5120x128xf32>
    %swap3A = arith.constant 0 : index
    %swap3A_21 = arith.constant 0 : index
    %swap3A_22 = vector.load %arg4[%swap3A, %swap3A_21] : memref<5120x128xf32, #tpu.memory_space<vmem>>, vector<5120x128xf32>
    tpu.vector_store %arg4[%swap3A, %swap3A_21], %div3A_20 {strides = array<i32>} : memref<5120x128xf32, #tpu.memory_space<vmem>>, vector<5120x128xf32>,
    return
  }
  func.func @transform_0(%arg0: i32) -> (i32, i32, i32) {
    %c0_i32 = arith.constant 0 : i32
    %c0_i32_0 = arith.constant 0 : i32
    %c0_i32_1 = arith.constant 0 : i32
    return %c0_i32, %arg0, %c0_i32_0 : i32, i32, i32
  }
  func.func @transform_1(%arg0: i32) -> (i32, i32) {
    %c0_i32 = arith.constant 0 : i32
    %c0_i32_0 = arith.constant 0 : i32
    return %arg0, %c0_i32 : i32, i32
  }
  func.func @transform_2(%arg0: i32) -> (i32, i32) {
    %c0_i32 = arith.constant 0 : i32
    %c0_i32_0 = arith.constant 0 : i32
    return %arg0, %c0_i32 : i32, i32
  }
  func.func @transform_3(%arg0: i32) -> (i32, i32) {
    %c0_i32 = arith.constant 0 : i32
    %c0_i32_0 = arith.constant 0 : i32
    return %arg0, %c0_i32 : i32, i32
  }
}

module attributes {stable_mosaic.version = 14 : i64} {
  func.func @body(%arg0: i32, %arg1: memref<2x5120x128xf32, #tpu.memory_space<vmem>>, %arg2: memref<5120x128xf32, #tpu.memory_space<vmem>>, %arg3: memref<5120x2xf32, #tpu.memory_space<vmem>>, %arg4: memref<1x128xf32, #tpu.memory_space<vmem>>, %arg5: memref<5120x128xf32, #tpu.memory_space<vmem>>) attributes {dimension_semantics = [#tpu.dimension_semantics<arbitrary>], iteration_bounds = array<i64: 2>, scalar_prefetch = 0 : i64, scratch_operands = 0 : i64, tpu.core_type = #tpu.core_type<tc>, window_params = [{transform_indices = @transform_0, window_bounds = array<i64: 2, 5120, 128>}, {transform_indices = @transform_1, window_bounds = array<i64: 5120, 128>}, {transform_indices = @transform_2, window_bounds = array<i64: 5120, 2>}, {pipeline_mode = #tpu.pipeline_mode<synchronous>, transform_indices = @transform_3, window_bounds = array<i64: 1, 128>}, {transform_indices = @transform_4, window_bounds = array<i64: 5120, 128>}]} {
    %get3A = arith.constant 0 : index
    %get3A_0 = arith.constant 0 : index
    %get3A_1 = arith.constant 0 : index
    %get3A_2 = vector.load %arg1[%get3A, %get3A_0, %get3A_1] : memref<2x5120x128xf32, #tpu.memory_space<vmem>>, vector<1x5120x128xf32>
    %get3A_3 = vector.shape_cast %get3A_2 : vector<1x5120x128xf32> to vector<5120x128xf32>
    %get3A_4 = arith.constant 1 : index
    %get3A_5 = arith.constant 0 : index
    %get3A_6 = arith.constant 0 : index
    %get3A_7 = vector.load %arg1[%get3A_4, %get3A_5, %get3A_6] : memref<2x5120x128xf32, #tpu.memory_space<vmem>>, vector<1x5120x128xf32>
    %get3A_8 = vector.shape_cast %get3A_7 : vector<1x5120x128xf32> to vector<5120x128xf32>
    %add3A = arith.addf %get3A_3, %get3A_8 : vector<5120x128xf32>
    %get3A_9 = arith.constant 0 : index
    %get3A_10 = arith.constant 0 : index
    %get3A_11 = vector.load %arg2[%get3A_9, %get3A_10] : memref<5120x128xf32, #tpu.memory_space<vmem>>, vector<5120x128xf32>
    %add3A_12 = arith.addf %add3A, %get3A_11 : vector<5120x128xf32>
    %get3A_13 = arith.constant 0 : index
    %get3A_14 = arith.constant 0 : index
    %get3A_15 = vector.load %arg3[%get3A_13, %get3A_14] : memref<5120x2xf32, #tpu.memory_space<vmem>>, vector<5120x2xf32>
    %reduce_sum3A = arith.constant dense<0.000000e+00> : vector<5120xf32>
    %reduce_sum3A_16 = vector.multi_reduction <add>, %get3A_15, %reduce_sum3A [1] : vector<5120x2xf32> to vector<5120xf32>
    %broadcast_in_dim3A = vector.shape_cast %reduce_sum3A_16 : vector<5120xf32> to vector<5120x1xf32>
    %add3A_17 = arith.constant 1.000000e+00 : f32
    %add3A_18 = vector.broadcast %add3A_17 : f32 to vector<5120x1xf32>
    %add3A_19 = arith.addf %broadcast_in_dim3A, %add3A_18 : vector<5120x1xf32>
    %rsqrt3A = math.rsqrt %add3A_19 : vector<5120x1xf32>
    %mul3A = vector.broadcast %rsqrt3A : vector<5120x1xf32> to vector<5120x128xf32>
    %mul3A_20 = arith.mulf %add3A_12, %mul3A : vector<5120x128xf32>
    %get3A_21 = arith.constant 0 : index
    %get3A_22 = arith.constant 0 : index
    %get3A_23 = vector.load %arg4[%get3A_21, %get3A_22] : memref<1x128xf32, #tpu.memory_space<vmem>>, vector<1x128xf32>
    %add3A_24 = vector.broadcast %get3A_23 : vector<1x128xf32> to vector<5120x128xf32>
    %add3A_25 = arith.addf %mul3A_20, %add3A_24 : vector<5120x128xf32>
    %swap3A = arith.constant 0 : index
    %swap3A_26 = arith.constant 0 : index
    %swap3A_27 = vector.load %arg5[%swap3A, %swap3A_26] : memref<5120x128xf32, #tpu.memory_space<vmem>>, vector<5120x128xf32>
    tpu.vector_store %arg5[%swap3A, %swap3A_26], %add3A_25 {strides = array<i32>} : memref<5120x128xf32, #tpu.memory_space<vmem>>, vector<5120x128xf32>,
    return
  }
  func.func @transform_0(%arg0: i32) -> (i32, i32, i32) {
    %c0_i32 = arith.constant 0 : i32
    %c0_i32_0 = arith.constant 0 : i32
    %c0_i32_1 = arith.constant 0 : i32
    return %c0_i32, %arg0, %c0_i32_0 : i32, i32, i32
  }
  func.func @transform_1(%arg0: i32) -> (i32, i32) {
    %c0_i32 = arith.constant 0 : i32
    %c0_i32_0 = arith.constant 0 : i32
    return %arg0, %c0_i32 : i32, i32
  }
  func.func @transform_2(%arg0: i32) -> (i32, i32) {
    %c0_i32 = arith.constant 0 : i32
    %c0_i32_0 = arith.constant 0 : i32
    return %arg0, %c0_i32 : i32, i32
  }
  func.func @transform_3(%arg0: i32) -> (i32, i32) {
    %c0_i32 = arith.constant 0 : i32
    %c0_i32_0 = arith.constant 0 : i32
    %c0_i32_1 = arith.constant 0 : i32
    return %c0_i32, %c0_i32_0 : i32, i32
  }
  func.func @transform_4(%arg0: i32) -> (i32, i32) {
    %c0_i32 = arith.constant 0 : i32
    %c0_i32_0 = arith.constant 0 : i32
    return %arg0, %c0_i32 : i32, i32
  }
}

</mosaic_0001>

<sc_bundles>
// kernel: kernel.12.cloned.1.call-start
scs
__scs_entry_jumppad:
0x0: {  	(pc) =	sbr.rel $0x88, $3  }
0x1: {  	(tag) =	ssettag $0x0;
	lr =	simm.s32 $0x1  }
0x2: {  	[smem:$0x3F9D] =	sst lr;
	_ =	strace $0xD0000000  }
0x3: {  	_ = 	snop  }
0x4: {  	_ = 	snop  }
0x5: {  	_ = 	snop  }
0x6: {  	_ = 	snop  }
0x7: {  	_ = 	snop  }
__scs_overlays_trampoline_lowered:
0x8: {  	[smem:$0x3FAC] =	sst s0  }
0x9: {  	[smem:$0x3FAD] =	sst s1  }
0xa: {  	[smem:$0x3FAE] =	sst s2  }
0xb: {  	[smem:$0x3FAF] =	sst s3  }
0xc: {  	[smem:$0x3FB0] =	sst s4  }
0xd: {  	[smem:$0x3FB1] =	sst s5  }
0xe: {  	[smem:$0x3FB2] =	sst s6  }
0xf: {  	[smem:$0x3FB3] =	sst s7  }
0x10: {  	[smem:$0x3FB4] =	sst s8  }
0x11: {  	[smem:$0x3FB5] =	sst s9;
	s0 =	simm.s32 @!p0 $0x0  }
0x12: {  	s1 =	sld [smem:$0x3F9B];
	s0 =	simm.s32 @p0 $0x1  }
0x13: {  	[smem:$0x3FB6] =	sst s0;
	s0 =	simm.s32 @!p1 $0x0  }
0x14: {  	s2 =	sld [smem:$0x3F9A];
	s0 =	simm.s32 @p1 $0x1  }
0x15: {  	[smem:$0x3FB7] =	sst s0;
	s0 =	simm.s32 @!p2 $0x0  }
0x16: {  	s3 =	sld [smem:$0x3FDB];
	s0 =	simm.s32 @p2 $0x1  }
0x17: {  	s4 =	simm.s32 $0x1BF5;
	[smem:$0x3FB9] =	sst s0  }
0x18: {  	s0 =	sld [smem:$0x3F9C];
	_ =	swait.ge [sflag:s4], $0x0  }
0x19: {  	s7 =	sld [smem:$0x3F9D]  }
0x1a: {  	s8 =	sadd.s32 $0xFFFFE003, lr  }
0x1b: {  	s9 =	sadd.s32 $0xFFFFFEF7, lr;
	s5 =	simm.s32 $0xFFFFFFFF;
	p2 =	slt.u32 s8, $0xFFFFF086  }
0x1c: {  	p1 =	slt.u32 s9, $0xF7A;
	s5 =	simm.s32 @!p2 $0x0  }
0x1d: {  	s5 =	simm.s32 @p1 $0x1;
	p0 =	seq.s32 s7, s2  }
0x1e: {  	s7 =	smul.u32 @!p0 $0xF7A, s2;
	p2 =	seq.s32 @!p0 s5, $0x0  }
0x1f: {  	s9 =	smul.u32 $0xF7A, s1;
	s8 =	simm.s32 @!p0 $0x1BF5;
	p2 =	por !p2, p0  }
0x20: {  	[sflag:s8] =	ssyncset.s32 @!p0 $0xFFFFF086;
	s6 =	sadd.s32 @!p0 s3, s7;
	s7 =	simm.s32 @!p0 $0x108  }
0x21: {  	s3 =	sadd.s32 s3, s9;
	s6 =	sadd.s32 @!p0 $0x88, s6;
	s7 =	simm.s32 @p2 $0x1082  }
0x22: {  	[simem:s7], [sflag:s8] =	dma.local @!p0 [hbm:s6], $0xF7A  }
0x23: {  	s9 =	sor.u32 $0xD0000000, s2;
	s6 =	simm.s32 $0x108;
	_ =	swait.ge @!p0 [sflag:s8], $0x0  }
0x24: {  	s3 =	sadd.s32 $0x88, s3;
	s6 =	simm.s32 @!p1 $0x1082;
	[sflag:s4] =	ssyncset.s32 $0xFFFFF086  }
0x25: {  	[simem:s6], [sflag:s4] =	dma.local [hbm:s3], $0xF7A  }
0x26: {  	[smem:$0x3F9D] =	sst s1;
	(tag) =	ssettag s2;
	_ =	strace s9  }
0x27: {  	s1 =	sld [smem:$0x3FAD]  }
0x28: {  	s2 =	sld [smem:$0x3FAE]  }
0x29: {  	s4 =	sld [smem:$0x3FB0]  }
0x2a: {  	p0 =	seq.s32 s5, $0x0;
	s5 =	sld [smem:$0x3FB1]  }
0x2b: {  	s6 =	sld [smem:$0x3FB2]  }
0x2c: {  	s7 =	sld [smem:$0x3FB3]  }
0x2d: {  	s3 =	simm.s32 $0x108;
	s8 =	sld [smem:$0x3FB4]  }
0x2e: {  	s3 =	simm.s32 @!p0 $0x1082;
	s9 =	sld [smem:$0x3FB5]  }
0x2f: {  	lr =	sadd.s32 s0, s3;
	s0 =	sld [smem:$0x3FAC]  }
0x30: {  	s3 =	sld [smem:$0x3FAF]  }
0x31: {  	[smem:$0x3FB8] =	sst s10  }
0x32: {  	s10 =	sld [smem:$0x3FB6];
	_ =	sdelay $0x3  }
0x33: {  	p0 =	seq.s32 s10, $0x1;
	s10 =	sld [smem:$0x3FB8];
	_ =	sdelay $0x3  }
0x34: {  	[smem:$0x3FB8] =	sst s10  }
0x35: {  	s10 =	sld [smem:$0x3FB7];
	_ =	sdelay $0x3  }
0x36: {  	p1 =	seq.s32 s10, $0x1;
	s10 =	sld [smem:$0x3FB8];
	_ =	sdelay $0x3  }
0x37: {  	[smem:$0x3FB8] =	sst s10  }
0x38: {  	s10 =	sld [smem:$0x3FB9]  }
0x39: {  	_ = 	snop;
	(pc) =	sbr.ind lr, $3  }
0x3a: {  	_ = 	snop  }
0x3b: {  	_ = 	snop  }
0x3c: {  	p2 =	seq.s32 s10, $0x1;
	s10 =	sld [smem:$0x3FB8]  }
0x3d: {  	_ =	shalt  }
0x3e: {  	_ =	shalt  }
0x3f: {  	_ =	shalt  }
0x40: {  	_ =	shalt  }
0x41: {  	_ =	shalt  }
0x42: {  	_ =	shalt  }
0x43: {  	_ =	shalt  }
0x44: {  	_ =	shalt  }
0x45: {  	_ =	shalt  }
0x46: {  	_ =	shalt  }
0x47: {  	_ =	shalt  }
0x48: {  	_ =	shalt  }
0x49: {  	_ =	shalt  }
0x4a: {  	_ =	shalt  }
0x4b: {  	_ =	shalt  }
0x4c: {  	_ =	shalt  }
0x4d: {  	_ =	shalt  }
0x4e: {  	_ =	shalt  }
0x4f: {  	_ =	shalt  }
0x50: {  	_ =	shalt  }
0x51: {  	_ =	shalt  }
0x52: {  	_ =	shalt  }
0x53: {  	_ =	shalt  }
0x54: {  	_ =	shalt  }
0x55: {  	_ =	shalt  }
0x56: {  	_ =	shalt  }
0x57: {  	_ =	shalt  }
0x58: {  	_ =	shalt  }
0x59: {  	_ =	shalt  }
0x5a: {  	_ =	shalt  }
0x5b: {  	_ =	shalt  }
0x5c: {  	_ =	shalt  }
0x5d: {  	_ =	shalt  }
0x5e: {  	_ =	shalt  }
0x5f: {  	_ =	shalt  }
0x60: {  	_ =	shalt  }
0x61: {  	_ =	shalt  }
0x62: {  	_ =	shalt  }
0x63: {  	_ =	shalt  }
0x64: {  	_ =	shalt  }
0x65: {  	_ =	shalt  }
0x66: {  	_ =	shalt  }
0x67: {  	_ =	shalt  }
0x68: {  	_ =	shalt  }
0x69: {  	_ =	shalt  }
0x6a: {  	_ =	shalt  }
0x6b: {  	_ =	shalt  }
0x6c: {  	_ =	shalt  }
0x6d: {  	_ =	shalt  }
0x6e: {  	_ =	shalt  }
0x6f: {  	_ =	shalt  }
0x70: {  	_ =	shalt  }
0x71: {  	_ =	shalt  }
0x72: {  	_ =	shalt  }
0x73: {  	_ =	shalt  }
0x74: {  	_ =	shalt  }
0x75: {  	_ =	shalt  }
0x76: {  	_ =	shalt  }
0x77: {  	_ =	shalt  }
0x78: {  	_ =	shalt  }
0x79: {  	_ =	shalt  }
0x7a: {  	_ =	shalt  }
0x7b: {  	_ =	shalt  }
0x7c: {  	_ =	shalt  }
0x7d: {  	_ =	shalt  }
0x7e: {  	_ =	shalt  }
0x7f: {  	_ =	shalt  }
0x80: {  	_ =	shalt  }
0x81: {  	_ =	shalt  }
0x82: {  	_ =	shalt  }
0x83: {  	_ =	shalt  }
0x84: {  	_ =	shalt  }
0x85: {  	_ =	shalt  }
0x86: {  	_ =	shalt  }
0x87: {  	_ =	shalt  }
.Lfunc_end0:
.L_simem_size_0:
called_computation.1_lowered:
.L_overlay_start_0:
0x88: {  	s2 =	sld [smem:$0x3FD9]  }
0x89: {  	s3 =	sld [smem:$0x3FFE];
	_ =	sdelay $0x1  }
0x8a: {  	s1 =	srdreg.scid  }
0x8b: {  	s0 =	sand.u32 $0x1, s1  }
0x8c: {  	s17 =	sshll.u32 s0, $0xA;
	s2 =	sadd.s32 s3, s2  }
0x8d: {  	s2 =	sadd.s32 s2, s17  }
0x8e: {  	[smem:$0x3FC4] =	sst s2  }
0x8f: {  	_ = 	snop  }
0x90: {  	s2 =	sld [smem:$0x3FD0];
	(tm) =	ssettm $0x1  }
0x91: {  	s18 =	sld [smem:$0x3FFB];
	_ =	sdelay $0x3  }
0x92: {  	_ =	strace s18  }
0x93: {  	s3 =	sld [smem:$0x3FFC];
	_ =	sdelay $0x3  }
0x94: {  	_ =	strace s3  }
0x95: {  	s3 =	sld [smem:$0x3FFD];
	_ =	sdelay $0x3  }
0x96: {  	_ =	strace s3  }
0x97: {  	_ =	strace $0x8FFFFFFF  }
0x98: {  	s19 =	sld [smem:$0x3FDB];
	_ =	sdelay $0x1  }
0x99: {  	s4 =	simm.s32 $_scs_section_size  }
0x9a: {  	s5 =	simm.s32 $_size__tile_overlayer_lowered;
	s6 =	simm.s32 $_tile_overlayer_lowered  }
0x9b: {  	s22 =	simm.s32 $0x1BFF;
	s21 =	sshll.u32 s6, $0x1;
	s3 =	sadd.s32 s4, s19  }
0x9c: {  	s7 =	simm.s32 $0x0;
	s20 =	sshll.u32 s5, $0x1;
	s5 =	sadd.s32 s21, s3  }
0x9d: {  	[timem:s7], [sflag:s22] =	dma.local [hbm:s5], s20  }
0x9e: {  	_ =	swait.ge [sflag:s22], s20  }
0x9f: {  	s4 =	ssub.s32 $0x0, s20;
	[sflag:s22] =	ssyncset.done $0x0  }
0xa0: {  	[sflag:s22] =	ssyncadd.s32 s4;
	_ =	sdelay $0x1  }
0xa1: {  	s23 =	simm.s32 $0x1B8B  }
0xa2: {  	_ =	swait.ge [sflag:s23], $0x1  }
0xa3: {  	[sflag:s23] =	ssyncset.done $0x0  }
0xa4: {  	s25 =	simm.s32 $0x1B8E;
	s24 =	sld [smem:$0x3FFE];
	[sflag:s23] =	ssyncadd.s32 $0xFFFFFFFF  }
0xa5: {  	s26 =	simm.s32 $execute0_lowered;
	[smem:$0x3FD2] =	sst s25  }
0xa6: {  	s5 =	sshll.u32 s26, $0x1;
	_ =	strace $0x80000049;
	[dreg:$0x1] =	wrdreg $0xFFFFFFFF  }
0xa7: {  	s28 =	simm.s32 $_size_execute0_lowered;
	s3 =	sadd.s32 s3, s5;
	[dreg:$0x0] =	wrdreg $0x0  }
0xa8: {  	s5 =	sshll.u32 s28, $0x1;
	[dreg:$0x2] =	wrdreg s3  }
0xa9: {  	[dreg:$0x3] =	wrdreg s5  }
0xaa: {  	[dreg:$0x4] =	wrdreg $0xC0  }
0xab: {  	_ =	task [dreg:s7], $0x5FFFF  }
0xac: {  	[dreg:$0x1] =	wrdreg $0xFFFFFFFF  }
0xad: {  	[dreg:$0x0] =	wrdreg $0x60  }
0xae: {  	[dreg:$0x2] =	wrdreg s24  }
0xaf: {  	[dreg:$0x3] =	wrdreg s2  }
0xb0: {  	[dreg:$0x4] =	wrdreg $0x0  }
0xb1: {  	[dreg:$0x5] =	wrdreg $0x9  }
0xb2: {  	_ =	task.clear_ibuf [dreg:s7], $0x6FFFF;
	_ =	strace $0x90000049  }
0xb3: {  	s29 =	simm.s32 $0x9;
	_ =	strace $0x8000004B  }
0xb4: {  	_ =	swait.ge [sflag:s29], $0x1  }
0xb5: {  	[sflag:s29] =	ssyncadd.s32 $0xFFFFFFFF  }
0xb6: {  	_ =	strace $0x9000004B  }
0xb7: {  	_ =	sfence  }
0xb8: {  	s30 =	sld [smem:$0x0];
	_ =	sdelay $0x2  }
0xb9: {  	s31 =	sshll.u32 s1, $0xD;
	s1 =	sshrl.u32 s1, $0x2  }
0xba: {  	s3 =	sand.u32 $0x4000, s31;
	s1 =	sadd.s32 s1, s30  }
0xbb: {  	s0 =	sor.u32 s3, s0;
	s1 =	sshll.u32 s1, $0x11  }
0xbc: {  	s0 =	sor.u32 s1, s0  }
0xbd: {  	s0 =	sadd.s32 $0x8F2B, s0  }
0xbe: {  	[sflag:s0] =	ssyncadd.remote.s32 $0x1  }
0xbf: {  	_ =	sfence.sel $0xFFFF  }
0xc0: {  	[dreg:$0x0] =	wrdreg $0xFFFFFFFF;
	(pc) =	sbr.abs _section_cstart, $3  }
0xc1: {  	[dreg:$0x1] =	wrdreg $0xFFFFFFFF  }
0xc2: {  	_ =	task.clear_ibuf [dreg:s7], $0x2FFFF;
	_ =	strace $0x9FFFFFFF  }
0xc3: {  	(tm) =	ssettm $0x7FFFFFFF  }
tec
execute0_lowered:
.L_overlay_start_1:
0x0: {  	(tag) =	ssettag $0x1  }
0x1: {  	s0 =	rddreg [dreg:$0x0]  }
0x2: {  	s2 =	rddreg [dreg:$0x1]  }
0x3: {  	s1 =	rddreg [dreg:$0x2]  }
0x4: {  	s3 =	srdreg.scid;
	s14 =	stileid.u32  }
0x5: {  	s12 =	simm.s32 $0x14100;
	s6 =	sand.u32 $0x1, s3;
	s3 =	simm.s32 $0x0  }
0x6: {  	s13 =	simm.s32 $0x14880;
	s17 =	simm.s32 $0x14180;
	[smem:$0x7FF] =	sst s3  }
0x7: {  	s19 =	simm.s32 $0x14900;
	_ =	strace $0x8000004A;
	[dreg:$0x5] =	wrdreg s12  }
0x8: {  	s20 =	simm.s32 $0x14200;
	s22 =	simm.s32 $0x14980;
	[dreg:$0x6] =	wrdreg s13  }
0x9: {  	s24 =	simm.s32 $0x14280;
	s28 =	simm.s32 $0x14F00;
	[dreg:$0x7] =	wrdreg s17  }
0xa: {  	s29 =	simm.s32 $0x14F80;
	s7 =	smul.u32 $0x14000, s14;
	[dreg:$0x8] =	wrdreg s19  }
0xb: {  	s30 =	simm.s32 $0x0;
	s9 =	smul.u32 $0x50000, s14;
	[dreg:$0x9] =	wrdreg s20  }
0xc: {  	s4 =	sadd.s32 $0xC000, s0;
	s15 =	sadd.s32 $0x2000, s0;
	[dreg:$0xa] =	wrdreg s22  }
0xd: {  	s31 =	sshrl.u32 s9, $0x2;
	s9 =	simm.s32 $0x14080;
	[dreg:$0xb] =	wrdreg s24  }
0xe: {  	s26 =	sshll.u32 s14, $0x1;
	s17 =	simm.s32 $0x14500;
	[dreg:$0x4] =	wrdreg s9  }
0xf: {  	s5 =	smul.u32 $0x140000, s6;
	s19 =	simm.s32 $0x14580;
	[dreg:$0x13] =	wrdreg s17  }
0x10: {  	s25 =	ssub.s32 $0x2, s6;
	s20 =	simm.s32 $0x14D00;
	[dreg:$0x15] =	wrdreg s19  }
0x11: {  	s8 =	sshrl.u32 s25, $0x1;
	s22 =	simm.s32 $0x14D80;
	[dreg:$0x16] =	wrdreg s20  }
0x12: {  	s24 =	simm.s32 $0x14E00;
	s5 =	sadd.s32 s7, s5;
	[dreg:$0x18] =	wrdreg s22  }
0x13: {  	s10 =	ssub.s32 s25, s8;
	s25 =	simm.s32 $0x14A00;
	[dreg:$0x1a] =	wrdreg s24  }
0x14: {  	s7 =	simm.s32 $0x14380;
	s8 =	simm.s32 $0x14B00;
	[dreg:$0xc] =	wrdreg s25  }
0x15: {  	s9 =	simm.s32 $0x14B80;
	s17 =	simm.s32 $0x4;
	[dreg:$0xf] =	wrdreg s7  }
0x16: {  	s19 =	simm.s32 $0x14800;
	s20 =	simm.s32 $0x80;
	[dreg:$0x10] =	wrdreg s8  }
0x17: {  	s22 =	simm.s32 $0x14C00;
	s21 =	smax.u32 s10, $0x1;
	[dreg:$0x11] =	wrdreg s9  }
0x18: {  	s5 =	sshrl.u32 s5, $0x3;
	s10 =	simm.s32 $0x14480;
	[smem:$0x7FC] =	sst s21  }
0x19: {  	s25 =	simm.s32 $0x14700;
	s0 =	sadd.s32 s5, s0;
	[dreg:$0x12] =	wrdreg s10  }
0x1a: {  	s5 =	sor.u32 s6, s26;
	s26 =	simm.s32 $0x14300;
	[dreg:$0x1b] =	wrdreg s25  }
0x1b: {  	s24 =	simm.s32 $0x1;
	s21 =	simm.s32 $0x14600;
	[dreg:$0xd] =	wrdreg s26  }
0x1c: {  	s11 =	smul.u32 $0x500, s5;
	s0 =	sadd.s32 $0x34000, s0;
	[dreg:$0x17] =	wrdreg s21  }
0x1d: {  	s5 =	sadd.s32 s31, s1;
	s31 =	simm.s32 $0x14A80;
	[smem:$0x7FB] =	sst s0  }
0x1e: {  	s6 =	smul.u32 $0x500, s6;
	s26 =	simm.s32 $0x14E80;
	[dreg:$0xe] =	wrdreg s31  }
0x1f: {  	s25 =	simm.s32 $0x2;
	s23 =	sadd.s32 $0x4000, s5;
	[dreg:$0x1c] =	wrdreg s26  }
0x20: {  	s21 =	simm.s32 $0x14400;
	s31 =	simm.s32 $0x14780;
	[smem:$0x7FD] =	sst s23  }
0x21: {  	s12 =	sadd.s32 $0xC000, s5;
	s16 =	sadd.s32 s2, s11;
	[dreg:$0x1d] =	wrdreg s31  }
0x22: {  	s13 =	sadd.s32 $0x10000, s5;
	s18 =	sadd.s32 s15, s11;
	[dreg:$0x1e] =	wrdreg s16  }
0x23: {  	s26 =	simm.s32 $0x3;
	s23 =	simm.s32 $0x14680;
	[dreg:$0x1f] =	wrdreg s18  }
0x24: {  	s16 =	smul.u32 $0xA00, s14;
	s18 =	simm.s32 $0x14C80;
	[dreg:$0x19] =	wrdreg s23  }
0x25: {  	s11 =	sadd.s32 $0x8000, s5;
	s23 =	simm.s32 $0x19000;
	[dreg:$0x14] =	wrdreg s18  }
0x26: {  	s18 =	simm.s32 $0x14000;
	s2 =	sadd.s32 s16, s2;
	s16 =	sadd.s32 s16, s15  }
0x27: {  	v0 =	vimm.f32 $0.0e+00;
	s14 =	sadd.s32 s6, s2;
	s15 =	sadd.s32 s6, s16;
	s16 =	simm.s32 $0x15000  }
.LBB2_1:
0x28: {  	s0 =	simm.s32 $0x0;
	s2 =	simm.s32 $0x200  }
.LBB2_2:
0x29: {  	p0 =	sne.s32 s2, $0xFE00;
	[tilespmem:s0+$0x15070] =	vst v0  }
0x2a: {  	[tilespmem:s0+$0x15000] =	vst v0  }
0x2b: {  	[tilespmem:s0+$0x15010] =	vst v0  }
.Ltmp0:
0x2c: {  	[tilespmem:s0+$0x15020] =	vst v0;
	(pc) =	sbr.rel @p0 .LBB2_2-.Ltmp0, $4  }
0x2d: {  	[tilespmem:s0+$0x15030] =	vst v0  }
0x2e: {  	[tilespmem:s0+$0x15040] =	vst v0  }
0x2f: {  	[tilespmem:s0+$0x15050] =	vst v0  }
0x30: {  	[tilespmem:s0+$0x15060] =	vst v0;
	s0 =	sshra.s32 s2, $0x2;
	s2 =	sadd.s32 $0x200, s2  }
0x31: {  	[tilespmem:s0+$0x15070] =	vst v0  }
0x32: {  	[tilespmem:s0+$0x15000] =	vst v0  }
0x33: {  	[tilespmem:s0+$0x15010] =	vst v0  }
0x34: {  	[tilespmem:s0+$0x15020] =	vst v0  }
0x35: {  	[tilespmem:s0+$0x15030] =	vst v0  }
0x36: {  	[tilespmem:s0+$0x15040] =	vst v0  }
0x37: {  	[tilespmem:s0+$0x15050] =	vst v0  }
0x38: {  	[tilespmem:s0+$0x15060] =	vst v0  }
0x39: {  	[spmem:s5] =	stream.linear.scatter [tilespmem:s16], [sflag:$0x4], $0x4000, $0x38;
	[tilespmem:$0x1D000] =	vst v63  }
0x3a: {  	_ =	swait.ge [sflag:s17], $0x4000  }
0x3b: {  	s8 =	sld [smem:$0x7FD]  }
0x3c: {  	[sflag:s17] =	ssyncset.done $0x0  }
0x3d: {  	[sflag:s17] =	ssyncadd.s32 $0xFFFFC000  }
0x3e: {  	[spmem:s8] =	stream.linear.scatter [tilespmem:s16], [sflag:$0x4], $0x4000, $0x38;
	[tilespmem:$0x1D000] =	vst v63  }
0x3f: {  	_ =	swait.ge [sflag:s17], $0x4000  }
0x40: {  	[sflag:s17] =	ssyncset.done $0x0  }
0x41: {  	[sflag:s17] =	ssyncadd.s32 $0xFFFFC000  }
0x42: {  	[spmem:s11] =	stream.linear.scatter [tilespmem:s16], [sflag:$0x4], $0x4000, $0x38;
	[tilespmem:$0x1D000] =	vst v63  }
0x43: {  	_ =	swait.ge [sflag:s17], $0x4000  }
0x44: {  	[sflag:s17] =	ssyncset.done $0x0  }
0x45: {  	[sflag:s17] =	ssyncadd.s32 $0xFFFFC000  }
0x46: {  	[spmem:s12] =	stream.linear.scatter [tilespmem:s16], [sflag:$0x4], $0x4000, $0x38;
	[tilespmem:$0x1D000] =	vst v63  }
0x47: {  	_ =	swait.ge [sflag:s17], $0x4000  }
0x48: {  	[sflag:s17] =	ssyncset.done $0x0  }
0x49: {  	[sflag:s17] =	ssyncadd.s32 $0xFFFFC000  }
0x4a: {  	[spmem:s13] =	stream.linear.scatter [tilespmem:s16], [sflag:$0x4], $0x4000, $0x38;
	[tilespmem:$0x1D000] =	vst v63  }
0x4b: {  	_ =	swait.ge [sflag:s17], $0x4000  }
0x4c: {  	[sflag:s17] =	ssyncset.done $0x0  }
0x4d: {  	[sflag:s17] =	ssyncadd.s32 $0xFFFFC000  }
0x4e: {  	[bflag:$0x0] =	sbarrier.arrive $0xFFFF  }
0x4f: {  	s9 =	simm.s32 $0x0;
	s2 =	rddreg [dreg:$0x1e]  }
0x50: {  	[tilespmem:s18], [sflag:$0x4] =	stream.linear.gather [hbm4b:s2+s9], $0x400, $0x38;
	[tilespmem:$0x1D000] =	vst v63  }
0x51: {  	_ =	swait.ge [sflag:s17], $0x400  }
0x52: {  	[sflag:s17] =	ssyncset.done $0x0  }
0x53: {  	s10 =	rddreg [dreg:$0x1f];
	[sflag:s17] =	ssyncadd.s32 $0xFFFFFC00  }
0x54: {  	[tilespmem:s19], [sflag:$0x4] =	stream.linear.gather [hbm4b:s10+s9], $0x400, $0x38;
	[tilespmem:$0x1D000] =	vst v63  }
0x55: {  	_ =	swait.ge [sflag:s17], $0x400  }
0x56: {  	[sflag:s17] =	ssyncset.done $0x0  }
0x57: {  	s2 =	sadd.s32 $0x0, s14;
	[sflag:s17] =	ssyncadd.s32 $0xFFFFFC00  }
0x58: {  	[tilespmem:s16], [sflag:$0x1] =	stream.indirect.gather [hbm4b:s4+s20], $0x80, s18, s20, $0xb8;
	[tilespmem:$0x1D000] =	vst v63  }
0x59: {  	s6 =	sadd.s32 $0x0, s15;
	s0 =	sadd.s32 $0x80, s2  }
0x5a: {  	[tilespmem:s21], [sflag:$0x3] =	stream.linear.gather [hbm4b:s0+s3], $0x400, $0x38;
	[tilespmem:$0x1D000] =	vst v63  }
0x5b: {  	s7 =	sadd.s32 $0x80, s6  }
0x5c: {  	[tilespmem:s22], [sflag:$0x3] =	stream.linear.gather [hbm4b:s7+s3], $0x400, $0x38;
	[tilespmem:$0x1D000] =	vst v63  }
0x5d: {  	s8 =	rddreg [dreg:$0x4]  }
0x5e: {  	[tilespmem:s23], [sflag:$0x2] =	stream.indirect.gather [hbm4b:s4+s20], $0x80, s8, s20, $0xb8;
	[tilespmem:$0x1D000] =	vst v63  }
0x5f: {  	_ =	swait.ge [sflag:s24], $0x4000  }
0x60: {  	[sflag:s24] =	ssyncset.done $0x0  }
0x61: {  	[sflag:s24] =	ssyncadd.s32 $0xFFFFC000  }
0x62: {  	[spmem:s1] =	stream.indirect.scatter.add.f32 [tilespmem:s16], [sflag:$0x4], $0x80, s19, s20, $0xb8;
	[tilespmem:$0x1D000] =	vst v63  }
0x63: {  	_ =	swait.ge [sflag:s17], $0x4000  }
0x64: {  	[sflag:s17] =	ssyncset.done $0x0  }
0x65: {  	s9 =	rddreg [dreg:$0x5];
	[sflag:s17] =	ssyncadd.s32 $0xFFFFC000  }
0x66: {  	[tilespmem:s16], [sflag:$0x1] =	stream.indirect.gather [hbm4b:s4+s20], $0x80, s9, s20, $0xb8;
	[tilespmem:$0x1D000] =	vst v63  }
0x67: {  	_ =	swait.ge [sflag:s25], $0x4000  }
0x68: {  	[sflag:s25] =	ssyncset.done $0x0  }
0x69: {  	s10 =	rddreg [dreg:$0x6];
	[sflag:s25] =	ssyncadd.s32 $0xFFFFC000  }
0x6a: {  	[spmem:s1] =	stream.indirect.scatter.add.f32 [tilespmem:s23], [sflag:$0x4], $0x80, s10, s20, $0xb8;
	[tilespmem:$0x1D000] =	vst v63  }
0x6b: {  	_ =	swait.ge [sflag:s17], $0x4000  }
0x6c: {  	[sflag:s17] =	ssyncset.done $0x0  }
0x6d: {  	s2 =	rddreg [dreg:$0x7];
	[sflag:s17] =	ssyncadd.s32 $0xFFFFC000  }
0x6e: {  	[tilespmem:s23], [sflag:$0x2] =	stream.indirect.gather [hbm4b:s4+s20], $0x80, s2, s20, $0xb8;
	[tilespmem:$0x1D000] =	vst v63  }
0x6f: {  	_ =	swait.ge [sflag:s24], $0x4000  }
0x70: {  	[sflag:s24] =	ssyncset.done $0x0  }
0x71: {  	s6 =	rddreg [dreg:$0x8];
	[sflag:s24] =	ssyncadd.s32 $0xFFFFC000  }
0x72: {  	[spmem:s1] =	stream.indirect.scatter.add.f32 [tilespmem:s16], [sflag:$0x4], $0x80, s6, s20, $0xb8;
	[tilespmem:$0x1D000] =	vst v63  }
0x73: {  	_ =	swait.ge [sflag:s17], $0x4000  }
0x74: {  	[sflag:s17] =	ssyncset.done $0x0  }
0x75: {  	s7 =	rddreg [dreg:$0x9];
	[sflag:s17] =	ssyncadd.s32 $0xFFFFC000  }
0x76: {  	[tilespmem:s16], [sflag:$0x1] =	stream.indirect.gather [hbm4b:s4+s20], $0x80, s7, s20, $0xb8;
	[tilespmem:$0x1D000] =	vst v63  }
0x77: {  	_ =	swait.ge [sflag:s25], $0x4000  }
0x78: {  	[sflag:s25] =	ssyncset.done $0x0  }
0x79: {  	s8 =	rddreg [dreg:$0xa];
	[sflag:s25] =	ssyncadd.s32 $0xFFFFC000  }
0x7a: {  	[spmem:s1] =	stream.indirect.scatter.add.f32 [tilespmem:s23], [sflag:$0x4], $0x80, s8, s20, $0xb8;
	[tilespmem:$0x1D000] =	vst v63  }
0x7b: {  	_ =	swait.ge [sflag:s17], $0x4000  }
0x7c: {  	[sflag:s17] =	ssyncset.done $0x0  }
0x7d: {  	s9 =	rddreg [dreg:$0xb];
	[sflag:s17] =	ssyncadd.s32 $0xFFFFC000  }
0x7e: {  	[tilespmem:s23], [sflag:$0x2] =	stream.indirect.gather [hbm4b:s4+s20], $0x80, s9, s20, $0xb8;
	[tilespmem:$0x1D000] =	vst v63  }
0x7f: {  	_ =	swait.ge [sflag:s24], $0x4000  }
0x80: {  	[sflag:s24] =	ssyncset.done $0x0  }
0x81: {  	s10 =	rddreg [dreg:$0xc];
	[sflag:s24] =	ssyncadd.s32 $0xFFFFC000  }
0x82: {  	[spmem:s1] =	stream.indirect.scatter.add.f32 [tilespmem:s16], [sflag:$0x4], $0x80, s10, s20, $0xb8;
	[tilespmem:$0x1D000] =	vst v63  }
0x83: {  	_ =	swait.ge [sflag:s17], $0x4000  }
0x84: {  	[sflag:s17] =	ssyncset.done $0x0  }
0x85: {  	s2 =	rddreg [dreg:$0xd];
	[sflag:s17] =	ssyncadd.s32 $0xFFFFC000  }
0x86: {  	[tilespmem:s16], [sflag:$0x1] =	stream.indirect.gather [hbm4b:s4+s20], $0x80, s2, s20, $0xb8;
	[tilespmem:$0x1D000] =	vst v63  }
0x87: {  	_ =	swait.ge [sflag:s25], $0x4000  }
0x88: {  	[sflag:s25] =	ssyncset.done $0x0  }
0x89: {  	s6 =	rddreg [dreg:$0xe];
	[sflag:s25] =	ssyncadd.s32 $0xFFFFC000  }
0x8a: {  	[spmem:s1] =	stream.indirect.scatter.add.f32 [tilespmem:s23], [sflag:$0x4], $0x80, s6, s20, $0xb8;
	[tilespmem:$0x1D000] =	vst v63  }
0x8b: {  	_ =	swait.ge [sflag:s17], $0x4000  }
0x8c: {  	[sflag:s17] =	ssyncset.done $0x0  }
0x8d: {  	s7 =	rddreg [dreg:$0xf];
	[sflag:s17] =	ssyncadd.s32 $0xFFFFC000  }
0x8e: {  	[tilespmem:s23], [sflag:$0x2] =	stream.indirect.gather [hbm4b:s4+s20], $0x80, s7, s20, $0xb8;
	[tilespmem:$0x1D000] =	vst v63  }
0x8f: {  	_ =	swait.ge [sflag:s24], $0x4000  }
0x90: {  	[sflag:s24] =	ssyncset.done $0x0  }
0x91: {  	s8 =	rddreg [dreg:$0x10];
	[sflag:s24] =	ssyncadd.s32 $0xFFFFC000  }
0x92: {  	[spmem:s1] =	stream.indirect.scatter.add.f32 [tilespmem:s16], [sflag:$0x4], $0x80, s8, s20, $0xb8;
	[tilespmem:$0x1D000] =	vst v63  }
0x93: {  	_ =	swait.ge [sflag:s17], $0x4000  }
0x94: {  	[sflag:s17] =	ssyncset.done $0x0  }
0x95: {  	[sflag:s17] =	ssyncadd.s32 $0xFFFFC000  }
0x96: {  	_ =	swait.ge [sflag:s26], $0x400  }
0x97: {  	[sflag:s26] =	ssyncset.done $0x0  }
0x98: {  	[sflag:s26] =	ssyncadd.s32 $0xFFFFFC00  }
0x99: {  	_ =	swait.ge [sflag:s26], $0x400  }
0x9a: {  	[sflag:s26] =	ssyncset.done $0x0  }
0x9b: {  	[sflag:s26] =	ssyncadd.s32 $0xFFFFFC00  }
0x9c: {  	[tilespmem:s16], [sflag:$0x1] =	stream.indirect.gather [hbm4b:s4+s20], $0x80, s21, s20, $0xb8;
	[tilespmem:$0x1D000] =	vst v63  }
0x9d: {  	_ =	swait.ge [sflag:s25], $0x4000  }
0x9e: {  	[sflag:s25] =	ssyncset.done $0x0  }
0x9f: {  	p0 =	por $0x0, $0x0;
	s9 =	rddreg [dreg:$0x11];
	[sflag:s25] =	ssyncadd.s32 $0xFFFFC000  }
0xa0: {  	[spmem:s1] =	stream.indirect.scatter.add.f32 [tilespmem:s23], [sflag:$0x4], $0x80, s9, s20, $0xb8;
	[tilespmem:$0x1D000] =	vst v63  }
0xa1: {  	s31 =	sadd.s32 @!p0 $0x0, s15;
	_ =	swait.ge [sflag:s17], $0x4000  }
0xa2: {  	s0 =	sadd.s32 @!p0 $0x0, s14;
	s2 =	simm.s32 @!p0 $0x0;
	[sflag:s17] =	ssyncset.done $0x0  }
0xa3: {  	s6 =	sadd.s32 @!p0 $0x100, s0;
	s0 =	simm.s32 @!p0 $0x14000;
	[sflag:s17] =	ssyncadd.s32 $0xFFFFC000  }
0xa4: {  	[tilespmem:s0], [sflag:$0x3] =	stream.linear.gather @!p0 [hbm4b:s6+s2], $0x400, $0x38;
	[tilespmem:$0x1D000] =	vst v63  }
0xa5: {  	s31 =	sadd.s32 @!p0 $0x100, s31;
	s6 =	simm.s32 @!p0 $0x14800  }
0xa6: {  	[tilespmem:s6], [sflag:$0x3] =	stream.linear.gather @!p0 [hbm4b:s31+s2], $0x400, $0x38;
	[tilespmem:$0x1D000] =	vst v63  }
0xa7: {  	s7 =	rddreg [dreg:$0x12]  }
0xa8: {  	[tilespmem:s23], [sflag:$0x2] =	stream.indirect.gather [hbm4b:s4+s20], $0x80, s7, s20, $0xb8;
	[tilespmem:$0x1D000] =	vst v63  }
0xa9: {  	_ =	swait.ge [sflag:s24], $0x4000  }
0xaa: {  	[sflag:s24] =	ssyncset.done $0x0  }
0xab: {  	[sflag:s24] =	ssyncadd.s32 $0xFFFFC000  }
0xac: {  	[spmem:s1] =	stream.indirect.scatter.add.f32 [tilespmem:s16], [sflag:$0x4], $0x80, s22, s20, $0xb8;
	[tilespmem:$0x1D000] =	vst v63  }
0xad: {  	_ =	swait.ge [sflag:s17], $0x4000  }
0xae: {  	[sflag:s17] =	ssyncset.done $0x0  }
0xaf: {  	s10 =	rddreg [dreg:$0x13];
	[sflag:s17] =	ssyncadd.s32 $0xFFFFC000  }
0xb0: {  	[tilespmem:s16], [sflag:$0x1] =	stream.indirect.gather [hbm4b:s4+s20], $0x80, s10, s20, $0xb8;
	[tilespmem:$0x1D000] =	vst v63  }
0xb1: {  	_ =	swait.ge [sflag:s25], $0x4000  }
0xb2: {  	[sflag:s25] =	ssyncset.done $0x0  }
0xb3: {  	s6 =	rddreg [dreg:$0x14];
	[sflag:s25] =	ssyncadd.s32 $0xFFFFC000  }
0xb4: {  	[spmem:s1] =	stream.indirect.scatter.add.f32 [tilespmem:s23], [sflag:$0x4], $0x80, s6, s20, $0xb8;
	[tilespmem:$0x1D000] =	vst v63  }
0xb5: {  	_ =	swait.ge [sflag:s17], $0x4000  }
0xb6: {  	[sflag:s17] =	ssyncset.done $0x0  }
0xb7: {  	s7 =	rddreg [dreg:$0x15];
	[sflag:s17] =	ssyncadd.s32 $0xFFFFC000  }
0xb8: {  	[tilespmem:s23], [sflag:$0x2] =	stream.indirect.gather [hbm4b:s4+s20], $0x80, s7, s20, $0xb8;
	[tilespmem:$0x1D000] =	vst v63  }
0xb9: {  	_ =	swait.ge [sflag:s24], $0x4000  }
0xba: {  	[sflag:s24] =	ssyncset.done $0x0  }
0xbb: {  	s8 =	rddreg [dreg:$0x16];
	[sflag:s24] =	ssyncadd.s32 $0xFFFFC000  }
0xbc: {  	[spmem:s1] =	stream.indirect.scatter.add.f32 [tilespmem:s16], [sflag:$0x4], $0x80, s8, s20, $0xb8;
	[tilespmem:$0x1D000] =	vst v63  }
0xbd: {  	_ =	swait.ge [sflag:s17], $0x4000  }
0xbe: {  	[sflag:s17] =	ssyncset.done $0x0  }
0xbf: {  	s9 =	rddreg [dreg:$0x17];
	[sflag:s17] =	ssyncadd.s32 $0xFFFFC000  }
0xc0: {  	[tilespmem:s16], [sflag:$0x1] =	stream.indirect.gather [hbm4b:s4+s20], $0x80, s9, s20, $0xb8;
	[tilespmem:$0x1D000] =	vst v63  }
0xc1: {  	_ =	swait.ge [sflag:s25], $0x4000  }
0xc2: {  	[sflag:s25] =	ssyncset.done $0x0  }
0xc3: {  	s10 =	rddreg [dreg:$0x18];
	[sflag:s25] =	ssyncadd.s32 $0xFFFFC000  }
0xc4: {  	[spmem:s1] =	stream.indirect.scatter.add.f32 [tilespmem:s23], [sflag:$0x4], $0x80, s10, s20, $0xb8;
	[tilespmem:$0x1D000] =	vst v63  }
0xc5: {  	_ =	swait.ge [sflag:s17], $0x4000  }
0xc6: {  	[sflag:s17] =	ssyncset.done $0x0  }
0xc7: {  	s6 =	rddreg [dreg:$0x19];
	[sflag:s17] =	ssyncadd.s32 $0xFFFFC000  }
0xc8: {  	[tilespmem:s23], [sflag:$0x2] =	stream.indirect.gather [hbm4b:s4+s20], $0x80, s6, s20, $0xb8;
	[tilespmem:$0x1D000] =	vst v63  }
0xc9: {  	_ =	swait.ge [sflag:s24], $0x4000  }
0xca: {  	[sflag:s24] =	ssyncset.done $0x0  }
0xcb: {  	s7 =	rddreg [dreg:$0x1a];
	[sflag:s24] =	ssyncadd.s32 $0xFFFFC000  }
0xcc: {  	[spmem:s1] =	stream.indirect.scatter.add.f32 [tilespmem:s16], [sflag:$0x4], $0x80, s7, s20, $0xb8;
	[tilespmem:$0x1D000] =	vst v63  }
0xcd: {  	_ =	swait.ge [sflag:s17], $0x4000  }
0xce: {  	[sflag:s17] =	ssyncset.done $0x0  }
0xcf: {  	s8 =	rddreg [dreg:$0x1b];
	[sflag:s17] =	ssyncadd.s32 $0xFFFFC000  }
0xd0: {  	[tilespmem:s16], [sflag:$0x1] =	stream.indirect.gather [hbm4b:s4+s20], $0x80, s8, s20, $0xb8;
	[tilespmem:$0x1D000] =	vst v63  }
0xd1: {  	_ =	swait.ge [sflag:s25], $0x4000  }
0xd2: {  	[sflag:s25] =	ssyncset.done $0x0  }
0xd3: {  	s9 =	rddreg [dreg:$0x1c];
	[sflag:s25] =	ssyncadd.s32 $0xFFFFC000  }
0xd4: {  	[spmem:s1] =	stream.indirect.scatter.add.f32 [tilespmem:s23], [sflag:$0x4], $0x80, s9, s20, $0xb8;
	[tilespmem:$0x1D000] =	vst v63  }
0xd5: {  	_ =	swait.ge [sflag:s17], $0x4000  }
0xd6: {  	[sflag:s17] =	ssyncset.done $0x0  }
0xd7: {  	s10 =	rddreg [dreg:$0x1d];
	[sflag:s17] =	ssyncadd.s32 $0xFFFFC000  }
0xd8: {  	[tilespmem:s23], [sflag:$0x2] =	stream.indirect.gather [hbm4b:s4+s20], $0x80, s10, s20, $0xb8;
	[tilespmem:$0x1D000] =	vst v63  }
0xd9: {  	_ =	swait.ge [sflag:s24], $0x4000  }
0xda: {  	[sflag:s24] =	ssyncset.done $0x0  }
0xdb: {  	[sflag:s24] =	ssyncadd.s32 $0xFFFFC000  }
0xdc: {  	[spmem:s1] =	stream.indirect.scatter.add.f32 [tilespmem:s16], [sflag:$0x4], $0x80, s28, s20, $0xb8;
	[tilespmem:$0x1D000] =	vst v63  }
0xdd: {  	_ =	swait.ge [sflag:s17], $0x4000  }
0xde: {  	[sflag:s17] =	ssyncset.done $0x0  }
0xdf: {  	s2 =	simm.s32 @!p0 $0x3;
	[sflag:s17] =	ssyncadd.s32 $0xFFFFC000  }
0xe0: {  	_ =	swait.ge @!p0 [sflag:s2], $0x400  }
0xe1: {  	[sflag:s2] =	ssyncset.done @!p0 $0x0  }
0xe2: {  	[sflag:s2] =	ssyncadd.s32 @!p0 $0xFFFFFC00  }
0xe3: {  	_ =	swait.ge @!p0 [sflag:s2], $0x400  }
0xe4: {  	[sflag:s2] =	ssyncset.done @!p0 $0x0  }
0xe5: {  	s6 =	simm.s32 @!p0 $0x80;
	[sflag:s2] =	ssyncadd.s32 @!p0 $0xFFFFFC00;
	s2 =	simm.s32 @!p0 $0x15000  }
0xe6: {  	[tilespmem:s2], [sflag:$0x1] =	stream.indirect.gather @!p0 [hbm4b:s4+s6], $0x80, s0, s6, $0xb8;
	[tilespmem:$0x1D000] =	vst v63  }
0xe7: {  	_ =	swait.ge [sflag:s25], $0x4000  }
0xe8: {  	[sflag:s25] =	ssyncset.done $0x0  }
0xe9: {  	s31 =	simm.s32 $0x100;
	[sflag:s25] =	ssyncadd.s32 $0xFFFFC000  }
0xea: {  	[spmem:s1] =	stream.indirect.scatter.add.f32 [tilespmem:s23], [sflag:$0x4], $0x80, s29, s20, $0xb8;
	[tilespmem:$0x1D000] =	vst v63  }
0xeb: {  	s0 =	simm.s32 $0x200;
	s2 =	sadd.s32 $0x100, s14;
	_ =	swait.ge [sflag:s17], $0x4000  }
.LBB2_4:
0xec: {  	[sflag:s17] =	ssyncset.done $0x0  }
0xed: {  	s6 =	sadd.s32 $0x80, s2;
	s7 =	sadd.s32 s31, s15;
	[sflag:s17] =	ssyncadd.s32 $0xFFFFC000  }
0xee: {  	[tilespmem:s21], [sflag:$0x3] =	stream.linear.gather [hbm4b:s6+s3], $0x400, $0x38;
	[tilespmem:$0x1D000] =	vst v63  }
0xef: {  	s9 =	sadd.s32 $0x80, s7  }
0xf0: {  	[tilespmem:s22], [sflag:$0x3] =	stream.linear.gather [hbm4b:s9+s3], $0x400, $0x38;
	[tilespmem:$0x1D000] =	vst v63  }
0xf1: {  	s10 =	rddreg [dreg:$0x4]  }
0xf2: {  	[tilespmem:s23], [sflag:$0x2] =	stream.indirect.gather [hbm4b:s4+s20], $0x80, s10, s20, $0xb8;
	[tilespmem:$0x1D000] =	vst v63  }
0xf3: {  	_ =	swait.ge [sflag:s24], $0x4000  }
0xf4: {  	[sflag:s24] =	ssyncset.done $0x0  }
0xf5: {  	[sflag:s24] =	ssyncadd.s32 $0xFFFFC000  }
0xf6: {  	[spmem:s1] =	stream.indirect.scatter.add.f32 [tilespmem:s16], [sflag:$0x4], $0x80, s19, s20, $0xb8;
	[tilespmem:$0x1D000] =	vst v63  }
0xf7: {  	_ =	swait.ge [sflag:s17], $0x4000  }
0xf8: {  	[sflag:s17] =	ssyncset.done $0x0  }
0xf9: {  	s7 =	rddreg [dreg:$0x5];
	[sflag:s17] =	ssyncadd.s32 $0xFFFFC000  }
0xfa: {  	[tilespmem:s16], [sflag:$0x1] =	stream.indirect.gather [hbm4b:s4+s20], $0x80, s7, s20, $0xb8;
	[tilespmem:$0x1D000] =	vst v63  }
0xfb: {  	_ =	swait.ge [sflag:s25], $0x4000  }
0xfc: {  	[sflag:s25] =	ssyncset.done $0x0  }
0xfd: {  	s8 =	rddreg [dreg:$0x6];
	[sflag:s25] =	ssyncadd.s32 $0xFFFFC000  }
0xfe: {  	[spmem:s1] =	stream.indirect.scatter.add.f32 [tilespmem:s23], [sflag:$0x4], $0x80, s8, s20, $0xb8;
	[tilespmem:$0x1D000] =	vst v63  }
0xff: {  	_ =	swait.ge [sflag:s17], $0x4000  }
0x100: {  	[sflag:s17] =	ssyncset.done $0x0  }
0x101: {  	s9 =	rddreg [dreg:$0x7];
	[sflag:s17] =	ssyncadd.s32 $0xFFFFC000  }
0x102: {  	[tilespmem:s23], [sflag:$0x2] =	stream.indirect.gather [hbm4b:s4+s20], $0x80, s9, s20, $0xb8;
	[tilespmem:$0x1D000] =	vst v63  }
0x103: {  	_ =	swait.ge [sflag:s24], $0x4000  }
0x104: {  	[sflag:s24] =	ssyncset.done $0x0  }
0x105: {  	s10 =	rddreg [dreg:$0x8];
	[sflag:s24] =	ssyncadd.s32 $0xFFFFC000  }
0x106: {  	[spmem:s1] =	stream.indirect.scatter.add.f32 [tilespmem:s16], [sflag:$0x4], $0x80, s10, s20, $0xb8;
	[tilespmem:$0x1D000] =	vst v63  }
0x107: {  	_ =	swait.ge [sflag:s17], $0x4000  }
0x108: {  	[sflag:s17] =	ssyncset.done $0x0  }
0x109: {  	s7 =	rddreg [dreg:$0x9];
	[sflag:s17] =	ssyncadd.s32 $0xFFFFC000  }
0x10a: {  	[tilespmem:s16], [sflag:$0x1] =	stream.indirect.gather [hbm4b:s4+s20], $0x80, s7, s20, $0xb8;
	[tilespmem:$0x1D000] =	vst v63  }
0x10b: {  	_ =	swait.ge [sflag:s25], $0x4000  }
0x10c: {  	[sflag:s25] =	ssyncset.done $0x0  }
0x10d: {  	s8 =	rddreg [dreg:$0xa];
	[sflag:s25] =	ssyncadd.s32 $0xFFFFC000  }
0x10e: {  	[spmem:s1] =	stream.indirect.scatter.add.f32 [tilespmem:s23], [sflag:$0x4], $0x80, s8, s20, $0xb8;
	[tilespmem:$0x1D000] =	vst v63  }
0x10f: {  	_ =	swait.ge [sflag:s17], $0x4000  }
0x110: {  	[sflag:s17] =	ssyncset.done $0x0  }
0x111: {  	s9 =	rddreg [dreg:$0xb];
	[sflag:s17] =	ssyncadd.s32 $0xFFFFC000  }
0x112: {  	[tilespmem:s23], [sflag:$0x2] =	stream.indirect.gather [hbm4b:s4+s20], $0x80, s9, s20, $0xb8;
	[tilespmem:$0x1D000] =	vst v63  }
0x113: {  	_ =	swait.ge [sflag:s24], $0x4000  }
0x114: {  	[sflag:s24] =	ssyncset.done $0x0  }
0x115: {  	s10 =	rddreg [dreg:$0xc];
	[sflag:s24] =	ssyncadd.s32 $0xFFFFC000  }
0x116: {  	[spmem:s1] =	stream.indirect.scatter.add.f32 [tilespmem:s16], [sflag:$0x4], $0x80, s10, s20, $0xb8;
	[tilespmem:$0x1D000] =	vst v63  }
0x117: {  	_ =	swait.ge [sflag:s17], $0x4000  }
0x118: {  	[sflag:s17] =	ssyncset.done $0x0  }
0x119: {  	s7 =	rddreg [dreg:$0xd];
	[sflag:s17] =	ssyncadd.s32 $0xFFFFC000  }
0x11a: {  	[tilespmem:s16], [sflag:$0x1] =	stream.indirect.gather [hbm4b:s4+s20], $0x80, s7, s20, $0xb8;
	[tilespmem:$0x1D000] =	vst v63  }
0x11b: {  	_ =	swait.ge [sflag:s25], $0x4000  }
0x11c: {  	[sflag:s25] =	ssyncset.done $0x0  }
0x11d: {  	s8 =	rddreg [dreg:$0xe];
	[sflag:s25] =	ssyncadd.s32 $0xFFFFC000  }
0x11e: {  	[spmem:s1] =	stream.indirect.scatter.add.f32 [tilespmem:s23], [sflag:$0x4], $0x80, s8, s20, $0xb8;
	[tilespmem:$0x1D000] =	vst v63  }
0x11f: {  	_ =	swait.ge [sflag:s17], $0x4000  }
0x120: {  	[sflag:s17] =	ssyncset.done $0x0  }
0x121: {  	s9 =	rddreg [dreg:$0xf];
	[sflag:s17] =	ssyncadd.s32 $0xFFFFC000  }
0x122: {  	[tilespmem:s23], [sflag:$0x2] =	stream.indirect.gather [hbm4b:s4+s20], $0x80, s9, s20, $0xb8;
	[tilespmem:$0x1D000] =	vst v63  }
0x123: {  	_ =	swait.ge [sflag:s24], $0x4000  }
0x124: {  	[sflag:s24] =	ssyncset.done $0x0  }
0x125: {  	s10 =	rddreg [dreg:$0x10];
	[sflag:s24] =	ssyncadd.s32 $0xFFFFC000  }
0x126: {  	[spmem:s1] =	stream.indirect.scatter.add.f32 [tilespmem:s16], [sflag:$0x4], $0x80, s10, s20, $0xb8;
	[tilespmem:$0x1D000] =	vst v63  }
0x127: {  	_ =	swait.ge [sflag:s17], $0x4000  }
0x128: {  	[sflag:s17] =	ssyncset.done $0x0  }
0x129: {  	[sflag:s17] =	ssyncadd.s32 $0xFFFFC000  }
0x12a: {  	_ =	swait.ge [sflag:s26], $0x400  }
0x12b: {  	[sflag:s26] =	ssyncset.done $0x0  }
0x12c: {  	[sflag:s26] =	ssyncadd.s32 $0xFFFFFC00  }
0x12d: {  	_ =	swait.ge [sflag:s26], $0x400  }
0x12e: {  	[sflag:s26] =	ssyncset.done $0x0  }
0x12f: {  	[sflag:s26] =	ssyncadd.s32 $0xFFFFFC00  }
0x130: {  	[tilespmem:s16], [sflag:$0x1] =	stream.indirect.gather [hbm4b:s4+s20], $0x80, s21, s20, $0xb8;
	[tilespmem:$0x1D000] =	vst v63  }
0x131: {  	_ =	swait.ge [sflag:s25], $0x4000  }
0x132: {  	[sflag:s25] =	ssyncset.done $0x0  }
0x133: {  	p1 =	seq.s32 s31, $0x400;
	s7 =	rddreg [dreg:$0x11];
	[sflag:s25] =	ssyncadd.s32 $0xFFFFC000  }
0x134: {  	[spmem:s1] =	stream.indirect.scatter.add.f32 [tilespmem:s23], [sflag:$0x4], $0x80, s7, s20, $0xb8;
	[tilespmem:$0x1D000] =	vst v63  }
0x135: {  	s6 =	sadd.s32 @!p1 s31, s14;
	_ =	swait.ge [sflag:s17], $0x4000  }
0x136: {  	s31 =	sadd.s32 @!p1 s31, s15;
	s8 =	sadd.s32 @!p1 $0x100, s6;
	[sflag:s17] =	ssyncset.done $0x0  }
0x137: {  	s6 =	simm.s32 @!p1 $0x14000;
	s7 =	simm.s32 @!p1 $0x0;
	[sflag:s17] =	ssyncadd.s32 $0xFFFFC000  }
0x138: {  	[tilespmem:s6], [sflag:$0x3] =	stream.linear.gather @!p1 [hbm4b:s8+s7], $0x400, $0x38;
	[tilespmem:$0x1D000] =	vst v63  }
0x139: {  	s9 =	simm.s32 @!p1 $0x14800;
	s8 =	sadd.s32 @!p1 $0x100, s31  }
0x13a: {  	[tilespmem:s9], [sflag:$0x3] =	stream.linear.gather @!p1 [hbm4b:s8+s7], $0x400, $0x38;
	[tilespmem:$0x1D000] =	vst v63  }
0x13b: {  	s10 =	rddreg [dreg:$0x12]  }
0x13c: {  	[tilespmem:s23], [sflag:$0x2] =	stream.indirect.gather [hbm4b:s4+s20], $0x80, s10, s20, $0xb8;
	[tilespmem:$0x1D000] =	vst v63  }
0x13d: {  	_ =	swait.ge [sflag:s24], $0x4000  }
0x13e: {  	[sflag:s24] =	ssyncset.done $0x0  }
0x13f: {  	[sflag:s24] =	ssyncadd.s32 $0xFFFFC000  }
0x140: {  	[spmem:s1] =	stream.indirect.scatter.add.f32 [tilespmem:s16], [sflag:$0x4], $0x80, s22, s20, $0xb8;
	[tilespmem:$0x1D000] =	vst v63  }
0x141: {  	_ =	swait.ge [sflag:s17], $0x4000  }
0x142: {  	[sflag:s17] =	ssyncset.done $0x0  }
0x143: {  	s8 =	rddreg [dreg:$0x13];
	[sflag:s17] =	ssyncadd.s32 $0xFFFFC000  }
0x144: {  	[tilespmem:s16], [sflag:$0x1] =	stream.indirect.gather [hbm4b:s4+s20], $0x80, s8, s20, $0xb8;
	[tilespmem:$0x1D000] =	vst v63  }
0x145: {  	_ =	swait.ge [sflag:s25], $0x4000  }
0x146: {  	[sflag:s25] =	ssyncset.done $0x0  }
0x147: {  	s9 =	rddreg [dreg:$0x14];
	[sflag:s25] =	ssyncadd.s32 $0xFFFFC000  }
0x148: {  	[spmem:s1] =	stream.indirect.scatter.add.f32 [tilespmem:s23], [sflag:$0x4], $0x80, s9, s20, $0xb8;
	[tilespmem:$0x1D000] =	vst v63  }
0x149: {  	_ =	swait.ge [sflag:s17], $0x4000  }
0x14a: {  	[sflag:s17] =	ssyncset.done $0x0  }
0x14b: {  	s10 =	rddreg [dreg:$0x15];
	[sflag:s17] =	ssyncadd.s32 $0xFFFFC000  }
0x14c: {  	[tilespmem:s23], [sflag:$0x2] =	stream.indirect.gather [hbm4b:s4+s20], $0x80, s10, s20, $0xb8;
	[tilespmem:$0x1D000] =	vst v63  }
0x14d: {  	_ =	swait.ge [sflag:s24], $0x4000  }
0x14e: {  	[sflag:s24] =	ssyncset.done $0x0  }
0x14f: {  	s7 =	rddreg [dreg:$0x16];
	[sflag:s24] =	ssyncadd.s32 $0xFFFFC000  }
0x150: {  	[spmem:s1] =	stream.indirect.scatter.add.f32 [tilespmem:s16], [sflag:$0x4], $0x80, s7, s20, $0xb8;
	[tilespmem:$0x1D000] =	vst v63  }
0x151: {  	_ =	swait.ge [sflag:s17], $0x4000  }
0x152: {  	[sflag:s17] =	ssyncset.done $0x0  }
0x153: {  	s8 =	rddreg [dreg:$0x17];
	[sflag:s17] =	ssyncadd.s32 $0xFFFFC000  }
0x154: {  	[tilespmem:s16], [sflag:$0x1] =	stream.indirect.gather [hbm4b:s4+s20], $0x80, s8, s20, $0xb8;
	[tilespmem:$0x1D000] =	vst v63  }
0x155: {  	_ =	swait.ge [sflag:s25], $0x4000  }
0x156: {  	[sflag:s25] =	ssyncset.done $0x0  }
0x157: {  	s9 =	rddreg [dreg:$0x18];
	[sflag:s25] =	ssyncadd.s32 $0xFFFFC000  }
0x158: {  	[spmem:s1] =	stream.indirect.scatter.add.f32 [tilespmem:s23], [sflag:$0x4], $0x80, s9, s20, $0xb8;
	[tilespmem:$0x1D000] =	vst v63  }
0x159: {  	_ =	swait.ge [sflag:s17], $0x4000  }
0x15a: {  	[sflag:s17] =	ssyncset.done $0x0  }
0x15b: {  	s10 =	rddreg [dreg:$0x19];
	[sflag:s17] =	ssyncadd.s32 $0xFFFFC000  }
0x15c: {  	[tilespmem:s23], [sflag:$0x2] =	stream.indirect.gather [hbm4b:s4+s20], $0x80, s10, s20, $0xb8;
	[tilespmem:$0x1D000] =	vst v63  }
0x15d: {  	_ =	swait.ge [sflag:s24], $0x4000  }
0x15e: {  	[sflag:s24] =	ssyncset.done $0x0  }
0x15f: {  	s7 =	rddreg [dreg:$0x1a];
	[sflag:s24] =	ssyncadd.s32 $0xFFFFC000  }
0x160: {  	[spmem:s1] =	stream.indirect.scatter.add.f32 [tilespmem:s16], [sflag:$0x4], $0x80, s7, s20, $0xb8;
	[tilespmem:$0x1D000] =	vst v63  }
0x161: {  	_ =	swait.ge [sflag:s17], $0x4000  }
0x162: {  	[sflag:s17] =	ssyncset.done $0x0  }
0x163: {  	s8 =	rddreg [dreg:$0x1b];
	[sflag:s17] =	ssyncadd.s32 $0xFFFFC000  }
0x164: {  	[tilespmem:s16], [sflag:$0x1] =	stream.indirect.gather [hbm4b:s4+s20], $0x80, s8, s20, $0xb8;
	[tilespmem:$0x1D000] =	vst v63  }
0x165: {  	_ =	swait.ge [sflag:s25], $0x4000  }
0x166: {  	[sflag:s25] =	ssyncset.done $0x0  }
0x167: {  	s9 =	rddreg [dreg:$0x1c];
	[sflag:s25] =	ssyncadd.s32 $0xFFFFC000  }
0x168: {  	[spmem:s1] =	stream.indirect.scatter.add.f32 [tilespmem:s23], [sflag:$0x4], $0x80, s9, s20, $0xb8;
	[tilespmem:$0x1D000] =	vst v63  }
0x169: {  	_ =	swait.ge [sflag:s17], $0x4000  }
0x16a: {  	[sflag:s17] =	ssyncset.done $0x0  }
0x16b: {  	s10 =	rddreg [dreg:$0x1d];
	[sflag:s17] =	ssyncadd.s32 $0xFFFFC000  }
0x16c: {  	[tilespmem:s23], [sflag:$0x2] =	stream.indirect.gather [hbm4b:s4+s20], $0x80, s10, s20, $0xb8;
	[tilespmem:$0x1D000] =	vst v63  }
0x16d: {  	_ =	swait.ge [sflag:s24], $0x4000  }
0x16e: {  	[sflag:s24] =	ssyncset.done $0x0  }
0x16f: {  	[sflag:s24] =	ssyncadd.s32 $0xFFFFC000  }
0x170: {  	[spmem:s1] =	stream.indirect.scatter.add.f32 [tilespmem:s16], [sflag:$0x4], $0x80, s28, s20, $0xb8;
	[tilespmem:$0x1D000] =	vst v63  }
0x171: {  	_ =	swait.ge [sflag:s17], $0x4000  }
0x172: {  	s2 =	smov.u32 s0;
	[sflag:s17] =	ssyncset.done $0x0  }
0x173: {  	s31 =	smov.u32 s2;
	s2 =	simm.s32 @!p1 $0x3;
	[sflag:s17] =	ssyncadd.s32 $0xFFFFC000  }
0x174: {  	_ =	swait.ge @!p1 [sflag:s2], $0x400  }
0x175: {  	[sflag:s2] =	ssyncset.done @!p1 $0x0  }
0x176: {  	[sflag:s2] =	ssyncadd.s32 @!p1 $0xFFFFFC00  }
0x177: {  	s0 =	sadd.s32 $0x100, s0;
	_ =	swait.ge @!p1 [sflag:s2], $0x400  }
0x178: {  	p0 =	sne.s32 s0, $0x500;
	[sflag:s2] =	ssyncset.done @!p1 $0x0  }
0x179: {  	s7 =	simm.s32 @!p1 $0x80;
	s8 =	simm.s32 @!p1 $0x15000;
	[sflag:s2] =	ssyncadd.s32 @!p1 $0xFFFFFC00  }
0x17a: {  	[tilespmem:s8], [sflag:$0x1] =	stream.indirect.gather @!p1 [hbm4b:s4+s7], $0x80, s6, s7, $0xb8;
	[tilespmem:$0x1D000] =	vst v63  }
.Ltmp1:
0x17b: {  	_ =	swait.ge [sflag:s25], $0x4000;
	(pc) =	sbr.rel @p0 .LBB2_4-.Ltmp1, $4  }
0x17c: {  	[sflag:s25] =	ssyncset.done $0x0  }
0x17d: {  	[sflag:s25] =	ssyncadd.s32 $0xFFFFC000  }
0x17e: {  	[spmem:s1] =	stream.indirect.scatter.add.f32 [tilespmem:s23], [sflag:$0x4], $0x80, s29, s20, $0xb8;
	[tilespmem:$0x1D000] =	vst v63  }
0x17f: {  	s2 =	sadd.s32 s31, s14;
	_ =	swait.ge [sflag:s17], $0x4000  }
0x180: {  	[sflag:s17] =	ssyncset.done $0x0  }
0x181: {  	s0 =	sadd.s32 $0x80, s2;
	s10 =	sadd.s32 s31, s15;
	[sflag:s17] =	ssyncadd.s32 $0xFFFFC000  }
0x182: {  	[tilespmem:s21], [sflag:$0x3] =	stream.linear.gather [hbm4b:s0+s3], $0x400, $0x38;
	[tilespmem:$0x1D000] =	vst v63  }
0x183: {  	s6 =	sadd.s32 $0x80, s10  }
0x184: {  	[tilespmem:s22], [sflag:$0x3] =	stream.linear.gather [hbm4b:s6+s3], $0x400, $0x38;
	[tilespmem:$0x1D000] =	vst v63  }
0x185: {  	s7 =	rddreg [dreg:$0x4]  }
0x186: {  	[tilespmem:s23], [sflag:$0x2] =	stream.indirect.gather [hbm4b:s4+s20], $0x80, s7, s20, $0xb8;
	[tilespmem:$0x1D000] =	vst v63  }
0x187: {  	_ =	swait.ge [sflag:s24], $0x4000  }
0x188: {  	[sflag:s24] =	ssyncset.done $0x0  }
0x189: {  	[sflag:s24] =	ssyncadd.s32 $0xFFFFC000  }
0x18a: {  	[spmem:s1] =	stream.indirect.scatter.add.f32 [tilespmem:s16], [sflag:$0x4], $0x80, s19, s20, $0xb8;
	[tilespmem:$0x1D000] =	vst v63  }
0x18b: {  	_ =	swait.ge [sflag:s17], $0x4000  }
0x18c: {  	[sflag:s17] =	ssyncset.done $0x0  }
0x18d: {  	s8 =	rddreg [dreg:$0x5];
	[sflag:s17] =	ssyncadd.s32 $0xFFFFC000  }
0x18e: {  	[tilespmem:s16], [sflag:$0x1] =	stream.indirect.gather [hbm4b:s4+s20], $0x80, s8, s20, $0xb8;
	[tilespmem:$0x1D000] =	vst v63  }
0x18f: {  	_ =	swait.ge [sflag:s25], $0x4000  }
0x190: {  	[sflag:s25] =	ssyncset.done $0x0  }
0x191: {  	s9 =	rddreg [dreg:$0x6];
	[sflag:s25] =	ssyncadd.s32 $0xFFFFC000  }
0x192: {  	[spmem:s1] =	stream.indirect.scatter.add.f32 [tilespmem:s23], [sflag:$0x4], $0x80, s9, s20, $0xb8;
	[tilespmem:$0x1D000] =	vst v63  }
0x193: {  	_ =	swait.ge [sflag:s17], $0x4000  }
0x194: {  	[sflag:s17] =	ssyncset.done $0x0  }
0x195: {  	s10 =	rddreg [dreg:$0x7];
	[sflag:s17] =	ssyncadd.s32 $0xFFFFC000  }
0x196: {  	[tilespmem:s23], [sflag:$0x2] =	stream.indirect.gather [hbm4b:s4+s20], $0x80, s10, s20, $0xb8;
	[tilespmem:$0x1D000] =	vst v63  }
0x197: {  	_ =	swait.ge [sflag:s24], $0x4000  }
0x198: {  	[sflag:s24] =	ssyncset.done $0x0  }
0x199: {  	s2 =	rddreg [dreg:$0x8];
	[sflag:s24] =	ssyncadd.s32 $0xFFFFC000  }
0x19a: {  	[spmem:s1] =	stream.indirect.scatter.add.f32 [tilespmem:s16], [sflag:$0x4], $0x80, s2, s20, $0xb8;
	[tilespmem:$0x1D000] =	vst v63  }
0x19b: {  	_ =	swait.ge [sflag:s17], $0x4000  }
0x19c: {  	[sflag:s17] =	ssyncset.done $0x0  }
0x19d: {  	s6 =	rddreg [dreg:$0x9];
	[sflag:s17] =	ssyncadd.s32 $0xFFFFC000  }
0x19e: {  	[tilespmem:s16], [sflag:$0x1] =	stream.indirect.gather [hbm4b:s4+s20], $0x80, s6, s20, $0xb8;
	[tilespmem:$0x1D000] =	vst v63  }
0x19f: {  	_ =	swait.ge [sflag:s25], $0x4000  }
0x1a0: {  	[sflag:s25] =	ssyncset.done $0x0  }
0x1a1: {  	s7 =	rddreg [dreg:$0xa];
	[sflag:s25] =	ssyncadd.s32 $0xFFFFC000  }
0x1a2: {  	[spmem:s1] =	stream.indirect.scatter.add.f32 [tilespmem:s23], [sflag:$0x4], $0x80, s7, s20, $0xb8;
	[tilespmem:$0x1D000] =	vst v63  }
0x1a3: {  	_ =	swait.ge [sflag:s17], $0x4000  }
0x1a4: {  	[sflag:s17] =	ssyncset.done $0x0  }
0x1a5: {  	s8 =	rddreg [dreg:$0xb];
	[sflag:s17] =	ssyncadd.s32 $0xFFFFC000  }
0x1a6: {  	[tilespmem:s23], [sflag:$0x2] =	stream.indirect.gather [hbm4b:s4+s20], $0x80, s8, s20, $0xb8;
	[tilespmem:$0x1D000] =	vst v63  }
0x1a7: {  	_ =	swait.ge [sflag:s24], $0x4000  }
0x1a8: {  	[sflag:s24] =	ssyncset.done $0x0  }
0x1a9: {  	s9 =	rddreg [dreg:$0xc];
	[sflag:s24] =	ssyncadd.s32 $0xFFFFC000  }
0x1aa: {  	[spmem:s1] =	stream.indirect.scatter.add.f32 [tilespmem:s16], [sflag:$0x4], $0x80, s9, s20, $0xb8;
	[tilespmem:$0x1D000] =	vst v63  }
0x1ab: {  	_ =	swait.ge [sflag:s17], $0x4000  }
0x1ac: {  	[sflag:s17] =	ssyncset.done $0x0  }
0x1ad: {  	s10 =	rddreg [dreg:$0xd];
	[sflag:s17] =	ssyncadd.s32 $0xFFFFC000  }
0x1ae: {  	[tilespmem:s16], [sflag:$0x1] =	stream.indirect.gather [hbm4b:s4+s20], $0x80, s10, s20, $0xb8;
	[tilespmem:$0x1D000] =	vst v63  }
0x1af: {  	_ =	swait.ge [sflag:s25], $0x4000  }
0x1b0: {  	[sflag:s25] =	ssyncset.done $0x0  }
0x1b1: {  	s2 =	rddreg [dreg:$0xe];
	[sflag:s25] =	ssyncadd.s32 $0xFFFFC000  }
0x1b2: {  	[spmem:s1] =	stream.indirect.scatter.add.f32 [tilespmem:s23], [sflag:$0x4], $0x80, s2, s20, $0xb8;
	[tilespmem:$0x1D000] =	vst v63  }
0x1b3: {  	_ =	swait.ge [sflag:s17], $0x4000  }
0x1b4: {  	[sflag:s17] =	ssyncset.done $0x0  }
0x1b5: {  	s6 =	rddreg [dreg:$0xf];
	[sflag:s17] =	ssyncadd.s32 $0xFFFFC000  }
0x1b6: {  	[tilespmem:s23], [sflag:$0x2] =	stream.indirect.gather [hbm4b:s4+s20], $0x80, s6, s20, $0xb8;
	[tilespmem:$0x1D000] =	vst v63  }
0x1b7: {  	_ =	swait.ge [sflag:s24], $0x4000  }
0x1b8: {  	[sflag:s24] =	ssyncset.done $0x0  }
0x1b9: {  	s7 =	rddreg [dreg:$0x10];
	[sflag:s24] =	ssyncadd.s32 $0xFFFFC000  }
0x1ba: {  	[spmem:s1] =	stream.indirect.scatter.add.f32 [tilespmem:s16], [sflag:$0x4], $0x80, s7, s20, $0xb8;
	[tilespmem:$0x1D000] =	vst v63  }
0x1bb: {  	_ =	swait.ge [sflag:s17], $0x4000  }
0x1bc: {  	[sflag:s17] =	ssyncset.done $0x0  }
0x1bd: {  	[sflag:s17] =	ssyncadd.s32 $0xFFFFC000  }
0x1be: {  	_ =	swait.ge [sflag:s26], $0x400  }
0x1bf: {  	[sflag:s26] =	ssyncset.done $0x0  }
0x1c0: {  	[sflag:s26] =	ssyncadd.s32 $0xFFFFFC00  }
0x1c1: {  	_ =	swait.ge [sflag:s26], $0x400  }
0x1c2: {  	[sflag:s26] =	ssyncset.done $0x0  }
0x1c3: {  	[sflag:s26] =	ssyncadd.s32 $0xFFFFFC00  }
0x1c4: {  	[tilespmem:s16], [sflag:$0x1] =	stream.indirect.gather [hbm4b:s4+s20], $0x80, s21, s20, $0xb8;
	[tilespmem:$0x1D000] =	vst v63  }
0x1c5: {  	_ =	swait.ge [sflag:s25], $0x4000  }
0x1c6: {  	[sflag:s25] =	ssyncset.done $0x0  }
0x1c7: {  	p0 =	seq.s32 s31, $0x400;
	s8 =	rddreg [dreg:$0x11];
	[sflag:s25] =	ssyncadd.s32 $0xFFFFC000  }
0x1c8: {  	[spmem:s1] =	stream.indirect.scatter.add.f32 [tilespmem:s23], [sflag:$0x4], $0x80, s8, s20, $0xb8;
	[tilespmem:$0x1D000] =	vst v63  }
0x1c9: {  	s0 =	sadd.s32 @!p0 s31, s14;
	_ =	swait.ge [sflag:s17], $0x4000  }
0x1ca: {  	s2 =	simm.s32 @!p0 $0x0;
	s6 =	sadd.s32 @!p0 $0x100, s0;
	[sflag:s17] =	ssyncset.done $0x0  }
0x1cb: {  	s0 =	simm.s32 @!p0 $0x14000;
	s7 =	sadd.s32 @!p0 s31, s15;
	[sflag:s17] =	ssyncadd.s32 $0xFFFFC000  }
0x1cc: {  	[tilespmem:s0], [sflag:$0x3] =	stream.linear.gather @!p0 [hbm4b:s6+s2], $0x400, $0x38;
	[tilespmem:$0x1D000] =	vst v63  }
0x1cd: {  	s7 =	sadd.s32 @!p0 $0x100, s7;
	s6 =	simm.s32 @!p0 $0x14800  }
0x1ce: {  	[tilespmem:s6], [sflag:$0x3] =	stream.linear.gather @!p0 [hbm4b:s7+s2], $0x400, $0x38;
	[tilespmem:$0x1D000] =	vst v63  }
0x1cf: {  	s8 =	rddreg [dreg:$0x12]  }
0x1d0: {  	[tilespmem:s23], [sflag:$0x2] =	stream.indirect.gather [hbm4b:s4+s20], $0x80, s8, s20, $0xb8;
	[tilespmem:$0x1D000] =	vst v63  }
0x1d1: {  	_ =	swait.ge [sflag:s24], $0x4000  }
0x1d2: {  	[sflag:s24] =	ssyncset.done $0x0  }
0x1d3: {  	[sflag:s24] =	ssyncadd.s32 $0xFFFFC000  }
0x1d4: {  	[spmem:s1] =	stream.indirect.scatter.add.f32 [tilespmem:s16], [sflag:$0x4], $0x80, s22, s20, $0xb8;
	[tilespmem:$0x1D000] =	vst v63  }
0x1d5: {  	_ =	swait.ge [sflag:s17], $0x4000  }
0x1d6: {  	[sflag:s17] =	ssyncset.done $0x0  }
0x1d7: {  	s9 =	rddreg [dreg:$0x13];
	[sflag:s17] =	ssyncadd.s32 $0xFFFFC000  }
0x1d8: {  	[tilespmem:s16], [sflag:$0x1] =	stream.indirect.gather [hbm4b:s4+s20], $0x80, s9, s20, $0xb8;
	[tilespmem:$0x1D000] =	vst v63  }
0x1d9: {  	_ =	swait.ge [sflag:s25], $0x4000  }
0x1da: {  	[sflag:s25] =	ssyncset.done $0x0  }
0x1db: {  	s10 =	rddreg [dreg:$0x14];
	[sflag:s25] =	ssyncadd.s32 $0xFFFFC000  }
0x1dc: {  	[spmem:s1] =	stream.indirect.scatter.add.f32 [tilespmem:s23], [sflag:$0x4], $0x80, s10, s20, $0xb8;
	[tilespmem:$0x1D000] =	vst v63  }
0x1dd: {  	_ =	swait.ge [sflag:s17], $0x4000  }
0x1de: {  	[sflag:s17] =	ssyncset.done $0x0  }
0x1df: {  	s31 =	rddreg [dreg:$0x15];
	[sflag:s17] =	ssyncadd.s32 $0xFFFFC000  }
0x1e0: {  	[tilespmem:s23], [sflag:$0x2] =	stream.indirect.gather [hbm4b:s4+s20], $0x80, s31, s20, $0xb8;
	[tilespmem:$0x1D000] =	vst v63  }
0x1e1: {  	_ =	swait.ge [sflag:s24], $0x4000  }
0x1e2: {  	[sflag:s24] =	ssyncset.done $0x0  }
0x1e3: {  	s6 =	rddreg [dreg:$0x16];
	[sflag:s24] =	ssyncadd.s32 $0xFFFFC000  }
0x1e4: {  	[spmem:s1] =	stream.indirect.scatter.add.f32 [tilespmem:s16], [sflag:$0x4], $0x80, s6, s20, $0xb8;
	[tilespmem:$0x1D000] =	vst v63  }
0x1e5: {  	_ =	swait.ge [sflag:s17], $0x4000  }
0x1e6: {  	[sflag:s17] =	ssyncset.done $0x0  }
0x1e7: {  	s7 =	rddreg [dreg:$0x17];
	[sflag:s17] =	ssyncadd.s32 $0xFFFFC000  }
0x1e8: {  	[tilespmem:s16], [sflag:$0x1] =	stream.indirect.gather [hbm4b:s4+s20], $0x80, s7, s20, $0xb8;
	[tilespmem:$0x1D000] =	vst v63  }
0x1e9: {  	_ =	swait.ge [sflag:s25], $0x4000  }
0x1ea: {  	[sflag:s25] =	ssyncset.done $0x0  }
0x1eb: {  	s8 =	rddreg [dreg:$0x18];
	[sflag:s25] =	ssyncadd.s32 $0xFFFFC000  }
0x1ec: {  	[spmem:s1] =	stream.indirect.scatter.add.f32 [tilespmem:s23], [sflag:$0x4], $0x80, s8, s20, $0xb8;
	[tilespmem:$0x1D000] =	vst v63  }
0x1ed: {  	_ =	swait.ge [sflag:s17], $0x4000  }
0x1ee: {  	[sflag:s17] =	ssyncset.done $0x0  }
0x1ef: {  	s9 =	rddreg [dreg:$0x19];
	[sflag:s17] =	ssyncadd.s32 $0xFFFFC000  }
0x1f0: {  	[tilespmem:s23], [sflag:$0x2] =	stream.indirect.gather [hbm4b:s4+s20], $0x80, s9, s20, $0xb8;
	[tilespmem:$0x1D000] =	vst v63  }
0x1f1: {  	_ =	swait.ge [sflag:s24], $0x4000  }
0x1f2: {  	[sflag:s24] =	ssyncset.done $0x0  }
0x1f3: {  	s10 =	rddreg [dreg:$0x1a];
	[sflag:s24] =	ssyncadd.s32 $0xFFFFC000  }
0x1f4: {  	[spmem:s1] =	stream.indirect.scatter.add.f32 [tilespmem:s16], [sflag:$0x4], $0x80, s10, s20, $0xb8;
	[tilespmem:$0x1D000] =	vst v63  }
0x1f5: {  	_ =	swait.ge [sflag:s17], $0x4000  }
0x1f6: {  	[sflag:s17] =	ssyncset.done $0x0  }
0x1f7: {  	s31 =	rddreg [dreg:$0x1b];
	[sflag:s17] =	ssyncadd.s32 $0xFFFFC000  }
0x1f8: {  	[tilespmem:s16], [sflag:$0x1] =	stream.indirect.gather [hbm4b:s4+s20], $0x80, s31, s20, $0xb8;
	[tilespmem:$0x1D000] =	vst v63  }
0x1f9: {  	_ =	swait.ge [sflag:s25], $0x4000  }
0x1fa: {  	[sflag:s25] =	ssyncset.done $0x0  }
0x1fb: {  	s6 =	rddreg [dreg:$0x1c];
	[sflag:s25] =	ssyncadd.s32 $0xFFFFC000  }
0x1fc: {  	[spmem:s1] =	stream.indirect.scatter.add.f32 [tilespmem:s23], [sflag:$0x4], $0x80, s6, s20, $0xb8;
	[tilespmem:$0x1D000] =	vst v63  }
0x1fd: {  	_ =	swait.ge [sflag:s17], $0x4000  }
0x1fe: {  	[sflag:s17] =	ssyncset.done $0x0  }
0x1ff: {  	s7 =	rddreg [dreg:$0x1d];
	[sflag:s17] =	ssyncadd.s32 $0xFFFFC000  }
0x200: {  	[tilespmem:s23], [sflag:$0x2] =	stream.indirect.gather [hbm4b:s4+s20], $0x80, s7, s20, $0xb8;
	[tilespmem:$0x1D000] =	vst v63  }
0x201: {  	_ =	swait.ge [sflag:s24], $0x4000  }
0x202: {  	[sflag:s24] =	ssyncset.done $0x0  }
0x203: {  	[sflag:s24] =	ssyncadd.s32 $0xFFFFC000  }
0x204: {  	[spmem:s1] =	stream.indirect.scatter.add.f32 [tilespmem:s16], [sflag:$0x4], $0x80, s28, s20, $0xb8;
	[tilespmem:$0x1D000] =	vst v63  }
0x205: {  	_ =	swait.ge [sflag:s17], $0x4000  }
0x206: {  	[sflag:s17] =	ssyncset.done $0x0  }
0x207: {  	s2 =	simm.s32 @!p0 $0x3;
	[sflag:s17] =	ssyncadd.s32 $0xFFFFC000  }
0x208: {  	_ =	swait.ge @!p0 [sflag:s2], $0x400  }
0x209: {  	[sflag:s2] =	ssyncset.done @!p0 $0x0  }
0x20a: {  	[sflag:s2] =	ssyncadd.s32 @!p0 $0xFFFFFC00  }
0x20b: {  	_ =	swait.ge @!p0 [sflag:s2], $0x400  }
0x20c: {  	[sflag:s2] =	ssyncset.done @!p0 $0x0  }
0x20d: {  	s6 =	simm.s32 @!p0 $0x80;
	[sflag:s2] =	ssyncadd.s32 @!p0 $0xFFFFFC00;
	s2 =	simm.s32 @!p0 $0x15000  }
0x20e: {  	[tilespmem:s2], [sflag:$0x1] =	stream.indirect.gather @!p0 [hbm4b:s4+s6], $0x80, s0, s6, $0xb8;
	[tilespmem:$0x1D000] =	vst v63  }
0x20f: {  	_ =	swait.ge [sflag:s25], $0x4000  }
0x210: {  	[sflag:s25] =	ssyncset.done $0x0  }
0x211: {  	[sflag:s25] =	ssyncadd.s32 $0xFFFFC000  }
0x212: {  	[spmem:s1] =	stream.indirect.scatter.add.f32 [tilespmem:s23], [sflag:$0x4], $0x80, s29, s20, $0xb8;
	[tilespmem:$0x1D000] =	vst v63  }
0x213: {  	_ =	swait.ge [sflag:s17], $0x4000  }
0x214: {  	[sflag:s17] =	ssyncset.done $0x0  }
0x215: {  	[sflag:s17] =	ssyncadd.s32 $0xFFFFC000  }
0x216: {  	[bflag:$0x0] =	sbarrier.arrive $0xFFFF  }
0x217: {  	s8 =	stileid.u32;
	s10 =	sld [smem:$0x7FB]  }
0x218: {  	s0 =	sshll.u32 s8, $0x6  }
0x219: {  	s9 =	sshrl.u32 s5, $0x3;
	s0 =	sor.u32 $0x1C04, s0  }
0x21a: {  	[hbm:s10], [sflag:s0] =	dma.local [spmem:s9], $0x2800  }
0x21b: {  	_ =	swait.ge [sflag:s17], $0x2800  }
0x21c: {  	s31 =	sld [smem:$0x7FC];
	_ =	sdelay $0x1  }
0x21d: {  	s30 =	sadd.s32 $0x1, s30  }
0x21e: {  	p0 =	sne.s32 s30, s31  }
.Ltmp2:
0x21f: {  	_ = 	snop;
	(pc) =	sbr.rel @p0 .LBB2_1-.Ltmp2, $3  }
0x220: {  	_ =	sdelay $0x1  }
0x221: {  	[sflag:s17] =	ssyncset.done $0x0  }
0x222: {  	[sflag:s17] =	ssyncadd.s32 $0xFFFFD800  }
0x223: {  	_ =	sfence.sel $0x180000  }
0x224: {  	[bflag:$0x0] =	sbarrier.arrive $0xFFFF  }
0x225: {  	_ =	strace $0x9000004A  }
0x226: {  	s0 =	stileid.u32;
	[bflag:$0x2] =	sbarrier.arrive $0xFFFF  }
0x227: {  	p0 =	sne.s32 s0, $0x0;
	s0 =	rddreg [dreg:$0x3]  }
0x228: {  	s0 =	sadd.s32 @!p0 $0x100000, s0  }
0x229: {  	[sflag:s0] =	ssyncadd.tile.s32 @!p0 $0x1;
	_ =	shalt  }
.Lfunc_end2:
_tile_overlayer_lowered:
.L_overlay_start_2:
0x22a: {  	(tag) =	ssettag $0x2  }
0x22b: {  	s0 =	rddreg [dreg:$0x0];
	s2 =	stileid.u32  }
0x22c: {  	s1 =	rddreg [dreg:$0x1];
	p0 =	sne.s32 s2, $0x0  }
0x22d: {  	s3 =	rddreg [dreg:$0x2];
	[bflag:$0x3] =	sbarrier.arrive $0xFFFF;
	s2 =	simm.s32 @!p0 $0x1C04  }
0x22e: {  	[timem:s3], [sflag:s2] =	dma.local @!p0 [hbm:s0], s1  }
0x22f: {  	s0 =	simm.s32 @!p0 $0x4  }
0x230: {  	_ =	swait.ge @!p0 [sflag:s0], s1  }
0x231: {  	s1 =	ssub.s32 @!p0 $0x0, s1;
	[sflag:s0] =	ssyncset.done @!p0 $0x0  }
0x232: {  	[sflag:s0] =	ssyncadd.s32 @!p0 s1  }
0x233: {  	[bflag:$0x3] =	sbarrier.arrive $0xFFFF  }
0x234: {  	_ =	shalt  }

// kernel: kernel.15.cloned.1.call-start
scs
__scs_entry_jumppad:
0x0: {  	(pc) =	sbr.rel $0x88, $3  }
0x1: {  	(tag) =	ssettag $0x0;
	lr =	simm.s32 $0x1  }
0x2: {  	[smem:$0x3F9D] =	sst lr;
	_ =	strace $0xD0000000  }
0x3: {  	_ = 	snop  }
0x4: {  	_ = 	snop  }
0x5: {  	_ = 	snop  }
0x6: {  	_ = 	snop  }
0x7: {  	_ = 	snop  }
__scs_overlays_trampoline_lowered:
0x8: {  	[smem:$0x3FAC] =	sst s0  }
0x9: {  	[smem:$0x3FAD] =	sst s1  }
0xa: {  	[smem:$0x3FAE] =	sst s2  }
0xb: {  	[smem:$0x3FAF] =	sst s3  }
0xc: {  	[smem:$0x3FB0] =	sst s4  }
0xd: {  	[smem:$0x3FB1] =	sst s5  }
0xe: {  	[smem:$0x3FB2] =	sst s6  }
0xf: {  	[smem:$0x3FB3] =	sst s7  }
0x10: {  	[smem:$0x3FB4] =	sst s8  }
0x11: {  	[smem:$0x3FB5] =	sst s9;
	s0 =	simm.s32 @!p0 $0x0  }
0x12: {  	s1 =	sld [smem:$0x3F9B];
	s0 =	simm.s32 @p0 $0x1  }
0x13: {  	[smem:$0x3FB6] =	sst s0;
	s0 =	simm.s32 @!p1 $0x0  }
0x14: {  	s2 =	sld [smem:$0x3F9A];
	s0 =	simm.s32 @p1 $0x1  }
0x15: {  	[smem:$0x3FB7] =	sst s0;
	s0 =	simm.s32 @!p2 $0x0  }
0x16: {  	s3 =	sld [smem:$0x3FDB];
	s0 =	simm.s32 @p2 $0x1  }
0x17: {  	s4 =	simm.s32 $0x1BF5;
	[smem:$0x3FB9] =	sst s0  }
0x18: {  	s0 =	sld [smem:$0x3F9C];
	_ =	swait.ge [sflag:s4], $0x0  }
0x19: {  	s7 =	sld [smem:$0x3F9D]  }
0x1a: {  	s8 =	sadd.s32 $0xFFFFE003, lr  }
0x1b: {  	s9 =	sadd.s32 $0xFFFFFEF7, lr;
	s5 =	simm.s32 $0xFFFFFFFF;
	p2 =	slt.u32 s8, $0xFFFFF086  }
0x1c: {  	p1 =	slt.u32 s9, $0xF7A;
	s5 =	simm.s32 @!p2 $0x0  }
0x1d: {  	s5 =	simm.s32 @p1 $0x1;
	p0 =	seq.s32 s7, s2  }
0x1e: {  	s7 =	smul.u32 @!p0 $0xF7A, s2;
	p2 =	seq.s32 @!p0 s5, $0x0  }
0x1f: {  	s9 =	smul.u32 $0xF7A, s1;
	s8 =	simm.s32 @!p0 $0x1BF5;
	p2 =	por !p2, p0  }
0x20: {  	[sflag:s8] =	ssyncset.s32 @!p0 $0xFFFFF086;
	s6 =	sadd.s32 @!p0 s3, s7;
	s7 =	simm.s32 @!p0 $0x108  }
0x21: {  	s3 =	sadd.s32 s3, s9;
	s6 =	sadd.s32 @!p0 $0x88, s6;
	s7 =	simm.s32 @p2 $0x1082  }
0x22: {  	[simem:s7], [sflag:s8] =	dma.local @!p0 [hbm:s6], $0xF7A  }
0x23: {  	s9 =	sor.u32 $0xD0000000, s2;
	s6 =	simm.s32 $0x108;
	_ =	swait.ge @!p0 [sflag:s8], $0x0  }
0x24: {  	s3 =	sadd.s32 $0x88, s3;
	s6 =	simm.s32 @!p1 $0x1082;
	[sflag:s4] =	ssyncset.s32 $0xFFFFF086  }
0x25: {  	[simem:s6], [sflag:s4] =	dma.local [hbm:s3], $0xF7A  }
0x26: {  	[smem:$0x3F9D] =	sst s1;
	(tag) =	ssettag s2;
	_ =	strace s9  }
0x27: {  	s1 =	sld [smem:$0x3FAD]  }
0x28: {  	s2 =	sld [smem:$0x3FAE]  }
0x29: {  	s4 =	sld [smem:$0x3FB0]  }
0x2a: {  	p0 =	seq.s32 s5, $0x0;
	s5 =	sld [smem:$0x3FB1]  }
0x2b: {  	s6 =	sld [smem:$0x3FB2]  }
0x2c: {  	s7 =	sld [smem:$0x3FB3]  }
0x2d: {  	s3 =	simm.s32 $0x108;
	s8 =	sld [smem:$0x3FB4]  }
0x2e: {  	s3 =	simm.s32 @!p0 $0x1082;
	s9 =	sld [smem:$0x3FB5]  }
0x2f: {  	lr =	sadd.s32 s0, s3;
	s0 =	sld [smem:$0x3FAC]  }
0x30: {  	s3 =	sld [smem:$0x3FAF]  }
0x31: {  	[smem:$0x3FB8] =	sst s10  }
0x32: {  	s10 =	sld [smem:$0x3FB6];
	_ =	sdelay $0x3  }
0x33: {  	p0 =	seq.s32 s10, $0x1;
	s10 =	sld [smem:$0x3FB8];
	_ =	sdelay $0x3  }
0x34: {  	[smem:$0x3FB8] =	sst s10  }
0x35: {  	s10 =	sld [smem:$0x3FB7];
	_ =	sdelay $0x3  }
0x36: {  	p1 =	seq.s32 s10, $0x1;
	s10 =	sld [smem:$0x3FB8];
	_ =	sdelay $0x3  }
0x37: {  	[smem:$0x3FB8] =	sst s10  }
0x38: {  	s10 =	sld [smem:$0x3FB9]  }
0x39: {  	_ = 	snop;
	(pc) =	sbr.ind lr, $3  }
0x3a: {  	_ = 	snop  }
0x3b: {  	_ = 	snop  }
0x3c: {  	p2 =	seq.s32 s10, $0x1;
	s10 =	sld [smem:$0x3FB8]  }
0x3d: {  	_ =	shalt  }
0x3e: {  	_ =	shalt  }
0x3f: {  	_ =	shalt  }
0x40: {  	_ =	shalt  }
0x41: {  	_ =	shalt  }
0x42: {  	_ =	shalt  }
0x43: {  	_ =	shalt  }
0x44: {  	_ =	shalt  }
0x45: {  	_ =	shalt  }
0x46: {  	_ =	shalt  }
0x47: {  	_ =	shalt  }
0x48: {  	_ =	shalt  }
0x49: {  	_ =	shalt  }
0x4a: {  	_ =	shalt  }
0x4b: {  	_ =	shalt  }
0x4c: {  	_ =	shalt  }
0x4d: {  	_ =	shalt  }
0x4e: {  	_ =	shalt  }
0x4f: {  	_ =	shalt  }
0x50: {  	_ =	shalt  }
0x51: {  	_ =	shalt  }
0x52: {  	_ =	shalt  }
0x53: {  	_ =	shalt  }
0x54: {  	_ =	shalt  }
0x55: {  	_ =	shalt  }
0x56: {  	_ =	shalt  }
0x57: {  	_ =	shalt  }
0x58: {  	_ =	shalt  }
0x59: {  	_ =	shalt  }
0x5a: {  	_ =	shalt  }
0x5b: {  	_ =	shalt  }
0x5c: {  	_ =	shalt  }
0x5d: {  	_ =	shalt  }
0x5e: {  	_ =	shalt  }
0x5f: {  	_ =	shalt  }
0x60: {  	_ =	shalt  }
0x61: {  	_ =	shalt  }
0x62: {  	_ =	shalt  }
0x63: {  	_ =	shalt  }
0x64: {  	_ =	shalt  }
0x65: {  	_ =	shalt  }
0x66: {  	_ =	shalt  }
0x67: {  	_ =	shalt  }
0x68: {  	_ =	shalt  }
0x69: {  	_ =	shalt  }
0x6a: {  	_ =	shalt  }
0x6b: {  	_ =	shalt  }
0x6c: {  	_ =	shalt  }
0x6d: {  	_ =	shalt  }
0x6e: {  	_ =	shalt  }
0x6f: {  	_ =	shalt  }
0x70: {  	_ =	shalt  }
0x71: {  	_ =	shalt  }
0x72: {  	_ =	shalt  }
0x73: {  	_ =	shalt  }
0x74: {  	_ =	shalt  }
0x75: {  	_ =	shalt  }
0x76: {  	_ =	shalt  }
0x77: {  	_ =	shalt  }
0x78: {  	_ =	shalt  }
0x79: {  	_ =	shalt  }
0x7a: {  	_ =	shalt  }
0x7b: {  	_ =	shalt  }
0x7c: {  	_ =	shalt  }
0x7d: {  	_ =	shalt  }
0x7e: {  	_ =	shalt  }
0x7f: {  	_ =	shalt  }
0x80: {  	_ =	shalt  }
0x81: {  	_ =	shalt  }
0x82: {  	_ =	shalt  }
0x83: {  	_ =	shalt  }
0x84: {  	_ =	shalt  }
0x85: {  	_ =	shalt  }
0x86: {  	_ =	shalt  }
0x87: {  	_ =	shalt  }
.Lfunc_end0:
.L_simem_size_0:
called_computation.2_lowered:
.L_overlay_start_0:
0x88: {  	s2 =	sld [smem:$0x3FD9]  }
0x89: {  	s3 =	sld [smem:$0x3FFE];
	_ =	sdelay $0x1  }
0x8a: {  	s1 =	srdreg.scid  }
0x8b: {  	s0 =	sand.u32 $0x1, s1  }
0x8c: {  	s17 =	sshll.u32 s0, $0xA;
	s2 =	sadd.s32 s3, s2  }
0x8d: {  	s2 =	sadd.s32 s2, s17  }
0x8e: {  	[smem:$0x3FC4] =	sst s2  }
0x8f: {  	_ = 	snop  }
0x90: {  	s2 =	sld [smem:$0x3FD0];
	(tm) =	ssettm $0x1  }
0x91: {  	s18 =	sld [smem:$0x3FFB];
	_ =	sdelay $0x3  }
0x92: {  	_ =	strace s18  }
0x93: {  	s3 =	sld [smem:$0x3FFC];
	_ =	sdelay $0x3  }
0x94: {  	_ =	strace s3  }
0x95: {  	s3 =	sld [smem:$0x3FFD];
	_ =	sdelay $0x3  }
0x96: {  	_ =	strace s3  }
0x97: {  	_ =	strace $0x8FFFFFFF  }
0x98: {  	s19 =	sld [smem:$0x3FDB];
	_ =	sdelay $0x1  }
0x99: {  	s4 =	simm.s32 $_scs_section_size  }
0x9a: {  	s5 =	simm.s32 $_size__tile_overlayer_lowered;
	s6 =	simm.s32 $_tile_overlayer_lowered  }
0x9b: {  	s22 =	simm.s32 $0x1BFF;
	s21 =	sshll.u32 s6, $0x1;
	s3 =	sadd.s32 s4, s19  }
0x9c: {  	s7 =	simm.s32 $0x0;
	s20 =	sshll.u32 s5, $0x1;
	s5 =	sadd.s32 s21, s3  }
0x9d: {  	[timem:s7], [sflag:s22] =	dma.local [hbm:s5], s20  }
0x9e: {  	_ =	swait.ge [sflag:s22], s20  }
0x9f: {  	s4 =	ssub.s32 $0x0, s20;
	[sflag:s22] =	ssyncset.done $0x0  }
0xa0: {  	[sflag:s22] =	ssyncadd.s32 s4;
	_ =	sdelay $0x1  }
0xa1: {  	s23 =	simm.s32 $0x1B8B  }
0xa2: {  	_ =	swait.ge [sflag:s23], $0x1  }
0xa3: {  	[sflag:s23] =	ssyncset.done $0x0  }
0xa4: {  	s25 =	simm.s32 $0x1B8E;
	s24 =	sld [smem:$0x3FFE];
	[sflag:s23] =	ssyncadd.s32 $0xFFFFFFFF  }
0xa5: {  	s26 =	simm.s32 $execute0_lowered;
	[smem:$0x3FD2] =	sst s25  }
0xa6: {  	s5 =	sshll.u32 s26, $0x1;
	_ =	strace $0x8000004C;
	[dreg:$0x1] =	wrdreg $0xFFFFFFFF  }
0xa7: {  	s28 =	simm.s32 $_size_execute0_lowered;
	s3 =	sadd.s32 s3, s5;
	[dreg:$0x0] =	wrdreg $0x0  }
0xa8: {  	s5 =	sshll.u32 s28, $0x1;
	[dreg:$0x2] =	wrdreg s3  }
0xa9: {  	[dreg:$0x3] =	wrdreg s5  }
0xaa: {  	[dreg:$0x4] =	wrdreg $0xC0  }
0xab: {  	_ =	task [dreg:s7], $0x5FFFF  }
0xac: {  	[dreg:$0x1] =	wrdreg $0xFFFFFFFF  }
0xad: {  	[dreg:$0x0] =	wrdreg $0x60  }
0xae: {  	[dreg:$0x2] =	wrdreg s24  }
0xaf: {  	[dreg:$0x3] =	wrdreg s2  }
0xb0: {  	[dreg:$0x4] =	wrdreg $0x0  }
0xb1: {  	[dreg:$0x5] =	wrdreg $0x9  }
0xb2: {  	_ =	task.clear_ibuf [dreg:s7], $0x6FFFF;
	_ =	strace $0x9000004C  }
0xb3: {  	s29 =	simm.s32 $0x9;
	_ =	strace $0x8000004E  }
0xb4: {  	_ =	swait.ge [sflag:s29], $0x1  }
0xb5: {  	[sflag:s29] =	ssyncadd.s32 $0xFFFFFFFF  }
0xb6: {  	_ =	strace $0x9000004E  }
0xb7: {  	_ =	sfence  }
0xb8: {  	s30 =	sld [smem:$0x0];
	_ =	sdelay $0x2  }
0xb9: {  	s31 =	sshll.u32 s1, $0xD;
	s1 =	sshrl.u32 s1, $0x2  }
0xba: {  	s3 =	sand.u32 $0x4000, s31;
	s1 =	sadd.s32 s1, s30  }
0xbb: {  	s0 =	sor.u32 s3, s0;
	s1 =	sshll.u32 s1, $0x11  }
0xbc: {  	s0 =	sor.u32 s1, s0  }
0xbd: {  	s0 =	sadd.s32 $0x8F2B, s0  }
0xbe: {  	[sflag:s0] =	ssyncadd.remote.s32 $0x1  }
0xbf: {  	_ =	sfence.sel $0xFFFF  }
0xc0: {  	[dreg:$0x0] =	wrdreg $0xFFFFFFFF;
	(pc) =	sbr.abs _section_cstart, $3  }
0xc1: {  	[dreg:$0x1] =	wrdreg $0xFFFFFFFF  }
0xc2: {  	_ =	task.clear_ibuf [dreg:s7], $0x2FFFF;
	_ =	strace $0x9FFFFFFF  }
0xc3: {  	(tm) =	ssettm $0x7FFFFFFF  }
tec
execute0_lowered:
.L_overlay_start_1:
0x0: {  	(tag) =	ssettag $0x1  }
0x1: {  	s0 =	rddreg [dreg:$0x0]  }
0x2: {  	s2 =	rddreg [dreg:$0x1]  }
0x3: {  	s1 =	rddreg [dreg:$0x2]  }
0x4: {  	s3 =	srdreg.scid;
	s14 =	stileid.u32  }
0x5: {  	s12 =	simm.s32 $0x14100;
	s6 =	sand.u32 $0x1, s3;
	s3 =	simm.s32 $0x0  }
0x6: {  	s13 =	simm.s32 $0x14880;
	s17 =	simm.s32 $0x14180;
	[smem:$0x7FF] =	sst s3  }
0x7: {  	s19 =	simm.s32 $0x14900;
	_ =	strace $0x8000004D;
	[dreg:$0x5] =	wrdreg s12  }
0x8: {  	s20 =	simm.s32 $0x14200;
	s22 =	simm.s32 $0x14980;
	[dreg:$0x6] =	wrdreg s13  }
0x9: {  	s24 =	simm.s32 $0x14280;
	s28 =	simm.s32 $0x14F00;
	[dreg:$0x7] =	wrdreg s17  }
0xa: {  	s29 =	simm.s32 $0x14F80;
	s7 =	smul.u32 $0x14000, s14;
	[dreg:$0x8] =	wrdreg s19  }
0xb: {  	s30 =	simm.s32 $0x0;
	s9 =	smul.u32 $0x50000, s14;
	[dreg:$0x9] =	wrdreg s20  }
0xc: {  	s4 =	sadd.s32 $0xC000, s0;
	s15 =	sadd.s32 $0x2000, s0;
	[dreg:$0xa] =	wrdreg s22  }
0xd: {  	s31 =	sshrl.u32 s9, $0x2;
	s9 =	simm.s32 $0x14080;
	[dreg:$0xb] =	wrdreg s24  }
0xe: {  	s26 =	sshll.u32 s14, $0x1;
	s17 =	simm.s32 $0x14500;
	[dreg:$0x4] =	wrdreg s9  }
0xf: {  	s5 =	smul.u32 $0x140000, s6;
	s19 =	simm.s32 $0x14580;
	[dreg:$0x13] =	wrdreg s17  }
0x10: {  	s25 =	ssub.s32 $0x2, s6;
	s20 =	simm.s32 $0x14D00;
	[dreg:$0x15] =	wrdreg s19  }
0x11: {  	s8 =	sshrl.u32 s25, $0x1;
	s22 =	simm.s32 $0x14D80;
	[dreg:$0x16] =	wrdreg s20  }
0x12: {  	s24 =	simm.s32 $0x14E00;
	s5 =	sadd.s32 s7, s5;
	[dreg:$0x18] =	wrdreg s22  }
0x13: {  	s10 =	ssub.s32 s25, s8;
	s25 =	simm.s32 $0x14A00;
	[dreg:$0x1a] =	wrdreg s24  }
0x14: {  	s7 =	simm.s32 $0x14380;
	s8 =	simm.s32 $0x14B00;
	[dreg:$0xc] =	wrdreg s25  }
0x15: {  	s9 =	simm.s32 $0x14B80;
	s17 =	simm.s32 $0x4;
	[dreg:$0xf] =	wrdreg s7  }
0x16: {  	s19 =	simm.s32 $0x14800;
	s20 =	simm.s32 $0x80;
	[dreg:$0x10] =	wrdreg s8  }
0x17: {  	s22 =	simm.s32 $0x14C00;
	s21 =	smax.u32 s10, $0x1;
	[dreg:$0x11] =	wrdreg s9  }
0x18: {  	s5 =	sshrl.u32 s5, $0x3;
	s10 =	simm.s32 $0x14480;
	[smem:$0x7FC] =	sst s21  }
0x19: {  	s25 =	simm.s32 $0x14700;
	s0 =	sadd.s32 s5, s0;
	[dreg:$0x12] =	wrdreg s10  }
0x1a: {  	s5 =	sor.u32 s6, s26;
	s26 =	simm.s32 $0x14300;
	[dreg:$0x1b] =	wrdreg s25  }
0x1b: {  	s24 =	simm.s32 $0x1;
	s21 =	simm.s32 $0x14600;
	[dreg:$0xd] =	wrdreg s26  }
0x1c: {  	s11 =	smul.u32 $0x500, s5;
	s0 =	sadd.s32 $0x34000, s0;
	[dreg:$0x17] =	wrdreg s21  }
0x1d: {  	s5 =	sadd.s32 s31, s1;
	s31 =	simm.s32 $0x14A80;
	[smem:$0x7FB] =	sst s0  }
0x1e: {  	s6 =	smul.u32 $0x500, s6;
	s26 =	simm.s32 $0x14E80;
	[dreg:$0xe] =	wrdreg s31  }
0x1f: {  	s25 =	simm.s32 $0x2;
	s23 =	sadd.s32 $0x4000, s5;
	[dreg:$0x1c] =	wrdreg s26  }
0x20: {  	s21 =	simm.s32 $0x14400;
	s31 =	simm.s32 $0x14780;
	[smem:$0x7FD] =	sst s23  }
0x21: {  	s12 =	sadd.s32 $0xC000, s5;
	s16 =	sadd.s32 s2, s11;
	[dreg:$0x1d] =	wrdreg s31  }
0x22: {  	s13 =	sadd.s32 $0x10000, s5;
	s18 =	sadd.s32 s15, s11;
	[dreg:$0x1e] =	wrdreg s16  }
0x23: {  	s26 =	simm.s32 $0x3;
	s23 =	simm.s32 $0x14680;
	[dreg:$0x1f] =	wrdreg s18  }
0x24: {  	s16 =	smul.u32 $0xA00, s14;
	s18 =	simm.s32 $0x14C80;
	[dreg:$0x19] =	wrdreg s23  }
0x25: {  	s11 =	sadd.s32 $0x8000, s5;
	s23 =	simm.s32 $0x19000;
	[dreg:$0x14] =	wrdreg s18  }
0x26: {  	s18 =	simm.s32 $0x14000;
	s2 =	sadd.s32 s16, s2;
	s16 =	sadd.s32 s16, s15  }
0x27: {  	v0 =	vimm.f32 $0.0e+00;
	s14 =	sadd.s32 s6, s2;
	s15 =	sadd.s32 s6, s16;
	s16 =	simm.s32 $0x15000  }
.LBB2_1:
0x28: {  	s0 =	simm.s32 $0x0;
	s2 =	simm.s32 $0x200  }
.LBB2_2:
0x29: {  	p0 =	sne.s32 s2, $0xFE00;
	[tilespmem:s0+$0x15070] =	vst v0  }
0x2a: {  	[tilespmem:s0+$0x15000] =	vst v0  }
0x2b: {  	[tilespmem:s0+$0x15010] =	vst v0  }
.Ltmp0:
0x2c: {  	[tilespmem:s0+$0x15020] =	vst v0;
	(pc) =	sbr.rel @p0 .LBB2_2-.Ltmp0, $4  }
0x2d: {  	[tilespmem:s0+$0x15030] =	vst v0  }
0x2e: {  	[tilespmem:s0+$0x15040] =	vst v0  }
0x2f: {  	[tilespmem:s0+$0x15050] =	vst v0  }
0x30: {  	[tilespmem:s0+$0x15060] =	vst v0;
	s0 =	sshra.s32 s2, $0x2;
	s2 =	sadd.s32 $0x200, s2  }
0x31: {  	[tilespmem:s0+$0x15070] =	vst v0  }
0x32: {  	[tilespmem:s0+$0x15000] =	vst v0  }
0x33: {  	[tilespmem:s0+$0x15010] =	vst v0  }
0x34: {  	[tilespmem:s0+$0x15020] =	vst v0  }
0x35: {  	[tilespmem:s0+$0x15030] =	vst v0  }
0x36: {  	[tilespmem:s0+$0x15040] =	vst v0  }
0x37: {  	[tilespmem:s0+$0x15050] =	vst v0  }
0x38: {  	[tilespmem:s0+$0x15060] =	vst v0  }
0x39: {  	[spmem:s5] =	stream.linear.scatter [tilespmem:s16], [sflag:$0x4], $0x4000, $0x38;
	[tilespmem:$0x1D000] =	vst v63  }
0x3a: {  	_ =	swait.ge [sflag:s17], $0x4000  }
0x3b: {  	s8 =	sld [smem:$0x7FD]  }
0x3c: {  	[sflag:s17] =	ssyncset.done $0x0  }
0x3d: {  	[sflag:s17] =	ssyncadd.s32 $0xFFFFC000  }
0x3e: {  	[spmem:s8] =	stream.linear.scatter [tilespmem:s16], [sflag:$0x4], $0x4000, $0x38;
	[tilespmem:$0x1D000] =	vst v63  }
0x3f: {  	_ =	swait.ge [sflag:s17], $0x4000  }
0x40: {  	[sflag:s17] =	ssyncset.done $0x0  }
0x41: {  	[sflag:s17] =	ssyncadd.s32 $0xFFFFC000  }
0x42: {  	[spmem:s11] =	stream.linear.scatter [tilespmem:s16], [sflag:$0x4], $0x4000, $0x38;
	[tilespmem:$0x1D000] =	vst v63  }
0x43: {  	_ =	swait.ge [sflag:s17], $0x4000  }
0x44: {  	[sflag:s17] =	ssyncset.done $0x0  }
0x45: {  	[sflag:s17] =	ssyncadd.s32 $0xFFFFC000  }
0x46: {  	[spmem:s12] =	stream.linear.scatter [tilespmem:s16], [sflag:$0x4], $0x4000, $0x38;
	[tilespmem:$0x1D000] =	vst v63  }
0x47: {  	_ =	swait.ge [sflag:s17], $0x4000  }
0x48: {  	[sflag:s17] =	ssyncset.done $0x0  }
0x49: {  	[sflag:s17] =	ssyncadd.s32 $0xFFFFC000  }
0x4a: {  	[spmem:s13] =	stream.linear.scatter [tilespmem:s16], [sflag:$0x4], $0x4000, $0x38;
	[tilespmem:$0x1D000] =	vst v63  }
0x4b: {  	_ =	swait.ge [sflag:s17], $0x4000  }
0x4c: {  	[sflag:s17] =	ssyncset.done $0x0  }
0x4d: {  	[sflag:s17] =	ssyncadd.s32 $0xFFFFC000  }
0x4e: {  	[bflag:$0x0] =	sbarrier.arrive $0xFFFF  }
0x4f: {  	s9 =	simm.s32 $0x0;
	s2 =	rddreg [dreg:$0x1e]  }
0x50: {  	[tilespmem:s18], [sflag:$0x4] =	stream.linear.gather [hbm4b:s2+s9], $0x400, $0x38;
	[tilespmem:$0x1D000] =	vst v63  }
0x51: {  	_ =	swait.ge [sflag:s17], $0x400  }
0x52: {  	[sflag:s17] =	ssyncset.done $0x0  }
0x53: {  	s10 =	rddreg [dreg:$0x1f];
	[sflag:s17] =	ssyncadd.s32 $0xFFFFFC00  }
0x54: {  	[tilespmem:s19], [sflag:$0x4] =	stream.linear.gather [hbm4b:s10+s9], $0x400, $0x38;
	[tilespmem:$0x1D000] =	vst v63  }
0x55: {  	_ =	swait.ge [sflag:s17], $0x400  }
0x56: {  	[sflag:s17] =	ssyncset.done $0x0  }
0x57: {  	s2 =	sadd.s32 $0x0, s14;
	[sflag:s17] =	ssyncadd.s32 $0xFFFFFC00  }
0x58: {  	[tilespmem:s16], [sflag:$0x1] =	stream.indirect.gather [hbm4b:s4+s20], $0x80, s18, s20, $0xb8;
	[tilespmem:$0x1D000] =	vst v63  }
0x59: {  	s6 =	sadd.s32 $0x0, s15;
	s0 =	sadd.s32 $0x80, s2  }
0x5a: {  	[tilespmem:s21], [sflag:$0x3] =	stream.linear.gather [hbm4b:s0+s3], $0x400, $0x38;
	[tilespmem:$0x1D000] =	vst v63  }
0x5b: {  	s7 =	sadd.s32 $0x80, s6  }
0x5c: {  	[tilespmem:s22], [sflag:$0x3] =	stream.linear.gather [hbm4b:s7+s3], $0x400, $0x38;
	[tilespmem:$0x1D000] =	vst v63  }
0x5d: {  	s8 =	rddreg [dreg:$0x4]  }
0x5e: {  	[tilespmem:s23], [sflag:$0x2] =	stream.indirect.gather [hbm4b:s4+s20], $0x80, s8, s20, $0xb8;
	[tilespmem:$0x1D000] =	vst v63  }
0x5f: {  	_ =	swait.ge [sflag:s24], $0x4000  }
0x60: {  	[sflag:s24] =	ssyncset.done $0x0  }
0x61: {  	[sflag:s24] =	ssyncadd.s32 $0xFFFFC000  }
0x62: {  	[spmem:s1] =	stream.indirect.scatter.add.f32 [tilespmem:s16], [sflag:$0x4], $0x80, s19, s20, $0xb8;
	[tilespmem:$0x1D000] =	vst v63  }
0x63: {  	_ =	swait.ge [sflag:s17], $0x4000  }
0x64: {  	[sflag:s17] =	ssyncset.done $0x0  }
0x65: {  	s9 =	rddreg [dreg:$0x5];
	[sflag:s17] =	ssyncadd.s32 $0xFFFFC000  }
0x66: {  	[tilespmem:s16], [sflag:$0x1] =	stream.indirect.gather [hbm4b:s4+s20], $0x80, s9, s20, $0xb8;
	[tilespmem:$0x1D000] =	vst v63  }
0x67: {  	_ =	swait.ge [sflag:s25], $0x4000  }
0x68: {  	[sflag:s25] =	ssyncset.done $0x0  }
0x69: {  	s10 =	rddreg [dreg:$0x6];
	[sflag:s25] =	ssyncadd.s32 $0xFFFFC000  }
0x6a: {  	[spmem:s1] =	stream.indirect.scatter.add.f32 [tilespmem:s23], [sflag:$0x4], $0x80, s10, s20, $0xb8;
	[tilespmem:$0x1D000] =	vst v63  }
0x6b: {  	_ =	swait.ge [sflag:s17], $0x4000  }
0x6c: {  	[sflag:s17] =	ssyncset.done $0x0  }
0x6d: {  	s2 =	rddreg [dreg:$0x7];
	[sflag:s17] =	ssyncadd.s32 $0xFFFFC000  }
0x6e: {  	[tilespmem:s23], [sflag:$0x2] =	stream.indirect.gather [hbm4b:s4+s20], $0x80, s2, s20, $0xb8;
	[tilespmem:$0x1D000] =	vst v63  }
0x6f: {  	_ =	swait.ge [sflag:s24], $0x4000  }
0x70: {  	[sflag:s24] =	ssyncset.done $0x0  }
0x71: {  	s6 =	rddreg [dreg:$0x8];
	[sflag:s24] =	ssyncadd.s32 $0xFFFFC000  }
0x72: {  	[spmem:s1] =	stream.indirect.scatter.add.f32 [tilespmem:s16], [sflag:$0x4], $0x80, s6, s20, $0xb8;
	[tilespmem:$0x1D000] =	vst v63  }
0x73: {  	_ =	swait.ge [sflag:s17], $0x4000  }
0x74: {  	[sflag:s17] =	ssyncset.done $0x0  }
0x75: {  	s7 =	rddreg [dreg:$0x9];
	[sflag:s17] =	ssyncadd.s32 $0xFFFFC000  }
0x76: {  	[tilespmem:s16], [sflag:$0x1] =	stream.indirect.gather [hbm4b:s4+s20], $0x80, s7, s20, $0xb8;
	[tilespmem:$0x1D000] =	vst v63  }
0x77: {  	_ =	swait.ge [sflag:s25], $0x4000  }
0x78: {  	[sflag:s25] =	ssyncset.done $0x0  }
0x79: {  	s8 =	rddreg [dreg:$0xa];
	[sflag:s25] =	ssyncadd.s32 $0xFFFFC000  }
0x7a: {  	[spmem:s1] =	stream.indirect.scatter.add.f32 [tilespmem:s23], [sflag:$0x4], $0x80, s8, s20, $0xb8;
	[tilespmem:$0x1D000] =	vst v63  }
0x7b: {  	_ =	swait.ge [sflag:s17], $0x4000  }
0x7c: {  	[sflag:s17] =	ssyncset.done $0x0  }
0x7d: {  	s9 =	rddreg [dreg:$0xb];
	[sflag:s17] =	ssyncadd.s32 $0xFFFFC000  }
0x7e: {  	[tilespmem:s23], [sflag:$0x2] =	stream.indirect.gather [hbm4b:s4+s20], $0x80, s9, s20, $0xb8;
	[tilespmem:$0x1D000] =	vst v63  }
0x7f: {  	_ =	swait.ge [sflag:s24], $0x4000  }
0x80: {  	[sflag:s24] =	ssyncset.done $0x0  }
0x81: {  	s10 =	rddreg [dreg:$0xc];
	[sflag:s24] =	ssyncadd.s32 $0xFFFFC000  }
0x82: {  	[spmem:s1] =	stream.indirect.scatter.add.f32 [tilespmem:s16], [sflag:$0x4], $0x80, s10, s20, $0xb8;
	[tilespmem:$0x1D000] =	vst v63  }
0x83: {  	_ =	swait.ge [sflag:s17], $0x4000  }
0x84: {  	[sflag:s17] =	ssyncset.done $0x0  }
0x85: {  	s2 =	rddreg [dreg:$0xd];
	[sflag:s17] =	ssyncadd.s32 $0xFFFFC000  }
0x86: {  	[tilespmem:s16], [sflag:$0x1] =	stream.indirect.gather [hbm4b:s4+s20], $0x80, s2, s20, $0xb8;
	[tilespmem:$0x1D000] =	vst v63  }
0x87: {  	_ =	swait.ge [sflag:s25], $0x4000  }
0x88: {  	[sflag:s25] =	ssyncset.done $0x0  }
0x89: {  	s6 =	rddreg [dreg:$0xe];
	[sflag:s25] =	ssyncadd.s32 $0xFFFFC000  }
0x8a: {  	[spmem:s1] =	stream.indirect.scatter.add.f32 [tilespmem:s23], [sflag:$0x4], $0x80, s6, s20, $0xb8;
	[tilespmem:$0x1D000] =	vst v63  }
0x8b: {  	_ =	swait.ge [sflag:s17], $0x4000  }
0x8c: {  	[sflag:s17] =	ssyncset.done $0x0  }
0x8d: {  	s7 =	rddreg [dreg:$0xf];
	[sflag:s17] =	ssyncadd.s32 $0xFFFFC000  }
0x8e: {  	[tilespmem:s23], [sflag:$0x2] =	stream.indirect.gather [hbm4b:s4+s20], $0x80, s7, s20, $0xb8;
	[tilespmem:$0x1D000] =	vst v63  }
0x8f: {  	_ =	swait.ge [sflag:s24], $0x4000  }
0x90: {  	[sflag:s24] =	ssyncset.done $0x0  }
0x91: {  	s8 =	rddreg [dreg:$0x10];
	[sflag:s24] =	ssyncadd.s32 $0xFFFFC000  }
0x92: {  	[spmem:s1] =	stream.indirect.scatter.add.f32 [tilespmem:s16], [sflag:$0x4], $0x80, s8, s20, $0xb8;
	[tilespmem:$0x1D000] =	vst v63  }
0x93: {  	_ =	swait.ge [sflag:s17], $0x4000  }
0x94: {  	[sflag:s17] =	ssyncset.done $0x0  }
0x95: {  	[sflag:s17] =	ssyncadd.s32 $0xFFFFC000  }
0x96: {  	_ =	swait.ge [sflag:s26], $0x400  }
0x97: {  	[sflag:s26] =	ssyncset.done $0x0  }
0x98: {  	[sflag:s26] =	ssyncadd.s32 $0xFFFFFC00  }
0x99: {  	_ =	swait.ge [sflag:s26], $0x400  }
0x9a: {  	[sflag:s26] =	ssyncset.done $0x0  }
0x9b: {  	[sflag:s26] =	ssyncadd.s32 $0xFFFFFC00  }
0x9c: {  	[tilespmem:s16], [sflag:$0x1] =	stream.indirect.gather [hbm4b:s4+s20], $0x80, s21, s20, $0xb8;
	[tilespmem:$0x1D000] =	vst v63  }
0x9d: {  	_ =	swait.ge [sflag:s25], $0x4000  }
0x9e: {  	[sflag:s25] =	ssyncset.done $0x0  }
0x9f: {  	p0 =	por $0x0, $0x0;
	s9 =	rddreg [dreg:$0x11];
	[sflag:s25] =	ssyncadd.s32 $0xFFFFC000  }
0xa0: {  	[spmem:s1] =	stream.indirect.scatter.add.f32 [tilespmem:s23], [sflag:$0x4], $0x80, s9, s20, $0xb8;
	[tilespmem:$0x1D000] =	vst v63  }
0xa1: {  	s31 =	sadd.s32 @!p0 $0x0, s15;
	_ =	swait.ge [sflag:s17], $0x4000  }
0xa2: {  	s0 =	sadd.s32 @!p0 $0x0, s14;
	s2 =	simm.s32 @!p0 $0x0;
	[sflag:s17] =	ssyncset.done $0x0  }
0xa3: {  	s6 =	sadd.s32 @!p0 $0x100, s0;
	s0 =	simm.s32 @!p0 $0x14000;
	[sflag:s17] =	ssyncadd.s32 $0xFFFFC000  }
0xa4: {  	[tilespmem:s0], [sflag:$0x3] =	stream.linear.gather @!p0 [hbm4b:s6+s2], $0x400, $0x38;
	[tilespmem:$0x1D000] =	vst v63  }
0xa5: {  	s31 =	sadd.s32 @!p0 $0x100, s31;
	s6 =	simm.s32 @!p0 $0x14800  }
0xa6: {  	[tilespmem:s6], [sflag:$0x3] =	stream.linear.gather @!p0 [hbm4b:s31+s2], $0x400, $0x38;
	[tilespmem:$0x1D000] =	vst v63  }
0xa7: {  	s7 =	rddreg [dreg:$0x12]  }
0xa8: {  	[tilespmem:s23], [sflag:$0x2] =	stream.indirect.gather [hbm4b:s4+s20], $0x80, s7, s20, $0xb8;
	[tilespmem:$0x1D000] =	vst v63  }
0xa9: {  	_ =	swait.ge [sflag:s24], $0x4000  }
0xaa: {  	[sflag:s24] =	ssyncset.done $0x0  }
0xab: {  	[sflag:s24] =	ssyncadd.s32 $0xFFFFC000  }
0xac: {  	[spmem:s1] =	stream.indirect.scatter.add.f32 [tilespmem:s16], [sflag:$0x4], $0x80, s22, s20, $0xb8;
	[tilespmem:$0x1D000] =	vst v63  }
0xad: {  	_ =	swait.ge [sflag:s17], $0x4000  }
0xae: {  	[sflag:s17] =	ssyncset.done $0x0  }
0xaf: {  	s10 =	rddreg [dreg:$0x13];
	[sflag:s17] =	ssyncadd.s32 $0xFFFFC000  }
0xb0: {  	[tilespmem:s16], [sflag:$0x1] =	stream.indirect.gather [hbm4b:s4+s20], $0x80, s10, s20, $0xb8;
	[tilespmem:$0x1D000] =	vst v63  }
0xb1: {  	_ =	swait.ge [sflag:s25], $0x4000  }
0xb2: {  	[sflag:s25] =	ssyncset.done $0x0  }
0xb3: {  	s6 =	rddreg [dreg:$0x14];
	[sflag:s25] =	ssyncadd.s32 $0xFFFFC000  }
0xb4: {  	[spmem:s1] =	stream.indirect.scatter.add.f32 [tilespmem:s23], [sflag:$0x4], $0x80, s6, s20, $0xb8;
	[tilespmem:$0x1D000] =	vst v63  }
0xb5: {  	_ =	swait.ge [sflag:s17], $0x4000  }
0xb6: {  	[sflag:s17] =	ssyncset.done $0x0  }
0xb7: {  	s7 =	rddreg [dreg:$0x15];
	[sflag:s17] =	ssyncadd.s32 $0xFFFFC000  }
0xb8: {  	[tilespmem:s23], [sflag:$0x2] =	stream.indirect.gather [hbm4b:s4+s20], $0x80, s7, s20, $0xb8;
	[tilespmem:$0x1D000] =	vst v63  }
0xb9: {  	_ =	swait.ge [sflag:s24], $0x4000  }
0xba: {  	[sflag:s24] =	ssyncset.done $0x0  }
0xbb: {  	s8 =	rddreg [dreg:$0x16];
	[sflag:s24] =	ssyncadd.s32 $0xFFFFC000  }
0xbc: {  	[spmem:s1] =	stream.indirect.scatter.add.f32 [tilespmem:s16], [sflag:$0x4], $0x80, s8, s20, $0xb8;
	[tilespmem:$0x1D000] =	vst v63  }
0xbd: {  	_ =	swait.ge [sflag:s17], $0x4000  }
0xbe: {  	[sflag:s17] =	ssyncset.done $0x0  }
0xbf: {  	s9 =	rddreg [dreg:$0x17];
	[sflag:s17] =	ssyncadd.s32 $0xFFFFC000  }
0xc0: {  	[tilespmem:s16], [sflag:$0x1] =	stream.indirect.gather [hbm4b:s4+s20], $0x80, s9, s20, $0xb8;
	[tilespmem:$0x1D000] =	vst v63  }
0xc1: {  	_ =	swait.ge [sflag:s25], $0x4000  }
0xc2: {  	[sflag:s25] =	ssyncset.done $0x0  }
0xc3: {  	s10 =	rddreg [dreg:$0x18];
	[sflag:s25] =	ssyncadd.s32 $0xFFFFC000  }
0xc4: {  	[spmem:s1] =	stream.indirect.scatter.add.f32 [tilespmem:s23], [sflag:$0x4], $0x80, s10, s20, $0xb8;
	[tilespmem:$0x1D000] =	vst v63  }
0xc5: {  	_ =	swait.ge [sflag:s17], $0x4000  }
0xc6: {  	[sflag:s17] =	ssyncset.done $0x0  }
0xc7: {  	s6 =	rddreg [dreg:$0x19];
	[sflag:s17] =	ssyncadd.s32 $0xFFFFC000  }
0xc8: {  	[tilespmem:s23], [sflag:$0x2] =	stream.indirect.gather [hbm4b:s4+s20], $0x80, s6, s20, $0xb8;
	[tilespmem:$0x1D000] =	vst v63  }
0xc9: {  	_ =	swait.ge [sflag:s24], $0x4000  }
0xca: {  	[sflag:s24] =	ssyncset.done $0x0  }
0xcb: {  	s7 =	rddreg [dreg:$0x1a];
	[sflag:s24] =	ssyncadd.s32 $0xFFFFC000  }
0xcc: {  	[spmem:s1] =	stream.indirect.scatter.add.f32 [tilespmem:s16], [sflag:$0x4], $0x80, s7, s20, $0xb8;
	[tilespmem:$0x1D000] =	vst v63  }
0xcd: {  	_ =	swait.ge [sflag:s17], $0x4000  }
0xce: {  	[sflag:s17] =	ssyncset.done $0x0  }
0xcf: {  	s8 =	rddreg [dreg:$0x1b];
	[sflag:s17] =	ssyncadd.s32 $0xFFFFC000  }
0xd0: {  	[tilespmem:s16], [sflag:$0x1] =	stream.indirect.gather [hbm4b:s4+s20], $0x80, s8, s20, $0xb8;
	[tilespmem:$0x1D000] =	vst v63  }
0xd1: {  	_ =	swait.ge [sflag:s25], $0x4000  }
0xd2: {  	[sflag:s25] =	ssyncset.done $0x0  }
0xd3: {  	s9 =	rddreg [dreg:$0x1c];
	[sflag:s25] =	ssyncadd.s32 $0xFFFFC000  }
0xd4: {  	[spmem:s1] =	stream.indirect.scatter.add.f32 [tilespmem:s23], [sflag:$0x4], $0x80, s9, s20, $0xb8;
	[tilespmem:$0x1D000] =	vst v63  }
0xd5: {  	_ =	swait.ge [sflag:s17], $0x4000  }
0xd6: {  	[sflag:s17] =	ssyncset.done $0x0  }
0xd7: {  	s10 =	rddreg [dreg:$0x1d];
	[sflag:s17] =	ssyncadd.s32 $0xFFFFC000  }
0xd8: {  	[tilespmem:s23], [sflag:$0x2] =	stream.indirect.gather [hbm4b:s4+s20], $0x80, s10, s20, $0xb8;
	[tilespmem:$0x1D000] =	vst v63  }
0xd9: {  	_ =	swait.ge [sflag:s24], $0x4000  }
0xda: {  	[sflag:s24] =	ssyncset.done $0x0  }
0xdb: {  	[sflag:s24] =	ssyncadd.s32 $0xFFFFC000  }
0xdc: {  	[spmem:s1] =	stream.indirect.scatter.add.f32 [tilespmem:s16], [sflag:$0x4], $0x80, s28, s20, $0xb8;
	[tilespmem:$0x1D000] =	vst v63  }
0xdd: {  	_ =	swait.ge [sflag:s17], $0x4000  }
0xde: {  	[sflag:s17] =	ssyncset.done $0x0  }
0xdf: {  	s2 =	simm.s32 @!p0 $0x3;
	[sflag:s17] =	ssyncadd.s32 $0xFFFFC000  }
0xe0: {  	_ =	swait.ge @!p0 [sflag:s2], $0x400  }
0xe1: {  	[sflag:s2] =	ssyncset.done @!p0 $0x0  }
0xe2: {  	[sflag:s2] =	ssyncadd.s32 @!p0 $0xFFFFFC00  }
0xe3: {  	_ =	swait.ge @!p0 [sflag:s2], $0x400  }
0xe4: {  	[sflag:s2] =	ssyncset.done @!p0 $0x0  }
0xe5: {  	s6 =	simm.s32 @!p0 $0x80;
	[sflag:s2] =	ssyncadd.s32 @!p0 $0xFFFFFC00;
	s2 =	simm.s32 @!p0 $0x15000  }
0xe6: {  	[tilespmem:s2], [sflag:$0x1] =	stream.indirect.gather @!p0 [hbm4b:s4+s6], $0x80, s0, s6, $0xb8;
	[tilespmem:$0x1D000] =	vst v63  }
0xe7: {  	_ =	swait.ge [sflag:s25], $0x4000  }
0xe8: {  	[sflag:s25] =	ssyncset.done $0x0  }
0xe9: {  	s31 =	simm.s32 $0x100;
	[sflag:s25] =	ssyncadd.s32 $0xFFFFC000  }
0xea: {  	[spmem:s1] =	stream.indirect.scatter.add.f32 [tilespmem:s23], [sflag:$0x4], $0x80, s29, s20, $0xb8;
	[tilespmem:$0x1D000] =	vst v63  }
0xeb: {  	s0 =	simm.s32 $0x200;
	s2 =	sadd.s32 $0x100, s14;
	_ =	swait.ge [sflag:s17], $0x4000  }
.LBB2_4:
0xec: {  	[sflag:s17] =	ssyncset.done $0x0  }
0xed: {  	s6 =	sadd.s32 $0x80, s2;
	s7 =	sadd.s32 s31, s15;
	[sflag:s17] =	ssyncadd.s32 $0xFFFFC000  }
0xee: {  	[tilespmem:s21], [sflag:$0x3] =	stream.linear.gather [hbm4b:s6+s3], $0x400, $0x38;
	[tilespmem:$0x1D000] =	vst v63  }
0xef: {  	s9 =	sadd.s32 $0x80, s7  }
0xf0: {  	[tilespmem:s22], [sflag:$0x3] =	stream.linear.gather [hbm4b:s9+s3], $0x400, $0x38;
	[tilespmem:$0x1D000] =	vst v63  }
0xf1: {  	s10 =	rddreg [dreg:$0x4]  }
0xf2: {  	[tilespmem:s23], [sflag:$0x2] =	stream.indirect.gather [hbm4b:s4+s20], $0x80, s10, s20, $0xb8;
	[tilespmem:$0x1D000] =	vst v63  }
0xf3: {  	_ =	swait.ge [sflag:s24], $0x4000  }
0xf4: {  	[sflag:s24] =	ssyncset.done $0x0  }
0xf5: {  	[sflag:s24] =	ssyncadd.s32 $0xFFFFC000  }
0xf6: {  	[spmem:s1] =	stream.indirect.scatter.add.f32 [tilespmem:s16], [sflag:$0x4], $0x80, s19, s20, $0xb8;
	[tilespmem:$0x1D000] =	vst v63  }
0xf7: {  	_ =	swait.ge [sflag:s17], $0x4000  }
0xf8: {  	[sflag:s17] =	ssyncset.done $0x0  }
0xf9: {  	s7 =	rddreg [dreg:$0x5];
	[sflag:s17] =	ssyncadd.s32 $0xFFFFC000  }
0xfa: {  	[tilespmem:s16], [sflag:$0x1] =	stream.indirect.gather [hbm4b:s4+s20], $0x80, s7, s20, $0xb8;
	[tilespmem:$0x1D000] =	vst v63  }
0xfb: {  	_ =	swait.ge [sflag:s25], $0x4000  }
0xfc: {  	[sflag:s25] =	ssyncset.done $0x0  }
0xfd: {  	s8 =	rddreg [dreg:$0x6];
	[sflag:s25] =	ssyncadd.s32 $0xFFFFC000  }
0xfe: {  	[spmem:s1] =	stream.indirect.scatter.add.f32 [tilespmem:s23], [sflag:$0x4], $0x80, s8, s20, $0xb8;
	[tilespmem:$0x1D000] =	vst v63  }
0xff: {  	_ =	swait.ge [sflag:s17], $0x4000  }
0x100: {  	[sflag:s17] =	ssyncset.done $0x0  }
0x101: {  	s9 =	rddreg [dreg:$0x7];
	[sflag:s17] =	ssyncadd.s32 $0xFFFFC000  }
0x102: {  	[tilespmem:s23], [sflag:$0x2] =	stream.indirect.gather [hbm4b:s4+s20], $0x80, s9, s20, $0xb8;
	[tilespmem:$0x1D000] =	vst v63  }
0x103: {  	_ =	swait.ge [sflag:s24], $0x4000  }
0x104: {  	[sflag:s24] =	ssyncset.done $0x0  }
0x105: {  	s10 =	rddreg [dreg:$0x8];
	[sflag:s24] =	ssyncadd.s32 $0xFFFFC000  }
0x106: {  	[spmem:s1] =	stream.indirect.scatter.add.f32 [tilespmem:s16], [sflag:$0x4], $0x80, s10, s20, $0xb8;
	[tilespmem:$0x1D000] =	vst v63  }
0x107: {  	_ =	swait.ge [sflag:s17], $0x4000  }
0x108: {  	[sflag:s17] =	ssyncset.done $0x0  }
0x109: {  	s7 =	rddreg [dreg:$0x9];
	[sflag:s17] =	ssyncadd.s32 $0xFFFFC000  }
0x10a: {  	[tilespmem:s16], [sflag:$0x1] =	stream.indirect.gather [hbm4b:s4+s20], $0x80, s7, s20, $0xb8;
	[tilespmem:$0x1D000] =	vst v63  }
0x10b: {  	_ =	swait.ge [sflag:s25], $0x4000  }
0x10c: {  	[sflag:s25] =	ssyncset.done $0x0  }
0x10d: {  	s8 =	rddreg [dreg:$0xa];
	[sflag:s25] =	ssyncadd.s32 $0xFFFFC000  }
0x10e: {  	[spmem:s1] =	stream.indirect.scatter.add.f32 [tilespmem:s23], [sflag:$0x4], $0x80, s8, s20, $0xb8;
	[tilespmem:$0x1D000] =	vst v63  }
0x10f: {  	_ =	swait.ge [sflag:s17], $0x4000  }
0x110: {  	[sflag:s17] =	ssyncset.done $0x0  }
0x111: {  	s9 =	rddreg [dreg:$0xb];
	[sflag:s17] =	ssyncadd.s32 $0xFFFFC000  }
0x112: {  	[tilespmem:s23], [sflag:$0x2] =	stream.indirect.gather [hbm4b:s4+s20], $0x80, s9, s20, $0xb8;
	[tilespmem:$0x1D000] =	vst v63  }
0x113: {  	_ =	swait.ge [sflag:s24], $0x4000  }
0x114: {  	[sflag:s24] =	ssyncset.done $0x0  }
0x115: {  	s10 =	rddreg [dreg:$0xc];
	[sflag:s24] =	ssyncadd.s32 $0xFFFFC000  }
0x116: {  	[spmem:s1] =	stream.indirect.scatter.add.f32 [tilespmem:s16], [sflag:$0x4], $0x80, s10, s20, $0xb8;
	[tilespmem:$0x1D000] =	vst v63  }
0x117: {  	_ =	swait.ge [sflag:s17], $0x4000  }
0x118: {  	[sflag:s17] =	ssyncset.done $0x0  }
0x119: {  	s7 =	rddreg [dreg:$0xd];
	[sflag:s17] =	ssyncadd.s32 $0xFFFFC000  }
0x11a: {  	[tilespmem:s16], [sflag:$0x1] =	stream.indirect.gather [hbm4b:s4+s20], $0x80, s7, s20, $0xb8;
	[tilespmem:$0x1D000] =	vst v63  }
0x11b: {  	_ =	swait.ge [sflag:s25], $0x4000  }
0x11c: {  	[sflag:s25] =	ssyncset.done $0x0  }
0x11d: {  	s8 =	rddreg [dreg:$0xe];
	[sflag:s25] =	ssyncadd.s32 $0xFFFFC000  }
0x11e: {  	[spmem:s1] =	stream.indirect.scatter.add.f32 [tilespmem:s23], [sflag:$0x4], $0x80, s8, s20, $0xb8;
	[tilespmem:$0x1D000] =	vst v63  }
0x11f: {  	_ =	swait.ge [sflag:s17], $0x4000  }
0x120: {  	[sflag:s17] =	ssyncset.done $0x0  }
0x121: {  	s9 =	rddreg [dreg:$0xf];
	[sflag:s17] =	ssyncadd.s32 $0xFFFFC000  }
0x122: {  	[tilespmem:s23], [sflag:$0x2] =	stream.indirect.gather [hbm4b:s4+s20], $0x80, s9, s20, $0xb8;
	[tilespmem:$0x1D000] =	vst v63  }
0x123: {  	_ =	swait.ge [sflag:s24], $0x4000  }
0x124: {  	[sflag:s24] =	ssyncset.done $0x0  }
0x125: {  	s10 =	rddreg [dreg:$0x10];
	[sflag:s24] =	ssyncadd.s32 $0xFFFFC000  }
0x126: {  	[spmem:s1] =	stream.indirect.scatter.add.f32 [tilespmem:s16], [sflag:$0x4], $0x80, s10, s20, $0xb8;
	[tilespmem:$0x1D000] =	vst v63  }
0x127: {  	_ =	swait.ge [sflag:s17], $0x4000  }
0x128: {  	[sflag:s17] =	ssyncset.done $0x0  }
0x129: {  	[sflag:s17] =	ssyncadd.s32 $0xFFFFC000  }
0x12a: {  	_ =	swait.ge [sflag:s26], $0x400  }
0x12b: {  	[sflag:s26] =	ssyncset.done $0x0  }
0x12c: {  	[sflag:s26] =	ssyncadd.s32 $0xFFFFFC00  }
0x12d: {  	_ =	swait.ge [sflag:s26], $0x400  }
0x12e: {  	[sflag:s26] =	ssyncset.done $0x0  }
0x12f: {  	[sflag:s26] =	ssyncadd.s32 $0xFFFFFC00  }
0x130: {  	[tilespmem:s16], [sflag:$0x1] =	stream.indirect.gather [hbm4b:s4+s20], $0x80, s21, s20, $0xb8;
	[tilespmem:$0x1D000] =	vst v63  }
0x131: {  	_ =	swait.ge [sflag:s25], $0x4000  }
0x132: {  	[sflag:s25] =	ssyncset.done $0x0  }
0x133: {  	p1 =	seq.s32 s31, $0x400;
	s7 =	rddreg [dreg:$0x11];
	[sflag:s25] =	ssyncadd.s32 $0xFFFFC000  }
0x134: {  	[spmem:s1] =	stream.indirect.scatter.add.f32 [tilespmem:s23], [sflag:$0x4], $0x80, s7, s20, $0xb8;
	[tilespmem:$0x1D000] =	vst v63  }
0x135: {  	s6 =	sadd.s32 @!p1 s31, s14;
	_ =	swait.ge [sflag:s17], $0x4000  }
0x136: {  	s31 =	sadd.s32 @!p1 s31, s15;
	s8 =	sadd.s32 @!p1 $0x100, s6;
	[sflag:s17] =	ssyncset.done $0x0  }
0x137: {  	s6 =	simm.s32 @!p1 $0x14000;
	s7 =	simm.s32 @!p1 $0x0;
	[sflag:s17] =	ssyncadd.s32 $0xFFFFC000  }
0x138: {  	[tilespmem:s6], [sflag:$0x3] =	stream.linear.gather @!p1 [hbm4b:s8+s7], $0x400, $0x38;
	[tilespmem:$0x1D000] =	vst v63  }
0x139: {  	s9 =	simm.s32 @!p1 $0x14800;
	s8 =	sadd.s32 @!p1 $0x100, s31  }
0x13a: {  	[tilespmem:s9], [sflag:$0x3] =	stream.linear.gather @!p1 [hbm4b:s8+s7], $0x400, $0x38;
	[tilespmem:$0x1D000] =	vst v63  }
0x13b: {  	s10 =	rddreg [dreg:$0x12]  }
0x13c: {  	[tilespmem:s23], [sflag:$0x2] =	stream.indirect.gather [hbm4b:s4+s20], $0x80, s10, s20, $0xb8;
	[tilespmem:$0x1D000] =	vst v63  }
0x13d: {  	_ =	swait.ge [sflag:s24], $0x4000  }
0x13e: {  	[sflag:s24] =	ssyncset.done $0x0  }
0x13f: {  	[sflag:s24] =	ssyncadd.s32 $0xFFFFC000  }
0x140: {  	[spmem:s1] =	stream.indirect.scatter.add.f32 [tilespmem:s16], [sflag:$0x4], $0x80, s22, s20, $0xb8;
	[tilespmem:$0x1D000] =	vst v63  }
0x141: {  	_ =	swait.ge [sflag:s17], $0x4000  }
0x142: {  	[sflag:s17] =	ssyncset.done $0x0  }
0x143: {  	s8 =	rddreg [dreg:$0x13];
	[sflag:s17] =	ssyncadd.s32 $0xFFFFC000  }
0x144: {  	[tilespmem:s16], [sflag:$0x1] =	stream.indirect.gather [hbm4b:s4+s20], $0x80, s8, s20, $0xb8;
	[tilespmem:$0x1D000] =	vst v63  }
0x145: {  	_ =	swait.ge [sflag:s25], $0x4000  }
0x146: {  	[sflag:s25] =	ssyncset.done $0x0  }
0x147: {  	s9 =	rddreg [dreg:$0x14];
	[sflag:s25] =	ssyncadd.s32 $0xFFFFC000  }
0x148: {  	[spmem:s1] =	stream.indirect.scatter.add.f32 [tilespmem:s23], [sflag:$0x4], $0x80, s9, s20, $0xb8;
	[tilespmem:$0x1D000] =	vst v63  }
0x149: {  	_ =	swait.ge [sflag:s17], $0x4000  }
0x14a: {  	[sflag:s17] =	ssyncset.done $0x0  }
0x14b: {  	s10 =	rddreg [dreg:$0x15];
	[sflag:s17] =	ssyncadd.s32 $0xFFFFC000  }
0x14c: {  	[tilespmem:s23], [sflag:$0x2] =	stream.indirect.gather [hbm4b:s4+s20], $0x80, s10, s20, $0xb8;
	[tilespmem:$0x1D000] =	vst v63  }
0x14d: {  	_ =	swait.ge [sflag:s24], $0x4000  }
0x14e: {  	[sflag:s24] =	ssyncset.done $0x0  }
0x14f: {  	s7 =	rddreg [dreg:$0x16];
	[sflag:s24] =	ssyncadd.s32 $0xFFFFC000  }
0x150: {  	[spmem:s1] =	stream.indirect.scatter.add.f32 [tilespmem:s16], [sflag:$0x4], $0x80, s7, s20, $0xb8;
	[tilespmem:$0x1D000] =	vst v63  }
0x151: {  	_ =	swait.ge [sflag:s17], $0x4000  }
0x152: {  	[sflag:s17] =	ssyncset.done $0x0  }
0x153: {  	s8 =	rddreg [dreg:$0x17];
	[sflag:s17] =	ssyncadd.s32 $0xFFFFC000  }
0x154: {  	[tilespmem:s16], [sflag:$0x1] =	stream.indirect.gather [hbm4b:s4+s20], $0x80, s8, s20, $0xb8;
	[tilespmem:$0x1D000] =	vst v63  }
0x155: {  	_ =	swait.ge [sflag:s25], $0x4000  }
0x156: {  	[sflag:s25] =	ssyncset.done $0x0  }
0x157: {  	s9 =	rddreg [dreg:$0x18];
	[sflag:s25] =	ssyncadd.s32 $0xFFFFC000  }
0x158: {  	[spmem:s1] =	stream.indirect.scatter.add.f32 [tilespmem:s23], [sflag:$0x4], $0x80, s9, s20, $0xb8;
	[tilespmem:$0x1D000] =	vst v63  }
0x159: {  	_ =	swait.ge [sflag:s17], $0x4000  }
0x15a: {  	[sflag:s17] =	ssyncset.done $0x0  }
0x15b: {  	s10 =	rddreg [dreg:$0x19];
	[sflag:s17] =	ssyncadd.s32 $0xFFFFC000  }
0x15c: {  	[tilespmem:s23], [sflag:$0x2] =	stream.indirect.gather [hbm4b:s4+s20], $0x80, s10, s20, $0xb8;
	[tilespmem:$0x1D000] =	vst v63  }
0x15d: {  	_ =	swait.ge [sflag:s24], $0x4000  }
0x15e: {  	[sflag:s24] =	ssyncset.done $0x0  }
0x15f: {  	s7 =	rddreg [dreg:$0x1a];
	[sflag:s24] =	ssyncadd.s32 $0xFFFFC000  }
0x160: {  	[spmem:s1] =	stream.indirect.scatter.add.f32 [tilespmem:s16], [sflag:$0x4], $0x80, s7, s20, $0xb8;
	[tilespmem:$0x1D000] =	vst v63  }
0x161: {  	_ =	swait.ge [sflag:s17], $0x4000  }
0x162: {  	[sflag:s17] =	ssyncset.done $0x0  }
0x163: {  	s8 =	rddreg [dreg:$0x1b];
	[sflag:s17] =	ssyncadd.s32 $0xFFFFC000  }
0x164: {  	[tilespmem:s16], [sflag:$0x1] =	stream.indirect.gather [hbm4b:s4+s20], $0x80, s8, s20, $0xb8;
	[tilespmem:$0x1D000] =	vst v63  }
0x165: {  	_ =	swait.ge [sflag:s25], $0x4000  }
0x166: {  	[sflag:s25] =	ssyncset.done $0x0  }
0x167: {  	s9 =	rddreg [dreg:$0x1c];
	[sflag:s25] =	ssyncadd.s32 $0xFFFFC000  }
0x168: {  	[spmem:s1] =	stream.indirect.scatter.add.f32 [tilespmem:s23], [sflag:$0x4], $0x80, s9, s20, $0xb8;
	[tilespmem:$0x1D000] =	vst v63  }
0x169: {  	_ =	swait.ge [sflag:s17], $0x4000  }
0x16a: {  	[sflag:s17] =	ssyncset.done $0x0  }
0x16b: {  	s10 =	rddreg [dreg:$0x1d];
	[sflag:s17] =	ssyncadd.s32 $0xFFFFC000  }
0x16c: {  	[tilespmem:s23], [sflag:$0x2] =	stream.indirect.gather [hbm4b:s4+s20], $0x80, s10, s20, $0xb8;
	[tilespmem:$0x1D000] =	vst v63  }
0x16d: {  	_ =	swait.ge [sflag:s24], $0x4000  }
0x16e: {  	[sflag:s24] =	ssyncset.done $0x0  }
0x16f: {  	[sflag:s24] =	ssyncadd.s32 $0xFFFFC000  }
0x170: {  	[spmem:s1] =	stream.indirect.scatter.add.f32 [tilespmem:s16], [sflag:$0x4], $0x80, s28, s20, $0xb8;
	[tilespmem:$0x1D000] =	vst v63  }
0x171: {  	_ =	swait.ge [sflag:s17], $0x4000  }
0x172: {  	s2 =	smov.u32 s0;
	[sflag:s17] =	ssyncset.done $0x0  }
0x173: {  	s31 =	smov.u32 s2;
	s2 =	simm.s32 @!p1 $0x3;
	[sflag:s17] =	ssyncadd.s32 $0xFFFFC000  }
0x174: {  	_ =	swait.ge @!p1 [sflag:s2], $0x400  }
0x175: {  	[sflag:s2] =	ssyncset.done @!p1 $0x0  }
0x176: {  	[sflag:s2] =	ssyncadd.s32 @!p1 $0xFFFFFC00  }
0x177: {  	s0 =	sadd.s32 $0x100, s0;
	_ =	swait.ge @!p1 [sflag:s2], $0x400  }
0x178: {  	p0 =	sne.s32 s0, $0x500;
	[sflag:s2] =	ssyncset.done @!p1 $0x0  }
0x179: {  	s7 =	simm.s32 @!p1 $0x80;
	s8 =	simm.s32 @!p1 $0x15000;
	[sflag:s2] =	ssyncadd.s32 @!p1 $0xFFFFFC00  }
0x17a: {  	[tilespmem:s8], [sflag:$0x1] =	stream.indirect.gather @!p1 [hbm4b:s4+s7], $0x80, s6, s7, $0xb8;
	[tilespmem:$0x1D000] =	vst v63  }
.Ltmp1:
0x17b: {  	_ =	swait.ge [sflag:s25], $0x4000;
	(pc) =	sbr.rel @p0 .LBB2_4-.Ltmp1, $4  }
0x17c: {  	[sflag:s25] =	ssyncset.done $0x0  }
0x17d: {  	[sflag:s25] =	ssyncadd.s32 $0xFFFFC000  }
0x17e: {  	[spmem:s1] =	stream.indirect.scatter.add.f32 [tilespmem:s23], [sflag:$0x4], $0x80, s29, s20, $0xb8;
	[tilespmem:$0x1D000] =	vst v63  }
0x17f: {  	s2 =	sadd.s32 s31, s14;
	_ =	swait.ge [sflag:s17], $0x4000  }
0x180: {  	[sflag:s17] =	ssyncset.done $0x0  }
0x181: {  	s0 =	sadd.s32 $0x80, s2;
	s10 =	sadd.s32 s31, s15;
	[sflag:s17] =	ssyncadd.s32 $0xFFFFC000  }
0x182: {  	[tilespmem:s21], [sflag:$0x3] =	stream.linear.gather [hbm4b:s0+s3], $0x400, $0x38;
	[tilespmem:$0x1D000] =	vst v63  }
0x183: {  	s6 =	sadd.s32 $0x80, s10  }
0x184: {  	[tilespmem:s22], [sflag:$0x3] =	stream.linear.gather [hbm4b:s6+s3], $0x400, $0x38;
	[tilespmem:$0x1D000] =	vst v63  }
0x185: {  	s7 =	rddreg [dreg:$0x4]  }
0x186: {  	[tilespmem:s23], [sflag:$0x2] =	stream.indirect.gather [hbm4b:s4+s20], $0x80, s7, s20, $0xb8;
	[tilespmem:$0x1D000] =	vst v63  }
0x187: {  	_ =	swait.ge [sflag:s24], $0x4000  }
0x188: {  	[sflag:s24] =	ssyncset.done $0x0  }
0x189: {  	[sflag:s24] =	ssyncadd.s32 $0xFFFFC000  }
0x18a: {  	[spmem:s1] =	stream.indirect.scatter.add.f32 [tilespmem:s16], [sflag:$0x4], $0x80, s19, s20, $0xb8;
	[tilespmem:$0x1D000] =	vst v63  }
0x18b: {  	_ =	swait.ge [sflag:s17], $0x4000  }
0x18c: {  	[sflag:s17] =	ssyncset.done $0x0  }
0x18d: {  	s8 =	rddreg [dreg:$0x5];
	[sflag:s17] =	ssyncadd.s32 $0xFFFFC000  }
0x18e: {  	[tilespmem:s16], [sflag:$0x1] =	stream.indirect.gather [hbm4b:s4+s20], $0x80, s8, s20, $0xb8;
	[tilespmem:$0x1D000] =	vst v63  }
0x18f: {  	_ =	swait.ge [sflag:s25], $0x4000  }
0x190: {  	[sflag:s25] =	ssyncset.done $0x0  }
0x191: {  	s9 =	rddreg [dreg:$0x6];
	[sflag:s25] =	ssyncadd.s32 $0xFFFFC000  }
0x192: {  	[spmem:s1] =	stream.indirect.scatter.add.f32 [tilespmem:s23], [sflag:$0x4], $0x80, s9, s20, $0xb8;
	[tilespmem:$0x1D000] =	vst v63  }
0x193: {  	_ =	swait.ge [sflag:s17], $0x4000  }
0x194: {  	[sflag:s17] =	ssyncset.done $0x0  }
0x195: {  	s10 =	rddreg [dreg:$0x7];
	[sflag:s17] =	ssyncadd.s32 $0xFFFFC000  }
0x196: {  	[tilespmem:s23], [sflag:$0x2] =	stream.indirect.gather [hbm4b:s4+s20], $0x80, s10, s20, $0xb8;
	[tilespmem:$0x1D000] =	vst v63  }
0x197: {  	_ =	swait.ge [sflag:s24], $0x4000  }
0x198: {  	[sflag:s24] =	ssyncset.done $0x0  }
0x199: {  	s2 =	rddreg [dreg:$0x8];
	[sflag:s24] =	ssyncadd.s32 $0xFFFFC000  }
0x19a: {  	[spmem:s1] =	stream.indirect.scatter.add.f32 [tilespmem:s16], [sflag:$0x4], $0x80, s2, s20, $0xb8;
	[tilespmem:$0x1D000] =	vst v63  }
0x19b: {  	_ =	swait.ge [sflag:s17], $0x4000  }
0x19c: {  	[sflag:s17] =	ssyncset.done $0x0  }
0x19d: {  	s6 =	rddreg [dreg:$0x9];
	[sflag:s17] =	ssyncadd.s32 $0xFFFFC000  }
0x19e: {  	[tilespmem:s16], [sflag:$0x1] =	stream.indirect.gather [hbm4b:s4+s20], $0x80, s6, s20, $0xb8;
	[tilespmem:$0x1D000] =	vst v63  }
0x19f: {  	_ =	swait.ge [sflag:s25], $0x4000  }
0x1a0: {  	[sflag:s25] =	ssyncset.done $0x0  }
0x1a1: {  	s7 =	rddreg [dreg:$0xa];
	[sflag:s25] =	ssyncadd.s32 $0xFFFFC000  }
0x1a2: {  	[spmem:s1] =	stream.indirect.scatter.add.f32 [tilespmem:s23], [sflag:$0x4], $0x80, s7, s20, $0xb8;
	[tilespmem:$0x1D000] =	vst v63  }
0x1a3: {  	_ =	swait.ge [sflag:s17], $0x4000  }
0x1a4: {  	[sflag:s17] =	ssyncset.done $0x0  }
0x1a5: {  	s8 =	rddreg [dreg:$0xb];
	[sflag:s17] =	ssyncadd.s32 $0xFFFFC000  }
0x1a6: {  	[tilespmem:s23], [sflag:$0x2] =	stream.indirect.gather [hbm4b:s4+s20], $0x80, s8, s20, $0xb8;
	[tilespmem:$0x1D000] =	vst v63  }
0x1a7: {  	_ =	swait.ge [sflag:s24], $0x4000  }
0x1a8: {  	[sflag:s24] =	ssyncset.done $0x0  }
0x1a9: {  	s9 =	rddreg [dreg:$0xc];
	[sflag:s24] =	ssyncadd.s32 $0xFFFFC000  }
0x1aa: {  	[spmem:s1] =	stream.indirect.scatter.add.f32 [tilespmem:s16], [sflag:$0x4], $0x80, s9, s20, $0xb8;
	[tilespmem:$0x1D000] =	vst v63  }
0x1ab: {  	_ =	swait.ge [sflag:s17], $0x4000  }
0x1ac: {  	[sflag:s17] =	ssyncset.done $0x0  }
0x1ad: {  	s10 =	rddreg [dreg:$0xd];
	[sflag:s17] =	ssyncadd.s32 $0xFFFFC000  }
0x1ae: {  	[tilespmem:s16], [sflag:$0x1] =	stream.indirect.gather [hbm4b:s4+s20], $0x80, s10, s20, $0xb8;
	[tilespmem:$0x1D000] =	vst v63  }
0x1af: {  	_ =	swait.ge [sflag:s25], $0x4000  }
0x1b0: {  	[sflag:s25] =	ssyncset.done $0x0  }
0x1b1: {  	s2 =	rddreg [dreg:$0xe];
	[sflag:s25] =	ssyncadd.s32 $0xFFFFC000  }
0x1b2: {  	[spmem:s1] =	stream.indirect.scatter.add.f32 [tilespmem:s23], [sflag:$0x4], $0x80, s2, s20, $0xb8;
	[tilespmem:$0x1D000] =	vst v63  }
0x1b3: {  	_ =	swait.ge [sflag:s17], $0x4000  }
0x1b4: {  	[sflag:s17] =	ssyncset.done $0x0  }
0x1b5: {  	s6 =	rddreg [dreg:$0xf];
	[sflag:s17] =	ssyncadd.s32 $0xFFFFC000  }
0x1b6: {  	[tilespmem:s23], [sflag:$0x2] =	stream.indirect.gather [hbm4b:s4+s20], $0x80, s6, s20, $0xb8;
	[tilespmem:$0x1D000] =	vst v63  }
0x1b7: {  	_ =	swait.ge [sflag:s24], $0x4000  }
0x1b8: {  	[sflag:s24] =	ssyncset.done $0x0  }
0x1b9: {  	s7 =	rddreg [dreg:$0x10];
	[sflag:s24] =	ssyncadd.s32 $0xFFFFC000  }
0x1ba: {  	[spmem:s1] =	stream.indirect.scatter.add.f32 [tilespmem:s16], [sflag:$0x4], $0x80, s7, s20, $0xb8;
	[tilespmem:$0x1D000] =	vst v63  }
0x1bb: {  	_ =	swait.ge [sflag:s17], $0x4000  }
0x1bc: {  	[sflag:s17] =	ssyncset.done $0x0  }
0x1bd: {  	[sflag:s17] =	ssyncadd.s32 $0xFFFFC000  }
0x1be: {  	_ =	swait.ge [sflag:s26], $0x400  }
0x1bf: {  	[sflag:s26] =	ssyncset.done $0x0  }
0x1c0: {  	[sflag:s26] =	ssyncadd.s32 $0xFFFFFC00  }
0x1c1: {  	_ =	swait.ge [sflag:s26], $0x400  }
0x1c2: {  	[sflag:s26] =	ssyncset.done $0x0  }
0x1c3: {  	[sflag:s26] =	ssyncadd.s32 $0xFFFFFC00  }
0x1c4: {  	[tilespmem:s16], [sflag:$0x1] =	stream.indirect.gather [hbm4b:s4+s20], $0x80, s21, s20, $0xb8;
	[tilespmem:$0x1D000] =	vst v63  }
0x1c5: {  	_ =	swait.ge [sflag:s25], $0x4000  }
0x1c6: {  	[sflag:s25] =	ssyncset.done $0x0  }
0x1c7: {  	p0 =	seq.s32 s31, $0x400;
	s8 =	rddreg [dreg:$0x11];
	[sflag:s25] =	ssyncadd.s32 $0xFFFFC000  }
0x1c8: {  	[spmem:s1] =	stream.indirect.scatter.add.f32 [tilespmem:s23], [sflag:$0x4], $0x80, s8, s20, $0xb8;
	[tilespmem:$0x1D000] =	vst v63  }
0x1c9: {  	s0 =	sadd.s32 @!p0 s31, s14;
	_ =	swait.ge [sflag:s17], $0x4000  }
0x1ca: {  	s2 =	simm.s32 @!p0 $0x0;
	s6 =	sadd.s32 @!p0 $0x100, s0;
	[sflag:s17] =	ssyncset.done $0x0  }
0x1cb: {  	s0 =	simm.s32 @!p0 $0x14000;
	s7 =	sadd.s32 @!p0 s31, s15;
	[sflag:s17] =	ssyncadd.s32 $0xFFFFC000  }
0x1cc: {  	[tilespmem:s0], [sflag:$0x3] =	stream.linear.gather @!p0 [hbm4b:s6+s2], $0x400, $0x38;
	[tilespmem:$0x1D000] =	vst v63  }
0x1cd: {  	s7 =	sadd.s32 @!p0 $0x100, s7;
	s6 =	simm.s32 @!p0 $0x14800  }
0x1ce: {  	[tilespmem:s6], [sflag:$0x3] =	stream.linear.gather @!p0 [hbm4b:s7+s2], $0x400, $0x38;
	[tilespmem:$0x1D000] =	vst v63  }
0x1cf: {  	s8 =	rddreg [dreg:$0x12]  }
0x1d0: {  	[tilespmem:s23], [sflag:$0x2] =	stream.indirect.gather [hbm4b:s4+s20], $0x80, s8, s20, $0xb8;
	[tilespmem:$0x1D000] =	vst v63  }
0x1d1: {  	_ =	swait.ge [sflag:s24], $0x4000  }
0x1d2: {  	[sflag:s24] =	ssyncset.done $0x0  }
0x1d3: {  	[sflag:s24] =	ssyncadd.s32 $0xFFFFC000  }
0x1d4: {  	[spmem:s1] =	stream.indirect.scatter.add.f32 [tilespmem:s16], [sflag:$0x4], $0x80, s22, s20, $0xb8;
	[tilespmem:$0x1D000] =	vst v63  }
0x1d5: {  	_ =	swait.ge [sflag:s17], $0x4000  }
0x1d6: {  	[sflag:s17] =	ssyncset.done $0x0  }
0x1d7: {  	s9 =	rddreg [dreg:$0x13];
	[sflag:s17] =	ssyncadd.s32 $0xFFFFC000  }
0x1d8: {  	[tilespmem:s16], [sflag:$0x1] =	stream.indirect.gather [hbm4b:s4+s20], $0x80, s9, s20, $0xb8;
	[tilespmem:$0x1D000] =	vst v63  }
0x1d9: {  	_ =	swait.ge [sflag:s25], $0x4000  }
0x1da: {  	[sflag:s25] =	ssyncset.done $0x0  }
0x1db: {  	s10 =	rddreg [dreg:$0x14];
	[sflag:s25] =	ssyncadd.s32 $0xFFFFC000  }
0x1dc: {  	[spmem:s1] =	stream.indirect.scatter.add.f32 [tilespmem:s23], [sflag:$0x4], $0x80, s10, s20, $0xb8;
	[tilespmem:$0x1D000] =	vst v63  }
0x1dd: {  	_ =	swait.ge [sflag:s17], $0x4000  }
0x1de: {  	[sflag:s17] =	ssyncset.done $0x0  }
0x1df: {  	s31 =	rddreg [dreg:$0x15];
	[sflag:s17] =	ssyncadd.s32 $0xFFFFC000  }
0x1e0: {  	[tilespmem:s23], [sflag:$0x2] =	stream.indirect.gather [hbm4b:s4+s20], $0x80, s31, s20, $0xb8;
	[tilespmem:$0x1D000] =	vst v63  }
0x1e1: {  	_ =	swait.ge [sflag:s24], $0x4000  }
0x1e2: {  	[sflag:s24] =	ssyncset.done $0x0  }
0x1e3: {  	s6 =	rddreg [dreg:$0x16];
	[sflag:s24] =	ssyncadd.s32 $0xFFFFC000  }
0x1e4: {  	[spmem:s1] =	stream.indirect.scatter.add.f32 [tilespmem:s16], [sflag:$0x4], $0x80, s6, s20, $0xb8;
	[tilespmem:$0x1D000] =	vst v63  }
0x1e5: {  	_ =	swait.ge [sflag:s17], $0x4000  }
0x1e6: {  	[sflag:s17] =	ssyncset.done $0x0  }
0x1e7: {  	s7 =	rddreg [dreg:$0x17];
	[sflag:s17] =	ssyncadd.s32 $0xFFFFC000  }
0x1e8: {  	[tilespmem:s16], [sflag:$0x1] =	stream.indirect.gather [hbm4b:s4+s20], $0x80, s7, s20, $0xb8;
	[tilespmem:$0x1D000] =	vst v63  }
0x1e9: {  	_ =	swait.ge [sflag:s25], $0x4000  }
0x1ea: {  	[sflag:s25] =	ssyncset.done $0x0  }
0x1eb: {  	s8 =	rddreg [dreg:$0x18];
	[sflag:s25] =	ssyncadd.s32 $0xFFFFC000  }
0x1ec: {  	[spmem:s1] =	stream.indirect.scatter.add.f32 [tilespmem:s23], [sflag:$0x4], $0x80, s8, s20, $0xb8;
	[tilespmem:$0x1D000] =	vst v63  }
0x1ed: {  	_ =	swait.ge [sflag:s17], $0x4000  }
0x1ee: {  	[sflag:s17] =	ssyncset.done $0x0  }
0x1ef: {  	s9 =	rddreg [dreg:$0x19];
	[sflag:s17] =	ssyncadd.s32 $0xFFFFC000  }
0x1f0: {  	[tilespmem:s23], [sflag:$0x2] =	stream.indirect.gather [hbm4b:s4+s20], $0x80, s9, s20, $0xb8;
	[tilespmem:$0x1D000] =	vst v63  }
0x1f1: {  	_ =	swait.ge [sflag:s24], $0x4000  }
0x1f2: {  	[sflag:s24] =	ssyncset.done $0x0  }
0x1f3: {  	s10 =	rddreg [dreg:$0x1a];
	[sflag:s24] =	ssyncadd.s32 $0xFFFFC000  }
0x1f4: {  	[spmem:s1] =	stream.indirect.scatter.add.f32 [tilespmem:s16], [sflag:$0x4], $0x80, s10, s20, $0xb8;
	[tilespmem:$0x1D000] =	vst v63  }
0x1f5: {  	_ =	swait.ge [sflag:s17], $0x4000  }
0x1f6: {  	[sflag:s17] =	ssyncset.done $0x0  }
0x1f7: {  	s31 =	rddreg [dreg:$0x1b];
	[sflag:s17] =	ssyncadd.s32 $0xFFFFC000  }
0x1f8: {  	[tilespmem:s16], [sflag:$0x1] =	stream.indirect.gather [hbm4b:s4+s20], $0x80, s31, s20, $0xb8;
	[tilespmem:$0x1D000] =	vst v63  }
0x1f9: {  	_ =	swait.ge [sflag:s25], $0x4000  }
0x1fa: {  	[sflag:s25] =	ssyncset.done $0x0  }
0x1fb: {  	s6 =	rddreg [dreg:$0x1c];
	[sflag:s25] =	ssyncadd.s32 $0xFFFFC000  }
0x1fc: {  	[spmem:s1] =	stream.indirect.scatter.add.f32 [tilespmem:s23], [sflag:$0x4], $0x80, s6, s20, $0xb8;
	[tilespmem:$0x1D000] =	vst v63  }
0x1fd: {  	_ =	swait.ge [sflag:s17], $0x4000  }
0x1fe: {  	[sflag:s17] =	ssyncset.done $0x0  }
0x1ff: {  	s7 =	rddreg [dreg:$0x1d];
	[sflag:s17] =	ssyncadd.s32 $0xFFFFC000  }
0x200: {  	[tilespmem:s23], [sflag:$0x2] =	stream.indirect.gather [hbm4b:s4+s20], $0x80, s7, s20, $0xb8;
	[tilespmem:$0x1D000] =	vst v63  }
0x201: {  	_ =	swait.ge [sflag:s24], $0x4000  }
0x202: {  	[sflag:s24] =	ssyncset.done $0x0  }
0x203: {  	[sflag:s24] =	ssyncadd.s32 $0xFFFFC000  }
0x204: {  	[spmem:s1] =	stream.indirect.scatter.add.f32 [tilespmem:s16], [sflag:$0x4], $0x80, s28, s20, $0xb8;
	[tilespmem:$0x1D000] =	vst v63  }
0x205: {  	_ =	swait.ge [sflag:s17], $0x4000  }
0x206: {  	[sflag:s17] =	ssyncset.done $0x0  }
0x207: {  	s2 =	simm.s32 @!p0 $0x3;
	[sflag:s17] =	ssyncadd.s32 $0xFFFFC000  }
0x208: {  	_ =	swait.ge @!p0 [sflag:s2], $0x400  }
0x209: {  	[sflag:s2] =	ssyncset.done @!p0 $0x0  }
0x20a: {  	[sflag:s2] =	ssyncadd.s32 @!p0 $0xFFFFFC00  }
0x20b: {  	_ =	swait.ge @!p0 [sflag:s2], $0x400  }
0x20c: {  	[sflag:s2] =	ssyncset.done @!p0 $0x0  }
0x20d: {  	s6 =	simm.s32 @!p0 $0x80;
	[sflag:s2] =	ssyncadd.s32 @!p0 $0xFFFFFC00;
	s2 =	simm.s32 @!p0 $0x15000  }
0x20e: {  	[tilespmem:s2], [sflag:$0x1] =	stream.indirect.gather @!p0 [hbm4b:s4+s6], $0x80, s0, s6, $0xb8;
	[tilespmem:$0x1D000] =	vst v63  }
0x20f: {  	_ =	swait.ge [sflag:s25], $0x4000  }
0x210: {  	[sflag:s25] =	ssyncset.done $0x0  }
0x211: {  	[sflag:s25] =	ssyncadd.s32 $0xFFFFC000  }
0x212: {  	[spmem:s1] =	stream.indirect.scatter.add.f32 [tilespmem:s23], [sflag:$0x4], $0x80, s29, s20, $0xb8;
	[tilespmem:$0x1D000] =	vst v63  }
0x213: {  	_ =	swait.ge [sflag:s17], $0x4000  }
0x214: {  	[sflag:s17] =	ssyncset.done $0x0  }
0x215: {  	[sflag:s17] =	ssyncadd.s32 $0xFFFFC000  }
0x216: {  	[bflag:$0x0] =	sbarrier.arrive $0xFFFF  }
0x217: {  	s8 =	stileid.u32;
	s10 =	sld [smem:$0x7FB]  }
0x218: {  	s0 =	sshll.u32 s8, $0x6  }
0x219: {  	s9 =	sshrl.u32 s5, $0x3;
	s0 =	sor.u32 $0x1C04, s0  }
0x21a: {  	[hbm:s10], [sflag:s0] =	dma.local [spmem:s9], $0x2800  }
0x21b: {  	_ =	swait.ge [sflag:s17], $0x2800  }
0x21c: {  	s31 =	sld [smem:$0x7FC];
	_ =	sdelay $0x1  }
0x21d: {  	s30 =	sadd.s32 $0x1, s30  }
0x21e: {  	p0 =	sne.s32 s30, s31  }
.Ltmp2:
0x21f: {  	_ = 	snop;
	(pc) =	sbr.rel @p0 .LBB2_1-.Ltmp2, $3  }
0x220: {  	_ =	sdelay $0x1  }
0x221: {  	[sflag:s17] =	ssyncset.done $0x0  }
0x222: {  	[sflag:s17] =	ssyncadd.s32 $0xFFFFD800  }
0x223: {  	_ =	sfence.sel $0x180000  }
0x224: {  	[bflag:$0x0] =	sbarrier.arrive $0xFFFF  }
0x225: {  	_ =	strace $0x9000004D  }
0x226: {  	s0 =	stileid.u32;
	[bflag:$0x2] =	sbarrier.arrive $0xFFFF  }
0x227: {  	p0 =	sne.s32 s0, $0x0;
	s0 =	rddreg [dreg:$0x3]  }
0x228: {  	s0 =	sadd.s32 @!p0 $0x100000, s0  }
0x229: {  	[sflag:s0] =	ssyncadd.tile.s32 @!p0 $0x1;
	_ =	shalt  }
.Lfunc_end2:
_tile_overlayer_lowered:
.L_overlay_start_2:
0x22a: {  	(tag) =	ssettag $0x2  }
0x22b: {  	s0 =	rddreg [dreg:$0x0];
	s2 =	stileid.u32  }
0x22c: {  	s1 =	rddreg [dreg:$0x1];
	p0 =	sne.s32 s2, $0x0  }
0x22d: {  	s3 =	rddreg [dreg:$0x2];
	[bflag:$0x3] =	sbarrier.arrive $0xFFFF;
	s2 =	simm.s32 @!p0 $0x1C04  }
0x22e: {  	[timem:s3], [sflag:s2] =	dma.local @!p0 [hbm:s0], s1  }
0x22f: {  	s0 =	simm.s32 @!p0 $0x4  }
0x230: {  	_ =	swait.ge @!p0 [sflag:s0], s1  }
0x231: {  	s1 =	ssub.s32 @!p0 $0x0, s1;
	[sflag:s0] =	ssyncset.done @!p0 $0x0  }
0x232: {  	[sflag:s0] =	ssyncadd.s32 @!p0 s1  }
0x233: {  	[bflag:$0x3] =	sbarrier.arrive $0xFFFF  }
0x234: {  	_ =	shalt  }

// kernel: kernel.9.cloned.1.call-start
scs
__scs_entry_jumppad:
0x0: {  	(pc) =	sbr.rel $0x88, $3  }
0x1: {  	(tag) =	ssettag $0x0;
	lr =	simm.s32 $0x1  }
0x2: {  	[smem:$0x3F9D] =	sst lr;
	_ =	strace $0xD0000000  }
0x3: {  	_ = 	snop  }
0x4: {  	_ = 	snop  }
0x5: {  	_ = 	snop  }
0x6: {  	_ = 	snop  }
0x7: {  	_ = 	snop  }
__scs_overlays_trampoline_lowered:
0x8: {  	[smem:$0x3FAC] =	sst s0  }
0x9: {  	[smem:$0x3FAD] =	sst s1  }
0xa: {  	[smem:$0x3FAE] =	sst s2  }
0xb: {  	[smem:$0x3FAF] =	sst s3  }
0xc: {  	[smem:$0x3FB0] =	sst s4  }
0xd: {  	[smem:$0x3FB1] =	sst s5  }
0xe: {  	[smem:$0x3FB2] =	sst s6  }
0xf: {  	[smem:$0x3FB3] =	sst s7  }
0x10: {  	[smem:$0x3FB4] =	sst s8  }
0x11: {  	[smem:$0x3FB5] =	sst s9;
	s0 =	simm.s32 @!p0 $0x0  }
0x12: {  	s1 =	sld [smem:$0x3F9B];
	s0 =	simm.s32 @p0 $0x1  }
0x13: {  	[smem:$0x3FB6] =	sst s0;
	s0 =	simm.s32 @!p1 $0x0  }
0x14: {  	s2 =	sld [smem:$0x3F9A];
	s0 =	simm.s32 @p1 $0x1  }
0x15: {  	[smem:$0x3FB7] =	sst s0;
	s0 =	simm.s32 @!p2 $0x0  }
0x16: {  	s3 =	sld [smem:$0x3FDB];
	s0 =	simm.s32 @p2 $0x1  }
0x17: {  	s4 =	simm.s32 $0x1BF5;
	[smem:$0x3FB9] =	sst s0  }
0x18: {  	s0 =	sld [smem:$0x3F9C];
	_ =	swait.ge [sflag:s4], $0x0  }
0x19: {  	s7 =	sld [smem:$0x3F9D]  }
0x1a: {  	s8 =	sadd.s32 $0xFFFFE003, lr  }
0x1b: {  	s9 =	sadd.s32 $0xFFFFFEF7, lr;
	s5 =	simm.s32 $0xFFFFFFFF;
	p2 =	slt.u32 s8, $0xFFFFF086  }
0x1c: {  	p1 =	slt.u32 s9, $0xF7A;
	s5 =	simm.s32 @!p2 $0x0  }
0x1d: {  	s5 =	simm.s32 @p1 $0x1;
	p0 =	seq.s32 s7, s2  }
0x1e: {  	s7 =	smul.u32 @!p0 $0xF7A, s2;
	p2 =	seq.s32 @!p0 s5, $0x0  }
0x1f: {  	s9 =	smul.u32 $0xF7A, s1;
	s8 =	simm.s32 @!p0 $0x1BF5;
	p2 =	por !p2, p0  }
0x20: {  	[sflag:s8] =	ssyncset.s32 @!p0 $0xFFFFF086;
	s6 =	sadd.s32 @!p0 s3, s7;
	s7 =	simm.s32 @!p0 $0x108  }
0x21: {  	s3 =	sadd.s32 s3, s9;
	s6 =	sadd.s32 @!p0 $0x88, s6;
	s7 =	simm.s32 @p2 $0x1082  }
0x22: {  	[simem:s7], [sflag:s8] =	dma.local @!p0 [hbm:s6], $0xF7A  }
0x23: {  	s9 =	sor.u32 $0xD0000000, s2;
	s6 =	simm.s32 $0x108;
	_ =	swait.ge @!p0 [sflag:s8], $0x0  }
0x24: {  	s3 =	sadd.s32 $0x88, s3;
	s6 =	simm.s32 @!p1 $0x1082;
	[sflag:s4] =	ssyncset.s32 $0xFFFFF086  }
0x25: {  	[simem:s6], [sflag:s4] =	dma.local [hbm:s3], $0xF7A  }
0x26: {  	[smem:$0x3F9D] =	sst s1;
	(tag) =	ssettag s2;
	_ =	strace s9  }
0x27: {  	s1 =	sld [smem:$0x3FAD]  }
0x28: {  	s2 =	sld [smem:$0x3FAE]  }
0x29: {  	s4 =	sld [smem:$0x3FB0]  }
0x2a: {  	p0 =	seq.s32 s5, $0x0;
	s5 =	sld [smem:$0x3FB1]  }
0x2b: {  	s6 =	sld [smem:$0x3FB2]  }
0x2c: {  	s7 =	sld [smem:$0x3FB3]  }
0x2d: {  	s3 =	simm.s32 $0x108;
	s8 =	sld [smem:$0x3FB4]  }
0x2e: {  	s3 =	simm.s32 @!p0 $0x1082;
	s9 =	sld [smem:$0x3FB5]  }
0x2f: {  	lr =	sadd.s32 s0, s3;
	s0 =	sld [smem:$0x3FAC]  }
0x30: {  	s3 =	sld [smem:$0x3FAF]  }
0x31: {  	[smem:$0x3FB8] =	sst s10  }
0x32: {  	s10 =	sld [smem:$0x3FB6];
	_ =	sdelay $0x3  }
0x33: {  	p0 =	seq.s32 s10, $0x1;
	s10 =	sld [smem:$0x3FB8];
	_ =	sdelay $0x3  }
0x34: {  	[smem:$0x3FB8] =	sst s10  }
0x35: {  	s10 =	sld [smem:$0x3FB7];
	_ =	sdelay $0x3  }
0x36: {  	p1 =	seq.s32 s10, $0x1;
	s10 =	sld [smem:$0x3FB8];
	_ =	sdelay $0x3  }
0x37: {  	[smem:$0x3FB8] =	sst s10  }
0x38: {  	s10 =	sld [smem:$0x3FB9]  }
0x39: {  	_ = 	snop;
	(pc) =	sbr.ind lr, $3  }
0x3a: {  	_ = 	snop  }
0x3b: {  	_ = 	snop  }
0x3c: {  	p2 =	seq.s32 s10, $0x1;
	s10 =	sld [smem:$0x3FB8]  }
0x3d: {  	_ =	shalt  }
0x3e: {  	_ =	shalt  }
0x3f: {  	_ =	shalt  }
0x40: {  	_ =	shalt  }
0x41: {  	_ =	shalt  }
0x42: {  	_ =	shalt  }
0x43: {  	_ =	shalt  }
0x44: {  	_ =	shalt  }
0x45: {  	_ =	shalt  }
0x46: {  	_ =	shalt  }
0x47: {  	_ =	shalt  }
0x48: {  	_ =	shalt  }
0x49: {  	_ =	shalt  }
0x4a: {  	_ =	shalt  }
0x4b: {  	_ =	shalt  }
0x4c: {  	_ =	shalt  }
0x4d: {  	_ =	shalt  }
0x4e: {  	_ =	shalt  }
0x4f: {  	_ =	shalt  }
0x50: {  	_ =	shalt  }
0x51: {  	_ =	shalt  }
0x52: {  	_ =	shalt  }
0x53: {  	_ =	shalt  }
0x54: {  	_ =	shalt  }
0x55: {  	_ =	shalt  }
0x56: {  	_ =	shalt  }
0x57: {  	_ =	shalt  }
0x58: {  	_ =	shalt  }
0x59: {  	_ =	shalt  }
0x5a: {  	_ =	shalt  }
0x5b: {  	_ =	shalt  }
0x5c: {  	_ =	shalt  }
0x5d: {  	_ =	shalt  }
0x5e: {  	_ =	shalt  }
0x5f: {  	_ =	shalt  }
0x60: {  	_ =	shalt  }
0x61: {  	_ =	shalt  }
0x62: {  	_ =	shalt  }
0x63: {  	_ =	shalt  }
0x64: {  	_ =	shalt  }
0x65: {  	_ =	shalt  }
0x66: {  	_ =	shalt  }
0x67: {  	_ =	shalt  }
0x68: {  	_ =	shalt  }
0x69: {  	_ =	shalt  }
0x6a: {  	_ =	shalt  }
0x6b: {  	_ =	shalt  }
0x6c: {  	_ =	shalt  }
0x6d: {  	_ =	shalt  }
0x6e: {  	_ =	shalt  }
0x6f: {  	_ =	shalt  }
0x70: {  	_ =	shalt  }
0x71: {  	_ =	shalt  }
0x72: {  	_ =	shalt  }
0x73: {  	_ =	shalt  }
0x74: {  	_ =	shalt  }
0x75: {  	_ =	shalt  }
0x76: {  	_ =	shalt  }
0x77: {  	_ =	shalt  }
0x78: {  	_ =	shalt  }
0x79: {  	_ =	shalt  }
0x7a: {  	_ =	shalt  }
0x7b: {  	_ =	shalt  }
0x7c: {  	_ =	shalt  }
0x7d: {  	_ =	shalt  }
0x7e: {  	_ =	shalt  }
0x7f: {  	_ =	shalt  }
0x80: {  	_ =	shalt  }
0x81: {  	_ =	shalt  }
0x82: {  	_ =	shalt  }
0x83: {  	_ =	shalt  }
0x84: {  	_ =	shalt  }
0x85: {  	_ =	shalt  }
0x86: {  	_ =	shalt  }
0x87: {  	_ =	shalt  }
.Lfunc_end0:
.L_simem_size_0:
called_computation_lowered:
.L_overlay_start_0:
0x88: {  	s2 =	sld [smem:$0x3FD9]  }
0x89: {  	s3 =	sld [smem:$0x3FFE];
	_ =	sdelay $0x1  }
0x8a: {  	s1 =	srdreg.scid  }
0x8b: {  	s0 =	sand.u32 $0x1, s1  }
0x8c: {  	s16 =	sshll.u32 s0, $0xA;
	s2 =	sadd.s32 s3, s2  }
0x8d: {  	s2 =	sadd.s32 s2, s16  }
0x8e: {  	[smem:$0x3FC4] =	sst s2  }
0x8f: {  	_ = 	snop  }
0x90: {  	(tm) =	ssettm $0x1  }
0x91: {  	s17 =	sld [smem:$0x3FFB];
	_ =	sdelay $0x3  }
0x92: {  	_ =	strace s17  }
0x93: {  	s2 =	sld [smem:$0x3FFC];
	_ =	sdelay $0x3  }
0x94: {  	_ =	strace s2  }
0x95: {  	s2 =	sld [smem:$0x3FFD];
	_ =	sdelay $0x3  }
0x96: {  	_ =	strace s2  }
0x97: {  	_ =	strace $0x8FFFFFFF  }
0x98: {  	s18 =	sld [smem:$0x3FDB];
	_ =	sdelay $0x1  }
0x99: {  	s19 =	simm.s32 $_scs_section_size  }
0x9a: {  	s4 =	simm.s32 $_size__tile_overlayer_lowered;
	s5 =	simm.s32 $_tile_overlayer_lowered  }
0x9b: {  	s22 =	simm.s32 $0x1BFF;
	s21 =	sshll.u32 s5, $0x1;
	s2 =	sadd.s32 s19, s18  }
0x9c: {  	s6 =	simm.s32 $0x0;
	s20 =	sshll.u32 s4, $0x1;
	s4 =	sadd.s32 s21, s2  }
0x9d: {  	[timem:s6], [sflag:s22] =	dma.local [hbm:s4], s20  }
0x9e: {  	_ =	swait.ge [sflag:s22], s20  }
0x9f: {  	s3 =	ssub.s32 $0x0, s20;
	[sflag:s22] =	ssyncset.done $0x0  }
0xa0: {  	[sflag:s22] =	ssyncadd.s32 s3;
	_ =	sdelay $0x1  }
0xa1: {  	s23 =	simm.s32 $0x1B8B  }
0xa2: {  	_ =	swait.ge [sflag:s23], $0x1  }
0xa3: {  	[sflag:s23] =	ssyncset.done $0x0  }
0xa4: {  	s25 =	simm.s32 $0x1B8E;
	s24 =	sld [smem:$0x3FFE];
	[sflag:s23] =	ssyncadd.s32 $0xFFFFFFFF  }
0xa5: {  	s26 =	simm.s32 $execute0_lowered;
	[smem:$0x3FD2] =	sst s25  }
0xa6: {  	s4 =	sshll.u32 s26, $0x1;
	_ =	strace $0x80000046;
	[dreg:$0x1] =	wrdreg $0xFFFFFFFF  }
0xa7: {  	s28 =	simm.s32 $_size_execute0_lowered;
	s2 =	sadd.s32 s2, s4;
	[dreg:$0x0] =	wrdreg $0x0  }
0xa8: {  	s4 =	sshll.u32 s28, $0x1;
	[dreg:$0x2] =	wrdreg s2  }
0xa9: {  	[dreg:$0x3] =	wrdreg s4  }
0xaa: {  	[dreg:$0x4] =	wrdreg $0xC0  }
0xab: {  	_ =	task [dreg:s6], $0x5FFFF  }
0xac: {  	[dreg:$0x1] =	wrdreg $0xFFFFFFFF  }
0xad: {  	[dreg:$0x0] =	wrdreg $0x60  }
0xae: {  	[dreg:$0x2] =	wrdreg s24  }
0xaf: {  	[dreg:$0x3] =	wrdreg $0x0  }
0xb0: {  	[dreg:$0x4] =	wrdreg $0x9  }
0xb1: {  	_ =	task.clear_ibuf [dreg:s6], $0x5FFFF;
	_ =	strace $0x90000046  }
0xb2: {  	s29 =	simm.s32 $0x9;
	_ =	strace $0x80000048  }
0xb3: {  	_ =	swait.ge [sflag:s29], $0x1  }
0xb4: {  	[sflag:s29] =	ssyncadd.s32 $0xFFFFFFFF  }
0xb5: {  	_ =	strace $0x90000048  }
0xb6: {  	_ =	sfence  }
0xb7: {  	s30 =	sld [smem:$0x0];
	_ =	sdelay $0x2  }
0xb8: {  	s31 =	sshll.u32 s1, $0xD;
	s1 =	sshrl.u32 s1, $0x2  }
0xb9: {  	s3 =	sand.u32 $0x4000, s31;
	s1 =	sadd.s32 s1, s30  }
0xba: {  	s0 =	sor.u32 s3, s0;
	s1 =	sshll.u32 s1, $0x11  }
0xbb: {  	s0 =	sor.u32 s1, s0  }
0xbc: {  	s0 =	sadd.s32 $0x8F2B, s0  }
0xbd: {  	[sflag:s0] =	ssyncadd.remote.s32 $0x1  }
0xbe: {  	_ =	sfence.sel $0xFFFF  }
0xbf: {  	[dreg:$0x0] =	wrdreg $0xFFFFFFFF;
	(pc) =	sbr.abs _section_cstart, $3  }
0xc0: {  	[dreg:$0x1] =	wrdreg $0xFFFFFFFF  }
0xc1: {  	_ =	task.clear_ibuf [dreg:s6], $0x2FFFF;
	_ =	strace $0x9FFFFFFF  }
0xc2: {  	(tm) =	ssettm $0x7FFFFFFF  }
0xc3: {  	_ =	shalt  }
tec
execute0_lowered:
.L_overlay_start_1:
0x0: {  	(tag) =	ssettag $0x1  }
0x1: {  	s0 =	rddreg [dreg:$0x0]  }
0x2: {  	s2 =	rddreg [dreg:$0x1]  }
0x3: {  	s1 =	srdreg.scid;
	s6 =	stileid.u32;
	s5 =	simm.s32 $0x0  }
0x4: {  	s9 =	simm.s32 $0x2;
	s10 =	simm.s32 $0x280;
	s11 =	simm.s32 $0x80  }
0x5: {  	s12 =	simm.s32 $0x2D00;
	s8 =	simm.s32 $0x2300;
	s13 =	simm.s32 $0x2380  }
0x6: {  	s14 =	simm.s32 $0x2400;
	s15 =	simm.s32 $0x2480;
	s16 =	simm.s32 $0x2500  }
0x7: {  	s17 =	simm.s32 $0x2580;
	s18 =	simm.s32 $0x2600;
	s19 =	simm.s32 $0x2680  }
0x8: {  	s20 =	simm.s32 $0x2700;
	s21 =	simm.s32 $0x2800;
	s22 =	simm.s32 $0x2880  }
0x9: {  	s23 =	simm.s32 $0x2900;
	s24 =	simm.s32 $0x2980;
	s28 =	simm.s32 $0x20  }
0xa: {  	s29 =	simm.s32 $0x10;
	s30 =	simm.s32 $0x0;
	s1 =	sand.u32 $0x1, s1  }
0xb: {  	s3 =	sshll.u32 s6, $0x1;
	s4 =	smul.u32 $0x500, s6;
	[smem:$0x7FF] =	sst s5  }
0xc: {  	s26 =	smul.u32 $0xA00, s6;
	s3 =	sor.u32 s1, s3;
	s25 =	sshll.u32 s1, $0x7  }
0xd: {  	_ =	strace $0x80000047;
	s1 =	ssub.s32 $0x2, s1;
	s3 =	smul.u32 $0x500, s3  }
0xe: {  	s4 =	sor.u32 s25, s4;
	s31 =	sshrl.u32 s1, $0x1;
	s5 =	sshrl.u32 s26, $0x2  }
0xf: {  	s25 =	simm.s32 $0x2A00;
	s26 =	simm.s32 $0x1;
	s4 =	sshrl.u32 s4, $0x3  }
0x10: {  	s1 =	ssub.s32 s1, s31;
	s3 =	sadd.s32 s3, s0;
	s0 =	sadd.s32 s4, s0  }
0x11: {  	s4 =	sadd.s32 s5, s2;
	s7 =	smax.u32 s1, $0x1;
	s1 =	simm.s32 $0x2780  }
0x12: {  	v0 =	vimm.f32 $0.0e+00;
	v1 =	vimm.f32 $1.000000000e+00;
	s5 =	sadd.s32 $0x2000, s3;
	s6 =	sadd.s32 $0xC000, s0;
	s3 =	simm.s32 $0x2280  }
.LBB2_1:
0x13: {  	[tilespmem:$0x2A80] =	vst v0  }
0x14: {  	[tilespmem:$0x2A90] =	vst v0  }
0x15: {  	[tilespmem:$0x2AA0] =	vst v0  }
0x16: {  	[tilespmem:$0x2AB0] =	vst v0  }
0x17: {  	[tilespmem:$0x2AC0] =	vst v0  }
0x18: {  	[tilespmem:$0x2AD0] =	vst v0  }
0x19: {  	[tilespmem:$0x2AE0] =	vst v0  }
0x1a: {  	[tilespmem:$0x2AF0] =	vst v0  }
0x1b: {  	[tilespmem:$0x2B00] =	vst v0  }
0x1c: {  	[tilespmem:$0x2B10] =	vst v0  }
0x1d: {  	[tilespmem:$0x2B20] =	vst v0  }
0x1e: {  	[tilespmem:$0x2B30] =	vst v0  }
0x1f: {  	[tilespmem:$0x2B40] =	vst v0  }
0x20: {  	[tilespmem:$0x2B50] =	vst v0  }
0x21: {  	[tilespmem:$0x2B60] =	vst v0  }
0x22: {  	[tilespmem:$0x2B70] =	vst v0  }
0x23: {  	[tilespmem:$0x2B80] =	vst v0  }
0x24: {  	[tilespmem:$0x2B90] =	vst v0  }
0x25: {  	[tilespmem:$0x2BA0] =	vst v0  }
0x26: {  	[tilespmem:$0x2BB0] =	vst v0  }
0x27: {  	[tilespmem:$0x2BC0] =	vst v0  }
0x28: {  	[tilespmem:$0x2BD0] =	vst v0  }
0x29: {  	[tilespmem:$0x2BE0] =	vst v0  }
0x2a: {  	[tilespmem:$0x2BF0] =	vst v0  }
0x2b: {  	[tilespmem:$0x2C00] =	vst v0  }
0x2c: {  	[tilespmem:$0x2C10] =	vst v0  }
0x2d: {  	[tilespmem:$0x2C20] =	vst v0  }
0x2e: {  	[tilespmem:$0x2C30] =	vst v0  }
0x2f: {  	[tilespmem:$0x2C40] =	vst v0  }
0x30: {  	[tilespmem:$0x2C50] =	vst v0  }
0x31: {  	[tilespmem:$0x2C60] =	vst v0  }
0x32: {  	[tilespmem:$0x2C70] =	vst v0  }
0x33: {  	[tilespmem:$0x2C80] =	vst v0  }
0x34: {  	[tilespmem:$0x2C90] =	vst v0  }
0x35: {  	[tilespmem:$0x2CA0] =	vst v0  }
0x36: {  	[tilespmem:$0x2CB0] =	vst v0  }
0x37: {  	[tilespmem:$0x2CC0] =	vst v0  }
0x38: {  	[tilespmem:$0x2CD0] =	vst v0  }
0x39: {  	[tilespmem:$0x2CE0] =	vst v0  }
0x3a: {  	[tilespmem:$0x2CF0] =	vst v0  }
0x3b: {  	[tilespmem:$0x2D00] =	vst v1  }
0x3c: {  	[tilespmem:$0x2D10] =	vst v1  }
0x3d: {  	[tilespmem:$0x2D20] =	vst v1  }
0x3e: {  	[tilespmem:$0x2D30] =	vst v1  }
0x3f: {  	[tilespmem:$0x2D40] =	vst v1  }
0x40: {  	[tilespmem:$0x2D50] =	vst v1  }
0x41: {  	[tilespmem:$0x2D60] =	vst v1  }
0x42: {  	[tilespmem:$0x2D70] =	vst v1;
	s0 =	simm.s32 $0x2A80  }
0x43: {  	[spmem:s4] =	stream.linear.scatter [tilespmem:s0], [sflag:$0x2], $0x280, $0x38;
	[tilespmem:$0x2D80] =	vst v63  }
0x44: {  	_ =	swait.ge [sflag:s9], $0x280  }
0x45: {  	[sflag:s9] =	ssyncset.done $0x0  }
0x46: {  	[sflag:s9] =	ssyncadd.s32 $0xFFFFFD80  }
0x47: {  	s0 =	simm.s32 $0x0;
	[bflag:$0x0] =	sbarrier.arrive $0xFFFF  }
0x48: {  	[tilespmem:s10], [sflag:$0x2] =	stream.linear.gather [hbm4b:s5+s0], $0x2800, $0x38;
	[tilespmem:$0x2D80] =	vst v63  }
0x49: {  	_ =	swait.ge [sflag:s9], $0x2800  }
0x4a: {  	[sflag:s9] =	ssyncset.done $0x0  }
0x4b: {  	[sflag:s9] =	ssyncadd.s32 $0xFFFFD800  }
0x4c: {  	[spmem:s2] =	stream.indirect.scatter.add.f32 [tilespmem:s12], [sflag:$0x1], $0x1, s10, s11, $0xb8;
	[tilespmem:$0x2D80] =	vst v63  }
0x4d: {  	s0 =	simm.s32 $0x300  }
0x4e: {  	[spmem:s2] =	stream.indirect.scatter.add.f32 [tilespmem:s12], [sflag:$0x1], $0x1, s0, s11, $0xb8;
	[tilespmem:$0x2D80] =	vst v63  }
0x4f: {  	s0 =	simm.s32 $0x380  }
0x50: {  	[spmem:s2] =	stream.indirect.scatter.add.f32 [tilespmem:s12], [sflag:$0x1], $0x1, s0, s11, $0xb8;
	[tilespmem:$0x2D80] =	vst v63  }
0x51: {  	s0 =	simm.s32 $0x400  }
0x52: {  	[spmem:s2] =	stream.indirect.scatter.add.f32 [tilespmem:s12], [sflag:$0x1], $0x1, s0, s11, $0xb8;
	[tilespmem:$0x2D80] =	vst v63  }
0x53: {  	s0 =	simm.s32 $0x480  }
0x54: {  	[spmem:s2] =	stream.indirect.scatter.add.f32 [tilespmem:s12], [sflag:$0x1], $0x1, s0, s11, $0xb8;
	[tilespmem:$0x2D80] =	vst v63  }
0x55: {  	s0 =	simm.s32 $0x500  }
0x56: {  	[spmem:s2] =	stream.indirect.scatter.add.f32 [tilespmem:s12], [sflag:$0x1], $0x1, s0, s11, $0xb8;
	[tilespmem:$0x2D80] =	vst v63  }
0x57: {  	s0 =	simm.s32 $0x580  }
0x58: {  	[spmem:s2] =	stream.indirect.scatter.add.f32 [tilespmem:s12], [sflag:$0x1], $0x1, s0, s11, $0xb8;
	[tilespmem:$0x2D80] =	vst v63  }
0x59: {  	s0 =	simm.s32 $0x600  }
0x5a: {  	[spmem:s2] =	stream.indirect.scatter.add.f32 [tilespmem:s12], [sflag:$0x1], $0x1, s0, s11, $0xb8;
	[tilespmem:$0x2D80] =	vst v63  }
0x5b: {  	s0 =	simm.s32 $0x680  }
0x5c: {  	[spmem:s2] =	stream.indirect.scatter.add.f32 [tilespmem:s12], [sflag:$0x1], $0x1, s0, s11, $0xb8;
	[tilespmem:$0x2D80] =	vst v63  }
0x5d: {  	s0 =	simm.s32 $0x700  }
0x5e: {  	[spmem:s2] =	stream.indirect.scatter.add.f32 [tilespmem:s12], [sflag:$0x1], $0x1, s0, s11, $0xb8;
	[tilespmem:$0x2D80] =	vst v63  }
0x5f: {  	s0 =	simm.s32 $0x780  }
0x60: {  	[spmem:s2] =	stream.indirect.scatter.add.f32 [tilespmem:s12], [sflag:$0x1], $0x1, s0, s11, $0xb8;
	[tilespmem:$0x2D80] =	vst v63  }
0x61: {  	s0 =	simm.s32 $0x800  }
0x62: {  	[spmem:s2] =	stream.indirect.scatter.add.f32 [tilespmem:s12], [sflag:$0x1], $0x1, s0, s11, $0xb8;
	[tilespmem:$0x2D80] =	vst v63  }
0x63: {  	s0 =	simm.s32 $0x880  }
0x64: {  	[spmem:s2] =	stream.indirect.scatter.add.f32 [tilespmem:s12], [sflag:$0x1], $0x1, s0, s11, $0xb8;
	[tilespmem:$0x2D80] =	vst v63  }
0x65: {  	s0 =	simm.s32 $0x900  }
0x66: {  	[spmem:s2] =	stream.indirect.scatter.add.f32 [tilespmem:s12], [sflag:$0x1], $0x1, s0, s11, $0xb8;
	[tilespmem:$0x2D80] =	vst v63  }
0x67: {  	s0 =	simm.s32 $0x980  }
0x68: {  	[spmem:s2] =	stream.indirect.scatter.add.f32 [tilespmem:s12], [sflag:$0x1], $0x1, s0, s11, $0xb8;
	[tilespmem:$0x2D80] =	vst v63  }
0x69: {  	s0 =	simm.s32 $0xA00  }
0x6a: {  	[spmem:s2] =	stream.indirect.scatter.add.f32 [tilespmem:s12], [sflag:$0x1], $0x1, s0, s11, $0xb8;
	[tilespmem:$0x2D80] =	vst v63  }
0x6b: {  	s0 =	simm.s32 $0xA80  }
0x6c: {  	[spmem:s2] =	stream.indirect.scatter.add.f32 [tilespmem:s12], [sflag:$0x1], $0x1, s0, s11, $0xb8;
	[tilespmem:$0x2D80] =	vst v63  }
0x6d: {  	s0 =	simm.s32 $0xB00  }
0x6e: {  	[spmem:s2] =	stream.indirect.scatter.add.f32 [tilespmem:s12], [sflag:$0x1], $0x1, s0, s11, $0xb8;
	[tilespmem:$0x2D80] =	vst v63  }
0x6f: {  	s0 =	simm.s32 $0xB80  }
0x70: {  	[spmem:s2] =	stream.indirect.scatter.add.f32 [tilespmem:s12], [sflag:$0x1], $0x1, s0, s11, $0xb8;
	[tilespmem:$0x2D80] =	vst v63  }
0x71: {  	s0 =	simm.s32 $0xC00  }
0x72: {  	[spmem:s2] =	stream.indirect.scatter.add.f32 [tilespmem:s12], [sflag:$0x1], $0x1, s0, s11, $0xb8;
	[tilespmem:$0x2D80] =	vst v63  }
0x73: {  	s0 =	simm.s32 $0xC80  }
0x74: {  	[spmem:s2] =	stream.indirect.scatter.add.f32 [tilespmem:s12], [sflag:$0x1], $0x1, s0, s11, $0xb8;
	[tilespmem:$0x2D80] =	vst v63  }
0x75: {  	s0 =	simm.s32 $0xD00  }
0x76: {  	[spmem:s2] =	stream.indirect.scatter.add.f32 [tilespmem:s12], [sflag:$0x1], $0x1, s0, s11, $0xb8;
	[tilespmem:$0x2D80] =	vst v63  }
0x77: {  	s0 =	simm.s32 $0xD80  }
0x78: {  	[spmem:s2] =	stream.indirect.scatter.add.f32 [tilespmem:s12], [sflag:$0x1], $0x1, s0, s11, $0xb8;
	[tilespmem:$0x2D80] =	vst v63  }
0x79: {  	s0 =	simm.s32 $0xE00  }
0x7a: {  	[spmem:s2] =	stream.indirect.scatter.add.f32 [tilespmem:s12], [sflag:$0x1], $0x1, s0, s11, $0xb8;
	[tilespmem:$0x2D80] =	vst v63  }
0x7b: {  	s0 =	simm.s32 $0xE80  }
0x7c: {  	[spmem:s2] =	stream.indirect.scatter.add.f32 [tilespmem:s12], [sflag:$0x1], $0x1, s0, s11, $0xb8;
	[tilespmem:$0x2D80] =	vst v63  }
0x7d: {  	s0 =	simm.s32 $0xF00  }
0x7e: {  	[spmem:s2] =	stream.indirect.scatter.add.f32 [tilespmem:s12], [sflag:$0x1], $0x1, s0, s11, $0xb8;
	[tilespmem:$0x2D80] =	vst v63  }
0x7f: {  	s0 =	simm.s32 $0xF80  }
0x80: {  	[spmem:s2] =	stream.indirect.scatter.add.f32 [tilespmem:s12], [sflag:$0x1], $0x1, s0, s11, $0xb8;
	[tilespmem:$0x2D80] =	vst v63  }
0x81: {  	s0 =	simm.s32 $0x1000  }
0x82: {  	[spmem:s2] =	stream.indirect.scatter.add.f32 [tilespmem:s12], [sflag:$0x1], $0x1, s0, s11, $0xb8;
	[tilespmem:$0x2D80] =	vst v63  }
0x83: {  	s0 =	simm.s32 $0x1080  }
0x84: {  	[spmem:s2] =	stream.indirect.scatter.add.f32 [tilespmem:s12], [sflag:$0x1], $0x1, s0, s11, $0xb8;
	[tilespmem:$0x2D80] =	vst v63  }
0x85: {  	s0 =	simm.s32 $0x1100  }
0x86: {  	[spmem:s2] =	stream.indirect.scatter.add.f32 [tilespmem:s12], [sflag:$0x1], $0x1, s0, s11, $0xb8;
	[tilespmem:$0x2D80] =	vst v63  }
0x87: {  	s0 =	simm.s32 $0x1180  }
0x88: {  	[spmem:s2] =	stream.indirect.scatter.add.f32 [tilespmem:s12], [sflag:$0x1], $0x1, s0, s11, $0xb8;
	[tilespmem:$0x2D80] =	vst v63  }
0x89: {  	s0 =	simm.s32 $0x1200  }
0x8a: {  	[spmem:s2] =	stream.indirect.scatter.add.f32 [tilespmem:s12], [sflag:$0x1], $0x1, s0, s11, $0xb8;
	[tilespmem:$0x2D80] =	vst v63  }
0x8b: {  	s0 =	simm.s32 $0x1280  }
0x8c: {  	[spmem:s2] =	stream.indirect.scatter.add.f32 [tilespmem:s12], [sflag:$0x1], $0x1, s0, s11, $0xb8;
	[tilespmem:$0x2D80] =	vst v63  }
0x8d: {  	s0 =	simm.s32 $0x1300  }
0x8e: {  	[spmem:s2] =	stream.indirect.scatter.add.f32 [tilespmem:s12], [sflag:$0x1], $0x1, s0, s11, $0xb8;
	[tilespmem:$0x2D80] =	vst v63  }
0x8f: {  	s0 =	simm.s32 $0x1380  }
0x90: {  	[spmem:s2] =	stream.indirect.scatter.add.f32 [tilespmem:s12], [sflag:$0x1], $0x1, s0, s11, $0xb8;
	[tilespmem:$0x2D80] =	vst v63  }
0x91: {  	s0 =	simm.s32 $0x1400  }
0x92: {  	[spmem:s2] =	stream.indirect.scatter.add.f32 [tilespmem:s12], [sflag:$0x1], $0x1, s0, s11, $0xb8;
	[tilespmem:$0x2D80] =	vst v63  }
0x93: {  	s0 =	simm.s32 $0x1480  }
0x94: {  	[spmem:s2] =	stream.indirect.scatter.add.f32 [tilespmem:s12], [sflag:$0x1], $0x1, s0, s11, $0xb8;
	[tilespmem:$0x2D80] =	vst v63  }
0x95: {  	s0 =	simm.s32 $0x1500  }
0x96: {  	[spmem:s2] =	stream.indirect.scatter.add.f32 [tilespmem:s12], [sflag:$0x1], $0x1, s0, s11, $0xb8;
	[tilespmem:$0x2D80] =	vst v63  }
0x97: {  	s0 =	simm.s32 $0x1580  }
0x98: {  	[spmem:s2] =	stream.indirect.scatter.add.f32 [tilespmem:s12], [sflag:$0x1], $0x1, s0, s11, $0xb8;
	[tilespmem:$0x2D80] =	vst v63  }
0x99: {  	s0 =	simm.s32 $0x1600  }
0x9a: {  	[spmem:s2] =	stream.indirect.scatter.add.f32 [tilespmem:s12], [sflag:$0x1], $0x1, s0, s11, $0xb8;
	[tilespmem:$0x2D80] =	vst v63  }
0x9b: {  	s0 =	simm.s32 $0x1680  }
0x9c: {  	[spmem:s2] =	stream.indirect.scatter.add.f32 [tilespmem:s12], [sflag:$0x1], $0x1, s0, s11, $0xb8;
	[tilespmem:$0x2D80] =	vst v63  }
0x9d: {  	s0 =	simm.s32 $0x1700  }
0x9e: {  	[spmem:s2] =	stream.indirect.scatter.add.f32 [tilespmem:s12], [sflag:$0x1], $0x1, s0, s11, $0xb8;
	[tilespmem:$0x2D80] =	vst v63  }
0x9f: {  	s0 =	simm.s32 $0x1780  }
0xa0: {  	[spmem:s2] =	stream.indirect.scatter.add.f32 [tilespmem:s12], [sflag:$0x1], $0x1, s0, s11, $0xb8;
	[tilespmem:$0x2D80] =	vst v63  }
0xa1: {  	s0 =	simm.s32 $0x1800  }
0xa2: {  	[spmem:s2] =	stream.indirect.scatter.add.f32 [tilespmem:s12], [sflag:$0x1], $0x1, s0, s11, $0xb8;
	[tilespmem:$0x2D80] =	vst v63  }
0xa3: {  	s0 =	simm.s32 $0x1880  }
0xa4: {  	[spmem:s2] =	stream.indirect.scatter.add.f32 [tilespmem:s12], [sflag:$0x1], $0x1, s0, s11, $0xb8;
	[tilespmem:$0x2D80] =	vst v63  }
0xa5: {  	s0 =	simm.s32 $0x1900  }
0xa6: {  	[spmem:s2] =	stream.indirect.scatter.add.f32 [tilespmem:s12], [sflag:$0x1], $0x1, s0, s11, $0xb8;
	[tilespmem:$0x2D80] =	vst v63  }
0xa7: {  	s0 =	simm.s32 $0x1980  }
0xa8: {  	[spmem:s2] =	stream.indirect.scatter.add.f32 [tilespmem:s12], [sflag:$0x1], $0x1, s0, s11, $0xb8;
	[tilespmem:$0x2D80] =	vst v63  }
0xa9: {  	s0 =	simm.s32 $0x1A00  }
0xaa: {  	[spmem:s2] =	stream.indirect.scatter.add.f32 [tilespmem:s12], [sflag:$0x1], $0x1, s0, s11, $0xb8;
	[tilespmem:$0x2D80] =	vst v63  }
0xab: {  	s0 =	simm.s32 $0x1A80  }
0xac: {  	[spmem:s2] =	stream.indirect.scatter.add.f32 [tilespmem:s12], [sflag:$0x1], $0x1, s0, s11, $0xb8;
	[tilespmem:$0x2D80] =	vst v63  }
0xad: {  	s0 =	simm.s32 $0x1B00  }
0xae: {  	[spmem:s2] =	stream.indirect.scatter.add.f32 [tilespmem:s12], [sflag:$0x1], $0x1, s0, s11, $0xb8;
	[tilespmem:$0x2D80] =	vst v63  }
0xaf: {  	s0 =	simm.s32 $0x1B80  }
0xb0: {  	[spmem:s2] =	stream.indirect.scatter.add.f32 [tilespmem:s12], [sflag:$0x1], $0x1, s0, s11, $0xb8;
	[tilespmem:$0x2D80] =	vst v63  }
0xb1: {  	s0 =	simm.s32 $0x1C00  }
0xb2: {  	[spmem:s2] =	stream.indirect.scatter.add.f32 [tilespmem:s12], [sflag:$0x1], $0x1, s0, s11, $0xb8;
	[tilespmem:$0x2D80] =	vst v63  }
0xb3: {  	s0 =	simm.s32 $0x1C80  }
0xb4: {  	[spmem:s2] =	stream.indirect.scatter.add.f32 [tilespmem:s12], [sflag:$0x1], $0x1, s0, s11, $0xb8;
	[tilespmem:$0x2D80] =	vst v63  }
0xb5: {  	s0 =	simm.s32 $0x1D00  }
0xb6: {  	[spmem:s2] =	stream.indirect.scatter.add.f32 [tilespmem:s12], [sflag:$0x1], $0x1, s0, s11, $0xb8;
	[tilespmem:$0x2D80] =	vst v63  }
0xb7: {  	s0 =	simm.s32 $0x1D80  }
0xb8: {  	[spmem:s2] =	stream.indirect.scatter.add.f32 [tilespmem:s12], [sflag:$0x1], $0x1, s0, s11, $0xb8;
	[tilespmem:$0x2D80] =	vst v63  }
0xb9: {  	s0 =	simm.s32 $0x1E00  }
0xba: {  	[spmem:s2] =	stream.indirect.scatter.add.f32 [tilespmem:s12], [sflag:$0x1], $0x1, s0, s11, $0xb8;
	[tilespmem:$0x2D80] =	vst v63  }
0xbb: {  	s0 =	simm.s32 $0x1E80  }
0xbc: {  	[spmem:s2] =	stream.indirect.scatter.add.f32 [tilespmem:s12], [sflag:$0x1], $0x1, s0, s11, $0xb8;
	[tilespmem:$0x2D80] =	vst v63  }
0xbd: {  	s0 =	simm.s32 $0x1F00  }
0xbe: {  	[spmem:s2] =	stream.indirect.scatter.add.f32 [tilespmem:s12], [sflag:$0x1], $0x1, s0, s11, $0xb8;
	[tilespmem:$0x2D80] =	vst v63  }
0xbf: {  	s0 =	simm.s32 $0x1F80  }
0xc0: {  	[spmem:s2] =	stream.indirect.scatter.add.f32 [tilespmem:s12], [sflag:$0x1], $0x1, s0, s11, $0xb8;
	[tilespmem:$0x2D80] =	vst v63  }
0xc1: {  	s0 =	simm.s32 $0x2000  }
0xc2: {  	[spmem:s2] =	stream.indirect.scatter.add.f32 [tilespmem:s12], [sflag:$0x1], $0x1, s0, s11, $0xb8;
	[tilespmem:$0x2D80] =	vst v63  }
0xc3: {  	s0 =	simm.s32 $0x2080  }
0xc4: {  	[spmem:s2] =	stream.indirect.scatter.add.f32 [tilespmem:s12], [sflag:$0x1], $0x1, s0, s11, $0xb8;
	[tilespmem:$0x2D80] =	vst v63  }
0xc5: {  	s0 =	simm.s32 $0x2100  }
0xc6: {  	[spmem:s2] =	stream.indirect.scatter.add.f32 [tilespmem:s12], [sflag:$0x1], $0x1, s0, s11, $0xb8;
	[tilespmem:$0x2D80] =	vst v63  }
0xc7: {  	s0 =	simm.s32 $0x2180  }
0xc8: {  	[spmem:s2] =	stream.indirect.scatter.add.f32 [tilespmem:s12], [sflag:$0x1], $0x1, s0, s11, $0xb8;
	[tilespmem:$0x2D80] =	vst v63  }
0xc9: {  	s0 =	simm.s32 $0x2200  }
0xca: {  	[spmem:s2] =	stream.indirect.scatter.add.f32 [tilespmem:s12], [sflag:$0x1], $0x1, s0, s11, $0xb8;
	[tilespmem:$0x2D80] =	vst v63  }
0xcb: {  	_ = 	snop  }
0xcc: {  	[spmem:s2] =	stream.indirect.scatter.add.f32 [tilespmem:s12], [sflag:$0x1], $0x1, s3, s11, $0xb8;
	[tilespmem:$0x2D80] =	vst v63  }
0xcd: {  	_ = 	snop  }
0xce: {  	[spmem:s2] =	stream.indirect.scatter.add.f32 [tilespmem:s12], [sflag:$0x1], $0x1, s8, s11, $0xb8;
	[tilespmem:$0x2D80] =	vst v63  }
0xcf: {  	_ = 	snop  }
0xd0: {  	[spmem:s2] =	stream.indirect.scatter.add.f32 [tilespmem:s12], [sflag:$0x1], $0x1, s13, s11, $0xb8;
	[tilespmem:$0x2D80] =	vst v63  }
0xd1: {  	_ = 	snop  }
0xd2: {  	[spmem:s2] =	stream.indirect.scatter.add.f32 [tilespmem:s12], [sflag:$0x1], $0x1, s14, s11, $0xb8;
	[tilespmem:$0x2D80] =	vst v63  }
0xd3: {  	_ = 	snop  }
0xd4: {  	[spmem:s2] =	stream.indirect.scatter.add.f32 [tilespmem:s12], [sflag:$0x1], $0x1, s15, s11, $0xb8;
	[tilespmem:$0x2D80] =	vst v63  }
0xd5: {  	_ = 	snop  }
0xd6: {  	[spmem:s2] =	stream.indirect.scatter.add.f32 [tilespmem:s12], [sflag:$0x1], $0x1, s16, s11, $0xb8;
	[tilespmem:$0x2D80] =	vst v63  }
0xd7: {  	_ = 	snop  }
0xd8: {  	[spmem:s2] =	stream.indirect.scatter.add.f32 [tilespmem:s12], [sflag:$0x1], $0x1, s17, s11, $0xb8;
	[tilespmem:$0x2D80] =	vst v63  }
0xd9: {  	_ = 	snop  }
0xda: {  	[spmem:s2] =	stream.indirect.scatter.add.f32 [tilespmem:s12], [sflag:$0x1], $0x1, s18, s11, $0xb8;
	[tilespmem:$0x2D80] =	vst v63  }
0xdb: {  	_ = 	snop  }
0xdc: {  	[spmem:s2] =	stream.indirect.scatter.add.f32 [tilespmem:s12], [sflag:$0x1], $0x1, s19, s11, $0xb8;
	[tilespmem:$0x2D80] =	vst v63  }
0xdd: {  	_ = 	snop  }
0xde: {  	[spmem:s2] =	stream.indirect.scatter.add.f32 [tilespmem:s12], [sflag:$0x1], $0x1, s20, s11, $0xb8;
	[tilespmem:$0x2D80] =	vst v63  }
0xdf: {  	_ = 	snop  }
0xe0: {  	[spmem:s2] =	stream.indirect.scatter.add.f32 [tilespmem:s12], [sflag:$0x1], $0x1, s1, s11, $0xb8;
	[tilespmem:$0x2D80] =	vst v63  }
0xe1: {  	_ = 	snop  }
0xe2: {  	[spmem:s2] =	stream.indirect.scatter.add.f32 [tilespmem:s12], [sflag:$0x1], $0x1, s21, s11, $0xb8;
	[tilespmem:$0x2D80] =	vst v63  }
0xe3: {  	_ = 	snop  }
0xe4: {  	[spmem:s2] =	stream.indirect.scatter.add.f32 [tilespmem:s12], [sflag:$0x1], $0x1, s22, s11, $0xb8;
	[tilespmem:$0x2D80] =	vst v63  }
0xe5: {  	_ = 	snop  }
0xe6: {  	[spmem:s2] =	stream.indirect.scatter.add.f32 [tilespmem:s12], [sflag:$0x1], $0x1, s23, s11, $0xb8;
	[tilespmem:$0x2D80] =	vst v63  }
0xe7: {  	_ = 	snop  }
0xe8: {  	[spmem:s2] =	stream.indirect.scatter.add.f32 [tilespmem:s12], [sflag:$0x1], $0x1, s24, s11, $0xb8;
	[tilespmem:$0x2D80] =	vst v63  }
0xe9: {  	_ = 	snop  }
0xea: {  	[spmem:s2] =	stream.indirect.scatter.add.f32 [tilespmem:s12], [sflag:$0x1], $0x1, s25, s11, $0xb8;
	[tilespmem:$0x2D80] =	vst v63  }
0xeb: {  	_ =	swait.ge [sflag:s26], $0x80  }
0xec: {  	[sflag:s26] =	ssyncset.done $0x0  }
0xed: {  	[sflag:s26] =	ssyncadd.s32 $0xFFFFFF80  }
0xee: {  	_ =	swait.ge [sflag:s26], $0x80  }
0xef: {  	[sflag:s26] =	ssyncset.done $0x0  }
0xf0: {  	[sflag:s26] =	ssyncadd.s32 $0xFFFFFF80  }
0xf1: {  	_ =	swait.ge [sflag:s26], $0x80  }
0xf2: {  	[sflag:s26] =	ssyncset.done $0x0  }
0xf3: {  	[sflag:s26] =	ssyncadd.s32 $0xFFFFFF80  }
0xf4: {  	_ =	swait.ge [sflag:s26], $0x80  }
0xf5: {  	[sflag:s26] =	ssyncset.done $0x0  }
0xf6: {  	[sflag:s26] =	ssyncadd.s32 $0xFFFFFF80  }
0xf7: {  	_ =	swait.ge [sflag:s26], $0x80  }
0xf8: {  	[sflag:s26] =	ssyncset.done $0x0  }
0xf9: {  	[sflag:s26] =	ssyncadd.s32 $0xFFFFFF80  }
0xfa: {  	_ =	swait.ge [sflag:s26], $0x80  }
0xfb: {  	[sflag:s26] =	ssyncset.done $0x0  }
0xfc: {  	[sflag:s26] =	ssyncadd.s32 $0xFFFFFF80  }
0xfd: {  	_ =	swait.ge [sflag:s26], $0x80  }
0xfe: {  	[sflag:s26] =	ssyncset.done $0x0  }
0xff: {  	[sflag:s26] =	ssyncadd.s32 $0xFFFFFF80  }
0x100: {  	_ =	swait.ge [sflag:s26], $0x80  }
0x101: {  	s31 =	simm.s32 $0x9;
	[sflag:s26] =	ssyncset.done $0x0  }
.LBB2_2:
0x102: {  	p0 =	sne.s32 s31, $0x1;
	s31 =	sadd.s32 $0xFFFFFFFF, s31;
	[sflag:s26] =	ssyncadd.s32 $0xFFFFFF80  }
0x103: {  	_ =	swait.ge [sflag:s26], $0x80  }
0x104: {  	[sflag:s26] =	ssyncset.done $0x0  }
0x105: {  	[sflag:s26] =	ssyncadd.s32 $0xFFFFFF80  }
0x106: {  	_ =	swait.ge [sflag:s26], $0x80  }
0x107: {  	[sflag:s26] =	ssyncset.done $0x0  }
0x108: {  	[sflag:s26] =	ssyncadd.s32 $0xFFFFFF80  }
0x109: {  	_ =	swait.ge [sflag:s26], $0x80  }
0x10a: {  	[sflag:s26] =	ssyncset.done $0x0  }
0x10b: {  	[sflag:s26] =	ssyncadd.s32 $0xFFFFFF80  }
0x10c: {  	_ =	swait.ge [sflag:s26], $0x80  }
0x10d: {  	[sflag:s26] =	ssyncset.done $0x0  }
0x10e: {  	[sflag:s26] =	ssyncadd.s32 $0xFFFFFF80  }
0x10f: {  	_ =	swait.ge [sflag:s26], $0x80  }
0x110: {  	[sflag:s26] =	ssyncset.done $0x0  }
0x111: {  	[sflag:s26] =	ssyncadd.s32 $0xFFFFFF80  }
0x112: {  	_ =	swait.ge [sflag:s26], $0x80  }
0x113: {  	[sflag:s26] =	ssyncset.done $0x0  }
0x114: {  	[sflag:s26] =	ssyncadd.s32 $0xFFFFFF80  }
.Ltmp0:
0x115: {  	_ =	swait.ge [sflag:s26], $0x80;
	(pc) =	sbr.rel @p0 .LBB2_2-.Ltmp0, $4  }
0x116: {  	[sflag:s26] =	ssyncset.done $0x0  }
0x117: {  	[sflag:s26] =	ssyncadd.s32 $0xFFFFFF80  }
0x118: {  	_ =	swait.ge [sflag:s26], $0x80  }
0x119: {  	[sflag:s26] =	ssyncset.done $0x0  }
0x11a: {  	[sflag:s26] =	ssyncadd.s32 $0xFFFFFF80;
	s0 =	stileid.u32;
	s30 =	sadd.s32 $0x1, s30  }
0x11b: {  	s31 =	sshll.u32 s0, $0x6;
	[bflag:$0x0] =	sbarrier.arrive $0xFFFF;
	p0 =	sne.s32 s30, s7  }
.Ltmp1:
0x11c: {  	s0 =	sshrl.u32 s4, $0x3;
	s31 =	sor.u32 $0x1C02, s31;
	(pc) =	sbr.rel @p0 .LBB2_1-.Ltmp1, $4  }
0x11d: {  	[hbm:s6@s28], [sflag:s31] =	dma.strided [spmem:s0@s29], $0x50, s26, $0x10   }
0x11e: {  	_ =	swait.ge [sflag:s9], $0x50  }
0x11f: {  	[sflag:s9] =	ssyncset.done $0x0  }
0x120: {  	[sflag:s9] =	ssyncadd.s32 $0xFFFFFFB0  }
0x121: {  	_ =	sfence.sel $0x180000  }
0x122: {  	[bflag:$0x0] =	sbarrier.arrive $0xFFFF  }
0x123: {  	_ =	strace $0x90000047  }
0x124: {  	s0 =	stileid.u32;
	[bflag:$0x2] =	sbarrier.arrive $0xFFFF  }
0x125: {  	p0 =	sne.s32 s0, $0x0;
	s0 =	rddreg [dreg:$0x2]  }
0x126: {  	s0 =	sadd.s32 @!p0 $0x100000, s0  }
0x127: {  	[sflag:s0] =	ssyncadd.tile.s32 @!p0 $0x1;
	_ =	shalt  }
.Lfunc_end2:
_tile_overlayer_lowered:
.L_overlay_start_2:
0x128: {  	(tag) =	ssettag $0x2  }
0x129: {  	s0 =	rddreg [dreg:$0x0];
	s2 =	stileid.u32  }
0x12a: {  	s1 =	rddreg [dreg:$0x1];
	p0 =	sne.s32 s2, $0x0  }
0x12b: {  	s3 =	rddreg [dreg:$0x2];
	[bflag:$0x3] =	sbarrier.arrive $0xFFFF;
	s2 =	simm.s32 @!p0 $0x1C02  }
0x12c: {  	[timem:s3], [sflag:s2] =	dma.local @!p0 [hbm:s0], s1  }
0x12d: {  	s0 =	simm.s32 @!p0 $0x2  }
0x12e: {  	_ =	swait.ge @!p0 [sflag:s0], s1  }
0x12f: {  	s1 =	ssub.s32 @!p0 $0x0, s1;
	[sflag:s0] =	ssyncset.done @!p0 $0x0  }
0x130: {  	[sflag:s0] =	ssyncadd.s32 @!p0 s1  }
0x131: {  	[bflag:$0x3] =	sbarrier.arrive $0xFFFF  }
0x132: {  	_ =	shalt  }

</sc_bundles>
